<compile_context>
chip_gen: v7x
topology: tpu7x:2x2x1
jax: 0.10.2.dev20260603
libtpu: 0.0.44.dev20260713+nightly
codegen_flags: <defaults>
</compile_context>

<pallas_src>
import functools

import jax
import jax.numpy as jnp
from jax import lax
from jax.experimental import pallas as pl
from jax.experimental.pallas import tpu as pltpu
from jax.experimental.pallas import tpu_sc as plsc

N = 50000
E = 800000
G = 64
NLAB = 10

NC = 2
NS = 16
NW = NC * NS
NPAD = 50176
RPT = NPAD // NS
CB = 128
ECH = 196
EPW = ECH * CB
EPAD = EPW * NW

BM = 1024
GRID = NPAD // BM

_f32 = jnp.float32


def _leaky(z):
    return jnp.where(z >= 0, z, 0.01 * z)


def _make_segsum(d):
    mesh = plsc.VectorSubcoreMesh(core_axis_name="c", subcore_axis_name="s")

    @functools.partial(
        pl.kernel,
        out_type=jax.ShapeDtypeStruct((NC, NPAD, d), _f32),
        mesh=mesh,
        scratch_types=[
            pltpu.VMEM((ECH, CB), jnp.int32),
            pltpu.VMEM((ECH, CB), jnp.int32),
            pltpu.VMEM((CB, d), _f32),
            pltpu.VMEM((CB, d), _f32),
            pltpu.VMEM_SHARED((NPAD, d), _f32),
            pltpu.SemaphoreType.DMA,
            pltpu.SemaphoreType.DMA,
        ],
        compiler_params=pltpu.CompilerParams(use_tc_tiling_on_sc=False),
    )
    def segsum(h_hbm, src_hbm, dst_hbm, zeros_hbm, out_hbm,
               src_v, dst_v, rows_a, rows_b, agg_sh, sem_a, sem_b):
        cid = lax.axis_index("c")
        sid = lax.axis_index("s")
        wid = sid * NC + cid
        pltpu.sync_copy(zeros_hbm, agg_sh.at[pl.ds(sid * RPT, RPT)])
        pltpu.sync_copy(src_hbm.at[wid], src_v)
        pltpu.sync_copy(dst_hbm.at[wid], dst_v)
        plsc.subcore_barrier()

        pltpu.async_copy(h_hbm.at[src_v.at[0]], rows_a, sem_a)

        def body(k, carry):
            j = 2 * k
            pltpu.async_copy(h_hbm.at[src_v.at[j + 1]], rows_b, sem_b)
            pltpu.make_async_copy(h_hbm.at[src_v.at[j]], rows_a, sem_a).wait()
            pltpu.sync_copy(rows_a, agg_sh.at[dst_v.at[j]], add=True)

            @pl.when(j + 2 < ECH)
            def _():
                pltpu.async_copy(h_hbm.at[src_v.at[j + 2]], rows_a, sem_a)

            pltpu.make_async_copy(h_hbm.at[src_v.at[j + 1]], rows_b, sem_b).wait()
            pltpu.sync_copy(rows_b, agg_sh.at[dst_v.at[j + 1]], add=True)
            return carry

        lax.fori_loop(0, ECH // 2, body, 0)

        plsc.subcore_barrier()
        pltpu.sync_copy(agg_sh.at[pl.ds(sid * RPT, RPT)],
                        out_hbm.at[cid, pl.ds(sid * RPT, RPT)])

    return segsum


def _dot(a, b, prec=lax.Precision.DEFAULT):
    return lax.dot_general(a, b, (((a.ndim - 1,), (0,)), ((), ())),
                           precision=prec, preferred_element_type=_f32)


def _embed_body(x_ref, emb_ref, out_ref):
    lab = x_ref[...]
    oh = (lab == lax.broadcasted_iota(jnp.int32, (BM, NLAB), 1)).astype(_f32)
    out_ref[...] = _dot(oh, emb_ref[...], lax.Precision.HIGHEST)


def _layer_body(a0_ref, a1_ref, h_ref, wr_ref, b_ref, wo_ref, out_ref):
    agg = a0_ref[...] + a1_ref[...]
    z = _dot(agg, wr_ref[...]) + b_ref[...] + _dot(h_ref[...], wo_ref[...])
    out_ref[...] = _leaky(z)


def _layer3_body(a00, a01, a10, a11, a20, a21, a30, a31, h_ref, wr_ref, b_ref,
                 wo_ref, bt_ref, wl_ref, bl_ref,
                 lat_ref, logits_ref, acc_s, acc_c):
    i = pl.program_id(0)
    agg = jnp.concatenate([a00[...] + a01[...], a10[...] + a11[...],
                           a20[...] + a21[...], a30[...] + a31[...]],
                          axis=1)
    z = _dot(agg, wr_ref[...]) + b_ref[...] + _dot(h_ref[...], wo_ref[...])
    lat = _leaky(z)
    lat_ref[...] = lat

    bt = bt_ref[...]
    oh = (bt == lax.broadcasted_iota(jnp.int32, (BM, G), 1)).astype(_f32)
    s = lax.dot_general(oh, lat, (((0,), (0,)), ((), ())),
                        precision=lax.Precision.HIGHEST,
                        preferred_element_type=_f32)
    c = lax.dot_general(oh, jnp.ones((BM, 1), _f32), (((0,), (0,)), ((), ())),
                        precision=lax.Precision.HIGHEST,
                        preferred_element_type=_f32)

    @pl.when(i == 0)
    def _():
        acc_s[...] = jnp.zeros_like(acc_s)
        acc_c[...] = jnp.zeros_like(acc_c)

    acc_s[...] += s
    acc_c[...] += c

    @pl.when(i == GRID - 1)
    def _():
        pooled = acc_s[...] / jnp.maximum(acc_c[...], 1.0)
        logits_ref[...] = _dot(pooled, wl_ref[...]) + bl_ref[...]


def _row_spec(d):
    return pl.BlockSpec((BM, d), lambda i: (i, 0))


def _full_spec(shape):
    return pl.BlockSpec(shape, lambda i: (0,) * len(shape))


def kernel(x, edge_index, batch, emb,
           W_rel1, b_rel1, W_root1,
           W_rel2, b_rel2, W_root2,
           W_rel3, b_rel3, W_root3,
           W_rel4, b_rel4, W_root4,
           W_lin, b_lin):
    xp = jnp.pad(x.astype(jnp.int32), ((0, NPAD - N), (0, 0)))
    npad_e = EPAD - E
    pad_idx = N + (jnp.arange(npad_e, dtype=jnp.int32) % (NPAD - N))
    src = jnp.concatenate([edge_index[0], pad_idx])
    dst = jnp.concatenate([edge_index[1], pad_idx])
    srcA = src.reshape(NW, ECH, CB)
    dstA = dst.reshape(NW, ECH, CB)
    batchp = jnp.pad(batch, (0, NPAD - N), constant_values=G).reshape(NPAD, 1)
    z16 = jnp.zeros((RPT, 16), _f32)

    embp = jnp.pad(emb, ((0, 0), (0, 13)))
    wr1 = jnp.pad(W_rel1, ((0, 12), (0, 13))).T
    wo1 = jnp.pad(W_root1, ((0, 12), (0, 13))).T
    wr2 = jnp.pad(W_rel2, ((0, 0), (0, 12))).T
    wo2 = jnp.pad(W_root2, ((0, 0), (0, 12))).T
    wr3, wo3 = W_rel3.T, W_root3.T
    wr4, wo4 = W_rel4.T, W_root4.T
    wl = W_lin.T
    b1 = jnp.pad(b_rel1, (0, 12)).reshape(1, -1)
    b2 = b_rel2.reshape(1, -1)
    b3 = b_rel3.reshape(1, -1)
    b4 = b_rel4.reshape(1, -1)
    bl = b_lin.reshape(1, -1)

    segsum16 = _make_segsum(16)

    h0 = pl.pallas_call(
        _embed_body,
        grid=(GRID,),
        in_specs=[_row_spec(1), _full_spec((NLAB, 16))],
        out_specs=_row_spec(16),
        out_shape=jax.ShapeDtypeStruct((NPAD, 16), _f32),
    )(xp, embp)

    def dense_layer(a, h, wr, b, wo, dout):
        return pl.pallas_call(
            _layer_body,
            grid=(GRID,),
            in_specs=[_row_spec(a.shape[-1]), _row_spec(a.shape[-1]),
                      _row_spec(h.shape[-1]),
                      _full_spec(wr.shape), _full_spec(b.shape),
                      _full_spec(wo.shape)],
            out_specs=_row_spec(dout),
            out_shape=jax.ShapeDtypeStruct((NPAD, dout), _f32),
        )(a[0], a[1], h, wr, b, wo)

    agg1 = segsum16(h0, srcA, dstA, z16)
    h1 = dense_layer(agg1, h0, wr1, b1, wo1, 16)

    agg2 = segsum16(h1, srcA, dstA, z16)
    orig = dense_layer(agg2, h1, wr2, b2, wo2, 64)

    agg3 = [segsum16(orig[:, 16 * q:16 * (q + 1)], srcA, dstA, z16)
            for q in range(4)]
    latent, logits = pl.pallas_call(
        _layer3_body,
        grid=(GRID,),
        in_specs=[_row_spec(16)] * 8 + [_row_spec(64),
                  _full_spec(wr3.shape), _full_spec(b3.shape),
                  _full_spec(wo3.shape),
                  _row_spec(1),
                  _full_spec(wl.shape), _full_spec(bl.shape)],
        out_specs=[_row_spec(16), _full_spec((G, 7))],
        out_shape=[jax.ShapeDtypeStruct((NPAD, 16), _f32),
                   jax.ShapeDtypeStruct((G, 7), _f32)],
        scratch_shapes=[pltpu.VMEM((G, 16), _f32), pltpu.VMEM((G, 1), _f32)],
    )(agg3[0][0], agg3[0][1], agg3[1][0], agg3[1][1],
      agg3[2][0], agg3[2][1], agg3[3][0], agg3[3][1],
      orig, wr3, b3, wo3, batchp, wl, bl)

    agg4 = segsum16(latent, srcA, dstA, z16)
    recon = dense_layer(agg4, latent, wr4, b4, wo4, 64)

    return (logits, recon[:N], orig[:N])

# --- scband reference (transcript-rebuilt; emitter-appended) ---
"""Pipeline reference for scband-gnnautoencoder-34686155882552 (READ-ONLY COPY).

The authoritative reference and input builder live on the scoring server;
editing this copy changes nothing except your own understanding.
"""

import jax, jax.numpy as jnp
import numpy as np

N = 50000
E = 800000
NUM_GRAPHS = 64
HID = 4
NUM_LABELS = 10
OUT_DIM = 7
EMB_DIM = 3


def _lin_params(key, out_f, in_f, bias=True):
    k1, k2 = jax.random.split(key)
    s = 1.0 / np.sqrt(in_f)
    W = jax.random.uniform(k1, (out_f, in_f), jnp.float32, -s, s)
    if bias:
        b = jax.random.uniform(k2, (out_f,), jnp.float32, -s, s)
        return W, b
    return W


def setup_inputs(seed: int = 0) -> dict:
    key = jax.random.key(seed)
    ks = jax.random.split(key, 12)
    x = jax.random.randint(ks[0], (N, 1), 0, NUM_LABELS, dtype=jnp.int32)
    edge_index = jax.random.randint(ks[1], (2, E), 0, N, dtype=jnp.int32)
    batch = jnp.sort(jax.random.randint(ks[2], (N,), 0, NUM_GRAPHS, dtype=jnp.int32))
    emb = jax.random.normal(ks[3], (NUM_LABELS, EMB_DIM), jnp.float32)
    W_rel1, b_rel1 = _lin_params(ks[4], HID, EMB_DIM)
    W_root1 = _lin_params(ks[4], HID, EMB_DIM, bias=False)
    W_rel2, b_rel2 = _lin_params(ks[5], HID * 16, HID)
    W_root2 = _lin_params(ks[5], HID * 16, HID, bias=False)
    W_rel3, b_rel3 = _lin_params(ks[6], HID * 4, HID * 16)
    W_root3 = _lin_params(ks[6], HID * 4, HID * 16, bias=False)
    W_rel4, b_rel4 = _lin_params(ks[7], HID * 16, HID * 4)
    W_root4 = _lin_params(ks[7], HID * 16, HID * 4, bias=False)
    W_lin, b_lin = _lin_params(ks[8], OUT_DIM, HID * 4)
    return {
        'x': x, 'edge_index': edge_index, 'batch': batch, 'emb': emb,
        'W_rel1': W_rel1, 'b_rel1': b_rel1, 'W_root1': W_root1,
        'W_rel2': W_rel2, 'b_rel2': b_rel2, 'W_root2': W_root2,
        'W_rel3': W_rel3, 'b_rel3': b_rel3, 'W_root3': W_root3,
        'W_rel4': W_rel4, 'b_rel4': b_rel4, 'W_root4': W_root4,
        'W_lin': W_lin, 'b_lin': b_lin,
    }


def _graph_conv(h, edge_index, W_rel, b_rel, W_root):
    # PyG GraphConv: out_i = lin_rel(sum_{j in N(i)} x_j) + lin_root(x_i)
    src = edge_index[0]
    dst = edge_index[1]
    agg = jax.ops.segment_sum(h[src], dst, num_segments=N)
    return agg @ W_rel.T + b_rel + h @ W_root.T


def reference(x, edge_index, batch, emb,
              W_rel1, b_rel1, W_root1,
              W_rel2, b_rel2, W_root2,
              W_rel3, b_rel3, W_root3,
              W_rel4, b_rel4, W_root4,
              W_lin, b_lin):
    node_labels = x.astype(jnp.int32).squeeze(-1)
    h = emb[node_labels]
    h = jax.nn.leaky_relu(_graph_conv(h, edge_index, W_rel1, b_rel1, W_root1), 0.01)
    original = jax.nn.leaky_relu(_graph_conv(h, edge_index, W_rel2, b_rel2, W_root2), 0.01)
    latent = jax.nn.leaky_relu(_graph_conv(original, edge_index, W_rel3, b_rel3, W_root3), 0.01)
    sums = jax.ops.segment_sum(latent, batch, num_segments=NUM_GRAPHS)
    cnts = jax.ops.segment_sum(jnp.ones((N, 1), jnp.float32), batch, num_segments=NUM_GRAPHS)
    pooled = sums / jnp.clip(cnts, 1.0)
    graph_logits = pooled @ W_lin.T + b_lin
    reconstructed = jax.nn.leaky_relu(_graph_conv(latent, edge_index, W_rel4, b_rel4, W_root4), 0.01)
    return (graph_logits, reconstructed, original)

if __name__ == "__main__":
    import jax
    _d = setup_inputs()
    print(jax.jit(kernel)(*tuple(_d.values())))

</pallas_src>

<mosaic_0001>
#map = affine_map<(d0, d1) -> (0, 0)>
#map1 = affine_map<(d0, d1) -> (0, 0, 0)>
module attributes {stable_mosaic.version = 14 : i64} {
  func.func @segsum(%arg0: i32, %arg1: i32, %arg2: memref<50176x16xf32, #tpu.memory_space<hbm>>, %arg3: memref<32x196x128xi32, #tpu.memory_space<hbm>>, %arg4: memref<32x196x128xi32, #tpu.memory_space<hbm>>, %arg5: memref<3136x16xf32, #tpu.memory_space<hbm>>, %arg6: memref<2x50176x16xf32, #tpu.memory_space<hbm>>, %arg7: memref<196x128xi32, #tpu.memory_space<vmem>>, %arg8: memref<196x128xi32, #tpu.memory_space<vmem>>, %arg9: memref<128x16xf32, #tpu.memory_space<vmem>>, %arg10: memref<128x16xf32, #tpu.memory_space<vmem>>, %arg11: memref<50176x16xf32, #tpu.memory_space<vmem_shared>>, %arg12: memref<!tpu.dma_semaphore, #tpu.memory_space<semaphore_mem>>, %arg13: memref<!tpu.dma_semaphore, #tpu.memory_space<semaphore_mem>>) attributes {dimension_semantics = [#tpu.dimension_semantics<core_parallel>, #tpu.dimension_semantics<subcore_parallel>], iteration_bounds = array<i64: 2, 16>, scalar_prefetch = 0 : i64, scratch_operands = 7 : i64, tpu.core_type = #tpu.core_type<sc_vector_subcore>, window_params = [{transform_indices = #map}, {transform_indices = #map1}, {transform_indices = #map1}, {transform_indices = #map}, {transform_indices = #map1}]} {
    %mul3A = arith.constant 2 : i32
    %mul3A_0 = arith.muli %arg1, %mul3A : i32
    %add3A = arith.addi %mul3A_0, %arg0 : i32
    %mul3A_1 = arith.constant 3136 : i32
    %mul3A_2 = arith.muli %arg1, %mul3A_1 : i32
    "tpu.region"() ({
      %run_scoped3A = tpu.sem_alloc : memref<!tpu.dma_semaphore, #tpu.memory_space<semaphore_mem>>
      %dma_start3A_19 = arith.constant 0 : i32
      %dma_start3A_20 = tpu.memref_slice %arg11[%mul3A_2, %dma_start3A_19] : memref<50176x16xf32, #tpu.memory_space<vmem_shared>> -> memref<3136x16xf32, #tpu.memory_space<vmem_shared>>
      tpu.enqueue_dma source(%arg5 : memref<3136x16xf32, #tpu.memory_space<hbm>>) target(%dma_start3A_20 : memref<3136x16xf32, #tpu.memory_space<vmem_shared>>) target_semaphore(%run_scoped3A : memref<!tpu.dma_semaphore, #tpu.memory_space<semaphore_mem>>)
      %dma_wait3A = arith.constant 0 : i32
      %dma_wait3A_21 = tpu.memref_slice %arg11[%mul3A_2, %dma_wait3A] : memref<50176x16xf32, #tpu.memory_space<vmem_shared>> -> memref<3136x16xf32, #tpu.memory_space<vmem_shared>>
      tpu.wait_dma2 semaphore(%run_scoped3A : memref<!tpu.dma_semaphore, #tpu.memory_space<semaphore_mem>>) src(%arg5 : memref<3136x16xf32, #tpu.memory_space<hbm>>) dst(%dma_wait3A_21 : memref<3136x16xf32, #tpu.memory_space<vmem_shared>>)
      tpu.yield
    }) : () -> ()
    "tpu.region"() ({
      %run_scoped3A = tpu.sem_alloc : memref<!tpu.dma_semaphore, #tpu.memory_space<semaphore_mem>>
      %dma_start3A_19 = arith.constant 0 : i32
      %dma_start3A_20 = arith.constant 0 : i32
      %dma_start3A_21 = tpu.memref_slice %arg3[%add3A, %dma_start3A_19, %dma_start3A_20] : memref<32x196x128xi32, #tpu.memory_space<hbm>> -> memref<1x196x128xi32, #tpu.memory_space<hbm>>
      %dma_start3A_22 = tpu.memref_squeeze %dma_start3A_21 : memref<1x196x128xi32, #tpu.memory_space<hbm>> -> memref<196x128xi32, #tpu.memory_space<hbm>>
      %dma_start3A_23 = arith.constant 0 : i32
      %dma_start3A_24 = arith.constant 0 : i32
      %dma_start3A_25 = tpu.memref_slice %arg3[%add3A, %dma_start3A_23, %dma_start3A_24] : memref<32x196x128xi32, #tpu.memory_space<hbm>> -> memref<1x196x128xi32, #tpu.memory_space<hbm>>
      %dma_start3A_26 = tpu.memref_squeeze %dma_start3A_25 : memref<1x196x128xi32, #tpu.memory_space<hbm>> -> memref<196x128xi32, #tpu.memory_space<hbm>>
      tpu.enqueue_dma source(%dma_start3A_26 : memref<196x128xi32, #tpu.memory_space<hbm>>) target(%arg7 : memref<196x128xi32, #tpu.memory_space<vmem>>) target_semaphore(%run_scoped3A : memref<!tpu.dma_semaphore, #tpu.memory_space<semaphore_mem>>)
      %dma_wait3A = arith.constant 0 : i32
      %dma_wait3A_27 = arith.constant 0 : i32
      %dma_wait3A_28 = tpu.memref_slice %arg3[%add3A, %dma_wait3A, %dma_wait3A_27] : memref<32x196x128xi32, #tpu.memory_space<hbm>> -> memref<1x196x128xi32, #tpu.memory_space<hbm>>
      %dma_wait3A_29 = tpu.memref_squeeze %dma_wait3A_28 : memref<1x196x128xi32, #tpu.memory_space<hbm>> -> memref<196x128xi32, #tpu.memory_space<hbm>>
      %dma_wait3A_30 = arith.constant 0 : i32
      %dma_wait3A_31 = arith.constant 0 : i32
      %dma_wait3A_32 = tpu.memref_slice %arg3[%add3A, %dma_wait3A_30, %dma_wait3A_31] : memref<32x196x128xi32, #tpu.memory_space<hbm>> -> memref<1x196x128xi32, #tpu.memory_space<hbm>>
      %dma_wait3A_33 = tpu.memref_squeeze %dma_wait3A_32 : memref<1x196x128xi32, #tpu.memory_space<hbm>> -> memref<196x128xi32, #tpu.memory_space<hbm>>
      tpu.wait_dma2 semaphore(%run_scoped3A : memref<!tpu.dma_semaphore, #tpu.memory_space<semaphore_mem>>) src(%dma_wait3A_33 : memref<196x128xi32, #tpu.memory_space<hbm>>) dst(%arg7 : memref<196x128xi32, #tpu.memory_space<vmem>>)
      tpu.yield
    }) : () -> ()
    "tpu.region"() ({
      %run_scoped3A = tpu.sem_alloc : memref<!tpu.dma_semaphore, #tpu.memory_space<semaphore_mem>>
      %dma_start3A_19 = arith.constant 0 : i32
      %dma_start3A_20 = arith.constant 0 : i32
      %dma_start3A_21 = tpu.memref_slice %arg4[%add3A, %dma_start3A_19, %dma_start3A_20] : memref<32x196x128xi32, #tpu.memory_space<hbm>> -> memref<1x196x128xi32, #tpu.memory_space<hbm>>
      %dma_start3A_22 = tpu.memref_squeeze %dma_start3A_21 : memref<1x196x128xi32, #tpu.memory_space<hbm>> -> memref<196x128xi32, #tpu.memory_space<hbm>>
      %dma_start3A_23 = arith.constant 0 : i32
      %dma_start3A_24 = arith.constant 0 : i32
      %dma_start3A_25 = tpu.memref_slice %arg4[%add3A, %dma_start3A_23, %dma_start3A_24] : memref<32x196x128xi32, #tpu.memory_space<hbm>> -> memref<1x196x128xi32, #tpu.memory_space<hbm>>
      %dma_start3A_26 = tpu.memref_squeeze %dma_start3A_25 : memref<1x196x128xi32, #tpu.memory_space<hbm>> -> memref<196x128xi32, #tpu.memory_space<hbm>>
      tpu.enqueue_dma source(%dma_start3A_26 : memref<196x128xi32, #tpu.memory_space<hbm>>) target(%arg8 : memref<196x128xi32, #tpu.memory_space<vmem>>) target_semaphore(%run_scoped3A : memref<!tpu.dma_semaphore, #tpu.memory_space<semaphore_mem>>)
      %dma_wait3A = arith.constant 0 : i32
      %dma_wait3A_27 = arith.constant 0 : i32
      %dma_wait3A_28 = tpu.memref_slice %arg4[%add3A, %dma_wait3A, %dma_wait3A_27] : memref<32x196x128xi32, #tpu.memory_space<hbm>> -> memref<1x196x128xi32, #tpu.memory_space<hbm>>
      %dma_wait3A_29 = tpu.memref_squeeze %dma_wait3A_28 : memref<1x196x128xi32, #tpu.memory_space<hbm>> -> memref<196x128xi32, #tpu.memory_space<hbm>>
      %dma_wait3A_30 = arith.constant 0 : i32
      %dma_wait3A_31 = arith.constant 0 : i32
      %dma_wait3A_32 = tpu.memref_slice %arg4[%add3A, %dma_wait3A_30, %dma_wait3A_31] : memref<32x196x128xi32, #tpu.memory_space<hbm>> -> memref<1x196x128xi32, #tpu.memory_space<hbm>>
      %dma_wait3A_33 = tpu.memref_squeeze %dma_wait3A_32 : memref<1x196x128xi32, #tpu.memory_space<hbm>> -> memref<196x128xi32, #tpu.memory_space<hbm>>
      tpu.wait_dma2 semaphore(%run_scoped3A : memref<!tpu.dma_semaphore, #tpu.memory_space<semaphore_mem>>) src(%dma_wait3A_33 : memref<196x128xi32, #tpu.memory_space<hbm>>) dst(%arg8 : memref<196x128xi32, #tpu.memory_space<vmem>>)
      tpu.yield
    }) : () -> ()
    %barrier3A = arith.constant 0 : index
    tpu.barrier barrier_id(%barrier3A)
    %dma_start3A = arith.constant 0 : i32
    %dma_start3A_3 = arith.constant 0 : i32
    %dma_start3A_4 = tpu.memref_slice %arg7[%dma_start3A, %dma_start3A_3] : memref<196x128xi32, #tpu.memory_space<vmem>> -> memref<1x128xi32, #tpu.memory_space<vmem>>
    %dma_start3A_5 = tpu.memref_squeeze %dma_start3A_4 : memref<1x128xi32, #tpu.memory_space<vmem>> -> memref<128xi32, #tpu.memory_space<vmem>>
    %dma_start3A_6 = arith.constant 0 : i32
    %dma_start3A_7 = arith.constant 0 : i32
    %dma_start3A_8 = tpu.memref_slice %arg2[%dma_start3A_6, %dma_start3A_7] : memref<50176x16xf32, #tpu.memory_space<hbm>> -> memref<50176x16xf32, #tpu.memory_space<hbm>>
    tpu.enqueue_indirect_dma source(%dma_start3A_8 : memref<50176x16xf32, #tpu.memory_space<hbm>>) target(%arg9 : memref<128x16xf32, #tpu.memory_space<vmem>>) offsets(%dma_start3A_5 : memref<128xi32, #tpu.memory_space<vmem>>) semaphore(%arg12 : memref<!tpu.dma_semaphore, #tpu.memory_space<semaphore_mem>>)
    %scan3A = arith.constant 0 : i32
    %scan3A_9 = arith.constant 0 : i32
    %scan3A_10 = arith.constant 98 : i32
    %scan3A_11 = arith.addi %scan3A_9, %scan3A_10 : i32
    %scan3A_12 = arith.constant 1 : i32
    scf.for %scan3A_19 = %scan3A_9 to %scan3A_11 step %scan3A_12  : i32 {
      %mul3A_20 = arith.constant 2 : i32
      %mul3A_21 = arith.muli %mul3A_20, %scan3A_19 : i32
      %add3A_22 = arith.constant 1 : i32
      %add3A_23 = arith.addi %mul3A_21, %add3A_22 : i32
      %dma_start3A_24 = arith.constant 0 : i32
      %dma_start3A_25 = tpu.memref_slice %arg7[%add3A_23, %dma_start3A_24] : memref<196x128xi32, #tpu.memory_space<vmem>> -> memref<1x128xi32, #tpu.memory_space<vmem>>
      %dma_start3A_26 = tpu.memref_squeeze %dma_start3A_25 : memref<1x128xi32, #tpu.memory_space<vmem>> -> memref<128xi32, #tpu.memory_space<vmem>>
      %dma_start3A_27 = arith.constant 0 : i32
      %dma_start3A_28 = arith.constant 0 : i32
      %dma_start3A_29 = tpu.memref_slice %arg2[%dma_start3A_27, %dma_start3A_28] : memref<50176x16xf32, #tpu.memory_space<hbm>> -> memref<50176x16xf32, #tpu.memory_space<hbm>>
      tpu.enqueue_indirect_dma source(%dma_start3A_29 : memref<50176x16xf32, #tpu.memory_space<hbm>>) target(%arg10 : memref<128x16xf32, #tpu.memory_space<vmem>>) offsets(%dma_start3A_26 : memref<128xi32, #tpu.memory_space<vmem>>) semaphore(%arg13 : memref<!tpu.dma_semaphore, #tpu.memory_space<semaphore_mem>>)
      %dma_wait3A = arith.constant 0 : i32
      %dma_wait3A_30 = tpu.memref_slice %arg7[%mul3A_21, %dma_wait3A] : memref<196x128xi32, #tpu.memory_space<vmem>> -> memref<1x128xi32, #tpu.memory_space<vmem>>
      %dma_wait3A_31 = tpu.memref_squeeze %dma_wait3A_30 : memref<1x128xi32, #tpu.memory_space<vmem>> -> memref<128xi32, #tpu.memory_space<vmem>>
      %dma_wait3A_32 = arith.constant 0 : i32
      %dma_wait3A_33 = arith.constant 0 : i32
      %dma_wait3A_34 = tpu.memref_slice %arg2[%dma_wait3A_32, %dma_wait3A_33] : memref<50176x16xf32, #tpu.memory_space<hbm>> -> memref<50176x16xf32, #tpu.memory_space<hbm>>
      tpu.wait_indirect_dma semaphore(%arg12 : memref<!tpu.dma_semaphore, #tpu.memory_space<semaphore_mem>>) src(%dma_wait3A_34 : memref<50176x16xf32, #tpu.memory_space<hbm>>) dst(%arg9 : memref<128x16xf32, #tpu.memory_space<vmem>>)
      "tpu.region"() ({
        %run_scoped3A = tpu.sem_alloc : memref<!tpu.dma_semaphore, #tpu.memory_space<semaphore_mem>>
        %dma_start3A_49 = arith.constant 0 : i32
        %dma_start3A_50 = tpu.memref_slice %arg8[%mul3A_21, %dma_start3A_49] : memref<196x128xi32, #tpu.memory_space<vmem>> -> memref<1x128xi32, #tpu.memory_space<vmem>>
        %dma_start3A_51 = tpu.memref_squeeze %dma_start3A_50 : memref<1x128xi32, #tpu.memory_space<vmem>> -> memref<128xi32, #tpu.memory_space<vmem>>
        %dma_start3A_52 = arith.constant 0 : i32
        %dma_start3A_53 = arith.constant 0 : i32
        %dma_start3A_54 = tpu.memref_slice %arg11[%dma_start3A_52, %dma_start3A_53] : memref<50176x16xf32, #tpu.memory_space<vmem_shared>> -> memref<50176x16xf32, #tpu.memory_space<vmem_shared>>
        tpu.enqueue_indirect_dma source(%arg9 : memref<128x16xf32, #tpu.memory_space<vmem>>) target(%dma_start3A_54 : memref<50176x16xf32, #tpu.memory_space<vmem_shared>>) offsets(%dma_start3A_51 : memref<128xi32, #tpu.memory_space<vmem>>) semaphore(%run_scoped3A : memref<!tpu.dma_semaphore, #tpu.memory_space<semaphore_mem>>) {add = true}
        %dma_wait3A_55 = arith.constant 0 : i32
        %dma_wait3A_56 = tpu.memref_slice %arg8[%mul3A_21, %dma_wait3A_55] : memref<196x128xi32, #tpu.memory_space<vmem>> -> memref<1x128xi32, #tpu.memory_space<vmem>>
        %dma_wait3A_57 = tpu.memref_squeeze %dma_wait3A_56 : memref<1x128xi32, #tpu.memory_space<vmem>> -> memref<128xi32, #tpu.memory_space<vmem>>
        %dma_wait3A_58 = arith.constant 0 : i32
        %dma_wait3A_59 = arith.constant 0 : i32
        %dma_wait3A_60 = tpu.memref_slice %arg11[%dma_wait3A_58, %dma_wait3A_59] : memref<50176x16xf32, #tpu.memory_space<vmem_shared>> -> memref<50176x16xf32, #tpu.memory_space<vmem_shared>>
        tpu.wait_indirect_dma semaphore(%run_scoped3A : memref<!tpu.dma_semaphore, #tpu.memory_space<semaphore_mem>>) src(%arg9 : memref<128x16xf32, #tpu.memory_space<vmem>>) dst(%dma_wait3A_60 : memref<50176x16xf32, #tpu.memory_space<vmem_shared>>)
        tpu.yield
      }) : () -> ()
      %add3A_35 = arith.constant 2 : i32
      %add3A_36 = arith.addi %mul3A_21, %add3A_35 : i32
      %lt3A = arith.constant 196 : i32
      %lt3A_37 = arith.cmpi slt, %add3A_36, %lt3A : i32
      %convert_element_type3A = arith.extui %lt3A_37 : i1 to i32
      %cond3A = arith.constant 0 : i32
      %cond3A_38 = arith.cmpi ne, %convert_element_type3A, %cond3A : i32
      scf.if %cond3A_38 {
        %add3A_49 = arith.constant 2 : i32
        %add3A_50 = arith.addi %mul3A_21, %add3A_49 : i32
        %dma_start3A_51 = arith.constant 0 : i32
        %dma_start3A_52 = tpu.memref_slice %arg7[%add3A_50, %dma_start3A_51] : memref<196x128xi32, #tpu.memory_space<vmem>> -> memref<1x128xi32, #tpu.memory_space<vmem>>
        %dma_start3A_53 = tpu.memref_squeeze %dma_start3A_52 : memref<1x128xi32, #tpu.memory_space<vmem>> -> memref<128xi32, #tpu.memory_space<vmem>>
        %dma_start3A_54 = arith.constant 0 : i32
        %dma_start3A_55 = arith.constant 0 : i32
        %dma_start3A_56 = tpu.memref_slice %arg2[%dma_start3A_54, %dma_start3A_55] : memref<50176x16xf32, #tpu.memory_space<hbm>> -> memref<50176x16xf32, #tpu.memory_space<hbm>>
        tpu.enqueue_indirect_dma source(%dma_start3A_56 : memref<50176x16xf32, #tpu.memory_space<hbm>>) target(%arg9 : memref<128x16xf32, #tpu.memory_space<vmem>>) offsets(%dma_start3A_53 : memref<128xi32, #tpu.memory_space<vmem>>) semaphore(%arg12 : memref<!tpu.dma_semaphore, #tpu.memory_space<semaphore_mem>>)
      } else {
      }
      %add3A_39 = arith.constant 1 : i32
      %add3A_40 = arith.addi %mul3A_21, %add3A_39 : i32
      %dma_wait3A_41 = arith.constant 0 : i32
      %dma_wait3A_42 = tpu.memref_slice %arg7[%add3A_40, %dma_wait3A_41] : memref<196x128xi32, #tpu.memory_space<vmem>> -> memref<1x128xi32, #tpu.memory_space<vmem>>
      %dma_wait3A_43 = tpu.memref_squeeze %dma_wait3A_42 : memref<1x128xi32, #tpu.memory_space<vmem>> -> memref<128xi32, #tpu.memory_space<vmem>>
      %dma_wait3A_44 = arith.constant 0 : i32
      %dma_wait3A_45 = arith.constant 0 : i32
      %dma_wait3A_46 = tpu.memref_slice %arg2[%dma_wait3A_44, %dma_wait3A_45] : memref<50176x16xf32, #tpu.memory_space<hbm>> -> memref<50176x16xf32, #tpu.memory_space<hbm>>
      tpu.wait_indirect_dma semaphore(%arg13 : memref<!tpu.dma_semaphore, #tpu.memory_space<semaphore_mem>>) src(%dma_wait3A_46 : memref<50176x16xf32, #tpu.memory_space<hbm>>) dst(%arg10 : memref<128x16xf32, #tpu.memory_space<vmem>>)
      %add3A_47 = arith.constant 1 : i32
      %add3A_48 = arith.addi %mul3A_21, %add3A_47 : i32
      "tpu.region"() ({
        %run_scoped3A = tpu.sem_alloc : memref<!tpu.dma_semaphore, #tpu.memory_space<semaphore_mem>>
        %dma_start3A_49 = arith.constant 0 : i32
        %dma_start3A_50 = tpu.memref_slice %arg8[%add3A_48, %dma_start3A_49] : memref<196x128xi32, #tpu.memory_space<vmem>> -> memref<1x128xi32, #tpu.memory_space<vmem>>
        %dma_start3A_51 = tpu.memref_squeeze %dma_start3A_50 : memref<1x128xi32, #tpu.memory_space<vmem>> -> memref<128xi32, #tpu.memory_space<vmem>>
        %dma_start3A_52 = arith.constant 0 : i32
        %dma_start3A_53 = arith.constant 0 : i32
        %dma_start3A_54 = tpu.memref_slice %arg11[%dma_start3A_52, %dma_start3A_53] : memref<50176x16xf32, #tpu.memory_space<vmem_shared>> -> memref<50176x16xf32, #tpu.memory_space<vmem_shared>>
        tpu.enqueue_indirect_dma source(%arg10 : memref<128x16xf32, #tpu.memory_space<vmem>>) target(%dma_start3A_54 : memref<50176x16xf32, #tpu.memory_space<vmem_shared>>) offsets(%dma_start3A_51 : memref<128xi32, #tpu.memory_space<vmem>>) semaphore(%run_scoped3A : memref<!tpu.dma_semaphore, #tpu.memory_space<semaphore_mem>>) {add = true}
        %dma_wait3A_55 = arith.constant 0 : i32
        %dma_wait3A_56 = tpu.memref_slice %arg8[%add3A_48, %dma_wait3A_55] : memref<196x128xi32, #tpu.memory_space<vmem>> -> memref<1x128xi32, #tpu.memory_space<vmem>>
        %dma_wait3A_57 = tpu.memref_squeeze %dma_wait3A_56 : memref<1x128xi32, #tpu.memory_space<vmem>> -> memref<128xi32, #tpu.memory_space<vmem>>
        %dma_wait3A_58 = arith.constant 0 : i32
        %dma_wait3A_59 = arith.constant 0 : i32
        %dma_wait3A_60 = tpu.memref_slice %arg11[%dma_wait3A_58, %dma_wait3A_59] : memref<50176x16xf32, #tpu.memory_space<vmem_shared>> -> memref<50176x16xf32, #tpu.memory_space<vmem_shared>>
        tpu.wait_indirect_dma semaphore(%run_scoped3A : memref<!tpu.dma_semaphore, #tpu.memory_space<semaphore_mem>>) src(%arg10 : memref<128x16xf32, #tpu.memory_space<vmem>>) dst(%dma_wait3A_60 : memref<50176x16xf32, #tpu.memory_space<vmem_shared>>)
        tpu.yield
      }) : () -> ()
    }
    %scan3A_13 = arith.constant 98 : i32
    %barrier3A_14 = arith.constant 0 : index
    tpu.barrier barrier_id(%barrier3A_14)
    %mul3A_15 = arith.constant 3136 : i32
    %mul3A_16 = arith.muli %arg1, %mul3A_15 : i32
    %mul3A_17 = arith.constant 3136 : i32
    %mul3A_18 = arith.muli %arg1, %mul3A_17 : i32
    "tpu.region"() ({
      %run_scoped3A = tpu.sem_alloc : memref<!tpu.dma_semaphore, #tpu.memory_space<semaphore_mem>>
      %dma_start3A_19 = arith.constant 0 : i32
      %dma_start3A_20 = tpu.memref_slice %arg6[%arg0, %mul3A_18, %dma_start3A_19] : memref<2x50176x16xf32, #tpu.memory_space<hbm>> -> memref<1x3136x16xf32, #tpu.memory_space<hbm>>
      %dma_start3A_21 = tpu.memref_squeeze %dma_start3A_20 : memref<1x3136x16xf32, #tpu.memory_space<hbm>> -> memref<3136x16xf32, #tpu.memory_space<hbm>>
      %dma_start3A_22 = arith.constant 0 : i32
      %dma_start3A_23 = tpu.memref_slice %arg11[%mul3A_16, %dma_start3A_22] : memref<50176x16xf32, #tpu.memory_space<vmem_shared>> -> memref<3136x16xf32, #tpu.memory_space<vmem_shared>>
      tpu.enqueue_dma source(%dma_start3A_23 : memref<3136x16xf32, #tpu.memory_space<vmem_shared>>) target(%dma_start3A_21 : memref<3136x16xf32, #tpu.memory_space<hbm>>) target_semaphore(%run_scoped3A : memref<!tpu.dma_semaphore, #tpu.memory_space<semaphore_mem>>)
      %dma_wait3A = arith.constant 0 : i32
      %dma_wait3A_24 = tpu.memref_slice %arg6[%arg0, %mul3A_18, %dma_wait3A] : memref<2x50176x16xf32, #tpu.memory_space<hbm>> -> memref<1x3136x16xf32, #tpu.memory_space<hbm>>
      %dma_wait3A_25 = tpu.memref_squeeze %dma_wait3A_24 : memref<1x3136x16xf32, #tpu.memory_space<hbm>> -> memref<3136x16xf32, #tpu.memory_space<hbm>>
      %dma_wait3A_26 = arith.constant 0 : i32
      %dma_wait3A_27 = tpu.memref_slice %arg11[%mul3A_16, %dma_wait3A_26] : memref<50176x16xf32, #tpu.memory_space<vmem_shared>> -> memref<3136x16xf32, #tpu.memory_space<vmem_shared>>
      tpu.wait_dma2 semaphore(%run_scoped3A : memref<!tpu.dma_semaphore, #tpu.memory_space<semaphore_mem>>) src(%dma_wait3A_27 : memref<3136x16xf32, #tpu.memory_space<vmem_shared>>) dst(%dma_wait3A_25 : memref<3136x16xf32, #tpu.memory_space<hbm>>)
      tpu.yield
    }) : () -> ()
    return
  }
}

#map = affine_map<(d0, d1) -> (0, 0)>
#map1 = affine_map<(d0, d1) -> (0, 0, 0)>
module attributes {stable_mosaic.version = 14 : i64} {
  func.func @segsum(%arg0: i32, %arg1: i32, %arg2: memref<50176x16xf32, #tpu.memory_space<hbm>>, %arg3: memref<32x196x128xi32, #tpu.memory_space<hbm>>, %arg4: memref<32x196x128xi32, #tpu.memory_space<hbm>>, %arg5: memref<3136x16xf32, #tpu.memory_space<hbm>>, %arg6: memref<2x50176x16xf32, #tpu.memory_space<hbm>>, %arg7: memref<196x128xi32, #tpu.memory_space<vmem>>, %arg8: memref<196x128xi32, #tpu.memory_space<vmem>>, %arg9: memref<128x16xf32, #tpu.memory_space<vmem>>, %arg10: memref<128x16xf32, #tpu.memory_space<vmem>>, %arg11: memref<50176x16xf32, #tpu.memory_space<vmem_shared>>, %arg12: memref<!tpu.dma_semaphore, #tpu.memory_space<semaphore_mem>>, %arg13: memref<!tpu.dma_semaphore, #tpu.memory_space<semaphore_mem>>) attributes {dimension_semantics = [#tpu.dimension_semantics<core_parallel>, #tpu.dimension_semantics<subcore_parallel>], iteration_bounds = array<i64: 2, 16>, scalar_prefetch = 0 : i64, scratch_operands = 7 : i64, tpu.core_type = #tpu.core_type<sc_vector_subcore>, window_params = [{transform_indices = #map}, {transform_indices = #map1}, {transform_indices = #map1}, {transform_indices = #map}, {transform_indices = #map1}]} {
    %mul3A = arith.constant 2 : i32
    %mul3A_0 = arith.muli %arg1, %mul3A : i32
    %add3A = arith.addi %mul3A_0, %arg0 : i32
    %mul3A_1 = arith.constant 3136 : i32
    %mul3A_2 = arith.muli %arg1, %mul3A_1 : i32
    "tpu.region"() ({
      %run_scoped3A = tpu.sem_alloc : memref<!tpu.dma_semaphore, #tpu.memory_space<semaphore_mem>>
      %dma_start3A_19 = arith.constant 0 : i32
      %dma_start3A_20 = tpu.memref_slice %arg11[%mul3A_2, %dma_start3A_19] : memref<50176x16xf32, #tpu.memory_space<vmem_shared>> -> memref<3136x16xf32, #tpu.memory_space<vmem_shared>>
      tpu.enqueue_dma source(%arg5 : memref<3136x16xf32, #tpu.memory_space<hbm>>) target(%dma_start3A_20 : memref<3136x16xf32, #tpu.memory_space<vmem_shared>>) target_semaphore(%run_scoped3A : memref<!tpu.dma_semaphore, #tpu.memory_space<semaphore_mem>>)
      %dma_wait3A = arith.constant 0 : i32
      %dma_wait3A_21 = tpu.memref_slice %arg11[%mul3A_2, %dma_wait3A] : memref<50176x16xf32, #tpu.memory_space<vmem_shared>> -> memref<3136x16xf32, #tpu.memory_space<vmem_shared>>
      tpu.wait_dma2 semaphore(%run_scoped3A : memref<!tpu.dma_semaphore, #tpu.memory_space<semaphore_mem>>) src(%arg5 : memref<3136x16xf32, #tpu.memory_space<hbm>>) dst(%dma_wait3A_21 : memref<3136x16xf32, #tpu.memory_space<vmem_shared>>)
      tpu.yield
    }) : () -> ()
    "tpu.region"() ({
      %run_scoped3A = tpu.sem_alloc : memref<!tpu.dma_semaphore, #tpu.memory_space<semaphore_mem>>
      %dma_start3A_19 = arith.constant 0 : i32
      %dma_start3A_20 = arith.constant 0 : i32
      %dma_start3A_21 = tpu.memref_slice %arg3[%add3A, %dma_start3A_19, %dma_start3A_20] : memref<32x196x128xi32, #tpu.memory_space<hbm>> -> memref<1x196x128xi32, #tpu.memory_space<hbm>>
      %dma_start3A_22 = tpu.memref_squeeze %dma_start3A_21 : memref<1x196x128xi32, #tpu.memory_space<hbm>> -> memref<196x128xi32, #tpu.memory_space<hbm>>
      %dma_start3A_23 = arith.constant 0 : i32
      %dma_start3A_24 = arith.constant 0 : i32
      %dma_start3A_25 = tpu.memref_slice %arg3[%add3A, %dma_start3A_23, %dma_start3A_24] : memref<32x196x128xi32, #tpu.memory_space<hbm>> -> memref<1x196x128xi32, #tpu.memory_space<hbm>>
      %dma_start3A_26 = tpu.memref_squeeze %dma_start3A_25 : memref<1x196x128xi32, #tpu.memory_space<hbm>> -> memref<196x128xi32, #tpu.memory_space<hbm>>
      tpu.enqueue_dma source(%dma_start3A_26 : memref<196x128xi32, #tpu.memory_space<hbm>>) target(%arg7 : memref<196x128xi32, #tpu.memory_space<vmem>>) target_semaphore(%run_scoped3A : memref<!tpu.dma_semaphore, #tpu.memory_space<semaphore_mem>>)
      %dma_wait3A = arith.constant 0 : i32
      %dma_wait3A_27 = arith.constant 0 : i32
      %dma_wait3A_28 = tpu.memref_slice %arg3[%add3A, %dma_wait3A, %dma_wait3A_27] : memref<32x196x128xi32, #tpu.memory_space<hbm>> -> memref<1x196x128xi32, #tpu.memory_space<hbm>>
      %dma_wait3A_29 = tpu.memref_squeeze %dma_wait3A_28 : memref<1x196x128xi32, #tpu.memory_space<hbm>> -> memref<196x128xi32, #tpu.memory_space<hbm>>
      %dma_wait3A_30 = arith.constant 0 : i32
      %dma_wait3A_31 = arith.constant 0 : i32
      %dma_wait3A_32 = tpu.memref_slice %arg3[%add3A, %dma_wait3A_30, %dma_wait3A_31] : memref<32x196x128xi32, #tpu.memory_space<hbm>> -> memref<1x196x128xi32, #tpu.memory_space<hbm>>
      %dma_wait3A_33 = tpu.memref_squeeze %dma_wait3A_32 : memref<1x196x128xi32, #tpu.memory_space<hbm>> -> memref<196x128xi32, #tpu.memory_space<hbm>>
      tpu.wait_dma2 semaphore(%run_scoped3A : memref<!tpu.dma_semaphore, #tpu.memory_space<semaphore_mem>>) src(%dma_wait3A_33 : memref<196x128xi32, #tpu.memory_space<hbm>>) dst(%arg7 : memref<196x128xi32, #tpu.memory_space<vmem>>)
      tpu.yield
    }) : () -> ()
    "tpu.region"() ({
      %run_scoped3A = tpu.sem_alloc : memref<!tpu.dma_semaphore, #tpu.memory_space<semaphore_mem>>
      %dma_start3A_19 = arith.constant 0 : i32
      %dma_start3A_20 = arith.constant 0 : i32
      %dma_start3A_21 = tpu.memref_slice %arg4[%add3A, %dma_start3A_19, %dma_start3A_20] : memref<32x196x128xi32, #tpu.memory_space<hbm>> -> memref<1x196x128xi32, #tpu.memory_space<hbm>>
      %dma_start3A_22 = tpu.memref_squeeze %dma_start3A_21 : memref<1x196x128xi32, #tpu.memory_space<hbm>> -> memref<196x128xi32, #tpu.memory_space<hbm>>
      %dma_start3A_23 = arith.constant 0 : i32
      %dma_start3A_24 = arith.constant 0 : i32
      %dma_start3A_25 = tpu.memref_slice %arg4[%add3A, %dma_start3A_23, %dma_start3A_24] : memref<32x196x128xi32, #tpu.memory_space<hbm>> -> memref<1x196x128xi32, #tpu.memory_space<hbm>>
      %dma_start3A_26 = tpu.memref_squeeze %dma_start3A_25 : memref<1x196x128xi32, #tpu.memory_space<hbm>> -> memref<196x128xi32, #tpu.memory_space<hbm>>
      tpu.enqueue_dma source(%dma_start3A_26 : memref<196x128xi32, #tpu.memory_space<hbm>>) target(%arg8 : memref<196x128xi32, #tpu.memory_space<vmem>>) target_semaphore(%run_scoped3A : memref<!tpu.dma_semaphore, #tpu.memory_space<semaphore_mem>>)
      %dma_wait3A = arith.constant 0 : i32
      %dma_wait3A_27 = arith.constant 0 : i32
      %dma_wait3A_28 = tpu.memref_slice %arg4[%add3A, %dma_wait3A, %dma_wait3A_27] : memref<32x196x128xi32, #tpu.memory_space<hbm>> -> memref<1x196x128xi32, #tpu.memory_space<hbm>>
      %dma_wait3A_29 = tpu.memref_squeeze %dma_wait3A_28 : memref<1x196x128xi32, #tpu.memory_space<hbm>> -> memref<196x128xi32, #tpu.memory_space<hbm>>
      %dma_wait3A_30 = arith.constant 0 : i32
      %dma_wait3A_31 = arith.constant 0 : i32
      %dma_wait3A_32 = tpu.memref_slice %arg4[%add3A, %dma_wait3A_30, %dma_wait3A_31] : memref<32x196x128xi32, #tpu.memory_space<hbm>> -> memref<1x196x128xi32, #tpu.memory_space<hbm>>
      %dma_wait3A_33 = tpu.memref_squeeze %dma_wait3A_32 : memref<1x196x128xi32, #tpu.memory_space<hbm>> -> memref<196x128xi32, #tpu.memory_space<hbm>>
      tpu.wait_dma2 semaphore(%run_scoped3A : memref<!tpu.dma_semaphore, #tpu.memory_space<semaphore_mem>>) src(%dma_wait3A_33 : memref<196x128xi32, #tpu.memory_space<hbm>>) dst(%arg8 : memref<196x128xi32, #tpu.memory_space<vmem>>)
      tpu.yield
    }) : () -> ()
    %barrier3A = arith.constant 0 : index
    tpu.barrier barrier_id(%barrier3A)
    %dma_start3A = arith.constant 0 : i32
    %dma_start3A_3 = arith.constant 0 : i32
    %dma_start3A_4 = tpu.memref_slice %arg7[%dma_start3A, %dma_start3A_3] : memref<196x128xi32, #tpu.memory_space<vmem>> -> memref<1x128xi32, #tpu.memory_space<vmem>>
    %dma_start3A_5 = tpu.memref_squeeze %dma_start3A_4 : memref<1x128xi32, #tpu.memory_space<vmem>> -> memref<128xi32, #tpu.memory_space<vmem>>
    %dma_start3A_6 = arith.constant 0 : i32
    %dma_start3A_7 = arith.constant 0 : i32
    %dma_start3A_8 = tpu.memref_slice %arg2[%dma_start3A_6, %dma_start3A_7] : memref<50176x16xf32, #tpu.memory_space<hbm>> -> memref<50176x16xf32, #tpu.memory_space<hbm>>
    tpu.enqueue_indirect_dma source(%dma_start3A_8 : memref<50176x16xf32, #tpu.memory_space<hbm>>) target(%arg9 : memref<128x16xf32, #tpu.memory_space<vmem>>) offsets(%dma_start3A_5 : memref<128xi32, #tpu.memory_space<vmem>>) semaphore(%arg12 : memref<!tpu.dma_semaphore, #tpu.memory_space<semaphore_mem>>)
    %scan3A = arith.constant 0 : i32
    %scan3A_9 = arith.constant 0 : i32
    %scan3A_10 = arith.constant 98 : i32
    %scan3A_11 = arith.addi %scan3A_9, %scan3A_10 : i32
    %scan3A_12 = arith.constant 1 : i32
    scf.for %scan3A_19 = %scan3A_9 to %scan3A_11 step %scan3A_12  : i32 {
      %mul3A_20 = arith.constant 2 : i32
      %mul3A_21 = arith.muli %mul3A_20, %scan3A_19 : i32
      %add3A_22 = arith.constant 1 : i32
      %add3A_23 = arith.addi %mul3A_21, %add3A_22 : i32
      %dma_start3A_24 = arith.constant 0 : i32
      %dma_start3A_25 = tpu.memref_slice %arg7[%add3A_23, %dma_start3A_24] : memref<196x128xi32, #tpu.memory_space<vmem>> -> memref<1x128xi32, #tpu.memory_space<vmem>>
      %dma_start3A_26 = tpu.memref_squeeze %dma_start3A_25 : memref<1x128xi32, #tpu.memory_space<vmem>> -> memref<128xi32, #tpu.memory_space<vmem>>
      %dma_start3A_27 = arith.constant 0 : i32
      %dma_start3A_28 = arith.constant 0 : i32
      %dma_start3A_29 = tpu.memref_slice %arg2[%dma_start3A_27, %dma_start3A_28] : memref<50176x16xf32, #tpu.memory_space<hbm>> -> memref<50176x16xf32, #tpu.memory_space<hbm>>
      tpu.enqueue_indirect_dma source(%dma_start3A_29 : memref<50176x16xf32, #tpu.memory_space<hbm>>) target(%arg10 : memref<128x16xf32, #tpu.memory_space<vmem>>) offsets(%dma_start3A_26 : memref<128xi32, #tpu.memory_space<vmem>>) semaphore(%arg13 : memref<!tpu.dma_semaphore, #tpu.memory_space<semaphore_mem>>)
      %dma_wait3A = arith.constant 0 : i32
      %dma_wait3A_30 = tpu.memref_slice %arg7[%mul3A_21, %dma_wait3A] : memref<196x128xi32, #tpu.memory_space<vmem>> -> memref<1x128xi32, #tpu.memory_space<vmem>>
      %dma_wait3A_31 = tpu.memref_squeeze %dma_wait3A_30 : memref<1x128xi32, #tpu.memory_space<vmem>> -> memref<128xi32, #tpu.memory_space<vmem>>
      %dma_wait3A_32 = arith.constant 0 : i32
      %dma_wait3A_33 = arith.constant 0 : i32
      %dma_wait3A_34 = tpu.memref_slice %arg2[%dma_wait3A_32, %dma_wait3A_33] : memref<50176x16xf32, #tpu.memory_space<hbm>> -> memref<50176x16xf32, #tpu.memory_space<hbm>>
      tpu.wait_indirect_dma semaphore(%arg12 : memref<!tpu.dma_semaphore, #tpu.memory_space<semaphore_mem>>) src(%dma_wait3A_34 : memref<50176x16xf32, #tpu.memory_space<hbm>>) dst(%arg9 : memref<128x16xf32, #tpu.memory_space<vmem>>)
      "tpu.region"() ({
        %run_scoped3A = tpu.sem_alloc : memref<!tpu.dma_semaphore, #tpu.memory_space<semaphore_mem>>
        %dma_start3A_49 = arith.constant 0 : i32
        %dma_start3A_50 = tpu.memref_slice %arg8[%mul3A_21, %dma_start3A_49] : memref<196x128xi32, #tpu.memory_space<vmem>> -> memref<1x128xi32, #tpu.memory_space<vmem>>
        %dma_start3A_51 = tpu.memref_squeeze %dma_start3A_50 : memref<1x128xi32, #tpu.memory_space<vmem>> -> memref<128xi32, #tpu.memory_space<vmem>>
        %dma_start3A_52 = arith.constant 0 : i32
        %dma_start3A_53 = arith.constant 0 : i32
        %dma_start3A_54 = tpu.memref_slice %arg11[%dma_start3A_52, %dma_start3A_53] : memref<50176x16xf32, #tpu.memory_space<vmem_shared>> -> memref<50176x16xf32, #tpu.memory_space<vmem_shared>>
        tpu.enqueue_indirect_dma source(%arg9 : memref<128x16xf32, #tpu.memory_space<vmem>>) target(%dma_start3A_54 : memref<50176x16xf32, #tpu.memory_space<vmem_shared>>) offsets(%dma_start3A_51 : memref<128xi32, #tpu.memory_space<vmem>>) semaphore(%run_scoped3A : memref<!tpu.dma_semaphore, #tpu.memory_space<semaphore_mem>>) {add = true}
        %dma_wait3A_55 = arith.constant 0 : i32
        %dma_wait3A_56 = tpu.memref_slice %arg8[%mul3A_21, %dma_wait3A_55] : memref<196x128xi32, #tpu.memory_space<vmem>> -> memref<1x128xi32, #tpu.memory_space<vmem>>
        %dma_wait3A_57 = tpu.memref_squeeze %dma_wait3A_56 : memref<1x128xi32, #tpu.memory_space<vmem>> -> memref<128xi32, #tpu.memory_space<vmem>>
        %dma_wait3A_58 = arith.constant 0 : i32
        %dma_wait3A_59 = arith.constant 0 : i32
        %dma_wait3A_60 = tpu.memref_slice %arg11[%dma_wait3A_58, %dma_wait3A_59] : memref<50176x16xf32, #tpu.memory_space<vmem_shared>> -> memref<50176x16xf32, #tpu.memory_space<vmem_shared>>
        tpu.wait_indirect_dma semaphore(%run_scoped3A : memref<!tpu.dma_semaphore, #tpu.memory_space<semaphore_mem>>) src(%arg9 : memref<128x16xf32, #tpu.memory_space<vmem>>) dst(%dma_wait3A_60 : memref<50176x16xf32, #tpu.memory_space<vmem_shared>>)
        tpu.yield
      }) : () -> ()
      %add3A_35 = arith.constant 2 : i32
      %add3A_36 = arith.addi %mul3A_21, %add3A_35 : i32
      %lt3A = arith.constant 196 : i32
      %lt3A_37 = arith.cmpi slt, %add3A_36, %lt3A : i32
      %convert_element_type3A = arith.extui %lt3A_37 : i1 to i32
      %cond3A = arith.constant 0 : i32
      %cond3A_38 = arith.cmpi ne, %convert_element_type3A, %cond3A : i32
      scf.if %cond3A_38 {
        %add3A_49 = arith.constant 2 : i32
        %add3A_50 = arith.addi %mul3A_21, %add3A_49 : i32
        %dma_start3A_51 = arith.constant 0 : i32
        %dma_start3A_52 = tpu.memref_slice %arg7[%add3A_50, %dma_start3A_51] : memref<196x128xi32, #tpu.memory_space<vmem>> -> memref<1x128xi32, #tpu.memory_space<vmem>>
        %dma_start3A_53 = tpu.memref_squeeze %dma_start3A_52 : memref<1x128xi32, #tpu.memory_space<vmem>> -> memref<128xi32, #tpu.memory_space<vmem>>
        %dma_start3A_54 = arith.constant 0 : i32
        %dma_start3A_55 = arith.constant 0 : i32
        %dma_start3A_56 = tpu.memref_slice %arg2[%dma_start3A_54, %dma_start3A_55] : memref<50176x16xf32, #tpu.memory_space<hbm>> -> memref<50176x16xf32, #tpu.memory_space<hbm>>
        tpu.enqueue_indirect_dma source(%dma_start3A_56 : memref<50176x16xf32, #tpu.memory_space<hbm>>) target(%arg9 : memref<128x16xf32, #tpu.memory_space<vmem>>) offsets(%dma_start3A_53 : memref<128xi32, #tpu.memory_space<vmem>>) semaphore(%arg12 : memref<!tpu.dma_semaphore, #tpu.memory_space<semaphore_mem>>)
      } else {
      }
      %add3A_39 = arith.constant 1 : i32
      %add3A_40 = arith.addi %mul3A_21, %add3A_39 : i32
      %dma_wait3A_41 = arith.constant 0 : i32
      %dma_wait3A_42 = tpu.memref_slice %arg7[%add3A_40, %dma_wait3A_41] : memref<196x128xi32, #tpu.memory_space<vmem>> -> memref<1x128xi32, #tpu.memory_space<vmem>>
      %dma_wait3A_43 = tpu.memref_squeeze %dma_wait3A_42 : memref<1x128xi32, #tpu.memory_space<vmem>> -> memref<128xi32, #tpu.memory_space<vmem>>
      %dma_wait3A_44 = arith.constant 0 : i32
      %dma_wait3A_45 = arith.constant 0 : i32
      %dma_wait3A_46 = tpu.memref_slice %arg2[%dma_wait3A_44, %dma_wait3A_45] : memref<50176x16xf32, #tpu.memory_space<hbm>> -> memref<50176x16xf32, #tpu.memory_space<hbm>>
      tpu.wait_indirect_dma semaphore(%arg13 : memref<!tpu.dma_semaphore, #tpu.memory_space<semaphore_mem>>) src(%dma_wait3A_46 : memref<50176x16xf32, #tpu.memory_space<hbm>>) dst(%arg10 : memref<128x16xf32, #tpu.memory_space<vmem>>)
      %add3A_47 = arith.constant 1 : i32
      %add3A_48 = arith.addi %mul3A_21, %add3A_47 : i32
      "tpu.region"() ({
        %run_scoped3A = tpu.sem_alloc : memref<!tpu.dma_semaphore, #tpu.memory_space<semaphore_mem>>
        %dma_start3A_49 = arith.constant 0 : i32
        %dma_start3A_50 = tpu.memref_slice %arg8[%add3A_48, %dma_start3A_49] : memref<196x128xi32, #tpu.memory_space<vmem>> -> memref<1x128xi32, #tpu.memory_space<vmem>>
        %dma_start3A_51 = tpu.memref_squeeze %dma_start3A_50 : memref<1x128xi32, #tpu.memory_space<vmem>> -> memref<128xi32, #tpu.memory_space<vmem>>
        %dma_start3A_52 = arith.constant 0 : i32
        %dma_start3A_53 = arith.constant 0 : i32
        %dma_start3A_54 = tpu.memref_slice %arg11[%dma_start3A_52, %dma_start3A_53] : memref<50176x16xf32, #tpu.memory_space<vmem_shared>> -> memref<50176x16xf32, #tpu.memory_space<vmem_shared>>
        tpu.enqueue_indirect_dma source(%arg10 : memref<128x16xf32, #tpu.memory_space<vmem>>) target(%dma_start3A_54 : memref<50176x16xf32, #tpu.memory_space<vmem_shared>>) offsets(%dma_start3A_51 : memref<128xi32, #tpu.memory_space<vmem>>) semaphore(%run_scoped3A : memref<!tpu.dma_semaphore, #tpu.memory_space<semaphore_mem>>) {add = true}
        %dma_wait3A_55 = arith.constant 0 : i32
        %dma_wait3A_56 = tpu.memref_slice %arg8[%add3A_48, %dma_wait3A_55] : memref<196x128xi32, #tpu.memory_space<vmem>> -> memref<1x128xi32, #tpu.memory_space<vmem>>
        %dma_wait3A_57 = tpu.memref_squeeze %dma_wait3A_56 : memref<1x128xi32, #tpu.memory_space<vmem>> -> memref<128xi32, #tpu.memory_space<vmem>>
        %dma_wait3A_58 = arith.constant 0 : i32
        %dma_wait3A_59 = arith.constant 0 : i32
        %dma_wait3A_60 = tpu.memref_slice %arg11[%dma_wait3A_58, %dma_wait3A_59] : memref<50176x16xf32, #tpu.memory_space<vmem_shared>> -> memref<50176x16xf32, #tpu.memory_space<vmem_shared>>
        tpu.wait_indirect_dma semaphore(%run_scoped3A : memref<!tpu.dma_semaphore, #tpu.memory_space<semaphore_mem>>) src(%arg10 : memref<128x16xf32, #tpu.memory_space<vmem>>) dst(%dma_wait3A_60 : memref<50176x16xf32, #tpu.memory_space<vmem_shared>>)
        tpu.yield
      }) : () -> ()
    }
    %scan3A_13 = arith.constant 98 : i32
    %barrier3A_14 = arith.constant 0 : index
    tpu.barrier barrier_id(%barrier3A_14)
    %mul3A_15 = arith.constant 3136 : i32
    %mul3A_16 = arith.muli %arg1, %mul3A_15 : i32
    %mul3A_17 = arith.constant 3136 : i32
    %mul3A_18 = arith.muli %arg1, %mul3A_17 : i32
    "tpu.region"() ({
      %run_scoped3A = tpu.sem_alloc : memref<!tpu.dma_semaphore, #tpu.memory_space<semaphore_mem>>
      %dma_start3A_19 = arith.constant 0 : i32
      %dma_start3A_20 = tpu.memref_slice %arg6[%arg0, %mul3A_18, %dma_start3A_19] : memref<2x50176x16xf32, #tpu.memory_space<hbm>> -> memref<1x3136x16xf32, #tpu.memory_space<hbm>>
      %dma_start3A_21 = tpu.memref_squeeze %dma_start3A_20 : memref<1x3136x16xf32, #tpu.memory_space<hbm>> -> memref<3136x16xf32, #tpu.memory_space<hbm>>
      %dma_start3A_22 = arith.constant 0 : i32
      %dma_start3A_23 = tpu.memref_slice %arg11[%mul3A_16, %dma_start3A_22] : memref<50176x16xf32, #tpu.memory_space<vmem_shared>> -> memref<3136x16xf32, #tpu.memory_space<vmem_shared>>
      tpu.enqueue_dma source(%dma_start3A_23 : memref<3136x16xf32, #tpu.memory_space<vmem_shared>>) target(%dma_start3A_21 : memref<3136x16xf32, #tpu.memory_space<hbm>>) target_semaphore(%run_scoped3A : memref<!tpu.dma_semaphore, #tpu.memory_space<semaphore_mem>>)
      %dma_wait3A = arith.constant 0 : i32
      %dma_wait3A_24 = tpu.memref_slice %arg6[%arg0, %mul3A_18, %dma_wait3A] : memref<2x50176x16xf32, #tpu.memory_space<hbm>> -> memref<1x3136x16xf32, #tpu.memory_space<hbm>>
      %dma_wait3A_25 = tpu.memref_squeeze %dma_wait3A_24 : memref<1x3136x16xf32, #tpu.memory_space<hbm>> -> memref<3136x16xf32, #tpu.memory_space<hbm>>
      %dma_wait3A_26 = arith.constant 0 : i32
      %dma_wait3A_27 = tpu.memref_slice %arg11[%mul3A_16, %dma_wait3A_26] : memref<50176x16xf32, #tpu.memory_space<vmem_shared>> -> memref<3136x16xf32, #tpu.memory_space<vmem_shared>>
      tpu.wait_dma2 semaphore(%run_scoped3A : memref<!tpu.dma_semaphore, #tpu.memory_space<semaphore_mem>>) src(%dma_wait3A_27 : memref<3136x16xf32, #tpu.memory_space<vmem_shared>>) dst(%dma_wait3A_25 : memref<3136x16xf32, #tpu.memory_space<hbm>>)
      tpu.yield
    }) : () -> ()
    return
  }
}

#map = affine_map<(d0, d1) -> (0, 0)>
#map1 = affine_map<(d0, d1) -> (0, 0, 0)>
module attributes {stable_mosaic.version = 14 : i64} {
  func.func @segsum(%arg0: i32, %arg1: i32, %arg2: memref<50176x16xf32, #tpu.memory_space<hbm>>, %arg3: memref<32x196x128xi32, #tpu.memory_space<hbm>>, %arg4: memref<32x196x128xi32, #tpu.memory_space<hbm>>, %arg5: memref<3136x16xf32, #tpu.memory_space<hbm>>, %arg6: memref<2x50176x16xf32, #tpu.memory_space<hbm>>, %arg7: memref<196x128xi32, #tpu.memory_space<vmem>>, %arg8: memref<196x128xi32, #tpu.memory_space<vmem>>, %arg9: memref<128x16xf32, #tpu.memory_space<vmem>>, %arg10: memref<128x16xf32, #tpu.memory_space<vmem>>, %arg11: memref<50176x16xf32, #tpu.memory_space<vmem_shared>>, %arg12: memref<!tpu.dma_semaphore, #tpu.memory_space<semaphore_mem>>, %arg13: memref<!tpu.dma_semaphore, #tpu.memory_space<semaphore_mem>>) attributes {dimension_semantics = [#tpu.dimension_semantics<core_parallel>, #tpu.dimension_semantics<subcore_parallel>], iteration_bounds = array<i64: 2, 16>, scalar_prefetch = 0 : i64, scratch_operands = 7 : i64, tpu.core_type = #tpu.core_type<sc_vector_subcore>, window_params = [{transform_indices = #map}, {transform_indices = #map1}, {transform_indices = #map1}, {transform_indices = #map}, {transform_indices = #map1}]} {
    %mul3A = arith.constant 2 : i32
    %mul3A_0 = arith.muli %arg1, %mul3A : i32
    %add3A = arith.addi %mul3A_0, %arg0 : i32
    %mul3A_1 = arith.constant 3136 : i32
    %mul3A_2 = arith.muli %arg1, %mul3A_1 : i32
    "tpu.region"() ({
      %run_scoped3A = tpu.sem_alloc : memref<!tpu.dma_semaphore, #tpu.memory_space<semaphore_mem>>
      %dma_start3A_19 = arith.constant 0 : i32
      %dma_start3A_20 = tpu.memref_slice %arg11[%mul3A_2, %dma_start3A_19] : memref<50176x16xf32, #tpu.memory_space<vmem_shared>> -> memref<3136x16xf32, #tpu.memory_space<vmem_shared>>
      tpu.enqueue_dma source(%arg5 : memref<3136x16xf32, #tpu.memory_space<hbm>>) target(%dma_start3A_20 : memref<3136x16xf32, #tpu.memory_space<vmem_shared>>) target_semaphore(%run_scoped3A : memref<!tpu.dma_semaphore, #tpu.memory_space<semaphore_mem>>)
      %dma_wait3A = arith.constant 0 : i32
      %dma_wait3A_21 = tpu.memref_slice %arg11[%mul3A_2, %dma_wait3A] : memref<50176x16xf32, #tpu.memory_space<vmem_shared>> -> memref<3136x16xf32, #tpu.memory_space<vmem_shared>>
      tpu.wait_dma2 semaphore(%run_scoped3A : memref<!tpu.dma_semaphore, #tpu.memory_space<semaphore_mem>>) src(%arg5 : memref<3136x16xf32, #tpu.memory_space<hbm>>) dst(%dma_wait3A_21 : memref<3136x16xf32, #tpu.memory_space<vmem_shared>>)
      tpu.yield
    }) : () -> ()
    "tpu.region"() ({
      %run_scoped3A = tpu.sem_alloc : memref<!tpu.dma_semaphore, #tpu.memory_space<semaphore_mem>>
      %dma_start3A_19 = arith.constant 0 : i32
      %dma_start3A_20 = arith.constant 0 : i32
      %dma_start3A_21 = tpu.memref_slice %arg3[%add3A, %dma_start3A_19, %dma_start3A_20] : memref<32x196x128xi32, #tpu.memory_space<hbm>> -> memref<1x196x128xi32, #tpu.memory_space<hbm>>
      %dma_start3A_22 = tpu.memref_squeeze %dma_start3A_21 : memref<1x196x128xi32, #tpu.memory_space<hbm>> -> memref<196x128xi32, #tpu.memory_space<hbm>>
      %dma_start3A_23 = arith.constant 0 : i32
      %dma_start3A_24 = arith.constant 0 : i32
      %dma_start3A_25 = tpu.memref_slice %arg3[%add3A, %dma_start3A_23, %dma_start3A_24] : memref<32x196x128xi32, #tpu.memory_space<hbm>> -> memref<1x196x128xi32, #tpu.memory_space<hbm>>
      %dma_start3A_26 = tpu.memref_squeeze %dma_start3A_25 : memref<1x196x128xi32, #tpu.memory_space<hbm>> -> memref<196x128xi32, #tpu.memory_space<hbm>>
      tpu.enqueue_dma source(%dma_start3A_26 : memref<196x128xi32, #tpu.memory_space<hbm>>) target(%arg7 : memref<196x128xi32, #tpu.memory_space<vmem>>) target_semaphore(%run_scoped3A : memref<!tpu.dma_semaphore, #tpu.memory_space<semaphore_mem>>)
      %dma_wait3A = arith.constant 0 : i32
      %dma_wait3A_27 = arith.constant 0 : i32
      %dma_wait3A_28 = tpu.memref_slice %arg3[%add3A, %dma_wait3A, %dma_wait3A_27] : memref<32x196x128xi32, #tpu.memory_space<hbm>> -> memref<1x196x128xi32, #tpu.memory_space<hbm>>
      %dma_wait3A_29 = tpu.memref_squeeze %dma_wait3A_28 : memref<1x196x128xi32, #tpu.memory_space<hbm>> -> memref<196x128xi32, #tpu.memory_space<hbm>>
      %dma_wait3A_30 = arith.constant 0 : i32
      %dma_wait3A_31 = arith.constant 0 : i32
      %dma_wait3A_32 = tpu.memref_slice %arg3[%add3A, %dma_wait3A_30, %dma_wait3A_31] : memref<32x196x128xi32, #tpu.memory_space<hbm>> -> memref<1x196x128xi32, #tpu.memory_space<hbm>>
      %dma_wait3A_33 = tpu.memref_squeeze %dma_wait3A_32 : memref<1x196x128xi32, #tpu.memory_space<hbm>> -> memref<196x128xi32, #tpu.memory_space<hbm>>
      tpu.wait_dma2 semaphore(%run_scoped3A : memref<!tpu.dma_semaphore, #tpu.memory_space<semaphore_mem>>) src(%dma_wait3A_33 : memref<196x128xi32, #tpu.memory_space<hbm>>) dst(%arg7 : memref<196x128xi32, #tpu.memory_space<vmem>>)
      tpu.yield
    }) : () -> ()
    "tpu.region"() ({
      %run_scoped3A = tpu.sem_alloc : memref<!tpu.dma_semaphore, #tpu.memory_space<semaphore_mem>>
      %dma_start3A_19 = arith.constant 0 : i32
      %dma_start3A_20 = arith.constant 0 : i32
      %dma_start3A_21 = tpu.memref_slice %arg4[%add3A, %dma_start3A_19, %dma_start3A_20] : memref<32x196x128xi32, #tpu.memory_space<hbm>> -> memref<1x196x128xi32, #tpu.memory_space<hbm>>
      %dma_start3A_22 = tpu.memref_squeeze %dma_start3A_21 : memref<1x196x128xi32, #tpu.memory_space<hbm>> -> memref<196x128xi32, #tpu.memory_space<hbm>>
      %dma_start3A_23 = arith.constant 0 : i32
      %dma_start3A_24 = arith.constant 0 : i32
      %dma_start3A_25 = tpu.memref_slice %arg4[%add3A, %dma_start3A_23, %dma_start3A_24] : memref<32x196x128xi32, #tpu.memory_space<hbm>> -> memref<1x196x128xi32, #tpu.memory_space<hbm>>
      %dma_start3A_26 = tpu.memref_squeeze %dma_start3A_25 : memref<1x196x128xi32, #tpu.memory_space<hbm>> -> memref<196x128xi32, #tpu.memory_space<hbm>>
      tpu.enqueue_dma source(%dma_start3A_26 : memref<196x128xi32, #tpu.memory_space<hbm>>) target(%arg8 : memref<196x128xi32, #tpu.memory_space<vmem>>) target_semaphore(%run_scoped3A : memref<!tpu.dma_semaphore, #tpu.memory_space<semaphore_mem>>)
      %dma_wait3A = arith.constant 0 : i32
      %dma_wait3A_27 = arith.constant 0 : i32
      %dma_wait3A_28 = tpu.memref_slice %arg4[%add3A, %dma_wait3A, %dma_wait3A_27] : memref<32x196x128xi32, #tpu.memory_space<hbm>> -> memref<1x196x128xi32, #tpu.memory_space<hbm>>
      %dma_wait3A_29 = tpu.memref_squeeze %dma_wait3A_28 : memref<1x196x128xi32, #tpu.memory_space<hbm>> -> memref<196x128xi32, #tpu.memory_space<hbm>>
      %dma_wait3A_30 = arith.constant 0 : i32
      %dma_wait3A_31 = arith.constant 0 : i32
      %dma_wait3A_32 = tpu.memref_slice %arg4[%add3A, %dma_wait3A_30, %dma_wait3A_31] : memref<32x196x128xi32, #tpu.memory_space<hbm>> -> memref<1x196x128xi32, #tpu.memory_space<hbm>>
      %dma_wait3A_33 = tpu.memref_squeeze %dma_wait3A_32 : memref<1x196x128xi32, #tpu.memory_space<hbm>> -> memref<196x128xi32, #tpu.memory_space<hbm>>
      tpu.wait_dma2 semaphore(%run_scoped3A : memref<!tpu.dma_semaphore, #tpu.memory_space<semaphore_mem>>) src(%dma_wait3A_33 : memref<196x128xi32, #tpu.memory_space<hbm>>) dst(%arg8 : memref<196x128xi32, #tpu.memory_space<vmem>>)
      tpu.yield
    }) : () -> ()
    %barrier3A = arith.constant 0 : index
    tpu.barrier barrier_id(%barrier3A)
    %dma_start3A = arith.constant 0 : i32
    %dma_start3A_3 = arith.constant 0 : i32
    %dma_start3A_4 = tpu.memref_slice %arg7[%dma_start3A, %dma_start3A_3] : memref<196x128xi32, #tpu.memory_space<vmem>> -> memref<1x128xi32, #tpu.memory_space<vmem>>
    %dma_start3A_5 = tpu.memref_squeeze %dma_start3A_4 : memref<1x128xi32, #tpu.memory_space<vmem>> -> memref<128xi32, #tpu.memory_space<vmem>>
    %dma_start3A_6 = arith.constant 0 : i32
    %dma_start3A_7 = arith.constant 0 : i32
    %dma_start3A_8 = tpu.memref_slice %arg2[%dma_start3A_6, %dma_start3A_7] : memref<50176x16xf32, #tpu.memory_space<hbm>> -> memref<50176x16xf32, #tpu.memory_space<hbm>>
    tpu.enqueue_indirect_dma source(%dma_start3A_8 : memref<50176x16xf32, #tpu.memory_space<hbm>>) target(%arg9 : memref<128x16xf32, #tpu.memory_space<vmem>>) offsets(%dma_start3A_5 : memref<128xi32, #tpu.memory_space<vmem>>) semaphore(%arg12 : memref<!tpu.dma_semaphore, #tpu.memory_space<semaphore_mem>>)
    %scan3A = arith.constant 0 : i32
    %scan3A_9 = arith.constant 0 : i32
    %scan3A_10 = arith.constant 98 : i32
    %scan3A_11 = arith.addi %scan3A_9, %scan3A_10 : i32
    %scan3A_12 = arith.constant 1 : i32
    scf.for %scan3A_19 = %scan3A_9 to %scan3A_11 step %scan3A_12  : i32 {
      %mul3A_20 = arith.constant 2 : i32
      %mul3A_21 = arith.muli %mul3A_20, %scan3A_19 : i32
      %add3A_22 = arith.constant 1 : i32
      %add3A_23 = arith.addi %mul3A_21, %add3A_22 : i32
      %dma_start3A_24 = arith.constant 0 : i32
      %dma_start3A_25 = tpu.memref_slice %arg7[%add3A_23, %dma_start3A_24] : memref<196x128xi32, #tpu.memory_space<vmem>> -> memref<1x128xi32, #tpu.memory_space<vmem>>
      %dma_start3A_26 = tpu.memref_squeeze %dma_start3A_25 : memref<1x128xi32, #tpu.memory_space<vmem>> -> memref<128xi32, #tpu.memory_space<vmem>>
      %dma_start3A_27 = arith.constant 0 : i32
      %dma_start3A_28 = arith.constant 0 : i32
      %dma_start3A_29 = tpu.memref_slice %arg2[%dma_start3A_27, %dma_start3A_28] : memref<50176x16xf32, #tpu.memory_space<hbm>> -> memref<50176x16xf32, #tpu.memory_space<hbm>>
      tpu.enqueue_indirect_dma source(%dma_start3A_29 : memref<50176x16xf32, #tpu.memory_space<hbm>>) target(%arg10 : memref<128x16xf32, #tpu.memory_space<vmem>>) offsets(%dma_start3A_26 : memref<128xi32, #tpu.memory_space<vmem>>) semaphore(%arg13 : memref<!tpu.dma_semaphore, #tpu.memory_space<semaphore_mem>>)
      %dma_wait3A = arith.constant 0 : i32
      %dma_wait3A_30 = tpu.memref_slice %arg7[%mul3A_21, %dma_wait3A] : memref<196x128xi32, #tpu.memory_space<vmem>> -> memref<1x128xi32, #tpu.memory_space<vmem>>
      %dma_wait3A_31 = tpu.memref_squeeze %dma_wait3A_30 : memref<1x128xi32, #tpu.memory_space<vmem>> -> memref<128xi32, #tpu.memory_space<vmem>>
      %dma_wait3A_32 = arith.constant 0 : i32
      %dma_wait3A_33 = arith.constant 0 : i32
      %dma_wait3A_34 = tpu.memref_slice %arg2[%dma_wait3A_32, %dma_wait3A_33] : memref<50176x16xf32, #tpu.memory_space<hbm>> -> memref<50176x16xf32, #tpu.memory_space<hbm>>
      tpu.wait_indirect_dma semaphore(%arg12 : memref<!tpu.dma_semaphore, #tpu.memory_space<semaphore_mem>>) src(%dma_wait3A_34 : memref<50176x16xf32, #tpu.memory_space<hbm>>) dst(%arg9 : memref<128x16xf32, #tpu.memory_space<vmem>>)
      "tpu.region"() ({
        %run_scoped3A = tpu.sem_alloc : memref<!tpu.dma_semaphore, #tpu.memory_space<semaphore_mem>>
        %dma_start3A_49 = arith.constant 0 : i32
        %dma_start3A_50 = tpu.memref_slice %arg8[%mul3A_21, %dma_start3A_49] : memref<196x128xi32, #tpu.memory_space<vmem>> -> memref<1x128xi32, #tpu.memory_space<vmem>>
        %dma_start3A_51 = tpu.memref_squeeze %dma_start3A_50 : memref<1x128xi32, #tpu.memory_space<vmem>> -> memref<128xi32, #tpu.memory_space<vmem>>
        %dma_start3A_52 = arith.constant 0 : i32
        %dma_start3A_53 = arith.constant 0 : i32
        %dma_start3A_54 = tpu.memref_slice %arg11[%dma_start3A_52, %dma_start3A_53] : memref<50176x16xf32, #tpu.memory_space<vmem_shared>> -> memref<50176x16xf32, #tpu.memory_space<vmem_shared>>
        tpu.enqueue_indirect_dma source(%arg9 : memref<128x16xf32, #tpu.memory_space<vmem>>) target(%dma_start3A_54 : memref<50176x16xf32, #tpu.memory_space<vmem_shared>>) offsets(%dma_start3A_51 : memref<128xi32, #tpu.memory_space<vmem>>) semaphore(%run_scoped3A : memref<!tpu.dma_semaphore, #tpu.memory_space<semaphore_mem>>) {add = true}
        %dma_wait3A_55 = arith.constant 0 : i32
        %dma_wait3A_56 = tpu.memref_slice %arg8[%mul3A_21, %dma_wait3A_55] : memref<196x128xi32, #tpu.memory_space<vmem>> -> memref<1x128xi32, #tpu.memory_space<vmem>>
        %dma_wait3A_57 = tpu.memref_squeeze %dma_wait3A_56 : memref<1x128xi32, #tpu.memory_space<vmem>> -> memref<128xi32, #tpu.memory_space<vmem>>
        %dma_wait3A_58 = arith.constant 0 : i32
        %dma_wait3A_59 = arith.constant 0 : i32
        %dma_wait3A_60 = tpu.memref_slice %arg11[%dma_wait3A_58, %dma_wait3A_59] : memref<50176x16xf32, #tpu.memory_space<vmem_shared>> -> memref<50176x16xf32, #tpu.memory_space<vmem_shared>>
        tpu.wait_indirect_dma semaphore(%run_scoped3A : memref<!tpu.dma_semaphore, #tpu.memory_space<semaphore_mem>>) src(%arg9 : memref<128x16xf32, #tpu.memory_space<vmem>>) dst(%dma_wait3A_60 : memref<50176x16xf32, #tpu.memory_space<vmem_shared>>)
        tpu.yield
      }) : () -> ()
      %add3A_35 = arith.constant 2 : i32
      %add3A_36 = arith.addi %mul3A_21, %add3A_35 : i32
      %lt3A = arith.constant 196 : i32
      %lt3A_37 = arith.cmpi slt, %add3A_36, %lt3A : i32
      %convert_element_type3A = arith.extui %lt3A_37 : i1 to i32
      %cond3A = arith.constant 0 : i32
      %cond3A_38 = arith.cmpi ne, %convert_element_type3A, %cond3A : i32
      scf.if %cond3A_38 {
        %add3A_49 = arith.constant 2 : i32
        %add3A_50 = arith.addi %mul3A_21, %add3A_49 : i32
        %dma_start3A_51 = arith.constant 0 : i32
        %dma_start3A_52 = tpu.memref_slice %arg7[%add3A_50, %dma_start3A_51] : memref<196x128xi32, #tpu.memory_space<vmem>> -> memref<1x128xi32, #tpu.memory_space<vmem>>
        %dma_start3A_53 = tpu.memref_squeeze %dma_start3A_52 : memref<1x128xi32, #tpu.memory_space<vmem>> -> memref<128xi32, #tpu.memory_space<vmem>>
        %dma_start3A_54 = arith.constant 0 : i32
        %dma_start3A_55 = arith.constant 0 : i32
        %dma_start3A_56 = tpu.memref_slice %arg2[%dma_start3A_54, %dma_start3A_55] : memref<50176x16xf32, #tpu.memory_space<hbm>> -> memref<50176x16xf32, #tpu.memory_space<hbm>>
        tpu.enqueue_indirect_dma source(%dma_start3A_56 : memref<50176x16xf32, #tpu.memory_space<hbm>>) target(%arg9 : memref<128x16xf32, #tpu.memory_space<vmem>>) offsets(%dma_start3A_53 : memref<128xi32, #tpu.memory_space<vmem>>) semaphore(%arg12 : memref<!tpu.dma_semaphore, #tpu.memory_space<semaphore_mem>>)
      } else {
      }
      %add3A_39 = arith.constant 1 : i32
      %add3A_40 = arith.addi %mul3A_21, %add3A_39 : i32
      %dma_wait3A_41 = arith.constant 0 : i32
      %dma_wait3A_42 = tpu.memref_slice %arg7[%add3A_40, %dma_wait3A_41] : memref<196x128xi32, #tpu.memory_space<vmem>> -> memref<1x128xi32, #tpu.memory_space<vmem>>
      %dma_wait3A_43 = tpu.memref_squeeze %dma_wait3A_42 : memref<1x128xi32, #tpu.memory_space<vmem>> -> memref<128xi32, #tpu.memory_space<vmem>>
      %dma_wait3A_44 = arith.constant 0 : i32
      %dma_wait3A_45 = arith.constant 0 : i32
      %dma_wait3A_46 = tpu.memref_slice %arg2[%dma_wait3A_44, %dma_wait3A_45] : memref<50176x16xf32, #tpu.memory_space<hbm>> -> memref<50176x16xf32, #tpu.memory_space<hbm>>
      tpu.wait_indirect_dma semaphore(%arg13 : memref<!tpu.dma_semaphore, #tpu.memory_space<semaphore_mem>>) src(%dma_wait3A_46 : memref<50176x16xf32, #tpu.memory_space<hbm>>) dst(%arg10 : memref<128x16xf32, #tpu.memory_space<vmem>>)
      %add3A_47 = arith.constant 1 : i32
      %add3A_48 = arith.addi %mul3A_21, %add3A_47 : i32
      "tpu.region"() ({
        %run_scoped3A = tpu.sem_alloc : memref<!tpu.dma_semaphore, #tpu.memory_space<semaphore_mem>>
        %dma_start3A_49 = arith.constant 0 : i32
        %dma_start3A_50 = tpu.memref_slice %arg8[%add3A_48, %dma_start3A_49] : memref<196x128xi32, #tpu.memory_space<vmem>> -> memref<1x128xi32, #tpu.memory_space<vmem>>
        %dma_start3A_51 = tpu.memref_squeeze %dma_start3A_50 : memref<1x128xi32, #tpu.memory_space<vmem>> -> memref<128xi32, #tpu.memory_space<vmem>>
        %dma_start3A_52 = arith.constant 0 : i32
        %dma_start3A_53 = arith.constant 0 : i32
        %dma_start3A_54 = tpu.memref_slice %arg11[%dma_start3A_52, %dma_start3A_53] : memref<50176x16xf32, #tpu.memory_space<vmem_shared>> -> memref<50176x16xf32, #tpu.memory_space<vmem_shared>>
        tpu.enqueue_indirect_dma source(%arg10 : memref<128x16xf32, #tpu.memory_space<vmem>>) target(%dma_start3A_54 : memref<50176x16xf32, #tpu.memory_space<vmem_shared>>) offsets(%dma_start3A_51 : memref<128xi32, #tpu.memory_space<vmem>>) semaphore(%run_scoped3A : memref<!tpu.dma_semaphore, #tpu.memory_space<semaphore_mem>>) {add = true}
        %dma_wait3A_55 = arith.constant 0 : i32
        %dma_wait3A_56 = tpu.memref_slice %arg8[%add3A_48, %dma_wait3A_55] : memref<196x128xi32, #tpu.memory_space<vmem>> -> memref<1x128xi32, #tpu.memory_space<vmem>>
        %dma_wait3A_57 = tpu.memref_squeeze %dma_wait3A_56 : memref<1x128xi32, #tpu.memory_space<vmem>> -> memref<128xi32, #tpu.memory_space<vmem>>
        %dma_wait3A_58 = arith.constant 0 : i32
        %dma_wait3A_59 = arith.constant 0 : i32
        %dma_wait3A_60 = tpu.memref_slice %arg11[%dma_wait3A_58, %dma_wait3A_59] : memref<50176x16xf32, #tpu.memory_space<vmem_shared>> -> memref<50176x16xf32, #tpu.memory_space<vmem_shared>>
        tpu.wait_indirect_dma semaphore(%run_scoped3A : memref<!tpu.dma_semaphore, #tpu.memory_space<semaphore_mem>>) src(%arg10 : memref<128x16xf32, #tpu.memory_space<vmem>>) dst(%dma_wait3A_60 : memref<50176x16xf32, #tpu.memory_space<vmem_shared>>)
        tpu.yield
      }) : () -> ()
    }
    %scan3A_13 = arith.constant 98 : i32
    %barrier3A_14 = arith.constant 0 : index
    tpu.barrier barrier_id(%barrier3A_14)
    %mul3A_15 = arith.constant 3136 : i32
    %mul3A_16 = arith.muli %arg1, %mul3A_15 : i32
    %mul3A_17 = arith.constant 3136 : i32
    %mul3A_18 = arith.muli %arg1, %mul3A_17 : i32
    "tpu.region"() ({
      %run_scoped3A = tpu.sem_alloc : memref<!tpu.dma_semaphore, #tpu.memory_space<semaphore_mem>>
      %dma_start3A_19 = arith.constant 0 : i32
      %dma_start3A_20 = tpu.memref_slice %arg6[%arg0, %mul3A_18, %dma_start3A_19] : memref<2x50176x16xf32, #tpu.memory_space<hbm>> -> memref<1x3136x16xf32, #tpu.memory_space<hbm>>
      %dma_start3A_21 = tpu.memref_squeeze %dma_start3A_20 : memref<1x3136x16xf32, #tpu.memory_space<hbm>> -> memref<3136x16xf32, #tpu.memory_space<hbm>>
      %dma_start3A_22 = arith.constant 0 : i32
      %dma_start3A_23 = tpu.memref_slice %arg11[%mul3A_16, %dma_start3A_22] : memref<50176x16xf32, #tpu.memory_space<vmem_shared>> -> memref<3136x16xf32, #tpu.memory_space<vmem_shared>>
      tpu.enqueue_dma source(%dma_start3A_23 : memref<3136x16xf32, #tpu.memory_space<vmem_shared>>) target(%dma_start3A_21 : memref<3136x16xf32, #tpu.memory_space<hbm>>) target_semaphore(%run_scoped3A : memref<!tpu.dma_semaphore, #tpu.memory_space<semaphore_mem>>)
      %dma_wait3A = arith.constant 0 : i32
      %dma_wait3A_24 = tpu.memref_slice %arg6[%arg0, %mul3A_18, %dma_wait3A] : memref<2x50176x16xf32, #tpu.memory_space<hbm>> -> memref<1x3136x16xf32, #tpu.memory_space<hbm>>
      %dma_wait3A_25 = tpu.memref_squeeze %dma_wait3A_24 : memref<1x3136x16xf32, #tpu.memory_space<hbm>> -> memref<3136x16xf32, #tpu.memory_space<hbm>>
      %dma_wait3A_26 = arith.constant 0 : i32
      %dma_wait3A_27 = tpu.memref_slice %arg11[%mul3A_16, %dma_wait3A_26] : memref<50176x16xf32, #tpu.memory_space<vmem_shared>> -> memref<3136x16xf32, #tpu.memory_space<vmem_shared>>
      tpu.wait_dma2 semaphore(%run_scoped3A : memref<!tpu.dma_semaphore, #tpu.memory_space<semaphore_mem>>) src(%dma_wait3A_27 : memref<3136x16xf32, #tpu.memory_space<vmem_shared>>) dst(%dma_wait3A_25 : memref<3136x16xf32, #tpu.memory_space<hbm>>)
      tpu.yield
    }) : () -> ()
    return
  }
}

#map = affine_map<(d0, d1) -> (0, 0)>
#map1 = affine_map<(d0, d1) -> (0, 0, 0)>
module attributes {stable_mosaic.version = 14 : i64} {
  func.func @segsum(%arg0: i32, %arg1: i32, %arg2: memref<50176x16xf32, #tpu.memory_space<hbm>>, %arg3: memref<32x196x128xi32, #tpu.memory_space<hbm>>, %arg4: memref<32x196x128xi32, #tpu.memory_space<hbm>>, %arg5: memref<3136x16xf32, #tpu.memory_space<hbm>>, %arg6: memref<2x50176x16xf32, #tpu.memory_space<hbm>>, %arg7: memref<196x128xi32, #tpu.memory_space<vmem>>, %arg8: memref<196x128xi32, #tpu.memory_space<vmem>>, %arg9: memref<128x16xf32, #tpu.memory_space<vmem>>, %arg10: memref<128x16xf32, #tpu.memory_space<vmem>>, %arg11: memref<50176x16xf32, #tpu.memory_space<vmem_shared>>, %arg12: memref<!tpu.dma_semaphore, #tpu.memory_space<semaphore_mem>>, %arg13: memref<!tpu.dma_semaphore, #tpu.memory_space<semaphore_mem>>) attributes {dimension_semantics = [#tpu.dimension_semantics<core_parallel>, #tpu.dimension_semantics<subcore_parallel>], iteration_bounds = array<i64: 2, 16>, scalar_prefetch = 0 : i64, scratch_operands = 7 : i64, tpu.core_type = #tpu.core_type<sc_vector_subcore>, window_params = [{transform_indices = #map}, {transform_indices = #map1}, {transform_indices = #map1}, {transform_indices = #map}, {transform_indices = #map1}]} {
    %mul3A = arith.constant 2 : i32
    %mul3A_0 = arith.muli %arg1, %mul3A : i32
    %add3A = arith.addi %mul3A_0, %arg0 : i32
    %mul3A_1 = arith.constant 3136 : i32
    %mul3A_2 = arith.muli %arg1, %mul3A_1 : i32
    "tpu.region"() ({
      %run_scoped3A = tpu.sem_alloc : memref<!tpu.dma_semaphore, #tpu.memory_space<semaphore_mem>>
      %dma_start3A_19 = arith.constant 0 : i32
      %dma_start3A_20 = tpu.memref_slice %arg11[%mul3A_2, %dma_start3A_19] : memref<50176x16xf32, #tpu.memory_space<vmem_shared>> -> memref<3136x16xf32, #tpu.memory_space<vmem_shared>>
      tpu.enqueue_dma source(%arg5 : memref<3136x16xf32, #tpu.memory_space<hbm>>) target(%dma_start3A_20 : memref<3136x16xf32, #tpu.memory_space<vmem_shared>>) target_semaphore(%run_scoped3A : memref<!tpu.dma_semaphore, #tpu.memory_space<semaphore_mem>>)
      %dma_wait3A = arith.constant 0 : i32
      %dma_wait3A_21 = tpu.memref_slice %arg11[%mul3A_2, %dma_wait3A] : memref<50176x16xf32, #tpu.memory_space<vmem_shared>> -> memref<3136x16xf32, #tpu.memory_space<vmem_shared>>
      tpu.wait_dma2 semaphore(%run_scoped3A : memref<!tpu.dma_semaphore, #tpu.memory_space<semaphore_mem>>) src(%arg5 : memref<3136x16xf32, #tpu.memory_space<hbm>>) dst(%dma_wait3A_21 : memref<3136x16xf32, #tpu.memory_space<vmem_shared>>)
      tpu.yield
    }) : () -> ()
    "tpu.region"() ({
      %run_scoped3A = tpu.sem_alloc : memref<!tpu.dma_semaphore, #tpu.memory_space<semaphore_mem>>
      %dma_start3A_19 = arith.constant 0 : i32
      %dma_start3A_20 = arith.constant 0 : i32
      %dma_start3A_21 = tpu.memref_slice %arg3[%add3A, %dma_start3A_19, %dma_start3A_20] : memref<32x196x128xi32, #tpu.memory_space<hbm>> -> memref<1x196x128xi32, #tpu.memory_space<hbm>>
      %dma_start3A_22 = tpu.memref_squeeze %dma_start3A_21 : memref<1x196x128xi32, #tpu.memory_space<hbm>> -> memref<196x128xi32, #tpu.memory_space<hbm>>
      %dma_start3A_23 = arith.constant 0 : i32
      %dma_start3A_24 = arith.constant 0 : i32
      %dma_start3A_25 = tpu.memref_slice %arg3[%add3A, %dma_start3A_23, %dma_start3A_24] : memref<32x196x128xi32, #tpu.memory_space<hbm>> -> memref<1x196x128xi32, #tpu.memory_space<hbm>>
      %dma_start3A_26 = tpu.memref_squeeze %dma_start3A_25 : memref<1x196x128xi32, #tpu.memory_space<hbm>> -> memref<196x128xi32, #tpu.memory_space<hbm>>
      tpu.enqueue_dma source(%dma_start3A_26 : memref<196x128xi32, #tpu.memory_space<hbm>>) target(%arg7 : memref<196x128xi32, #tpu.memory_space<vmem>>) target_semaphore(%run_scoped3A : memref<!tpu.dma_semaphore, #tpu.memory_space<semaphore_mem>>)
      %dma_wait3A = arith.constant 0 : i32
      %dma_wait3A_27 = arith.constant 0 : i32
      %dma_wait3A_28 = tpu.memref_slice %arg3[%add3A, %dma_wait3A, %dma_wait3A_27] : memref<32x196x128xi32, #tpu.memory_space<hbm>> -> memref<1x196x128xi32, #tpu.memory_space<hbm>>
      %dma_wait3A_29 = tpu.memref_squeeze %dma_wait3A_28 : memref<1x196x128xi32, #tpu.memory_space<hbm>> -> memref<196x128xi32, #tpu.memory_space<hbm>>
      %dma_wait3A_30 = arith.constant 0 : i32
      %dma_wait3A_31 = arith.constant 0 : i32
      %dma_wait3A_32 = tpu.memref_slice %arg3[%add3A, %dma_wait3A_30, %dma_wait3A_31] : memref<32x196x128xi32, #tpu.memory_space<hbm>> -> memref<1x196x128xi32, #tpu.memory_space<hbm>>
      %dma_wait3A_33 = tpu.memref_squeeze %dma_wait3A_32 : memref<1x196x128xi32, #tpu.memory_space<hbm>> -> memref<196x128xi32, #tpu.memory_space<hbm>>
      tpu.wait_dma2 semaphore(%run_scoped3A : memref<!tpu.dma_semaphore, #tpu.memory_space<semaphore_mem>>) src(%dma_wait3A_33 : memref<196x128xi32, #tpu.memory_space<hbm>>) dst(%arg7 : memref<196x128xi32, #tpu.memory_space<vmem>>)
      tpu.yield
    }) : () -> ()
    "tpu.region"() ({
      %run_scoped3A = tpu.sem_alloc : memref<!tpu.dma_semaphore, #tpu.memory_space<semaphore_mem>>
      %dma_start3A_19 = arith.constant 0 : i32
      %dma_start3A_20 = arith.constant 0 : i32
      %dma_start3A_21 = tpu.memref_slice %arg4[%add3A, %dma_start3A_19, %dma_start3A_20] : memref<32x196x128xi32, #tpu.memory_space<hbm>> -> memref<1x196x128xi32, #tpu.memory_space<hbm>>
      %dma_start3A_22 = tpu.memref_squeeze %dma_start3A_21 : memref<1x196x128xi32, #tpu.memory_space<hbm>> -> memref<196x128xi32, #tpu.memory_space<hbm>>
      %dma_start3A_23 = arith.constant 0 : i32
      %dma_start3A_24 = arith.constant 0 : i32
      %dma_start3A_25 = tpu.memref_slice %arg4[%add3A, %dma_start3A_23, %dma_start3A_24] : memref<32x196x128xi32, #tpu.memory_space<hbm>> -> memref<1x196x128xi32, #tpu.memory_space<hbm>>
      %dma_start3A_26 = tpu.memref_squeeze %dma_start3A_25 : memref<1x196x128xi32, #tpu.memory_space<hbm>> -> memref<196x128xi32, #tpu.memory_space<hbm>>
      tpu.enqueue_dma source(%dma_start3A_26 : memref<196x128xi32, #tpu.memory_space<hbm>>) target(%arg8 : memref<196x128xi32, #tpu.memory_space<vmem>>) target_semaphore(%run_scoped3A : memref<!tpu.dma_semaphore, #tpu.memory_space<semaphore_mem>>)
      %dma_wait3A = arith.constant 0 : i32
      %dma_wait3A_27 = arith.constant 0 : i32
      %dma_wait3A_28 = tpu.memref_slice %arg4[%add3A, %dma_wait3A, %dma_wait3A_27] : memref<32x196x128xi32, #tpu.memory_space<hbm>> -> memref<1x196x128xi32, #tpu.memory_space<hbm>>
      %dma_wait3A_29 = tpu.memref_squeeze %dma_wait3A_28 : memref<1x196x128xi32, #tpu.memory_space<hbm>> -> memref<196x128xi32, #tpu.memory_space<hbm>>
      %dma_wait3A_30 = arith.constant 0 : i32
      %dma_wait3A_31 = arith.constant 0 : i32
      %dma_wait3A_32 = tpu.memref_slice %arg4[%add3A, %dma_wait3A_30, %dma_wait3A_31] : memref<32x196x128xi32, #tpu.memory_space<hbm>> -> memref<1x196x128xi32, #tpu.memory_space<hbm>>
      %dma_wait3A_33 = tpu.memref_squeeze %dma_wait3A_32 : memref<1x196x128xi32, #tpu.memory_space<hbm>> -> memref<196x128xi32, #tpu.memory_space<hbm>>
      tpu.wait_dma2 semaphore(%run_scoped3A : memref<!tpu.dma_semaphore, #tpu.memory_space<semaphore_mem>>) src(%dma_wait3A_33 : memref<196x128xi32, #tpu.memory_space<hbm>>) dst(%arg8 : memref<196x128xi32, #tpu.memory_space<vmem>>)
      tpu.yield
    }) : () -> ()
    %barrier3A = arith.constant 0 : index
    tpu.barrier barrier_id(%barrier3A)
    %dma_start3A = arith.constant 0 : i32
    %dma_start3A_3 = arith.constant 0 : i32
    %dma_start3A_4 = tpu.memref_slice %arg7[%dma_start3A, %dma_start3A_3] : memref<196x128xi32, #tpu.memory_space<vmem>> -> memref<1x128xi32, #tpu.memory_space<vmem>>
    %dma_start3A_5 = tpu.memref_squeeze %dma_start3A_4 : memref<1x128xi32, #tpu.memory_space<vmem>> -> memref<128xi32, #tpu.memory_space<vmem>>
    %dma_start3A_6 = arith.constant 0 : i32
    %dma_start3A_7 = arith.constant 0 : i32
    %dma_start3A_8 = tpu.memref_slice %arg2[%dma_start3A_6, %dma_start3A_7] : memref<50176x16xf32, #tpu.memory_space<hbm>> -> memref<50176x16xf32, #tpu.memory_space<hbm>>
    tpu.enqueue_indirect_dma source(%dma_start3A_8 : memref<50176x16xf32, #tpu.memory_space<hbm>>) target(%arg9 : memref<128x16xf32, #tpu.memory_space<vmem>>) offsets(%dma_start3A_5 : memref<128xi32, #tpu.memory_space<vmem>>) semaphore(%arg12 : memref<!tpu.dma_semaphore, #tpu.memory_space<semaphore_mem>>)
    %scan3A = arith.constant 0 : i32
    %scan3A_9 = arith.constant 0 : i32
    %scan3A_10 = arith.constant 98 : i32
    %scan3A_11 = arith.addi %scan3A_9, %scan3A_10 : i32
    %scan3A_12 = arith.constant 1 : i32
    scf.for %scan3A_19 = %scan3A_9 to %scan3A_11 step %scan3A_12  : i32 {
      %mul3A_20 = arith.constant 2 : i32
      %mul3A_21 = arith.muli %mul3A_20, %scan3A_19 : i32
      %add3A_22 = arith.constant 1 : i32
      %add3A_23 = arith.addi %mul3A_21, %add3A_22 : i32
      %dma_start3A_24 = arith.constant 0 : i32
      %dma_start3A_25 = tpu.memref_slice %arg7[%add3A_23, %dma_start3A_24] : memref<196x128xi32, #tpu.memory_space<vmem>> -> memref<1x128xi32, #tpu.memory_space<vmem>>
      %dma_start3A_26 = tpu.memref_squeeze %dma_start3A_25 : memref<1x128xi32, #tpu.memory_space<vmem>> -> memref<128xi32, #tpu.memory_space<vmem>>
      %dma_start3A_27 = arith.constant 0 : i32
      %dma_start3A_28 = arith.constant 0 : i32
      %dma_start3A_29 = tpu.memref_slice %arg2[%dma_start3A_27, %dma_start3A_28] : memref<50176x16xf32, #tpu.memory_space<hbm>> -> memref<50176x16xf32, #tpu.memory_space<hbm>>
      tpu.enqueue_indirect_dma source(%dma_start3A_29 : memref<50176x16xf32, #tpu.memory_space<hbm>>) target(%arg10 : memref<128x16xf32, #tpu.memory_space<vmem>>) offsets(%dma_start3A_26 : memref<128xi32, #tpu.memory_space<vmem>>) semaphore(%arg13 : memref<!tpu.dma_semaphore, #tpu.memory_space<semaphore_mem>>)
      %dma_wait3A = arith.constant 0 : i32
      %dma_wait3A_30 = tpu.memref_slice %arg7[%mul3A_21, %dma_wait3A] : memref<196x128xi32, #tpu.memory_space<vmem>> -> memref<1x128xi32, #tpu.memory_space<vmem>>
      %dma_wait3A_31 = tpu.memref_squeeze %dma_wait3A_30 : memref<1x128xi32, #tpu.memory_space<vmem>> -> memref<128xi32, #tpu.memory_space<vmem>>
      %dma_wait3A_32 = arith.constant 0 : i32
      %dma_wait3A_33 = arith.constant 0 : i32
      %dma_wait3A_34 = tpu.memref_slice %arg2[%dma_wait3A_32, %dma_wait3A_33] : memref<50176x16xf32, #tpu.memory_space<hbm>> -> memref<50176x16xf32, #tpu.memory_space<hbm>>
      tpu.wait_indirect_dma semaphore(%arg12 : memref<!tpu.dma_semaphore, #tpu.memory_space<semaphore_mem>>) src(%dma_wait3A_34 : memref<50176x16xf32, #tpu.memory_space<hbm>>) dst(%arg9 : memref<128x16xf32, #tpu.memory_space<vmem>>)
      "tpu.region"() ({
        %run_scoped3A = tpu.sem_alloc : memref<!tpu.dma_semaphore, #tpu.memory_space<semaphore_mem>>
        %dma_start3A_49 = arith.constant 0 : i32
        %dma_start3A_50 = tpu.memref_slice %arg8[%mul3A_21, %dma_start3A_49] : memref<196x128xi32, #tpu.memory_space<vmem>> -> memref<1x128xi32, #tpu.memory_space<vmem>>
        %dma_start3A_51 = tpu.memref_squeeze %dma_start3A_50 : memref<1x128xi32, #tpu.memory_space<vmem>> -> memref<128xi32, #tpu.memory_space<vmem>>
        %dma_start3A_52 = arith.constant 0 : i32
        %dma_start3A_53 = arith.constant 0 : i32
        %dma_start3A_54 = tpu.memref_slice %arg11[%dma_start3A_52, %dma_start3A_53] : memref<50176x16xf32, #tpu.memory_space<vmem_shared>> -> memref<50176x16xf32, #tpu.memory_space<vmem_shared>>
        tpu.enqueue_indirect_dma source(%arg9 : memref<128x16xf32, #tpu.memory_space<vmem>>) target(%dma_start3A_54 : memref<50176x16xf32, #tpu.memory_space<vmem_shared>>) offsets(%dma_start3A_51 : memref<128xi32, #tpu.memory_space<vmem>>) semaphore(%run_scoped3A : memref<!tpu.dma_semaphore, #tpu.memory_space<semaphore_mem>>) {add = true}
        %dma_wait3A_55 = arith.constant 0 : i32
        %dma_wait3A_56 = tpu.memref_slice %arg8[%mul3A_21, %dma_wait3A_55] : memref<196x128xi32, #tpu.memory_space<vmem>> -> memref<1x128xi32, #tpu.memory_space<vmem>>
        %dma_wait3A_57 = tpu.memref_squeeze %dma_wait3A_56 : memref<1x128xi32, #tpu.memory_space<vmem>> -> memref<128xi32, #tpu.memory_space<vmem>>
        %dma_wait3A_58 = arith.constant 0 : i32
        %dma_wait3A_59 = arith.constant 0 : i32
        %dma_wait3A_60 = tpu.memref_slice %arg11[%dma_wait3A_58, %dma_wait3A_59] : memref<50176x16xf32, #tpu.memory_space<vmem_shared>> -> memref<50176x16xf32, #tpu.memory_space<vmem_shared>>
        tpu.wait_indirect_dma semaphore(%run_scoped3A : memref<!tpu.dma_semaphore, #tpu.memory_space<semaphore_mem>>) src(%arg9 : memref<128x16xf32, #tpu.memory_space<vmem>>) dst(%dma_wait3A_60 : memref<50176x16xf32, #tpu.memory_space<vmem_shared>>)
        tpu.yield
      }) : () -> ()
      %add3A_35 = arith.constant 2 : i32
      %add3A_36 = arith.addi %mul3A_21, %add3A_35 : i32
      %lt3A = arith.constant 196 : i32
      %lt3A_37 = arith.cmpi slt, %add3A_36, %lt3A : i32
      %convert_element_type3A = arith.extui %lt3A_37 : i1 to i32
      %cond3A = arith.constant 0 : i32
      %cond3A_38 = arith.cmpi ne, %convert_element_type3A, %cond3A : i32
      scf.if %cond3A_38 {
        %add3A_49 = arith.constant 2 : i32
        %add3A_50 = arith.addi %mul3A_21, %add3A_49 : i32
        %dma_start3A_51 = arith.constant 0 : i32
        %dma_start3A_52 = tpu.memref_slice %arg7[%add3A_50, %dma_start3A_51] : memref<196x128xi32, #tpu.memory_space<vmem>> -> memref<1x128xi32, #tpu.memory_space<vmem>>
        %dma_start3A_53 = tpu.memref_squeeze %dma_start3A_52 : memref<1x128xi32, #tpu.memory_space<vmem>> -> memref<128xi32, #tpu.memory_space<vmem>>
        %dma_start3A_54 = arith.constant 0 : i32
        %dma_start3A_55 = arith.constant 0 : i32
        %dma_start3A_56 = tpu.memref_slice %arg2[%dma_start3A_54, %dma_start3A_55] : memref<50176x16xf32, #tpu.memory_space<hbm>> -> memref<50176x16xf32, #tpu.memory_space<hbm>>
        tpu.enqueue_indirect_dma source(%dma_start3A_56 : memref<50176x16xf32, #tpu.memory_space<hbm>>) target(%arg9 : memref<128x16xf32, #tpu.memory_space<vmem>>) offsets(%dma_start3A_53 : memref<128xi32, #tpu.memory_space<vmem>>) semaphore(%arg12 : memref<!tpu.dma_semaphore, #tpu.memory_space<semaphore_mem>>)
      } else {
      }
      %add3A_39 = arith.constant 1 : i32
      %add3A_40 = arith.addi %mul3A_21, %add3A_39 : i32
      %dma_wait3A_41 = arith.constant 0 : i32
      %dma_wait3A_42 = tpu.memref_slice %arg7[%add3A_40, %dma_wait3A_41] : memref<196x128xi32, #tpu.memory_space<vmem>> -> memref<1x128xi32, #tpu.memory_space<vmem>>
      %dma_wait3A_43 = tpu.memref_squeeze %dma_wait3A_42 : memref<1x128xi32, #tpu.memory_space<vmem>> -> memref<128xi32, #tpu.memory_space<vmem>>
      %dma_wait3A_44 = arith.constant 0 : i32
      %dma_wait3A_45 = arith.constant 0 : i32
      %dma_wait3A_46 = tpu.memref_slice %arg2[%dma_wait3A_44, %dma_wait3A_45] : memref<50176x16xf32, #tpu.memory_space<hbm>> -> memref<50176x16xf32, #tpu.memory_space<hbm>>
      tpu.wait_indirect_dma semaphore(%arg13 : memref<!tpu.dma_semaphore, #tpu.memory_space<semaphore_mem>>) src(%dma_wait3A_46 : memref<50176x16xf32, #tpu.memory_space<hbm>>) dst(%arg10 : memref<128x16xf32, #tpu.memory_space<vmem>>)
      %add3A_47 = arith.constant 1 : i32
      %add3A_48 = arith.addi %mul3A_21, %add3A_47 : i32
      "tpu.region"() ({
        %run_scoped3A = tpu.sem_alloc : memref<!tpu.dma_semaphore, #tpu.memory_space<semaphore_mem>>
        %dma_start3A_49 = arith.constant 0 : i32
        %dma_start3A_50 = tpu.memref_slice %arg8[%add3A_48, %dma_start3A_49] : memref<196x128xi32, #tpu.memory_space<vmem>> -> memref<1x128xi32, #tpu.memory_space<vmem>>
        %dma_start3A_51 = tpu.memref_squeeze %dma_start3A_50 : memref<1x128xi32, #tpu.memory_space<vmem>> -> memref<128xi32, #tpu.memory_space<vmem>>
        %dma_start3A_52 = arith.constant 0 : i32
        %dma_start3A_53 = arith.constant 0 : i32
        %dma_start3A_54 = tpu.memref_slice %arg11[%dma_start3A_52, %dma_start3A_53] : memref<50176x16xf32, #tpu.memory_space<vmem_shared>> -> memref<50176x16xf32, #tpu.memory_space<vmem_shared>>
        tpu.enqueue_indirect_dma source(%arg10 : memref<128x16xf32, #tpu.memory_space<vmem>>) target(%dma_start3A_54 : memref<50176x16xf32, #tpu.memory_space<vmem_shared>>) offsets(%dma_start3A_51 : memref<128xi32, #tpu.memory_space<vmem>>) semaphore(%run_scoped3A : memref<!tpu.dma_semaphore, #tpu.memory_space<semaphore_mem>>) {add = true}
        %dma_wait3A_55 = arith.constant 0 : i32
        %dma_wait3A_56 = tpu.memref_slice %arg8[%add3A_48, %dma_wait3A_55] : memref<196x128xi32, #tpu.memory_space<vmem>> -> memref<1x128xi32, #tpu.memory_space<vmem>>
        %dma_wait3A_57 = tpu.memref_squeeze %dma_wait3A_56 : memref<1x128xi32, #tpu.memory_space<vmem>> -> memref<128xi32, #tpu.memory_space<vmem>>
        %dma_wait3A_58 = arith.constant 0 : i32
        %dma_wait3A_59 = arith.constant 0 : i32
        %dma_wait3A_60 = tpu.memref_slice %arg11[%dma_wait3A_58, %dma_wait3A_59] : memref<50176x16xf32, #tpu.memory_space<vmem_shared>> -> memref<50176x16xf32, #tpu.memory_space<vmem_shared>>
        tpu.wait_indirect_dma semaphore(%run_scoped3A : memref<!tpu.dma_semaphore, #tpu.memory_space<semaphore_mem>>) src(%arg10 : memref<128x16xf32, #tpu.memory_space<vmem>>) dst(%dma_wait3A_60 : memref<50176x16xf32, #tpu.memory_space<vmem_shared>>)
        tpu.yield
      }) : () -> ()
    }
    %scan3A_13 = arith.constant 98 : i32
    %barrier3A_14 = arith.constant 0 : index
    tpu.barrier barrier_id(%barrier3A_14)
    %mul3A_15 = arith.constant 3136 : i32
    %mul3A_16 = arith.muli %arg1, %mul3A_15 : i32
    %mul3A_17 = arith.constant 3136 : i32
    %mul3A_18 = arith.muli %arg1, %mul3A_17 : i32
    "tpu.region"() ({
      %run_scoped3A = tpu.sem_alloc : memref<!tpu.dma_semaphore, #tpu.memory_space<semaphore_mem>>
      %dma_start3A_19 = arith.constant 0 : i32
      %dma_start3A_20 = tpu.memref_slice %arg6[%arg0, %mul3A_18, %dma_start3A_19] : memref<2x50176x16xf32, #tpu.memory_space<hbm>> -> memref<1x3136x16xf32, #tpu.memory_space<hbm>>
      %dma_start3A_21 = tpu.memref_squeeze %dma_start3A_20 : memref<1x3136x16xf32, #tpu.memory_space<hbm>> -> memref<3136x16xf32, #tpu.memory_space<hbm>>
      %dma_start3A_22 = arith.constant 0 : i32
      %dma_start3A_23 = tpu.memref_slice %arg11[%mul3A_16, %dma_start3A_22] : memref<50176x16xf32, #tpu.memory_space<vmem_shared>> -> memref<3136x16xf32, #tpu.memory_space<vmem_shared>>
      tpu.enqueue_dma source(%dma_start3A_23 : memref<3136x16xf32, #tpu.memory_space<vmem_shared>>) target(%dma_start3A_21 : memref<3136x16xf32, #tpu.memory_space<hbm>>) target_semaphore(%run_scoped3A : memref<!tpu.dma_semaphore, #tpu.memory_space<semaphore_mem>>)
      %dma_wait3A = arith.constant 0 : i32
      %dma_wait3A_24 = tpu.memref_slice %arg6[%arg0, %mul3A_18, %dma_wait3A] : memref<2x50176x16xf32, #tpu.memory_space<hbm>> -> memref<1x3136x16xf32, #tpu.memory_space<hbm>>
      %dma_wait3A_25 = tpu.memref_squeeze %dma_wait3A_24 : memref<1x3136x16xf32, #tpu.memory_space<hbm>> -> memref<3136x16xf32, #tpu.memory_space<hbm>>
      %dma_wait3A_26 = arith.constant 0 : i32
      %dma_wait3A_27 = tpu.memref_slice %arg11[%mul3A_16, %dma_wait3A_26] : memref<50176x16xf32, #tpu.memory_space<vmem_shared>> -> memref<3136x16xf32, #tpu.memory_space<vmem_shared>>
      tpu.wait_dma2 semaphore(%run_scoped3A : memref<!tpu.dma_semaphore, #tpu.memory_space<semaphore_mem>>) src(%dma_wait3A_27 : memref<3136x16xf32, #tpu.memory_space<vmem_shared>>) dst(%dma_wait3A_25 : memref<3136x16xf32, #tpu.memory_space<hbm>>)
      tpu.yield
    }) : () -> ()
    return
  }
}

#map = affine_map<(d0, d1) -> (0, 0)>
#map1 = affine_map<(d0, d1) -> (0, 0, 0)>
module attributes {stable_mosaic.version = 14 : i64} {
  func.func @segsum(%arg0: i32, %arg1: i32, %arg2: memref<50176x16xf32, #tpu.memory_space<hbm>>, %arg3: memref<32x196x128xi32, #tpu.memory_space<hbm>>, %arg4: memref<32x196x128xi32, #tpu.memory_space<hbm>>, %arg5: memref<3136x16xf32, #tpu.memory_space<hbm>>, %arg6: memref<2x50176x16xf32, #tpu.memory_space<hbm>>, %arg7: memref<196x128xi32, #tpu.memory_space<vmem>>, %arg8: memref<196x128xi32, #tpu.memory_space<vmem>>, %arg9: memref<128x16xf32, #tpu.memory_space<vmem>>, %arg10: memref<128x16xf32, #tpu.memory_space<vmem>>, %arg11: memref<50176x16xf32, #tpu.memory_space<vmem_shared>>, %arg12: memref<!tpu.dma_semaphore, #tpu.memory_space<semaphore_mem>>, %arg13: memref<!tpu.dma_semaphore, #tpu.memory_space<semaphore_mem>>) attributes {dimension_semantics = [#tpu.dimension_semantics<core_parallel>, #tpu.dimension_semantics<subcore_parallel>], iteration_bounds = array<i64: 2, 16>, scalar_prefetch = 0 : i64, scratch_operands = 7 : i64, tpu.core_type = #tpu.core_type<sc_vector_subcore>, window_params = [{transform_indices = #map}, {transform_indices = #map1}, {transform_indices = #map1}, {transform_indices = #map}, {transform_indices = #map1}]} {
    %mul3A = arith.constant 2 : i32
    %mul3A_0 = arith.muli %arg1, %mul3A : i32
    %add3A = arith.addi %mul3A_0, %arg0 : i32
    %mul3A_1 = arith.constant 3136 : i32
    %mul3A_2 = arith.muli %arg1, %mul3A_1 : i32
    "tpu.region"() ({
      %run_scoped3A = tpu.sem_alloc : memref<!tpu.dma_semaphore, #tpu.memory_space<semaphore_mem>>
      %dma_start3A_19 = arith.constant 0 : i32
      %dma_start3A_20 = tpu.memref_slice %arg11[%mul3A_2, %dma_start3A_19] : memref<50176x16xf32, #tpu.memory_space<vmem_shared>> -> memref<3136x16xf32, #tpu.memory_space<vmem_shared>>
      tpu.enqueue_dma source(%arg5 : memref<3136x16xf32, #tpu.memory_space<hbm>>) target(%dma_start3A_20 : memref<3136x16xf32, #tpu.memory_space<vmem_shared>>) target_semaphore(%run_scoped3A : memref<!tpu.dma_semaphore, #tpu.memory_space<semaphore_mem>>)
      %dma_wait3A = arith.constant 0 : i32
      %dma_wait3A_21 = tpu.memref_slice %arg11[%mul3A_2, %dma_wait3A] : memref<50176x16xf32, #tpu.memory_space<vmem_shared>> -> memref<3136x16xf32, #tpu.memory_space<vmem_shared>>
      tpu.wait_dma2 semaphore(%run_scoped3A : memref<!tpu.dma_semaphore, #tpu.memory_space<semaphore_mem>>) src(%arg5 : memref<3136x16xf32, #tpu.memory_space<hbm>>) dst(%dma_wait3A_21 : memref<3136x16xf32, #tpu.memory_space<vmem_shared>>)
      tpu.yield
    }) : () -> ()
    "tpu.region"() ({
      %run_scoped3A = tpu.sem_alloc : memref<!tpu.dma_semaphore, #tpu.memory_space<semaphore_mem>>
      %dma_start3A_19 = arith.constant 0 : i32
      %dma_start3A_20 = arith.constant 0 : i32
      %dma_start3A_21 = tpu.memref_slice %arg3[%add3A, %dma_start3A_19, %dma_start3A_20] : memref<32x196x128xi32, #tpu.memory_space<hbm>> -> memref<1x196x128xi32, #tpu.memory_space<hbm>>
      %dma_start3A_22 = tpu.memref_squeeze %dma_start3A_21 : memref<1x196x128xi32, #tpu.memory_space<hbm>> -> memref<196x128xi32, #tpu.memory_space<hbm>>
      %dma_start3A_23 = arith.constant 0 : i32
      %dma_start3A_24 = arith.constant 0 : i32
      %dma_start3A_25 = tpu.memref_slice %arg3[%add3A, %dma_start3A_23, %dma_start3A_24] : memref<32x196x128xi32, #tpu.memory_space<hbm>> -> memref<1x196x128xi32, #tpu.memory_space<hbm>>
      %dma_start3A_26 = tpu.memref_squeeze %dma_start3A_25 : memref<1x196x128xi32, #tpu.memory_space<hbm>> -> memref<196x128xi32, #tpu.memory_space<hbm>>
      tpu.enqueue_dma source(%dma_start3A_26 : memref<196x128xi32, #tpu.memory_space<hbm>>) target(%arg7 : memref<196x128xi32, #tpu.memory_space<vmem>>) target_semaphore(%run_scoped3A : memref<!tpu.dma_semaphore, #tpu.memory_space<semaphore_mem>>)
      %dma_wait3A = arith.constant 0 : i32
      %dma_wait3A_27 = arith.constant 0 : i32
      %dma_wait3A_28 = tpu.memref_slice %arg3[%add3A, %dma_wait3A, %dma_wait3A_27] : memref<32x196x128xi32, #tpu.memory_space<hbm>> -> memref<1x196x128xi32, #tpu.memory_space<hbm>>
      %dma_wait3A_29 = tpu.memref_squeeze %dma_wait3A_28 : memref<1x196x128xi32, #tpu.memory_space<hbm>> -> memref<196x128xi32, #tpu.memory_space<hbm>>
      %dma_wait3A_30 = arith.constant 0 : i32
      %dma_wait3A_31 = arith.constant 0 : i32
      %dma_wait3A_32 = tpu.memref_slice %arg3[%add3A, %dma_wait3A_30, %dma_wait3A_31] : memref<32x196x128xi32, #tpu.memory_space<hbm>> -> memref<1x196x128xi32, #tpu.memory_space<hbm>>
      %dma_wait3A_33 = tpu.memref_squeeze %dma_wait3A_32 : memref<1x196x128xi32, #tpu.memory_space<hbm>> -> memref<196x128xi32, #tpu.memory_space<hbm>>
      tpu.wait_dma2 semaphore(%run_scoped3A : memref<!tpu.dma_semaphore, #tpu.memory_space<semaphore_mem>>) src(%dma_wait3A_33 : memref<196x128xi32, #tpu.memory_space<hbm>>) dst(%arg7 : memref<196x128xi32, #tpu.memory_space<vmem>>)
      tpu.yield
    }) : () -> ()
    "tpu.region"() ({
      %run_scoped3A = tpu.sem_alloc : memref<!tpu.dma_semaphore, #tpu.memory_space<semaphore_mem>>
      %dma_start3A_19 = arith.constant 0 : i32
      %dma_start3A_20 = arith.constant 0 : i32
      %dma_start3A_21 = tpu.memref_slice %arg4[%add3A, %dma_start3A_19, %dma_start3A_20] : memref<32x196x128xi32, #tpu.memory_space<hbm>> -> memref<1x196x128xi32, #tpu.memory_space<hbm>>
      %dma_start3A_22 = tpu.memref_squeeze %dma_start3A_21 : memref<1x196x128xi32, #tpu.memory_space<hbm>> -> memref<196x128xi32, #tpu.memory_space<hbm>>
      %dma_start3A_23 = arith.constant 0 : i32
      %dma_start3A_24 = arith.constant 0 : i32
      %dma_start3A_25 = tpu.memref_slice %arg4[%add3A, %dma_start3A_23, %dma_start3A_24] : memref<32x196x128xi32, #tpu.memory_space<hbm>> -> memref<1x196x128xi32, #tpu.memory_space<hbm>>
      %dma_start3A_26 = tpu.memref_squeeze %dma_start3A_25 : memref<1x196x128xi32, #tpu.memory_space<hbm>> -> memref<196x128xi32, #tpu.memory_space<hbm>>
      tpu.enqueue_dma source(%dma_start3A_26 : memref<196x128xi32, #tpu.memory_space<hbm>>) target(%arg8 : memref<196x128xi32, #tpu.memory_space<vmem>>) target_semaphore(%run_scoped3A : memref<!tpu.dma_semaphore, #tpu.memory_space<semaphore_mem>>)
      %dma_wait3A = arith.constant 0 : i32
      %dma_wait3A_27 = arith.constant 0 : i32
      %dma_wait3A_28 = tpu.memref_slice %arg4[%add3A, %dma_wait3A, %dma_wait3A_27] : memref<32x196x128xi32, #tpu.memory_space<hbm>> -> memref<1x196x128xi32, #tpu.memory_space<hbm>>
      %dma_wait3A_29 = tpu.memref_squeeze %dma_wait3A_28 : memref<1x196x128xi32, #tpu.memory_space<hbm>> -> memref<196x128xi32, #tpu.memory_space<hbm>>
      %dma_wait3A_30 = arith.constant 0 : i32
      %dma_wait3A_31 = arith.constant 0 : i32
      %dma_wait3A_32 = tpu.memref_slice %arg4[%add3A, %dma_wait3A_30, %dma_wait3A_31] : memref<32x196x128xi32, #tpu.memory_space<hbm>> -> memref<1x196x128xi32, #tpu.memory_space<hbm>>
      %dma_wait3A_33 = tpu.memref_squeeze %dma_wait3A_32 : memref<1x196x128xi32, #tpu.memory_space<hbm>> -> memref<196x128xi32, #tpu.memory_space<hbm>>
      tpu.wait_dma2 semaphore(%run_scoped3A : memref<!tpu.dma_semaphore, #tpu.memory_space<semaphore_mem>>) src(%dma_wait3A_33 : memref<196x128xi32, #tpu.memory_space<hbm>>) dst(%arg8 : memref<196x128xi32, #tpu.memory_space<vmem>>)
      tpu.yield
    }) : () -> ()
    %barrier3A = arith.constant 0 : index
    tpu.barrier barrier_id(%barrier3A)
    %dma_start3A = arith.constant 0 : i32
    %dma_start3A_3 = arith.constant 0 : i32
    %dma_start3A_4 = tpu.memref_slice %arg7[%dma_start3A, %dma_start3A_3] : memref<196x128xi32, #tpu.memory_space<vmem>> -> memref<1x128xi32, #tpu.memory_space<vmem>>
    %dma_start3A_5 = tpu.memref_squeeze %dma_start3A_4 : memref<1x128xi32, #tpu.memory_space<vmem>> -> memref<128xi32, #tpu.memory_space<vmem>>
    %dma_start3A_6 = arith.constant 0 : i32
    %dma_start3A_7 = arith.constant 0 : i32
    %dma_start3A_8 = tpu.memref_slice %arg2[%dma_start3A_6, %dma_start3A_7] : memref<50176x16xf32, #tpu.memory_space<hbm>> -> memref<50176x16xf32, #tpu.memory_space<hbm>>
    tpu.enqueue_indirect_dma source(%dma_start3A_8 : memref<50176x16xf32, #tpu.memory_space<hbm>>) target(%arg9 : memref<128x16xf32, #tpu.memory_space<vmem>>) offsets(%dma_start3A_5 : memref<128xi32, #tpu.memory_space<vmem>>) semaphore(%arg12 : memref<!tpu.dma_semaphore, #tpu.memory_space<semaphore_mem>>)
    %scan3A = arith.constant 0 : i32
    %scan3A_9 = arith.constant 0 : i32
    %scan3A_10 = arith.constant 98 : i32
    %scan3A_11 = arith.addi %scan3A_9, %scan3A_10 : i32
    %scan3A_12 = arith.constant 1 : i32
    scf.for %scan3A_19 = %scan3A_9 to %scan3A_11 step %scan3A_12  : i32 {
      %mul3A_20 = arith.constant 2 : i32
      %mul3A_21 = arith.muli %mul3A_20, %scan3A_19 : i32
      %add3A_22 = arith.constant 1 : i32
      %add3A_23 = arith.addi %mul3A_21, %add3A_22 : i32
      %dma_start3A_24 = arith.constant 0 : i32
      %dma_start3A_25 = tpu.memref_slice %arg7[%add3A_23, %dma_start3A_24] : memref<196x128xi32, #tpu.memory_space<vmem>> -> memref<1x128xi32, #tpu.memory_space<vmem>>
      %dma_start3A_26 = tpu.memref_squeeze %dma_start3A_25 : memref<1x128xi32, #tpu.memory_space<vmem>> -> memref<128xi32, #tpu.memory_space<vmem>>
      %dma_start3A_27 = arith.constant 0 : i32
      %dma_start3A_28 = arith.constant 0 : i32
      %dma_start3A_29 = tpu.memref_slice %arg2[%dma_start3A_27, %dma_start3A_28] : memref<50176x16xf32, #tpu.memory_space<hbm>> -> memref<50176x16xf32, #tpu.memory_space<hbm>>
      tpu.enqueue_indirect_dma source(%dma_start3A_29 : memref<50176x16xf32, #tpu.memory_space<hbm>>) target(%arg10 : memref<128x16xf32, #tpu.memory_space<vmem>>) offsets(%dma_start3A_26 : memref<128xi32, #tpu.memory_space<vmem>>) semaphore(%arg13 : memref<!tpu.dma_semaphore, #tpu.memory_space<semaphore_mem>>)
      %dma_wait3A = arith.constant 0 : i32
      %dma_wait3A_30 = tpu.memref_slice %arg7[%mul3A_21, %dma_wait3A] : memref<196x128xi32, #tpu.memory_space<vmem>> -> memref<1x128xi32, #tpu.memory_space<vmem>>
      %dma_wait3A_31 = tpu.memref_squeeze %dma_wait3A_30 : memref<1x128xi32, #tpu.memory_space<vmem>> -> memref<128xi32, #tpu.memory_space<vmem>>
      %dma_wait3A_32 = arith.constant 0 : i32
      %dma_wait3A_33 = arith.constant 0 : i32
      %dma_wait3A_34 = tpu.memref_slice %arg2[%dma_wait3A_32, %dma_wait3A_33] : memref<50176x16xf32, #tpu.memory_space<hbm>> -> memref<50176x16xf32, #tpu.memory_space<hbm>>
      tpu.wait_indirect_dma semaphore(%arg12 : memref<!tpu.dma_semaphore, #tpu.memory_space<semaphore_mem>>) src(%dma_wait3A_34 : memref<50176x16xf32, #tpu.memory_space<hbm>>) dst(%arg9 : memref<128x16xf32, #tpu.memory_space<vmem>>)
      "tpu.region"() ({
        %run_scoped3A = tpu.sem_alloc : memref<!tpu.dma_semaphore, #tpu.memory_space<semaphore_mem>>
        %dma_start3A_49 = arith.constant 0 : i32
        %dma_start3A_50 = tpu.memref_slice %arg8[%mul3A_21, %dma_start3A_49] : memref<196x128xi32, #tpu.memory_space<vmem>> -> memref<1x128xi32, #tpu.memory_space<vmem>>
        %dma_start3A_51 = tpu.memref_squeeze %dma_start3A_50 : memref<1x128xi32, #tpu.memory_space<vmem>> -> memref<128xi32, #tpu.memory_space<vmem>>
        %dma_start3A_52 = arith.constant 0 : i32
        %dma_start3A_53 = arith.constant 0 : i32
        %dma_start3A_54 = tpu.memref_slice %arg11[%dma_start3A_52, %dma_start3A_53] : memref<50176x16xf32, #tpu.memory_space<vmem_shared>> -> memref<50176x16xf32, #tpu.memory_space<vmem_shared>>
        tpu.enqueue_indirect_dma source(%arg9 : memref<128x16xf32, #tpu.memory_space<vmem>>) target(%dma_start3A_54 : memref<50176x16xf32, #tpu.memory_space<vmem_shared>>) offsets(%dma_start3A_51 : memref<128xi32, #tpu.memory_space<vmem>>) semaphore(%run_scoped3A : memref<!tpu.dma_semaphore, #tpu.memory_space<semaphore_mem>>) {add = true}
        %dma_wait3A_55 = arith.constant 0 : i32
        %dma_wait3A_56 = tpu.memref_slice %arg8[%mul3A_21, %dma_wait3A_55] : memref<196x128xi32, #tpu.memory_space<vmem>> -> memref<1x128xi32, #tpu.memory_space<vmem>>
        %dma_wait3A_57 = tpu.memref_squeeze %dma_wait3A_56 : memref<1x128xi32, #tpu.memory_space<vmem>> -> memref<128xi32, #tpu.memory_space<vmem>>
        %dma_wait3A_58 = arith.constant 0 : i32
        %dma_wait3A_59 = arith.constant 0 : i32
        %dma_wait3A_60 = tpu.memref_slice %arg11[%dma_wait3A_58, %dma_wait3A_59] : memref<50176x16xf32, #tpu.memory_space<vmem_shared>> -> memref<50176x16xf32, #tpu.memory_space<vmem_shared>>
        tpu.wait_indirect_dma semaphore(%run_scoped3A : memref<!tpu.dma_semaphore, #tpu.memory_space<semaphore_mem>>) src(%arg9 : memref<128x16xf32, #tpu.memory_space<vmem>>) dst(%dma_wait3A_60 : memref<50176x16xf32, #tpu.memory_space<vmem_shared>>)
        tpu.yield
      }) : () -> ()
      %add3A_35 = arith.constant 2 : i32
      %add3A_36 = arith.addi %mul3A_21, %add3A_35 : i32
      %lt3A = arith.constant 196 : i32
      %lt3A_37 = arith.cmpi slt, %add3A_36, %lt3A : i32
      %convert_element_type3A = arith.extui %lt3A_37 : i1 to i32
      %cond3A = arith.constant 0 : i32
      %cond3A_38 = arith.cmpi ne, %convert_element_type3A, %cond3A : i32
      scf.if %cond3A_38 {
        %add3A_49 = arith.constant 2 : i32
        %add3A_50 = arith.addi %mul3A_21, %add3A_49 : i32
        %dma_start3A_51 = arith.constant 0 : i32
        %dma_start3A_52 = tpu.memref_slice %arg7[%add3A_50, %dma_start3A_51] : memref<196x128xi32, #tpu.memory_space<vmem>> -> memref<1x128xi32, #tpu.memory_space<vmem>>
        %dma_start3A_53 = tpu.memref_squeeze %dma_start3A_52 : memref<1x128xi32, #tpu.memory_space<vmem>> -> memref<128xi32, #tpu.memory_space<vmem>>
        %dma_start3A_54 = arith.constant 0 : i32
        %dma_start3A_55 = arith.constant 0 : i32
        %dma_start3A_56 = tpu.memref_slice %arg2[%dma_start3A_54, %dma_start3A_55] : memref<50176x16xf32, #tpu.memory_space<hbm>> -> memref<50176x16xf32, #tpu.memory_space<hbm>>
        tpu.enqueue_indirect_dma source(%dma_start3A_56 : memref<50176x16xf32, #tpu.memory_space<hbm>>) target(%arg9 : memref<128x16xf32, #tpu.memory_space<vmem>>) offsets(%dma_start3A_53 : memref<128xi32, #tpu.memory_space<vmem>>) semaphore(%arg12 : memref<!tpu.dma_semaphore, #tpu.memory_space<semaphore_mem>>)
      } else {
      }
      %add3A_39 = arith.constant 1 : i32
      %add3A_40 = arith.addi %mul3A_21, %add3A_39 : i32
      %dma_wait3A_41 = arith.constant 0 : i32
      %dma_wait3A_42 = tpu.memref_slice %arg7[%add3A_40, %dma_wait3A_41] : memref<196x128xi32, #tpu.memory_space<vmem>> -> memref<1x128xi32, #tpu.memory_space<vmem>>
      %dma_wait3A_43 = tpu.memref_squeeze %dma_wait3A_42 : memref<1x128xi32, #tpu.memory_space<vmem>> -> memref<128xi32, #tpu.memory_space<vmem>>
      %dma_wait3A_44 = arith.constant 0 : i32
      %dma_wait3A_45 = arith.constant 0 : i32
      %dma_wait3A_46 = tpu.memref_slice %arg2[%dma_wait3A_44, %dma_wait3A_45] : memref<50176x16xf32, #tpu.memory_space<hbm>> -> memref<50176x16xf32, #tpu.memory_space<hbm>>
      tpu.wait_indirect_dma semaphore(%arg13 : memref<!tpu.dma_semaphore, #tpu.memory_space<semaphore_mem>>) src(%dma_wait3A_46 : memref<50176x16xf32, #tpu.memory_space<hbm>>) dst(%arg10 : memref<128x16xf32, #tpu.memory_space<vmem>>)
      %add3A_47 = arith.constant 1 : i32
      %add3A_48 = arith.addi %mul3A_21, %add3A_47 : i32
      "tpu.region"() ({
        %run_scoped3A = tpu.sem_alloc : memref<!tpu.dma_semaphore, #tpu.memory_space<semaphore_mem>>
        %dma_start3A_49 = arith.constant 0 : i32
        %dma_start3A_50 = tpu.memref_slice %arg8[%add3A_48, %dma_start3A_49] : memref<196x128xi32, #tpu.memory_space<vmem>> -> memref<1x128xi32, #tpu.memory_space<vmem>>
        %dma_start3A_51 = tpu.memref_squeeze %dma_start3A_50 : memref<1x128xi32, #tpu.memory_space<vmem>> -> memref<128xi32, #tpu.memory_space<vmem>>
        %dma_start3A_52 = arith.constant 0 : i32
        %dma_start3A_53 = arith.constant 0 : i32
        %dma_start3A_54 = tpu.memref_slice %arg11[%dma_start3A_52, %dma_start3A_53] : memref<50176x16xf32, #tpu.memory_space<vmem_shared>> -> memref<50176x16xf32, #tpu.memory_space<vmem_shared>>
        tpu.enqueue_indirect_dma source(%arg10 : memref<128x16xf32, #tpu.memory_space<vmem>>) target(%dma_start3A_54 : memref<50176x16xf32, #tpu.memory_space<vmem_shared>>) offsets(%dma_start3A_51 : memref<128xi32, #tpu.memory_space<vmem>>) semaphore(%run_scoped3A : memref<!tpu.dma_semaphore, #tpu.memory_space<semaphore_mem>>) {add = true}
        %dma_wait3A_55 = arith.constant 0 : i32
        %dma_wait3A_56 = tpu.memref_slice %arg8[%add3A_48, %dma_wait3A_55] : memref<196x128xi32, #tpu.memory_space<vmem>> -> memref<1x128xi32, #tpu.memory_space<vmem>>
        %dma_wait3A_57 = tpu.memref_squeeze %dma_wait3A_56 : memref<1x128xi32, #tpu.memory_space<vmem>> -> memref<128xi32, #tpu.memory_space<vmem>>
        %dma_wait3A_58 = arith.constant 0 : i32
        %dma_wait3A_59 = arith.constant 0 : i32
        %dma_wait3A_60 = tpu.memref_slice %arg11[%dma_wait3A_58, %dma_wait3A_59] : memref<50176x16xf32, #tpu.memory_space<vmem_shared>> -> memref<50176x16xf32, #tpu.memory_space<vmem_shared>>
        tpu.wait_indirect_dma semaphore(%run_scoped3A : memref<!tpu.dma_semaphore, #tpu.memory_space<semaphore_mem>>) src(%arg10 : memref<128x16xf32, #tpu.memory_space<vmem>>) dst(%dma_wait3A_60 : memref<50176x16xf32, #tpu.memory_space<vmem_shared>>)
        tpu.yield
      }) : () -> ()
    }
    %scan3A_13 = arith.constant 98 : i32
    %barrier3A_14 = arith.constant 0 : index
    tpu.barrier barrier_id(%barrier3A_14)
    %mul3A_15 = arith.constant 3136 : i32
    %mul3A_16 = arith.muli %arg1, %mul3A_15 : i32
    %mul3A_17 = arith.constant 3136 : i32
    %mul3A_18 = arith.muli %arg1, %mul3A_17 : i32
    "tpu.region"() ({
      %run_scoped3A = tpu.sem_alloc : memref<!tpu.dma_semaphore, #tpu.memory_space<semaphore_mem>>
      %dma_start3A_19 = arith.constant 0 : i32
      %dma_start3A_20 = tpu.memref_slice %arg6[%arg0, %mul3A_18, %dma_start3A_19] : memref<2x50176x16xf32, #tpu.memory_space<hbm>> -> memref<1x3136x16xf32, #tpu.memory_space<hbm>>
      %dma_start3A_21 = tpu.memref_squeeze %dma_start3A_20 : memref<1x3136x16xf32, #tpu.memory_space<hbm>> -> memref<3136x16xf32, #tpu.memory_space<hbm>>
      %dma_start3A_22 = arith.constant 0 : i32
      %dma_start3A_23 = tpu.memref_slice %arg11[%mul3A_16, %dma_start3A_22] : memref<50176x16xf32, #tpu.memory_space<vmem_shared>> -> memref<3136x16xf32, #tpu.memory_space<vmem_shared>>
      tpu.enqueue_dma source(%dma_start3A_23 : memref<3136x16xf32, #tpu.memory_space<vmem_shared>>) target(%dma_start3A_21 : memref<3136x16xf32, #tpu.memory_space<hbm>>) target_semaphore(%run_scoped3A : memref<!tpu.dma_semaphore, #tpu.memory_space<semaphore_mem>>)
      %dma_wait3A = arith.constant 0 : i32
      %dma_wait3A_24 = tpu.memref_slice %arg6[%arg0, %mul3A_18, %dma_wait3A] : memref<2x50176x16xf32, #tpu.memory_space<hbm>> -> memref<1x3136x16xf32, #tpu.memory_space<hbm>>
      %dma_wait3A_25 = tpu.memref_squeeze %dma_wait3A_24 : memref<1x3136x16xf32, #tpu.memory_space<hbm>> -> memref<3136x16xf32, #tpu.memory_space<hbm>>
      %dma_wait3A_26 = arith.constant 0 : i32
      %dma_wait3A_27 = tpu.memref_slice %arg11[%mul3A_16, %dma_wait3A_26] : memref<50176x16xf32, #tpu.memory_space<vmem_shared>> -> memref<3136x16xf32, #tpu.memory_space<vmem_shared>>
      tpu.wait_dma2 semaphore(%run_scoped3A : memref<!tpu.dma_semaphore, #tpu.memory_space<semaphore_mem>>) src(%dma_wait3A_27 : memref<3136x16xf32, #tpu.memory_space<vmem_shared>>) dst(%dma_wait3A_25 : memref<3136x16xf32, #tpu.memory_space<hbm>>)
      tpu.yield
    }) : () -> ()
    return
  }
}

#map = affine_map<(d0, d1) -> (0, 0)>
#map1 = affine_map<(d0, d1) -> (0, 0, 0)>
module attributes {stable_mosaic.version = 14 : i64} {
  func.func @segsum(%arg0: i32, %arg1: i32, %arg2: memref<50176x16xf32, #tpu.memory_space<hbm>>, %arg3: memref<32x196x128xi32, #tpu.memory_space<hbm>>, %arg4: memref<32x196x128xi32, #tpu.memory_space<hbm>>, %arg5: memref<3136x16xf32, #tpu.memory_space<hbm>>, %arg6: memref<2x50176x16xf32, #tpu.memory_space<hbm>>, %arg7: memref<196x128xi32, #tpu.memory_space<vmem>>, %arg8: memref<196x128xi32, #tpu.memory_space<vmem>>, %arg9: memref<128x16xf32, #tpu.memory_space<vmem>>, %arg10: memref<128x16xf32, #tpu.memory_space<vmem>>, %arg11: memref<50176x16xf32, #tpu.memory_space<vmem_shared>>, %arg12: memref<!tpu.dma_semaphore, #tpu.memory_space<semaphore_mem>>, %arg13: memref<!tpu.dma_semaphore, #tpu.memory_space<semaphore_mem>>) attributes {dimension_semantics = [#tpu.dimension_semantics<core_parallel>, #tpu.dimension_semantics<subcore_parallel>], iteration_bounds = array<i64: 2, 16>, scalar_prefetch = 0 : i64, scratch_operands = 7 : i64, tpu.core_type = #tpu.core_type<sc_vector_subcore>, window_params = [{transform_indices = #map}, {transform_indices = #map1}, {transform_indices = #map1}, {transform_indices = #map}, {transform_indices = #map1}]} {
    %mul3A = arith.constant 2 : i32
    %mul3A_0 = arith.muli %arg1, %mul3A : i32
    %add3A = arith.addi %mul3A_0, %arg0 : i32
    %mul3A_1 = arith.constant 3136 : i32
    %mul3A_2 = arith.muli %arg1, %mul3A_1 : i32
    "tpu.region"() ({
      %run_scoped3A = tpu.sem_alloc : memref<!tpu.dma_semaphore, #tpu.memory_space<semaphore_mem>>
      %dma_start3A_19 = arith.constant 0 : i32
      %dma_start3A_20 = tpu.memref_slice %arg11[%mul3A_2, %dma_start3A_19] : memref<50176x16xf32, #tpu.memory_space<vmem_shared>> -> memref<3136x16xf32, #tpu.memory_space<vmem_shared>>
      tpu.enqueue_dma source(%arg5 : memref<3136x16xf32, #tpu.memory_space<hbm>>) target(%dma_start3A_20 : memref<3136x16xf32, #tpu.memory_space<vmem_shared>>) target_semaphore(%run_scoped3A : memref<!tpu.dma_semaphore, #tpu.memory_space<semaphore_mem>>)
      %dma_wait3A = arith.constant 0 : i32
      %dma_wait3A_21 = tpu.memref_slice %arg11[%mul3A_2, %dma_wait3A] : memref<50176x16xf32, #tpu.memory_space<vmem_shared>> -> memref<3136x16xf32, #tpu.memory_space<vmem_shared>>
      tpu.wait_dma2 semaphore(%run_scoped3A : memref<!tpu.dma_semaphore, #tpu.memory_space<semaphore_mem>>) src(%arg5 : memref<3136x16xf32, #tpu.memory_space<hbm>>) dst(%dma_wait3A_21 : memref<3136x16xf32, #tpu.memory_space<vmem_shared>>)
      tpu.yield
    }) : () -> ()
    "tpu.region"() ({
      %run_scoped3A = tpu.sem_alloc : memref<!tpu.dma_semaphore, #tpu.memory_space<semaphore_mem>>
      %dma_start3A_19 = arith.constant 0 : i32
      %dma_start3A_20 = arith.constant 0 : i32
      %dma_start3A_21 = tpu.memref_slice %arg3[%add3A, %dma_start3A_19, %dma_start3A_20] : memref<32x196x128xi32, #tpu.memory_space<hbm>> -> memref<1x196x128xi32, #tpu.memory_space<hbm>>
      %dma_start3A_22 = tpu.memref_squeeze %dma_start3A_21 : memref<1x196x128xi32, #tpu.memory_space<hbm>> -> memref<196x128xi32, #tpu.memory_space<hbm>>
      %dma_start3A_23 = arith.constant 0 : i32
      %dma_start3A_24 = arith.constant 0 : i32
      %dma_start3A_25 = tpu.memref_slice %arg3[%add3A, %dma_start3A_23, %dma_start3A_24] : memref<32x196x128xi32, #tpu.memory_space<hbm>> -> memref<1x196x128xi32, #tpu.memory_space<hbm>>
      %dma_start3A_26 = tpu.memref_squeeze %dma_start3A_25 : memref<1x196x128xi32, #tpu.memory_space<hbm>> -> memref<196x128xi32, #tpu.memory_space<hbm>>
      tpu.enqueue_dma source(%dma_start3A_26 : memref<196x128xi32, #tpu.memory_space<hbm>>) target(%arg7 : memref<196x128xi32, #tpu.memory_space<vmem>>) target_semaphore(%run_scoped3A : memref<!tpu.dma_semaphore, #tpu.memory_space<semaphore_mem>>)
      %dma_wait3A = arith.constant 0 : i32
      %dma_wait3A_27 = arith.constant 0 : i32
      %dma_wait3A_28 = tpu.memref_slice %arg3[%add3A, %dma_wait3A, %dma_wait3A_27] : memref<32x196x128xi32, #tpu.memory_space<hbm>> -> memref<1x196x128xi32, #tpu.memory_space<hbm>>
      %dma_wait3A_29 = tpu.memref_squeeze %dma_wait3A_28 : memref<1x196x128xi32, #tpu.memory_space<hbm>> -> memref<196x128xi32, #tpu.memory_space<hbm>>
      %dma_wait3A_30 = arith.constant 0 : i32
      %dma_wait3A_31 = arith.constant 0 : i32
      %dma_wait3A_32 = tpu.memref_slice %arg3[%add3A, %dma_wait3A_30, %dma_wait3A_31] : memref<32x196x128xi32, #tpu.memory_space<hbm>> -> memref<1x196x128xi32, #tpu.memory_space<hbm>>
      %dma_wait3A_33 = tpu.memref_squeeze %dma_wait3A_32 : memref<1x196x128xi32, #tpu.memory_space<hbm>> -> memref<196x128xi32, #tpu.memory_space<hbm>>
      tpu.wait_dma2 semaphore(%run_scoped3A : memref<!tpu.dma_semaphore, #tpu.memory_space<semaphore_mem>>) src(%dma_wait3A_33 : memref<196x128xi32, #tpu.memory_space<hbm>>) dst(%arg7 : memref<196x128xi32, #tpu.memory_space<vmem>>)
      tpu.yield
    }) : () -> ()
    "tpu.region"() ({
      %run_scoped3A = tpu.sem_alloc : memref<!tpu.dma_semaphore, #tpu.memory_space<semaphore_mem>>
      %dma_start3A_19 = arith.constant 0 : i32
      %dma_start3A_20 = arith.constant 0 : i32
      %dma_start3A_21 = tpu.memref_slice %arg4[%add3A, %dma_start3A_19, %dma_start3A_20] : memref<32x196x128xi32, #tpu.memory_space<hbm>> -> memref<1x196x128xi32, #tpu.memory_space<hbm>>
      %dma_start3A_22 = tpu.memref_squeeze %dma_start3A_21 : memref<1x196x128xi32, #tpu.memory_space<hbm>> -> memref<196x128xi32, #tpu.memory_space<hbm>>
      %dma_start3A_23 = arith.constant 0 : i32
      %dma_start3A_24 = arith.constant 0 : i32
      %dma_start3A_25 = tpu.memref_slice %arg4[%add3A, %dma_start3A_23, %dma_start3A_24] : memref<32x196x128xi32, #tpu.memory_space<hbm>> -> memref<1x196x128xi32, #tpu.memory_space<hbm>>
      %dma_start3A_26 = tpu.memref_squeeze %dma_start3A_25 : memref<1x196x128xi32, #tpu.memory_space<hbm>> -> memref<196x128xi32, #tpu.memory_space<hbm>>
      tpu.enqueue_dma source(%dma_start3A_26 : memref<196x128xi32, #tpu.memory_space<hbm>>) target(%arg8 : memref<196x128xi32, #tpu.memory_space<vmem>>) target_semaphore(%run_scoped3A : memref<!tpu.dma_semaphore, #tpu.memory_space<semaphore_mem>>)
      %dma_wait3A = arith.constant 0 : i32
      %dma_wait3A_27 = arith.constant 0 : i32
      %dma_wait3A_28 = tpu.memref_slice %arg4[%add3A, %dma_wait3A, %dma_wait3A_27] : memref<32x196x128xi32, #tpu.memory_space<hbm>> -> memref<1x196x128xi32, #tpu.memory_space<hbm>>
      %dma_wait3A_29 = tpu.memref_squeeze %dma_wait3A_28 : memref<1x196x128xi32, #tpu.memory_space<hbm>> -> memref<196x128xi32, #tpu.memory_space<hbm>>
      %dma_wait3A_30 = arith.constant 0 : i32
      %dma_wait3A_31 = arith.constant 0 : i32
      %dma_wait3A_32 = tpu.memref_slice %arg4[%add3A, %dma_wait3A_30, %dma_wait3A_31] : memref<32x196x128xi32, #tpu.memory_space<hbm>> -> memref<1x196x128xi32, #tpu.memory_space<hbm>>
      %dma_wait3A_33 = tpu.memref_squeeze %dma_wait3A_32 : memref<1x196x128xi32, #tpu.memory_space<hbm>> -> memref<196x128xi32, #tpu.memory_space<hbm>>
      tpu.wait_dma2 semaphore(%run_scoped3A : memref<!tpu.dma_semaphore, #tpu.memory_space<semaphore_mem>>) src(%dma_wait3A_33 : memref<196x128xi32, #tpu.memory_space<hbm>>) dst(%arg8 : memref<196x128xi32, #tpu.memory_space<vmem>>)
      tpu.yield
    }) : () -> ()
    %barrier3A = arith.constant 0 : index
    tpu.barrier barrier_id(%barrier3A)
    %dma_start3A = arith.constant 0 : i32
    %dma_start3A_3 = arith.constant 0 : i32
    %dma_start3A_4 = tpu.memref_slice %arg7[%dma_start3A, %dma_start3A_3] : memref<196x128xi32, #tpu.memory_space<vmem>> -> memref<1x128xi32, #tpu.memory_space<vmem>>
    %dma_start3A_5 = tpu.memref_squeeze %dma_start3A_4 : memref<1x128xi32, #tpu.memory_space<vmem>> -> memref<128xi32, #tpu.memory_space<vmem>>
    %dma_start3A_6 = arith.constant 0 : i32
    %dma_start3A_7 = arith.constant 0 : i32
    %dma_start3A_8 = tpu.memref_slice %arg2[%dma_start3A_6, %dma_start3A_7] : memref<50176x16xf32, #tpu.memory_space<hbm>> -> memref<50176x16xf32, #tpu.memory_space<hbm>>
    tpu.enqueue_indirect_dma source(%dma_start3A_8 : memref<50176x16xf32, #tpu.memory_space<hbm>>) target(%arg9 : memref<128x16xf32, #tpu.memory_space<vmem>>) offsets(%dma_start3A_5 : memref<128xi32, #tpu.memory_space<vmem>>) semaphore(%arg12 : memref<!tpu.dma_semaphore, #tpu.memory_space<semaphore_mem>>)
    %scan3A = arith.constant 0 : i32
    %scan3A_9 = arith.constant 0 : i32
    %scan3A_10 = arith.constant 98 : i32
    %scan3A_11 = arith.addi %scan3A_9, %scan3A_10 : i32
    %scan3A_12 = arith.constant 1 : i32
    scf.for %scan3A_19 = %scan3A_9 to %scan3A_11 step %scan3A_12  : i32 {
      %mul3A_20 = arith.constant 2 : i32
      %mul3A_21 = arith.muli %mul3A_20, %scan3A_19 : i32
      %add3A_22 = arith.constant 1 : i32
      %add3A_23 = arith.addi %mul3A_21, %add3A_22 : i32
      %dma_start3A_24 = arith.constant 0 : i32
      %dma_start3A_25 = tpu.memref_slice %arg7[%add3A_23, %dma_start3A_24] : memref<196x128xi32, #tpu.memory_space<vmem>> -> memref<1x128xi32, #tpu.memory_space<vmem>>
      %dma_start3A_26 = tpu.memref_squeeze %dma_start3A_25 : memref<1x128xi32, #tpu.memory_space<vmem>> -> memref<128xi32, #tpu.memory_space<vmem>>
      %dma_start3A_27 = arith.constant 0 : i32
      %dma_start3A_28 = arith.constant 0 : i32
      %dma_start3A_29 = tpu.memref_slice %arg2[%dma_start3A_27, %dma_start3A_28] : memref<50176x16xf32, #tpu.memory_space<hbm>> -> memref<50176x16xf32, #tpu.memory_space<hbm>>
      tpu.enqueue_indirect_dma source(%dma_start3A_29 : memref<50176x16xf32, #tpu.memory_space<hbm>>) target(%arg10 : memref<128x16xf32, #tpu.memory_space<vmem>>) offsets(%dma_start3A_26 : memref<128xi32, #tpu.memory_space<vmem>>) semaphore(%arg13 : memref<!tpu.dma_semaphore, #tpu.memory_space<semaphore_mem>>)
      %dma_wait3A = arith.constant 0 : i32
      %dma_wait3A_30 = tpu.memref_slice %arg7[%mul3A_21, %dma_wait3A] : memref<196x128xi32, #tpu.memory_space<vmem>> -> memref<1x128xi32, #tpu.memory_space<vmem>>
      %dma_wait3A_31 = tpu.memref_squeeze %dma_wait3A_30 : memref<1x128xi32, #tpu.memory_space<vmem>> -> memref<128xi32, #tpu.memory_space<vmem>>
      %dma_wait3A_32 = arith.constant 0 : i32
      %dma_wait3A_33 = arith.constant 0 : i32
      %dma_wait3A_34 = tpu.memref_slice %arg2[%dma_wait3A_32, %dma_wait3A_33] : memref<50176x16xf32, #tpu.memory_space<hbm>> -> memref<50176x16xf32, #tpu.memory_space<hbm>>
      tpu.wait_indirect_dma semaphore(%arg12 : memref<!tpu.dma_semaphore, #tpu.memory_space<semaphore_mem>>) src(%dma_wait3A_34 : memref<50176x16xf32, #tpu.memory_space<hbm>>) dst(%arg9 : memref<128x16xf32, #tpu.memory_space<vmem>>)
      "tpu.region"() ({
        %run_scoped3A = tpu.sem_alloc : memref<!tpu.dma_semaphore, #tpu.memory_space<semaphore_mem>>
        %dma_start3A_49 = arith.constant 0 : i32
        %dma_start3A_50 = tpu.memref_slice %arg8[%mul3A_21, %dma_start3A_49] : memref<196x128xi32, #tpu.memory_space<vmem>> -> memref<1x128xi32, #tpu.memory_space<vmem>>
        %dma_start3A_51 = tpu.memref_squeeze %dma_start3A_50 : memref<1x128xi32, #tpu.memory_space<vmem>> -> memref<128xi32, #tpu.memory_space<vmem>>
        %dma_start3A_52 = arith.constant 0 : i32
        %dma_start3A_53 = arith.constant 0 : i32
        %dma_start3A_54 = tpu.memref_slice %arg11[%dma_start3A_52, %dma_start3A_53] : memref<50176x16xf32, #tpu.memory_space<vmem_shared>> -> memref<50176x16xf32, #tpu.memory_space<vmem_shared>>
        tpu.enqueue_indirect_dma source(%arg9 : memref<128x16xf32, #tpu.memory_space<vmem>>) target(%dma_start3A_54 : memref<50176x16xf32, #tpu.memory_space<vmem_shared>>) offsets(%dma_start3A_51 : memref<128xi32, #tpu.memory_space<vmem>>) semaphore(%run_scoped3A : memref<!tpu.dma_semaphore, #tpu.memory_space<semaphore_mem>>) {add = true}
        %dma_wait3A_55 = arith.constant 0 : i32
        %dma_wait3A_56 = tpu.memref_slice %arg8[%mul3A_21, %dma_wait3A_55] : memref<196x128xi32, #tpu.memory_space<vmem>> -> memref<1x128xi32, #tpu.memory_space<vmem>>
        %dma_wait3A_57 = tpu.memref_squeeze %dma_wait3A_56 : memref<1x128xi32, #tpu.memory_space<vmem>> -> memref<128xi32, #tpu.memory_space<vmem>>
        %dma_wait3A_58 = arith.constant 0 : i32
        %dma_wait3A_59 = arith.constant 0 : i32
        %dma_wait3A_60 = tpu.memref_slice %arg11[%dma_wait3A_58, %dma_wait3A_59] : memref<50176x16xf32, #tpu.memory_space<vmem_shared>> -> memref<50176x16xf32, #tpu.memory_space<vmem_shared>>
        tpu.wait_indirect_dma semaphore(%run_scoped3A : memref<!tpu.dma_semaphore, #tpu.memory_space<semaphore_mem>>) src(%arg9 : memref<128x16xf32, #tpu.memory_space<vmem>>) dst(%dma_wait3A_60 : memref<50176x16xf32, #tpu.memory_space<vmem_shared>>)
        tpu.yield
      }) : () -> ()
      %add3A_35 = arith.constant 2 : i32
      %add3A_36 = arith.addi %mul3A_21, %add3A_35 : i32
      %lt3A = arith.constant 196 : i32
      %lt3A_37 = arith.cmpi slt, %add3A_36, %lt3A : i32
      %convert_element_type3A = arith.extui %lt3A_37 : i1 to i32
      %cond3A = arith.constant 0 : i32
      %cond3A_38 = arith.cmpi ne, %convert_element_type3A, %cond3A : i32
      scf.if %cond3A_38 {
        %add3A_49 = arith.constant 2 : i32
        %add3A_50 = arith.addi %mul3A_21, %add3A_49 : i32
        %dma_start3A_51 = arith.constant 0 : i32
        %dma_start3A_52 = tpu.memref_slice %arg7[%add3A_50, %dma_start3A_51] : memref<196x128xi32, #tpu.memory_space<vmem>> -> memref<1x128xi32, #tpu.memory_space<vmem>>
        %dma_start3A_53 = tpu.memref_squeeze %dma_start3A_52 : memref<1x128xi32, #tpu.memory_space<vmem>> -> memref<128xi32, #tpu.memory_space<vmem>>
        %dma_start3A_54 = arith.constant 0 : i32
        %dma_start3A_55 = arith.constant 0 : i32
        %dma_start3A_56 = tpu.memref_slice %arg2[%dma_start3A_54, %dma_start3A_55] : memref<50176x16xf32, #tpu.memory_space<hbm>> -> memref<50176x16xf32, #tpu.memory_space<hbm>>
        tpu.enqueue_indirect_dma source(%dma_start3A_56 : memref<50176x16xf32, #tpu.memory_space<hbm>>) target(%arg9 : memref<128x16xf32, #tpu.memory_space<vmem>>) offsets(%dma_start3A_53 : memref<128xi32, #tpu.memory_space<vmem>>) semaphore(%arg12 : memref<!tpu.dma_semaphore, #tpu.memory_space<semaphore_mem>>)
      } else {
      }
      %add3A_39 = arith.constant 1 : i32
      %add3A_40 = arith.addi %mul3A_21, %add3A_39 : i32
      %dma_wait3A_41 = arith.constant 0 : i32
      %dma_wait3A_42 = tpu.memref_slice %arg7[%add3A_40, %dma_wait3A_41] : memref<196x128xi32, #tpu.memory_space<vmem>> -> memref<1x128xi32, #tpu.memory_space<vmem>>
      %dma_wait3A_43 = tpu.memref_squeeze %dma_wait3A_42 : memref<1x128xi32, #tpu.memory_space<vmem>> -> memref<128xi32, #tpu.memory_space<vmem>>
      %dma_wait3A_44 = arith.constant 0 : i32
      %dma_wait3A_45 = arith.constant 0 : i32
      %dma_wait3A_46 = tpu.memref_slice %arg2[%dma_wait3A_44, %dma_wait3A_45] : memref<50176x16xf32, #tpu.memory_space<hbm>> -> memref<50176x16xf32, #tpu.memory_space<hbm>>
      tpu.wait_indirect_dma semaphore(%arg13 : memref<!tpu.dma_semaphore, #tpu.memory_space<semaphore_mem>>) src(%dma_wait3A_46 : memref<50176x16xf32, #tpu.memory_space<hbm>>) dst(%arg10 : memref<128x16xf32, #tpu.memory_space<vmem>>)
      %add3A_47 = arith.constant 1 : i32
      %add3A_48 = arith.addi %mul3A_21, %add3A_47 : i32
      "tpu.region"() ({
        %run_scoped3A = tpu.sem_alloc : memref<!tpu.dma_semaphore, #tpu.memory_space<semaphore_mem>>
        %dma_start3A_49 = arith.constant 0 : i32
        %dma_start3A_50 = tpu.memref_slice %arg8[%add3A_48, %dma_start3A_49] : memref<196x128xi32, #tpu.memory_space<vmem>> -> memref<1x128xi32, #tpu.memory_space<vmem>>
        %dma_start3A_51 = tpu.memref_squeeze %dma_start3A_50 : memref<1x128xi32, #tpu.memory_space<vmem>> -> memref<128xi32, #tpu.memory_space<vmem>>
        %dma_start3A_52 = arith.constant 0 : i32
        %dma_start3A_53 = arith.constant 0 : i32
        %dma_start3A_54 = tpu.memref_slice %arg11[%dma_start3A_52, %dma_start3A_53] : memref<50176x16xf32, #tpu.memory_space<vmem_shared>> -> memref<50176x16xf32, #tpu.memory_space<vmem_shared>>
        tpu.enqueue_indirect_dma source(%arg10 : memref<128x16xf32, #tpu.memory_space<vmem>>) target(%dma_start3A_54 : memref<50176x16xf32, #tpu.memory_space<vmem_shared>>) offsets(%dma_start3A_51 : memref<128xi32, #tpu.memory_space<vmem>>) semaphore(%run_scoped3A : memref<!tpu.dma_semaphore, #tpu.memory_space<semaphore_mem>>) {add = true}
        %dma_wait3A_55 = arith.constant 0 : i32
        %dma_wait3A_56 = tpu.memref_slice %arg8[%add3A_48, %dma_wait3A_55] : memref<196x128xi32, #tpu.memory_space<vmem>> -> memref<1x128xi32, #tpu.memory_space<vmem>>
        %dma_wait3A_57 = tpu.memref_squeeze %dma_wait3A_56 : memref<1x128xi32, #tpu.memory_space<vmem>> -> memref<128xi32, #tpu.memory_space<vmem>>
        %dma_wait3A_58 = arith.constant 0 : i32
        %dma_wait3A_59 = arith.constant 0 : i32
        %dma_wait3A_60 = tpu.memref_slice %arg11[%dma_wait3A_58, %dma_wait3A_59] : memref<50176x16xf32, #tpu.memory_space<vmem_shared>> -> memref<50176x16xf32, #tpu.memory_space<vmem_shared>>
        tpu.wait_indirect_dma semaphore(%run_scoped3A : memref<!tpu.dma_semaphore, #tpu.memory_space<semaphore_mem>>) src(%arg10 : memref<128x16xf32, #tpu.memory_space<vmem>>) dst(%dma_wait3A_60 : memref<50176x16xf32, #tpu.memory_space<vmem_shared>>)
        tpu.yield
      }) : () -> ()
    }
    %scan3A_13 = arith.constant 98 : i32
    %barrier3A_14 = arith.constant 0 : index
    tpu.barrier barrier_id(%barrier3A_14)
    %mul3A_15 = arith.constant 3136 : i32
    %mul3A_16 = arith.muli %arg1, %mul3A_15 : i32
    %mul3A_17 = arith.constant 3136 : i32
    %mul3A_18 = arith.muli %arg1, %mul3A_17 : i32
    "tpu.region"() ({
      %run_scoped3A = tpu.sem_alloc : memref<!tpu.dma_semaphore, #tpu.memory_space<semaphore_mem>>
      %dma_start3A_19 = arith.constant 0 : i32
      %dma_start3A_20 = tpu.memref_slice %arg6[%arg0, %mul3A_18, %dma_start3A_19] : memref<2x50176x16xf32, #tpu.memory_space<hbm>> -> memref<1x3136x16xf32, #tpu.memory_space<hbm>>
      %dma_start3A_21 = tpu.memref_squeeze %dma_start3A_20 : memref<1x3136x16xf32, #tpu.memory_space<hbm>> -> memref<3136x16xf32, #tpu.memory_space<hbm>>
      %dma_start3A_22 = arith.constant 0 : i32
      %dma_start3A_23 = tpu.memref_slice %arg11[%mul3A_16, %dma_start3A_22] : memref<50176x16xf32, #tpu.memory_space<vmem_shared>> -> memref<3136x16xf32, #tpu.memory_space<vmem_shared>>
      tpu.enqueue_dma source(%dma_start3A_23 : memref<3136x16xf32, #tpu.memory_space<vmem_shared>>) target(%dma_start3A_21 : memref<3136x16xf32, #tpu.memory_space<hbm>>) target_semaphore(%run_scoped3A : memref<!tpu.dma_semaphore, #tpu.memory_space<semaphore_mem>>)
      %dma_wait3A = arith.constant 0 : i32
      %dma_wait3A_24 = tpu.memref_slice %arg6[%arg0, %mul3A_18, %dma_wait3A] : memref<2x50176x16xf32, #tpu.memory_space<hbm>> -> memref<1x3136x16xf32, #tpu.memory_space<hbm>>
      %dma_wait3A_25 = tpu.memref_squeeze %dma_wait3A_24 : memref<1x3136x16xf32, #tpu.memory_space<hbm>> -> memref<3136x16xf32, #tpu.memory_space<hbm>>
      %dma_wait3A_26 = arith.constant 0 : i32
      %dma_wait3A_27 = tpu.memref_slice %arg11[%mul3A_16, %dma_wait3A_26] : memref<50176x16xf32, #tpu.memory_space<vmem_shared>> -> memref<3136x16xf32, #tpu.memory_space<vmem_shared>>
      tpu.wait_dma2 semaphore(%run_scoped3A : memref<!tpu.dma_semaphore, #tpu.memory_space<semaphore_mem>>) src(%dma_wait3A_27 : memref<3136x16xf32, #tpu.memory_space<vmem_shared>>) dst(%dma_wait3A_25 : memref<3136x16xf32, #tpu.memory_space<hbm>>)
      tpu.yield
    }) : () -> ()
    return
  }
}

#map = affine_map<(d0, d1) -> (0, 0)>
#map1 = affine_map<(d0, d1) -> (0, 0, 0)>
module attributes {stable_mosaic.version = 14 : i64} {
  func.func @segsum(%arg0: i32, %arg1: i32, %arg2: memref<50176x16xf32, #tpu.memory_space<hbm>>, %arg3: memref<32x196x128xi32, #tpu.memory_space<hbm>>, %arg4: memref<32x196x128xi32, #tpu.memory_space<hbm>>, %arg5: memref<3136x16xf32, #tpu.memory_space<hbm>>, %arg6: memref<2x50176x16xf32, #tpu.memory_space<hbm>>, %arg7: memref<196x128xi32, #tpu.memory_space<vmem>>, %arg8: memref<196x128xi32, #tpu.memory_space<vmem>>, %arg9: memref<128x16xf32, #tpu.memory_space<vmem>>, %arg10: memref<128x16xf32, #tpu.memory_space<vmem>>, %arg11: memref<50176x16xf32, #tpu.memory_space<vmem_shared>>, %arg12: memref<!tpu.dma_semaphore, #tpu.memory_space<semaphore_mem>>, %arg13: memref<!tpu.dma_semaphore, #tpu.memory_space<semaphore_mem>>) attributes {dimension_semantics = [#tpu.dimension_semantics<core_parallel>, #tpu.dimension_semantics<subcore_parallel>], iteration_bounds = array<i64: 2, 16>, scalar_prefetch = 0 : i64, scratch_operands = 7 : i64, tpu.core_type = #tpu.core_type<sc_vector_subcore>, window_params = [{transform_indices = #map}, {transform_indices = #map1}, {transform_indices = #map1}, {transform_indices = #map}, {transform_indices = #map1}]} {
    %mul3A = arith.constant 2 : i32
    %mul3A_0 = arith.muli %arg1, %mul3A : i32
    %add3A = arith.addi %mul3A_0, %arg0 : i32
    %mul3A_1 = arith.constant 3136 : i32
    %mul3A_2 = arith.muli %arg1, %mul3A_1 : i32
    "tpu.region"() ({
      %run_scoped3A = tpu.sem_alloc : memref<!tpu.dma_semaphore, #tpu.memory_space<semaphore_mem>>
      %dma_start3A_19 = arith.constant 0 : i32
      %dma_start3A_20 = tpu.memref_slice %arg11[%mul3A_2, %dma_start3A_19] : memref<50176x16xf32, #tpu.memory_space<vmem_shared>> -> memref<3136x16xf32, #tpu.memory_space<vmem_shared>>
      tpu.enqueue_dma source(%arg5 : memref<3136x16xf32, #tpu.memory_space<hbm>>) target(%dma_start3A_20 : memref<3136x16xf32, #tpu.memory_space<vmem_shared>>) target_semaphore(%run_scoped3A : memref<!tpu.dma_semaphore, #tpu.memory_space<semaphore_mem>>)
      %dma_wait3A = arith.constant 0 : i32
      %dma_wait3A_21 = tpu.memref_slice %arg11[%mul3A_2, %dma_wait3A] : memref<50176x16xf32, #tpu.memory_space<vmem_shared>> -> memref<3136x16xf32, #tpu.memory_space<vmem_shared>>
      tpu.wait_dma2 semaphore(%run_scoped3A : memref<!tpu.dma_semaphore, #tpu.memory_space<semaphore_mem>>) src(%arg5 : memref<3136x16xf32, #tpu.memory_space<hbm>>) dst(%dma_wait3A_21 : memref<3136x16xf32, #tpu.memory_space<vmem_shared>>)
      tpu.yield
    }) : () -> ()
    "tpu.region"() ({
      %run_scoped3A = tpu.sem_alloc : memref<!tpu.dma_semaphore, #tpu.memory_space<semaphore_mem>>
      %dma_start3A_19 = arith.constant 0 : i32
      %dma_start3A_20 = arith.constant 0 : i32
      %dma_start3A_21 = tpu.memref_slice %arg3[%add3A, %dma_start3A_19, %dma_start3A_20] : memref<32x196x128xi32, #tpu.memory_space<hbm>> -> memref<1x196x128xi32, #tpu.memory_space<hbm>>
      %dma_start3A_22 = tpu.memref_squeeze %dma_start3A_21 : memref<1x196x128xi32, #tpu.memory_space<hbm>> -> memref<196x128xi32, #tpu.memory_space<hbm>>
      %dma_start3A_23 = arith.constant 0 : i32
      %dma_start3A_24 = arith.constant 0 : i32
      %dma_start3A_25 = tpu.memref_slice %arg3[%add3A, %dma_start3A_23, %dma_start3A_24] : memref<32x196x128xi32, #tpu.memory_space<hbm>> -> memref<1x196x128xi32, #tpu.memory_space<hbm>>
      %dma_start3A_26 = tpu.memref_squeeze %dma_start3A_25 : memref<1x196x128xi32, #tpu.memory_space<hbm>> -> memref<196x128xi32, #tpu.memory_space<hbm>>
      tpu.enqueue_dma source(%dma_start3A_26 : memref<196x128xi32, #tpu.memory_space<hbm>>) target(%arg7 : memref<196x128xi32, #tpu.memory_space<vmem>>) target_semaphore(%run_scoped3A : memref<!tpu.dma_semaphore, #tpu.memory_space<semaphore_mem>>)
      %dma_wait3A = arith.constant 0 : i32
      %dma_wait3A_27 = arith.constant 0 : i32
      %dma_wait3A_28 = tpu.memref_slice %arg3[%add3A, %dma_wait3A, %dma_wait3A_27] : memref<32x196x128xi32, #tpu.memory_space<hbm>> -> memref<1x196x128xi32, #tpu.memory_space<hbm>>
      %dma_wait3A_29 = tpu.memref_squeeze %dma_wait3A_28 : memref<1x196x128xi32, #tpu.memory_space<hbm>> -> memref<196x128xi32, #tpu.memory_space<hbm>>
      %dma_wait3A_30 = arith.constant 0 : i32
      %dma_wait3A_31 = arith.constant 0 : i32
      %dma_wait3A_32 = tpu.memref_slice %arg3[%add3A, %dma_wait3A_30, %dma_wait3A_31] : memref<32x196x128xi32, #tpu.memory_space<hbm>> -> memref<1x196x128xi32, #tpu.memory_space<hbm>>
      %dma_wait3A_33 = tpu.memref_squeeze %dma_wait3A_32 : memref<1x196x128xi32, #tpu.memory_space<hbm>> -> memref<196x128xi32, #tpu.memory_space<hbm>>
      tpu.wait_dma2 semaphore(%run_scoped3A : memref<!tpu.dma_semaphore, #tpu.memory_space<semaphore_mem>>) src(%dma_wait3A_33 : memref<196x128xi32, #tpu.memory_space<hbm>>) dst(%arg7 : memref<196x128xi32, #tpu.memory_space<vmem>>)
      tpu.yield
    }) : () -> ()
    "tpu.region"() ({
      %run_scoped3A = tpu.sem_alloc : memref<!tpu.dma_semaphore, #tpu.memory_space<semaphore_mem>>
      %dma_start3A_19 = arith.constant 0 : i32
      %dma_start3A_20 = arith.constant 0 : i32
      %dma_start3A_21 = tpu.memref_slice %arg4[%add3A, %dma_start3A_19, %dma_start3A_20] : memref<32x196x128xi32, #tpu.memory_space<hbm>> -> memref<1x196x128xi32, #tpu.memory_space<hbm>>
      %dma_start3A_22 = tpu.memref_squeeze %dma_start3A_21 : memref<1x196x128xi32, #tpu.memory_space<hbm>> -> memref<196x128xi32, #tpu.memory_space<hbm>>
      %dma_start3A_23 = arith.constant 0 : i32
      %dma_start3A_24 = arith.constant 0 : i32
      %dma_start3A_25 = tpu.memref_slice %arg4[%add3A, %dma_start3A_23, %dma_start3A_24] : memref<32x196x128xi32, #tpu.memory_space<hbm>> -> memref<1x196x128xi32, #tpu.memory_space<hbm>>
      %dma_start3A_26 = tpu.memref_squeeze %dma_start3A_25 : memref<1x196x128xi32, #tpu.memory_space<hbm>> -> memref<196x128xi32, #tpu.memory_space<hbm>>
      tpu.enqueue_dma source(%dma_start3A_26 : memref<196x128xi32, #tpu.memory_space<hbm>>) target(%arg8 : memref<196x128xi32, #tpu.memory_space<vmem>>) target_semaphore(%run_scoped3A : memref<!tpu.dma_semaphore, #tpu.memory_space<semaphore_mem>>)
      %dma_wait3A = arith.constant 0 : i32
      %dma_wait3A_27 = arith.constant 0 : i32
      %dma_wait3A_28 = tpu.memref_slice %arg4[%add3A, %dma_wait3A, %dma_wait3A_27] : memref<32x196x128xi32, #tpu.memory_space<hbm>> -> memref<1x196x128xi32, #tpu.memory_space<hbm>>
      %dma_wait3A_29 = tpu.memref_squeeze %dma_wait3A_28 : memref<1x196x128xi32, #tpu.memory_space<hbm>> -> memref<196x128xi32, #tpu.memory_space<hbm>>
      %dma_wait3A_30 = arith.constant 0 : i32
      %dma_wait3A_31 = arith.constant 0 : i32
      %dma_wait3A_32 = tpu.memref_slice %arg4[%add3A, %dma_wait3A_30, %dma_wait3A_31] : memref<32x196x128xi32, #tpu.memory_space<hbm>> -> memref<1x196x128xi32, #tpu.memory_space<hbm>>
      %dma_wait3A_33 = tpu.memref_squeeze %dma_wait3A_32 : memref<1x196x128xi32, #tpu.memory_space<hbm>> -> memref<196x128xi32, #tpu.memory_space<hbm>>
      tpu.wait_dma2 semaphore(%run_scoped3A : memref<!tpu.dma_semaphore, #tpu.memory_space<semaphore_mem>>) src(%dma_wait3A_33 : memref<196x128xi32, #tpu.memory_space<hbm>>) dst(%arg8 : memref<196x128xi32, #tpu.memory_space<vmem>>)
      tpu.yield
    }) : () -> ()
    %barrier3A = arith.constant 0 : index
    tpu.barrier barrier_id(%barrier3A)
    %dma_start3A = arith.constant 0 : i32
    %dma_start3A_3 = arith.constant 0 : i32
    %dma_start3A_4 = tpu.memref_slice %arg7[%dma_start3A, %dma_start3A_3] : memref<196x128xi32, #tpu.memory_space<vmem>> -> memref<1x128xi32, #tpu.memory_space<vmem>>
    %dma_start3A_5 = tpu.memref_squeeze %dma_start3A_4 : memref<1x128xi32, #tpu.memory_space<vmem>> -> memref<128xi32, #tpu.memory_space<vmem>>
    %dma_start3A_6 = arith.constant 0 : i32
    %dma_start3A_7 = arith.constant 0 : i32
    %dma_start3A_8 = tpu.memref_slice %arg2[%dma_start3A_6, %dma_start3A_7] : memref<50176x16xf32, #tpu.memory_space<hbm>> -> memref<50176x16xf32, #tpu.memory_space<hbm>>
    tpu.enqueue_indirect_dma source(%dma_start3A_8 : memref<50176x16xf32, #tpu.memory_space<hbm>>) target(%arg9 : memref<128x16xf32, #tpu.memory_space<vmem>>) offsets(%dma_start3A_5 : memref<128xi32, #tpu.memory_space<vmem>>) semaphore(%arg12 : memref<!tpu.dma_semaphore, #tpu.memory_space<semaphore_mem>>)
    %scan3A = arith.constant 0 : i32
    %scan3A_9 = arith.constant 0 : i32
    %scan3A_10 = arith.constant 98 : i32
    %scan3A_11 = arith.addi %scan3A_9, %scan3A_10 : i32
    %scan3A_12 = arith.constant 1 : i32
    scf.for %scan3A_19 = %scan3A_9 to %scan3A_11 step %scan3A_12  : i32 {
      %mul3A_20 = arith.constant 2 : i32
      %mul3A_21 = arith.muli %mul3A_20, %scan3A_19 : i32
      %add3A_22 = arith.constant 1 : i32
      %add3A_23 = arith.addi %mul3A_21, %add3A_22 : i32
      %dma_start3A_24 = arith.constant 0 : i32
      %dma_start3A_25 = tpu.memref_slice %arg7[%add3A_23, %dma_start3A_24] : memref<196x128xi32, #tpu.memory_space<vmem>> -> memref<1x128xi32, #tpu.memory_space<vmem>>
      %dma_start3A_26 = tpu.memref_squeeze %dma_start3A_25 : memref<1x128xi32, #tpu.memory_space<vmem>> -> memref<128xi32, #tpu.memory_space<vmem>>
      %dma_start3A_27 = arith.constant 0 : i32
      %dma_start3A_28 = arith.constant 0 : i32
      %dma_start3A_29 = tpu.memref_slice %arg2[%dma_start3A_27, %dma_start3A_28] : memref<50176x16xf32, #tpu.memory_space<hbm>> -> memref<50176x16xf32, #tpu.memory_space<hbm>>
      tpu.enqueue_indirect_dma source(%dma_start3A_29 : memref<50176x16xf32, #tpu.memory_space<hbm>>) target(%arg10 : memref<128x16xf32, #tpu.memory_space<vmem>>) offsets(%dma_start3A_26 : memref<128xi32, #tpu.memory_space<vmem>>) semaphore(%arg13 : memref<!tpu.dma_semaphore, #tpu.memory_space<semaphore_mem>>)
      %dma_wait3A = arith.constant 0 : i32
      %dma_wait3A_30 = tpu.memref_slice %arg7[%mul3A_21, %dma_wait3A] : memref<196x128xi32, #tpu.memory_space<vmem>> -> memref<1x128xi32, #tpu.memory_space<vmem>>
      %dma_wait3A_31 = tpu.memref_squeeze %dma_wait3A_30 : memref<1x128xi32, #tpu.memory_space<vmem>> -> memref<128xi32, #tpu.memory_space<vmem>>
      %dma_wait3A_32 = arith.constant 0 : i32
      %dma_wait3A_33 = arith.constant 0 : i32
      %dma_wait3A_34 = tpu.memref_slice %arg2[%dma_wait3A_32, %dma_wait3A_33] : memref<50176x16xf32, #tpu.memory_space<hbm>> -> memref<50176x16xf32, #tpu.memory_space<hbm>>
      tpu.wait_indirect_dma semaphore(%arg12 : memref<!tpu.dma_semaphore, #tpu.memory_space<semaphore_mem>>) src(%dma_wait3A_34 : memref<50176x16xf32, #tpu.memory_space<hbm>>) dst(%arg9 : memref<128x16xf32, #tpu.memory_space<vmem>>)
      "tpu.region"() ({
        %run_scoped3A = tpu.sem_alloc : memref<!tpu.dma_semaphore, #tpu.memory_space<semaphore_mem>>
        %dma_start3A_49 = arith.constant 0 : i32
        %dma_start3A_50 = tpu.memref_slice %arg8[%mul3A_21, %dma_start3A_49] : memref<196x128xi32, #tpu.memory_space<vmem>> -> memref<1x128xi32, #tpu.memory_space<vmem>>
        %dma_start3A_51 = tpu.memref_squeeze %dma_start3A_50 : memref<1x128xi32, #tpu.memory_space<vmem>> -> memref<128xi32, #tpu.memory_space<vmem>>
        %dma_start3A_52 = arith.constant 0 : i32
        %dma_start3A_53 = arith.constant 0 : i32
        %dma_start3A_54 = tpu.memref_slice %arg11[%dma_start3A_52, %dma_start3A_53] : memref<50176x16xf32, #tpu.memory_space<vmem_shared>> -> memref<50176x16xf32, #tpu.memory_space<vmem_shared>>
        tpu.enqueue_indirect_dma source(%arg9 : memref<128x16xf32, #tpu.memory_space<vmem>>) target(%dma_start3A_54 : memref<50176x16xf32, #tpu.memory_space<vmem_shared>>) offsets(%dma_start3A_51 : memref<128xi32, #tpu.memory_space<vmem>>) semaphore(%run_scoped3A : memref<!tpu.dma_semaphore, #tpu.memory_space<semaphore_mem>>) {add = true}
        %dma_wait3A_55 = arith.constant 0 : i32
        %dma_wait3A_56 = tpu.memref_slice %arg8[%mul3A_21, %dma_wait3A_55] : memref<196x128xi32, #tpu.memory_space<vmem>> -> memref<1x128xi32, #tpu.memory_space<vmem>>
        %dma_wait3A_57 = tpu.memref_squeeze %dma_wait3A_56 : memref<1x128xi32, #tpu.memory_space<vmem>> -> memref<128xi32, #tpu.memory_space<vmem>>
        %dma_wait3A_58 = arith.constant 0 : i32
        %dma_wait3A_59 = arith.constant 0 : i32
        %dma_wait3A_60 = tpu.memref_slice %arg11[%dma_wait3A_58, %dma_wait3A_59] : memref<50176x16xf32, #tpu.memory_space<vmem_shared>> -> memref<50176x16xf32, #tpu.memory_space<vmem_shared>>
        tpu.wait_indirect_dma semaphore(%run_scoped3A : memref<!tpu.dma_semaphore, #tpu.memory_space<semaphore_mem>>) src(%arg9 : memref<128x16xf32, #tpu.memory_space<vmem>>) dst(%dma_wait3A_60 : memref<50176x16xf32, #tpu.memory_space<vmem_shared>>)
        tpu.yield
      }) : () -> ()
      %add3A_35 = arith.constant 2 : i32
      %add3A_36 = arith.addi %mul3A_21, %add3A_35 : i32
      %lt3A = arith.constant 196 : i32
      %lt3A_37 = arith.cmpi slt, %add3A_36, %lt3A : i32
      %convert_element_type3A = arith.extui %lt3A_37 : i1 to i32
      %cond3A = arith.constant 0 : i32
      %cond3A_38 = arith.cmpi ne, %convert_element_type3A, %cond3A : i32
      scf.if %cond3A_38 {
        %add3A_49 = arith.constant 2 : i32
        %add3A_50 = arith.addi %mul3A_21, %add3A_49 : i32
        %dma_start3A_51 = arith.constant 0 : i32
        %dma_start3A_52 = tpu.memref_slice %arg7[%add3A_50, %dma_start3A_51] : memref<196x128xi32, #tpu.memory_space<vmem>> -> memref<1x128xi32, #tpu.memory_space<vmem>>
        %dma_start3A_53 = tpu.memref_squeeze %dma_start3A_52 : memref<1x128xi32, #tpu.memory_space<vmem>> -> memref<128xi32, #tpu.memory_space<vmem>>
        %dma_start3A_54 = arith.constant 0 : i32
        %dma_start3A_55 = arith.constant 0 : i32
        %dma_start3A_56 = tpu.memref_slice %arg2[%dma_start3A_54, %dma_start3A_55] : memref<50176x16xf32, #tpu.memory_space<hbm>> -> memref<50176x16xf32, #tpu.memory_space<hbm>>
        tpu.enqueue_indirect_dma source(%dma_start3A_56 : memref<50176x16xf32, #tpu.memory_space<hbm>>) target(%arg9 : memref<128x16xf32, #tpu.memory_space<vmem>>) offsets(%dma_start3A_53 : memref<128xi32, #tpu.memory_space<vmem>>) semaphore(%arg12 : memref<!tpu.dma_semaphore, #tpu.memory_space<semaphore_mem>>)
      } else {
      }
      %add3A_39 = arith.constant 1 : i32
      %add3A_40 = arith.addi %mul3A_21, %add3A_39 : i32
      %dma_wait3A_41 = arith.constant 0 : i32
      %dma_wait3A_42 = tpu.memref_slice %arg7[%add3A_40, %dma_wait3A_41] : memref<196x128xi32, #tpu.memory_space<vmem>> -> memref<1x128xi32, #tpu.memory_space<vmem>>
      %dma_wait3A_43 = tpu.memref_squeeze %dma_wait3A_42 : memref<1x128xi32, #tpu.memory_space<vmem>> -> memref<128xi32, #tpu.memory_space<vmem>>
      %dma_wait3A_44 = arith.constant 0 : i32
      %dma_wait3A_45 = arith.constant 0 : i32
      %dma_wait3A_46 = tpu.memref_slice %arg2[%dma_wait3A_44, %dma_wait3A_45] : memref<50176x16xf32, #tpu.memory_space<hbm>> -> memref<50176x16xf32, #tpu.memory_space<hbm>>
      tpu.wait_indirect_dma semaphore(%arg13 : memref<!tpu.dma_semaphore, #tpu.memory_space<semaphore_mem>>) src(%dma_wait3A_46 : memref<50176x16xf32, #tpu.memory_space<hbm>>) dst(%arg10 : memref<128x16xf32, #tpu.memory_space<vmem>>)
      %add3A_47 = arith.constant 1 : i32
      %add3A_48 = arith.addi %mul3A_21, %add3A_47 : i32
      "tpu.region"() ({
        %run_scoped3A = tpu.sem_alloc : memref<!tpu.dma_semaphore, #tpu.memory_space<semaphore_mem>>
        %dma_start3A_49 = arith.constant 0 : i32
        %dma_start3A_50 = tpu.memref_slice %arg8[%add3A_48, %dma_start3A_49] : memref<196x128xi32, #tpu.memory_space<vmem>> -> memref<1x128xi32, #tpu.memory_space<vmem>>
        %dma_start3A_51 = tpu.memref_squeeze %dma_start3A_50 : memref<1x128xi32, #tpu.memory_space<vmem>> -> memref<128xi32, #tpu.memory_space<vmem>>
        %dma_start3A_52 = arith.constant 0 : i32
        %dma_start3A_53 = arith.constant 0 : i32
        %dma_start3A_54 = tpu.memref_slice %arg11[%dma_start3A_52, %dma_start3A_53] : memref<50176x16xf32, #tpu.memory_space<vmem_shared>> -> memref<50176x16xf32, #tpu.memory_space<vmem_shared>>
        tpu.enqueue_indirect_dma source(%arg10 : memref<128x16xf32, #tpu.memory_space<vmem>>) target(%dma_start3A_54 : memref<50176x16xf32, #tpu.memory_space<vmem_shared>>) offsets(%dma_start3A_51 : memref<128xi32, #tpu.memory_space<vmem>>) semaphore(%run_scoped3A : memref<!tpu.dma_semaphore, #tpu.memory_space<semaphore_mem>>) {add = true}
        %dma_wait3A_55 = arith.constant 0 : i32
        %dma_wait3A_56 = tpu.memref_slice %arg8[%add3A_48, %dma_wait3A_55] : memref<196x128xi32, #tpu.memory_space<vmem>> -> memref<1x128xi32, #tpu.memory_space<vmem>>
        %dma_wait3A_57 = tpu.memref_squeeze %dma_wait3A_56 : memref<1x128xi32, #tpu.memory_space<vmem>> -> memref<128xi32, #tpu.memory_space<vmem>>
        %dma_wait3A_58 = arith.constant 0 : i32
        %dma_wait3A_59 = arith.constant 0 : i32
        %dma_wait3A_60 = tpu.memref_slice %arg11[%dma_wait3A_58, %dma_wait3A_59] : memref<50176x16xf32, #tpu.memory_space<vmem_shared>> -> memref<50176x16xf32, #tpu.memory_space<vmem_shared>>
        tpu.wait_indirect_dma semaphore(%run_scoped3A : memref<!tpu.dma_semaphore, #tpu.memory_space<semaphore_mem>>) src(%arg10 : memref<128x16xf32, #tpu.memory_space<vmem>>) dst(%dma_wait3A_60 : memref<50176x16xf32, #tpu.memory_space<vmem_shared>>)
        tpu.yield
      }) : () -> ()
    }
    %scan3A_13 = arith.constant 98 : i32
    %barrier3A_14 = arith.constant 0 : index
    tpu.barrier barrier_id(%barrier3A_14)
    %mul3A_15 = arith.constant 3136 : i32
    %mul3A_16 = arith.muli %arg1, %mul3A_15 : i32
    %mul3A_17 = arith.constant 3136 : i32
    %mul3A_18 = arith.muli %arg1, %mul3A_17 : i32
    "tpu.region"() ({
      %run_scoped3A = tpu.sem_alloc : memref<!tpu.dma_semaphore, #tpu.memory_space<semaphore_mem>>
      %dma_start3A_19 = arith.constant 0 : i32
      %dma_start3A_20 = tpu.memref_slice %arg6[%arg0, %mul3A_18, %dma_start3A_19] : memref<2x50176x16xf32, #tpu.memory_space<hbm>> -> memref<1x3136x16xf32, #tpu.memory_space<hbm>>
      %dma_start3A_21 = tpu.memref_squeeze %dma_start3A_20 : memref<1x3136x16xf32, #tpu.memory_space<hbm>> -> memref<3136x16xf32, #tpu.memory_space<hbm>>
      %dma_start3A_22 = arith.constant 0 : i32
      %dma_start3A_23 = tpu.memref_slice %arg11[%mul3A_16, %dma_start3A_22] : memref<50176x16xf32, #tpu.memory_space<vmem_shared>> -> memref<3136x16xf32, #tpu.memory_space<vmem_shared>>
      tpu.enqueue_dma source(%dma_start3A_23 : memref<3136x16xf32, #tpu.memory_space<vmem_shared>>) target(%dma_start3A_21 : memref<3136x16xf32, #tpu.memory_space<hbm>>) target_semaphore(%run_scoped3A : memref<!tpu.dma_semaphore, #tpu.memory_space<semaphore_mem>>)
      %dma_wait3A = arith.constant 0 : i32
      %dma_wait3A_24 = tpu.memref_slice %arg6[%arg0, %mul3A_18, %dma_wait3A] : memref<2x50176x16xf32, #tpu.memory_space<hbm>> -> memref<1x3136x16xf32, #tpu.memory_space<hbm>>
      %dma_wait3A_25 = tpu.memref_squeeze %dma_wait3A_24 : memref<1x3136x16xf32, #tpu.memory_space<hbm>> -> memref<3136x16xf32, #tpu.memory_space<hbm>>
      %dma_wait3A_26 = arith.constant 0 : i32
      %dma_wait3A_27 = tpu.memref_slice %arg11[%mul3A_16, %dma_wait3A_26] : memref<50176x16xf32, #tpu.memory_space<vmem_shared>> -> memref<3136x16xf32, #tpu.memory_space<vmem_shared>>
      tpu.wait_dma2 semaphore(%run_scoped3A : memref<!tpu.dma_semaphore, #tpu.memory_space<semaphore_mem>>) src(%dma_wait3A_27 : memref<3136x16xf32, #tpu.memory_space<vmem_shared>>) dst(%dma_wait3A_25 : memref<3136x16xf32, #tpu.memory_space<hbm>>)
      tpu.yield
    }) : () -> ()
    return
  }
}

module attributes {stable_mosaic.version = 14 : i64} {
  func.func @_embed_body(%arg0: i32, %arg1: memref<1024x1xi32, #tpu.memory_space<vmem>>, %arg2: memref<10x16xf32, #tpu.memory_space<vmem>>, %arg3: memref<1024x16xf32, #tpu.memory_space<vmem>>) attributes {dimension_semantics = [#tpu.dimension_semantics<arbitrary>], iteration_bounds = array<i64: 49>, scalar_prefetch = 0 : i64, scratch_operands = 0 : i64, tpu.core_type = #tpu.core_type<tc>, window_params = [{transform_indices = @transform_0, window_bounds = array<i64: 1024, 1>}, {pipeline_mode = #tpu.pipeline_mode<synchronous>, transform_indices = @transform_1, window_bounds = array<i64: 10, 16>}, {transform_indices = @transform_2, window_bounds = array<i64: 1024, 16>}]} {
    %get3A = arith.constant 0 : index
    %get3A_0 = arith.constant 0 : index
    %get3A_1 = vector.load %arg1[%get3A, %get3A_0] : memref<1024x1xi32, #tpu.memory_space<vmem>>, vector<1024x1xi32>
    %iota3A = tpu.iota {dimensions = array<i32: 1>} : vector<1024x10xi32>
    %eq3A = vector.broadcast %get3A_1 : vector<1024x1xi32> to vector<1024x10xi32>
    %eq3A_2 = arith.cmpi eq, %eq3A, %iota3A : vector<1024x10xi32>
    %convert_element_type3A = arith.extui %eq3A_2 : vector<1024x10xi1> to vector<1024x10xi32>
    %convert_element_type3A_3 = arith.sitofp %convert_element_type3A : vector<1024x10xi32> to vector<1024x10xf32>
    %get3A_4 = arith.constant 0 : index
    %get3A_5 = arith.constant 0 : index
    %get3A_6 = vector.load %arg2[%get3A_4, %get3A_5] : memref<10x16xf32, #tpu.memory_space<vmem>>, vector<10x16xf32>
    %dot_general3A = arith.constant dense<0.000000e+00> : vector<1024x16xf32>
    %dot_general3A_7 = tpu.matmul %convert_element_type3A_3, %get3A_6, %dot_general3A {dimension_numbers = #tpu.dot_dimension_numbers<[1], [0], [0], [1], [0, 0, 1, 1], [], []>, precision = #tpu.contract_precision<fp32>, transpose_lhs_hint = false} : vector<1024x10xf32>, vector<10x16xf32>, vector<1024x16xf32> -> vector<1024x16xf32>
    %swap3A = arith.constant 0 : index
    %swap3A_8 = arith.constant 0 : index
    %swap3A_9 = vector.load %arg3[%swap3A, %swap3A_8] : memref<1024x16xf32, #tpu.memory_space<vmem>>, vector<1024x16xf32>
    tpu.vector_store %arg3[%swap3A, %swap3A_8], %dot_general3A_7 {strides = array<i32>} : memref<1024x16xf32, #tpu.memory_space<vmem>>, vector<1024x16xf32>,
    return
  }
  func.func @transform_0(%arg0: i32) -> (i32, i32) {
    %c0_i32 = arith.constant 0 : i32
    %c0_i32_0 = arith.constant 0 : i32
    return %arg0, %c0_i32 : i32, i32
  }
  func.func @transform_1(%arg0: i32) -> (i32, i32) {
    %c0_i32 = arith.constant 0 : i32
    %c0_i32_0 = arith.constant 0 : i32
    %c0_i32_1 = arith.constant 0 : i32
    return %c0_i32, %c0_i32_0 : i32, i32
  }
  func.func @transform_2(%arg0: i32) -> (i32, i32) {
    %c0_i32 = arith.constant 0 : i32
    %c0_i32_0 = arith.constant 0 : i32
    return %arg0, %c0_i32 : i32, i32
  }
}

module attributes {stable_mosaic.version = 14 : i64} {
  func.func @_layer_body(%arg0: i32, %arg1: memref<1024x16xf32, #tpu.memory_space<vmem>>, %arg2: memref<1024x16xf32, #tpu.memory_space<vmem>>, %arg3: memref<1024x16xf32, #tpu.memory_space<vmem>>, %arg4: memref<16x16xf32, #tpu.memory_space<vmem>>, %arg5: memref<1x16xf32, #tpu.memory_space<vmem>>, %arg6: memref<16x16xf32, #tpu.memory_space<vmem>>, %arg7: memref<1024x16xf32, #tpu.memory_space<vmem>>) attributes {dimension_semantics = [#tpu.dimension_semantics<arbitrary>], iteration_bounds = array<i64: 49>, scalar_prefetch = 0 : i64, scratch_operands = 0 : i64, tpu.core_type = #tpu.core_type<tc>, window_params = [{transform_indices = @transform_0, window_bounds = array<i64: 1024, 16>}, {transform_indices = @transform_1, window_bounds = array<i64: 1024, 16>}, {transform_indices = @transform_2, window_bounds = array<i64: 1024, 16>}, {pipeline_mode = #tpu.pipeline_mode<synchronous>, transform_indices = @transform_3, window_bounds = array<i64: 16, 16>}, {pipeline_mode = #tpu.pipeline_mode<synchronous>, transform_indices = @transform_4, window_bounds = array<i64: 1, 16>}, {pipeline_mode = #tpu.pipeline_mode<synchronous>, transform_indices = @transform_5, window_bounds = array<i64: 16, 16>}, {transform_indices = @transform_6, window_bounds = array<i64: 1024, 16>}]} {
    %get3A = arith.constant 0 : index
    %get3A_0 = arith.constant 0 : index
    %get3A_1 = vector.load %arg1[%get3A, %get3A_0] : memref<1024x16xf32, #tpu.memory_space<vmem>>, vector<1024x16xf32>
    %get3A_2 = arith.constant 0 : index
    %get3A_3 = arith.constant 0 : index
    %get3A_4 = vector.load %arg2[%get3A_2, %get3A_3] : memref<1024x16xf32, #tpu.memory_space<vmem>>, vector<1024x16xf32>
    %add3A = arith.addf %get3A_1, %get3A_4 : vector<1024x16xf32>
    %get3A_5 = arith.constant 0 : index
    %get3A_6 = arith.constant 0 : index
    %get3A_7 = vector.load %arg4[%get3A_5, %get3A_6] : memref<16x16xf32, #tpu.memory_space<vmem>>, vector<16x16xf32>
    %dot_general3A = arith.constant dense<0.000000e+00> : vector<1024x16xf32>
    %dot_general3A_8 = tpu.matmul %add3A, %get3A_7, %dot_general3A {dimension_numbers = #tpu.dot_dimension_numbers<[1], [0], [0], [1], [0, 0, 1, 1], [], []>, transpose_lhs_hint = false} : vector<1024x16xf32>, vector<16x16xf32>, vector<1024x16xf32> -> vector<1024x16xf32>
    %get3A_9 = arith.constant 0 : index
    %get3A_10 = arith.constant 0 : index
    %get3A_11 = vector.load %arg5[%get3A_9, %get3A_10] : memref<1x16xf32, #tpu.memory_space<vmem>>, vector<1x16xf32>
    %add3A_12 = vector.broadcast %get3A_11 : vector<1x16xf32> to vector<1024x16xf32>
    %add3A_13 = arith.addf %dot_general3A_8, %add3A_12 : vector<1024x16xf32>
    %get3A_14 = arith.constant 0 : index
    %get3A_15 = arith.constant 0 : index
    %get3A_16 = vector.load %arg3[%get3A_14, %get3A_15] : memref<1024x16xf32, #tpu.memory_space<vmem>>, vector<1024x16xf32>
    %get3A_17 = arith.constant 0 : index
    %get3A_18 = arith.constant 0 : index
    %get3A_19 = vector.load %arg6[%get3A_17, %get3A_18] : memref<16x16xf32, #tpu.memory_space<vmem>>, vector<16x16xf32>
    %dot_general3A_20 = arith.constant dense<0.000000e+00> : vector<1024x16xf32>
    %dot_general3A_21 = tpu.matmul %get3A_16, %get3A_19, %dot_general3A_20 {dimension_numbers = #tpu.dot_dimension_numbers<[1], [0], [0], [1], [0, 0, 1, 1], [], []>, transpose_lhs_hint = false} : vector<1024x16xf32>, vector<16x16xf32>, vector<1024x16xf32> -> vector<1024x16xf32>
    %add3A_22 = arith.addf %add3A_13, %dot_general3A_21 : vector<1024x16xf32>
    %ge3A = arith.constant 0.000000e+00 : f32
    %ge3A_23 = vector.broadcast %ge3A : f32 to vector<1024x16xf32>
    %ge3A_24 = arith.cmpf oge, %add3A_22, %ge3A_23 : vector<1024x16xf32>
    %mul3A = arith.constant 0.00999999977 : f32
    %mul3A_25 = vector.broadcast %mul3A : f32 to vector<1024x16xf32>
    %mul3A_26 = arith.mulf %mul3A_25, %add3A_22 : vector<1024x16xf32>
    %select_n3A = arith.select %ge3A_24, %add3A_22, %mul3A_26 : vector<1024x16xi1>, vector<1024x16xf32>
    %swap3A = arith.constant 0 : index
    %swap3A_27 = arith.constant 0 : index
    %swap3A_28 = vector.load %arg7[%swap3A, %swap3A_27] : memref<1024x16xf32, #tpu.memory_space<vmem>>, vector<1024x16xf32>
    tpu.vector_store %arg7[%swap3A, %swap3A_27], %select_n3A {strides = array<i32>} : memref<1024x16xf32, #tpu.memory_space<vmem>>, vector<1024x16xf32>,
    return
  }
  func.func @transform_0(%arg0: i32) -> (i32, i32) {
    %c0_i32 = arith.constant 0 : i32
    %c0_i32_0 = arith.constant 0 : i32
    return %arg0, %c0_i32 : i32, i32
  }
  func.func @transform_1(%arg0: i32) -> (i32, i32) {
    %c0_i32 = arith.constant 0 : i32
    %c0_i32_0 = arith.constant 0 : i32
    return %arg0, %c0_i32 : i32, i32
  }
  func.func @transform_2(%arg0: i32) -> (i32, i32) {
    %c0_i32 = arith.constant 0 : i32
    %c0_i32_0 = arith.constant 0 : i32
    return %arg0, %c0_i32 : i32, i32
  }
  func.func @transform_3(%arg0: i32) -> (i32, i32) {
    %c0_i32 = arith.constant 0 : i32
    %c0_i32_0 = arith.constant 0 : i32
    %c0_i32_1 = arith.constant 0 : i32
    return %c0_i32, %c0_i32_0 : i32, i32
  }
  func.func @transform_4(%arg0: i32) -> (i32, i32) {
    %c0_i32 = arith.constant 0 : i32
    %c0_i32_0 = arith.constant 0 : i32
    %c0_i32_1 = arith.constant 0 : i32
    return %c0_i32, %c0_i32_0 : i32, i32
  }
  func.func @transform_5(%arg0: i32) -> (i32, i32) {
    %c0_i32 = arith.constant 0 : i32
    %c0_i32_0 = arith.constant 0 : i32
    %c0_i32_1 = arith.constant 0 : i32
    return %c0_i32, %c0_i32_0 : i32, i32
  }
  func.func @transform_6(%arg0: i32) -> (i32, i32) {
    %c0_i32 = arith.constant 0 : i32
    %c0_i32_0 = arith.constant 0 : i32
    return %arg0, %c0_i32 : i32, i32
  }
}

module attributes {stable_mosaic.version = 14 : i64} {
  func.func @_layer_body(%arg0: i32, %arg1: memref<1024x16xf32, #tpu.memory_space<vmem>>, %arg2: memref<1024x16xf32, #tpu.memory_space<vmem>>, %arg3: memref<1024x16xf32, #tpu.memory_space<vmem>>, %arg4: memref<16x64xf32, #tpu.memory_space<vmem>>, %arg5: memref<1x64xf32, #tpu.memory_space<vmem>>, %arg6: memref<16x64xf32, #tpu.memory_space<vmem>>, %arg7: memref<1024x64xf32, #tpu.memory_space<vmem>>) attributes {dimension_semantics = [#tpu.dimension_semantics<arbitrary>], iteration_bounds = array<i64: 49>, scalar_prefetch = 0 : i64, scratch_operands = 0 : i64, tpu.core_type = #tpu.core_type<tc>, window_params = [{transform_indices = @transform_0, window_bounds = array<i64: 1024, 16>}, {transform_indices = @transform_1, window_bounds = array<i64: 1024, 16>}, {transform_indices = @transform_2, window_bounds = array<i64: 1024, 16>}, {pipeline_mode = #tpu.pipeline_mode<synchronous>, transform_indices = @transform_3, window_bounds = array<i64: 16, 64>}, {pipeline_mode = #tpu.pipeline_mode<synchronous>, transform_indices = @transform_4, window_bounds = array<i64: 1, 64>}, {pipeline_mode = #tpu.pipeline_mode<synchronous>, transform_indices = @transform_5, window_bounds = array<i64: 16, 64>}, {transform_indices = @transform_6, window_bounds = array<i64: 1024, 64>}]} {
    %get3A = arith.constant 0 : index
    %get3A_0 = arith.constant 0 : index
    %get3A_1 = vector.load %arg1[%get3A, %get3A_0] : memref<1024x16xf32, #tpu.memory_space<vmem>>, vector<1024x16xf32>
    %get3A_2 = arith.constant 0 : index
    %get3A_3 = arith.constant 0 : index
    %get3A_4 = vector.load %arg2[%get3A_2, %get3A_3] : memref<1024x16xf32, #tpu.memory_space<vmem>>, vector<1024x16xf32>
    %add3A = arith.addf %get3A_1, %get3A_4 : vector<1024x16xf32>
    %get3A_5 = arith.constant 0 : index
    %get3A_6 = arith.constant 0 : index
    %get3A_7 = vector.load %arg4[%get3A_5, %get3A_6] : memref<16x64xf32, #tpu.memory_space<vmem>>, vector<16x64xf32>
    %dot_general3A = arith.constant dense<0.000000e+00> : vector<1024x64xf32>
    %dot_general3A_8 = tpu.matmul %add3A, %get3A_7, %dot_general3A {dimension_numbers = #tpu.dot_dimension_numbers<[1], [0], [0], [1], [0, 0, 1, 1], [], []>, transpose_lhs_hint = false} : vector<1024x16xf32>, vector<16x64xf32>, vector<1024x64xf32> -> vector<1024x64xf32>
    %get3A_9 = arith.constant 0 : index
    %get3A_10 = arith.constant 0 : index
    %get3A_11 = vector.load %arg5[%get3A_9, %get3A_10] : memref<1x64xf32, #tpu.memory_space<vmem>>, vector<1x64xf32>
    %add3A_12 = vector.broadcast %get3A_11 : vector<1x64xf32> to vector<1024x64xf32>
    %add3A_13 = arith.addf %dot_general3A_8, %add3A_12 : vector<1024x64xf32>
    %get3A_14 = arith.constant 0 : index
    %get3A_15 = arith.constant 0 : index
    %get3A_16 = vector.load %arg3[%get3A_14, %get3A_15] : memref<1024x16xf32, #tpu.memory_space<vmem>>, vector<1024x16xf32>
    %get3A_17 = arith.constant 0 : index
    %get3A_18 = arith.constant 0 : index
    %get3A_19 = vector.load %arg6[%get3A_17, %get3A_18] : memref<16x64xf32, #tpu.memory_space<vmem>>, vector<16x64xf32>
    %dot_general3A_20 = arith.constant dense<0.000000e+00> : vector<1024x64xf32>
    %dot_general3A_21 = tpu.matmul %get3A_16, %get3A_19, %dot_general3A_20 {dimension_numbers = #tpu.dot_dimension_numbers<[1], [0], [0], [1], [0, 0, 1, 1], [], []>, transpose_lhs_hint = false} : vector<1024x16xf32>, vector<16x64xf32>, vector<1024x64xf32> -> vector<1024x64xf32>
    %add3A_22 = arith.addf %add3A_13, %dot_general3A_21 : vector<1024x64xf32>
    %ge3A = arith.constant 0.000000e+00 : f32
    %ge3A_23 = vector.broadcast %ge3A : f32 to vector<1024x64xf32>
    %ge3A_24 = arith.cmpf oge, %add3A_22, %ge3A_23 : vector<1024x64xf32>
    %mul3A = arith.constant 0.00999999977 : f32
    %mul3A_25 = vector.broadcast %mul3A : f32 to vector<1024x64xf32>
    %mul3A_26 = arith.mulf %mul3A_25, %add3A_22 : vector<1024x64xf32>
    %select_n3A = arith.select %ge3A_24, %add3A_22, %mul3A_26 : vector<1024x64xi1>, vector<1024x64xf32>
    %swap3A = arith.constant 0 : index
    %swap3A_27 = arith.constant 0 : index
    %swap3A_28 = vector.load %arg7[%swap3A, %swap3A_27] : memref<1024x64xf32, #tpu.memory_space<vmem>>, vector<1024x64xf32>
    tpu.vector_store %arg7[%swap3A, %swap3A_27], %select_n3A {strides = array<i32>} : memref<1024x64xf32, #tpu.memory_space<vmem>>, vector<1024x64xf32>,
    return
  }
  func.func @transform_0(%arg0: i32) -> (i32, i32) {
    %c0_i32 = arith.constant 0 : i32
    %c0_i32_0 = arith.constant 0 : i32
    return %arg0, %c0_i32 : i32, i32
  }
  func.func @transform_1(%arg0: i32) -> (i32, i32) {
    %c0_i32 = arith.constant 0 : i32
    %c0_i32_0 = arith.constant 0 : i32
    return %arg0, %c0_i32 : i32, i32
  }
  func.func @transform_2(%arg0: i32) -> (i32, i32) {
    %c0_i32 = arith.constant 0 : i32
    %c0_i32_0 = arith.constant 0 : i32
    return %arg0, %c0_i32 : i32, i32
  }
  func.func @transform_3(%arg0: i32) -> (i32, i32) {
    %c0_i32 = arith.constant 0 : i32
    %c0_i32_0 = arith.constant 0 : i32
    %c0_i32_1 = arith.constant 0 : i32
    return %c0_i32, %c0_i32_0 : i32, i32
  }
  func.func @transform_4(%arg0: i32) -> (i32, i32) {
    %c0_i32 = arith.constant 0 : i32
    %c0_i32_0 = arith.constant 0 : i32
    %c0_i32_1 = arith.constant 0 : i32
    return %c0_i32, %c0_i32_0 : i32, i32
  }
  func.func @transform_5(%arg0: i32) -> (i32, i32) {
    %c0_i32 = arith.constant 0 : i32
    %c0_i32_0 = arith.constant 0 : i32
    %c0_i32_1 = arith.constant 0 : i32
    return %c0_i32, %c0_i32_0 : i32, i32
  }
  func.func @transform_6(%arg0: i32) -> (i32, i32) {
    %c0_i32 = arith.constant 0 : i32
    %c0_i32_0 = arith.constant 0 : i32
    return %arg0, %c0_i32 : i32, i32
  }
}

module attributes {stable_mosaic.version = 14 : i64} {
  func.func @_layer3_body(%arg0: i32, %arg1: memref<1024x16xf32, #tpu.memory_space<vmem>>, %arg2: memref<1024x16xf32, #tpu.memory_space<vmem>>, %arg3: memref<1024x16xf32, #tpu.memory_space<vmem>>, %arg4: memref<1024x16xf32, #tpu.memory_space<vmem>>, %arg5: memref<1024x16xf32, #tpu.memory_space<vmem>>, %arg6: memref<1024x16xf32, #tpu.memory_space<vmem>>, %arg7: memref<1024x16xf32, #tpu.memory_space<vmem>>, %arg8: memref<1024x16xf32, #tpu.memory_space<vmem>>, %arg9: memref<1024x64xf32, #tpu.memory_space<vmem>>, %arg10: memref<64x16xf32, #tpu.memory_space<vmem>>, %arg11: memref<1x16xf32, #tpu.memory_space<vmem>>, %arg12: memref<64x16xf32, #tpu.memory_space<vmem>>, %arg13: memref<1024x1xi32, #tpu.memory_space<vmem>>, %arg14: memref<16x7xf32, #tpu.memory_space<vmem>>, %arg15: memref<1x7xf32, #tpu.memory_space<vmem>>, %arg16: memref<1024x16xf32, #tpu.memory_space<vmem>>, %arg17: memref<64x7xf32, #tpu.memory_space<vmem>>, %arg18: memref<64x16xf32, #tpu.memory_space<vmem>>, %arg19: memref<64x1xf32, #tpu.memory_space<vmem>>) attributes {dimension_semantics = [#tpu.dimension_semantics<arbitrary>], iteration_bounds = array<i64: 49>, scalar_prefetch = 0 : i64, scratch_operands = 2 : i64, tpu.core_type = #tpu.core_type<tc>, window_params = [{transform_indices = @transform_0, window_bounds = array<i64: 1024, 16>}, {transform_indices = @transform_1, window_bounds = array<i64: 1024, 16>}, {transform_indices = @transform_2, window_bounds = array<i64: 1024, 16>}, {transform_indices = @transform_3, window_bounds = array<i64: 1024, 16>}, {transform_indices = @transform_4, window_bounds = array<i64: 1024, 16>}, {transform_indices = @transform_5, window_bounds = array<i64: 1024, 16>}, {transform_indices = @transform_6, window_bounds = array<i64: 1024, 16>}, {transform_indices = @transform_7, window_bounds = array<i64: 1024, 16>}, {transform_indices = @transform_8, window_bounds = array<i64: 1024, 64>}, {pipeline_mode = #tpu.pipeline_mode<synchronous>, transform_indices = @transform_9, window_bounds = array<i64: 64, 16>}, {pipeline_mode = #tpu.pipeline_mode<synchronous>, transform_indices = @transform_10, window_bounds = array<i64: 1, 16>}, {pipeline_mode = #tpu.pipeline_mode<synchronous>, transform_indices = @transform_11, window_bounds = array<i64: 64, 16>}, {transform_indices = @transform_12, window_bounds = array<i64: 1024, 1>}, {pipeline_mode = #tpu.pipeline_mode<synchronous>, transform_indices = @transform_13, window_bounds = array<i64: 16, 7>}, {pipeline_mode = #tpu.pipeline_mode<synchronous>, transform_indices = @transform_14, window_bounds = array<i64: 1, 7>}, {transform_indices = @transform_15, window_bounds = array<i64: 1024, 16>}, {pipeline_mode = #tpu.pipeline_mode<synchronous>, transform_indices = @transform_16, window_bounds = array<i64: 64, 7>}]} {
    %get3A = arith.constant 0 : index
    %get3A_0 = arith.constant 0 : index
    %get3A_1 = vector.load %arg1[%get3A, %get3A_0] : memref<1024x16xf32, #tpu.memory_space<vmem>>, vector<1024x16xf32>
    %get3A_2 = arith.constant 0 : index
    %get3A_3 = arith.constant 0 : index
    %get3A_4 = vector.load %arg2[%get3A_2, %get3A_3] : memref<1024x16xf32, #tpu.memory_space<vmem>>, vector<1024x16xf32>
    %add3A = arith.addf %get3A_1, %get3A_4 : vector<1024x16xf32>
    %get3A_5 = arith.constant 0 : index
    %get3A_6 = arith.constant 0 : index
    %get3A_7 = vector.load %arg3[%get3A_5, %get3A_6] : memref<1024x16xf32, #tpu.memory_space<vmem>>, vector<1024x16xf32>
    %get3A_8 = arith.constant 0 : index
    %get3A_9 = arith.constant 0 : index
    %get3A_10 = vector.load %arg4[%get3A_8, %get3A_9] : memref<1024x16xf32, #tpu.memory_space<vmem>>, vector<1024x16xf32>
    %add3A_11 = arith.addf %get3A_7, %get3A_10 : vector<1024x16xf32>
    %get3A_12 = arith.constant 0 : index
    %get3A_13 = arith.constant 0 : index
    %get3A_14 = vector.load %arg5[%get3A_12, %get3A_13] : memref<1024x16xf32, #tpu.memory_space<vmem>>, vector<1024x16xf32>
    %get3A_15 = arith.constant 0 : index
    %get3A_16 = arith.constant 0 : index
    %get3A_17 = vector.load %arg6[%get3A_15, %get3A_16] : memref<1024x16xf32, #tpu.memory_space<vmem>>, vector<1024x16xf32>
    %add3A_18 = arith.addf %get3A_14, %get3A_17 : vector<1024x16xf32>
    %get3A_19 = arith.constant 0 : index
    %get3A_20 = arith.constant 0 : index
    %get3A_21 = vector.load %arg7[%get3A_19, %get3A_20] : memref<1024x16xf32, #tpu.memory_space<vmem>>, vector<1024x16xf32>
    %get3A_22 = arith.constant 0 : index
    %get3A_23 = arith.constant 0 : index
    %get3A_24 = vector.load %arg8[%get3A_22, %get3A_23] : memref<1024x16xf32, #tpu.memory_space<vmem>>, vector<1024x16xf32>
    %add3A_25 = arith.addf %get3A_21, %get3A_24 : vector<1024x16xf32>
    %concatenate3A = tpu.concatenate %add3A, %add3A_11, %add3A_18, %add3A_25 in 1 : vector<1024x16xf32>, vector<1024x16xf32>, vector<1024x16xf32>, vector<1024x16xf32> -> vector<1024x64xf32>
    %get3A_26 = arith.constant 0 : index
    %get3A_27 = arith.constant 0 : index
    %get3A_28 = vector.load %arg10[%get3A_26, %get3A_27] : memref<64x16xf32, #tpu.memory_space<vmem>>, vector<64x16xf32>
    %dot_general3A = arith.constant dense<0.000000e+00> : vector<1024x16xf32>
    %dot_general3A_29 = tpu.matmul %concatenate3A, %get3A_28, %dot_general3A {dimension_numbers = #tpu.dot_dimension_numbers<[1], [0], [0], [1], [0, 0, 1, 1], [], []>, transpose_lhs_hint = false} : vector<1024x64xf32>, vector<64x16xf32>, vector<1024x16xf32> -> vector<1024x16xf32>
    %get3A_30 = arith.constant 0 : index
    %get3A_31 = arith.constant 0 : index
    %get3A_32 = vector.load %arg11[%get3A_30, %get3A_31] : memref<1x16xf32, #tpu.memory_space<vmem>>, vector<1x16xf32>
    %add3A_33 = vector.broadcast %get3A_32 : vector<1x16xf32> to vector<1024x16xf32>
    %add3A_34 = arith.addf %dot_general3A_29, %add3A_33 : vector<1024x16xf32>
    %get3A_35 = arith.constant 0 : index
    %get3A_36 = arith.constant 0 : index
    %get3A_37 = vector.load %arg9[%get3A_35, %get3A_36] : memref<1024x64xf32, #tpu.memory_space<vmem>>, vector<1024x64xf32>
    %get3A_38 = arith.constant 0 : index
    %get3A_39 = arith.constant 0 : index
    %get3A_40 = vector.load %arg12[%get3A_38, %get3A_39] : memref<64x16xf32, #tpu.memory_space<vmem>>, vector<64x16xf32>
    %dot_general3A_41 = arith.constant dense<0.000000e+00> : vector<1024x16xf32>
    %dot_general3A_42 = tpu.matmul %get3A_37, %get3A_40, %dot_general3A_41 {dimension_numbers = #tpu.dot_dimension_numbers<[1], [0], [0], [1], [0, 0, 1, 1], [], []>, transpose_lhs_hint = false} : vector<1024x64xf32>, vector<64x16xf32>, vector<1024x16xf32> -> vector<1024x16xf32>
    %add3A_43 = arith.addf %add3A_34, %dot_general3A_42 : vector<1024x16xf32>
    %ge3A = arith.constant 0.000000e+00 : f32
    %ge3A_44 = vector.broadcast %ge3A : f32 to vector<1024x16xf32>
    %ge3A_45 = arith.cmpf oge, %add3A_43, %ge3A_44 : vector<1024x16xf32>
    %mul3A = arith.constant 0.00999999977 : f32
    %mul3A_46 = vector.broadcast %mul3A : f32 to vector<1024x16xf32>
    %mul3A_47 = arith.mulf %mul3A_46, %add3A_43 : vector<1024x16xf32>
    %select_n3A = arith.select %ge3A_45, %add3A_43, %mul3A_47 : vector<1024x16xi1>, vector<1024x16xf32>
    %swap3A = arith.constant 0 : index
    %swap3A_48 = arith.constant 0 : index
    %swap3A_49 = vector.load %arg16[%swap3A, %swap3A_48] : memref<1024x16xf32, #tpu.memory_space<vmem>>, vector<1024x16xf32>
    tpu.vector_store %arg16[%swap3A, %swap3A_48], %select_n3A {strides = array<i32>} : memref<1024x16xf32, #tpu.memory_space<vmem>>, vector<1024x16xf32>,
    %get3A_50 = arith.constant 0 : index
    %get3A_51 = arith.constant 0 : index
    %get3A_52 = vector.load %arg13[%get3A_50, %get3A_51] : memref<1024x1xi32, #tpu.memory_space<vmem>>, vector<1024x1xi32>
    %iota3A = tpu.iota {dimensions = array<i32: 1>} : vector<1024x64xi32>
    %eq3A = vector.broadcast %get3A_52 : vector<1024x1xi32> to vector<1024x64xi32>
    %eq3A_53 = arith.cmpi eq, %eq3A, %iota3A : vector<1024x64xi32>
    %convert_element_type3A = arith.extui %eq3A_53 : vector<1024x64xi1> to vector<1024x64xi32>
    %convert_element_type3A_54 = arith.sitofp %convert_element_type3A : vector<1024x64xi32> to vector<1024x64xf32>
    %dot_general3A_55 = arith.constant dense<0.000000e+00> : vector<64x16xf32>
    %dot_general3A_56 = tpu.matmul %convert_element_type3A_54, %select_n3A, %dot_general3A_55 {dimension_numbers = #tpu.dot_dimension_numbers<[0], [0], [1], [1], [0, 1, 1, 1], [], []>, precision = #tpu.contract_precision<fp32>, transpose_lhs_hint = false} : vector<1024x64xf32>, vector<1024x16xf32>, vector<64x16xf32> -> vector<64x16xf32>
    %broadcast_in_dim3A = arith.constant 1.000000e+00 : f32
    %broadcast_in_dim3A_57 = vector.broadcast %broadcast_in_dim3A : f32 to vector<1024x1xf32>
    %dot_general3A_58 = arith.constant dense<0.000000e+00> : vector<64x1xf32>
    %dot_general3A_59 = tpu.matmul %convert_element_type3A_54, %broadcast_in_dim3A_57, %dot_general3A_58 {dimension_numbers = #tpu.dot_dimension_numbers<[0], [0], [1], [1], [0, 1, 1, 1], [], []>, precision = #tpu.contract_precision<fp32>, transpose_lhs_hint = false} : vector<1024x64xf32>, vector<1024x1xf32>, vector<64x1xf32> -> vector<64x1xf32>
    %eq3A_60 = arith.constant 0 : i32
    %eq3A_61 = arith.cmpi eq, %arg0, %eq3A_60 : i32
    %convert_element_type3A_62 = arith.extui %eq3A_61 : i1 to i32
    %cond3A = arith.constant 0 : i32
    %cond3A_63 = arith.cmpi ne, %convert_element_type3A_62, %cond3A : i32
    scf.if %cond3A_63 {
      %broadcast_in_dim3A_83 = arith.constant 0.000000e+00 : f32
      %broadcast_in_dim3A_84 = vector.broadcast %broadcast_in_dim3A_83 : f32 to vector<64x16xf32>
      %swap3A_85 = arith.constant 0 : index
      %swap3A_86 = arith.constant 0 : index
      %swap3A_87 = vector.load %arg18[%swap3A_85, %swap3A_86] : memref<64x16xf32, #tpu.memory_space<vmem>>, vector<64x16xf32>
      tpu.vector_store %arg18[%swap3A_85, %swap3A_86], %broadcast_in_dim3A_84 {strides = array<i32>} : memref<64x16xf32, #tpu.memory_space<vmem>>, vector<64x16xf32>,
      %broadcast_in_dim3A_88 = arith.constant 0.000000e+00 : f32
      %broadcast_in_dim3A_89 = vector.broadcast %broadcast_in_dim3A_88 : f32 to vector<64x1xf32>
      %swap3A_90 = arith.constant 0 : index
      %swap3A_91 = arith.constant 0 : index
      %swap3A_92 = vector.load %arg19[%swap3A_90, %swap3A_91] : memref<64x1xf32, #tpu.memory_space<vmem>>, vector<64x1xf32>
      tpu.vector_store %arg19[%swap3A_90, %swap3A_91], %broadcast_in_dim3A_89 {strides = array<i32>} : memref<64x1xf32, #tpu.memory_space<vmem>>, vector<64x1xf32>,
    } else {
    }
    %get3A_64 = arith.constant 0 : index
    %get3A_65 = arith.constant 0 : index
    %get3A_66 = vector.load %arg18[%get3A_64, %get3A_65] : memref<64x16xf32, #tpu.memory_space<vmem>>, vector<64x16xf32>
    %add3A_67 = arith.addf %get3A_66, %dot_general3A_56 : vector<64x16xf32>
    %swap3A_68 = arith.constant 0 : index
    %swap3A_69 = arith.constant 0 : index
    %swap3A_70 = vector.load %arg18[%swap3A_68, %swap3A_69] : memref<64x16xf32, #tpu.memory_space<vmem>>, vector<64x16xf32>
    tpu.vector_store %arg18[%swap3A_68, %swap3A_69], %add3A_67 {strides = array<i32>} : memref<64x16xf32, #tpu.memory_space<vmem>>, vector<64x16xf32>,
    %get3A_71 = arith.constant 0 : index
    %get3A_72 = arith.constant 0 : index
    %get3A_73 = vector.load %arg19[%get3A_71, %get3A_72] : memref<64x1xf32, #tpu.memory_space<vmem>>, vector<64x1xf32>
    %add3A_74 = arith.addf %get3A_73, %dot_general3A_59 : vector<64x1xf32>
    %swap3A_75 = arith.constant 0 : index
    %swap3A_76 = arith.constant 0 : index
    %swap3A_77 = vector.load %arg19[%swap3A_75, %swap3A_76] : memref<64x1xf32, #tpu.memory_space<vmem>>, vector<64x1xf32>
    tpu.vector_store %arg19[%swap3A_75, %swap3A_76], %add3A_74 {strides = array<i32>} : memref<64x1xf32, #tpu.memory_space<vmem>>, vector<64x1xf32>,
    %eq3A_78 = arith.constant 48 : i32
    %eq3A_79 = arith.cmpi eq, %arg0, %eq3A_78 : i32
    %convert_element_type3A_80 = arith.extui %eq3A_79 : i1 to i32
    %cond3A_81 = arith.constant 0 : i32
    %cond3A_82 = arith.cmpi ne, %convert_element_type3A_80, %cond3A_81 : i32
    scf.if %cond3A_82 {
      %get3A_83 = arith.constant 0 : index
      %get3A_84 = arith.constant 0 : index
      %get3A_85 = vector.load %arg18[%get3A_83, %get3A_84] : memref<64x16xf32, #tpu.memory_space<vmem>>, vector<64x16xf32>
      %get3A_86 = arith.constant 0 : index
      %get3A_87 = arith.constant 0 : index
      %get3A_88 = vector.load %arg19[%get3A_86, %get3A_87] : memref<64x1xf32, #tpu.memory_space<vmem>>, vector<64x1xf32>
      %max3A = arith.constant 1.000000e+00 : f32
      %max3A_89 = vector.broadcast %max3A : f32 to vector<64x1xf32>
      %max3A_90 = arith.maximumf %get3A_88, %max3A_89 : vector<64x1xf32>
      %div3A = vector.broadcast %max3A_90 : vector<64x1xf32> to vector<64x16xf32>
      %div3A_91 = arith.divf %get3A_85, %div3A : vector<64x16xf32>
      %get3A_92 = arith.constant 0 : index
      %get3A_93 = arith.constant 0 : index
      %get3A_94 = vector.load %arg14[%get3A_92, %get3A_93] : memref<16x7xf32, #tpu.memory_space<vmem>>, vector<16x7xf32>
      %dot_general3A_95 = arith.constant dense<0.000000e+00> : vector<64x7xf32>
      %dot_general3A_96 = tpu.matmul %div3A_91, %get3A_94, %dot_general3A_95 {dimension_numbers = #tpu.dot_dimension_numbers<[1], [0], [0], [1], [0, 0, 1, 1], [], []>, transpose_lhs_hint = false} : vector<64x16xf32>, vector<16x7xf32>, vector<64x7xf32> -> vector<64x7xf32>
      %get3A_97 = arith.constant 0 : index
      %get3A_98 = arith.constant 0 : index
      %get3A_99 = vector.load %arg15[%get3A_97, %get3A_98] : memref<1x7xf32, #tpu.memory_space<vmem>>, vector<1x7xf32>
      %add3A_100 = vector.broadcast %get3A_99 : vector<1x7xf32> to vector<64x7xf32>
      %add3A_101 = arith.addf %dot_general3A_96, %add3A_100 : vector<64x7xf32>
      %swap3A_102 = arith.constant 0 : index
      %swap3A_103 = arith.constant 0 : index
      %swap3A_104 = vector.load %arg17[%swap3A_102, %swap3A_103] : memref<64x7xf32, #tpu.memory_space<vmem>>, vector<64x7xf32>
      tpu.vector_store %arg17[%swap3A_102, %swap3A_103], %add3A_101 {strides = array<i32>} : memref<64x7xf32, #tpu.memory_space<vmem>>, vector<64x7xf32>,
    } else {
    }
    return
  }
  func.func @transform_0(%arg0: i32) -> (i32, i32) {
    %c0_i32 = arith.constant 0 : i32
    %c0_i32_0 = arith.constant 0 : i32
    return %arg0, %c0_i32 : i32, i32
  }
  func.func @transform_1(%arg0: i32) -> (i32, i32) {
    %c0_i32 = arith.constant 0 : i32
    %c0_i32_0 = arith.constant 0 : i32
    return %arg0, %c0_i32 : i32, i32
  }
  func.func @transform_2(%arg0: i32) -> (i32, i32) {
    %c0_i32 = arith.constant 0 : i32
    %c0_i32_0 = arith.constant 0 : i32
    return %arg0, %c0_i32 : i32, i32
  }
  func.func @transform_3(%arg0: i32) -> (i32, i32) {
    %c0_i32 = arith.constant 0 : i32
    %c0_i32_0 = arith.constant 0 : i32
    return %arg0, %c0_i32 : i32, i32
  }
  func.func @transform_4(%arg0: i32) -> (i32, i32) {
    %c0_i32 = arith.constant 0 : i32
    %c0_i32_0 = arith.constant 0 : i32
    return %arg0, %c0_i32 : i32, i32
  }
  func.func @transform_5(%arg0: i32) -> (i32, i32) {
    %c0_i32 = arith.constant 0 : i32
    %c0_i32_0 = arith.constant 0 : i32
    return %arg0, %c0_i32 : i32, i32
  }
  func.func @transform_6(%arg0: i32) -> (i32, i32) {
    %c0_i32 = arith.constant 0 : i32
    %c0_i32_0 = arith.constant 0 : i32
    return %arg0, %c0_i32 : i32, i32
  }
  func.func @transform_7(%arg0: i32) -> (i32, i32) {
    %c0_i32 = arith.constant 0 : i32
    %c0_i32_0 = arith.constant 0 : i32
    return %arg0, %c0_i32 : i32, i32
  }
  func.func @transform_8(%arg0: i32) -> (i32, i32) {
    %c0_i32 = arith.constant 0 : i32
    %c0_i32_0 = arith.constant 0 : i32
    return %arg0, %c0_i32 : i32, i32
  }
  func.func @transform_9(%arg0: i32) -> (i32, i32) {
    %c0_i32 = arith.constant 0 : i32
    %c0_i32_0 = arith.constant 0 : i32
    %c0_i32_1 = arith.constant 0 : i32
    return %c0_i32, %c0_i32_0 : i32, i32
  }
  func.func @transform_10(%arg0: i32) -> (i32, i32) {
    %c0_i32 = arith.constant 0 : i32
    %c0_i32_0 = arith.constant 0 : i32
    %c0_i32_1 = arith.constant 0 : i32
    return %c0_i32, %c0_i32_0 : i32, i32
  }
  func.func @transform_11(%arg0: i32) -> (i32, i32) {
    %c0_i32 = arith.constant 0 : i32
    %c0_i32_0 = arith.constant 0 : i32
    %c0_i32_1 = arith.constant 0 : i32
    return %c0_i32, %c0_i32_0 : i32, i32
  }
  func.func @transform_12(%arg0: i32) -> (i32, i32) {
    %c0_i32 = arith.constant 0 : i32
    %c0_i32_0 = arith.constant 0 : i32
    return %arg0, %c0_i32 : i32, i32
  }
  func.func @transform_13(%arg0: i32) -> (i32, i32) {
    %c0_i32 = arith.constant 0 : i32
    %c0_i32_0 = arith.constant 0 : i32
    %c0_i32_1 = arith.constant 0 : i32
    return %c0_i32, %c0_i32_0 : i32, i32
  }
  func.func @transform_14(%arg0: i32) -> (i32, i32) {
    %c0_i32 = arith.constant 0 : i32
    %c0_i32_0 = arith.constant 0 : i32
    %c0_i32_1 = arith.constant 0 : i32
    return %c0_i32, %c0_i32_0 : i32, i32
  }
  func.func @transform_15(%arg0: i32) -> (i32, i32) {
    %c0_i32 = arith.constant 0 : i32
    %c0_i32_0 = arith.constant 0 : i32
    return %arg0, %c0_i32 : i32, i32
  }
  func.func @transform_16(%arg0: i32) -> (i32, i32) {
    %c0_i32 = arith.constant 0 : i32
    %c0_i32_0 = arith.constant 0 : i32
    %c0_i32_1 = arith.constant 0 : i32
    return %c0_i32, %c0_i32_0 : i32, i32
  }
}

</mosaic_0001>

<sc_bundles>
// kernel: kernel.14.cloned.1.call-start
scs
__scs_entry_jumppad:
0x0: {  	(pc) =	sbr.rel $0x88, $3  }
0x1: {  	(tag) =	ssettag $0x0;
	lr =	simm.s32 $0x1  }
0x2: {  	[smem:$0x3F8F] =	sst lr;
	_ =	strace $0xD0000000  }
0x3: {  	_ = 	snop  }
0x4: {  	_ = 	snop  }
0x5: {  	_ = 	snop  }
0x6: {  	_ = 	snop  }
0x7: {  	_ = 	snop  }
__scs_overlays_trampoline_lowered:
0x8: {  	[smem:$0x3F9E] =	sst s0  }
0x9: {  	[smem:$0x3F9F] =	sst s1  }
0xa: {  	[smem:$0x3FA0] =	sst s2  }
0xb: {  	[smem:$0x3FA1] =	sst s3  }
0xc: {  	[smem:$0x3FA2] =	sst s4  }
0xd: {  	[smem:$0x3FA3] =	sst s5  }
0xe: {  	[smem:$0x3FA4] =	sst s6  }
0xf: {  	[smem:$0x3FA5] =	sst s7  }
0x10: {  	[smem:$0x3FA6] =	sst s8  }
0x11: {  	[smem:$0x3FA7] =	sst s9;
	s0 =	simm.s32 @!p0 $0x0  }
0x12: {  	s1 =	sld [smem:$0x3F8D];
	s0 =	simm.s32 @p0 $0x1  }
0x13: {  	[smem:$0x3FA8] =	sst s0;
	s0 =	simm.s32 @!p1 $0x0  }
0x14: {  	s2 =	sld [smem:$0x3F8C];
	s0 =	simm.s32 @p1 $0x1  }
0x15: {  	[smem:$0x3FA9] =	sst s0;
	s0 =	simm.s32 @!p2 $0x0  }
0x16: {  	s3 =	sld [smem:$0x3FDB];
	s0 =	simm.s32 @p2 $0x1  }
0x17: {  	s4 =	simm.s32 $0x1BF5;
	[smem:$0x3FAB] =	sst s0  }
0x18: {  	s0 =	sld [smem:$0x3F8E];
	_ =	swait.ge [sflag:s4], $0x0  }
0x19: {  	s7 =	sld [smem:$0x3F8F]  }
0x1a: {  	s8 =	sadd.s32 $0xFFFFE003, lr  }
0x1b: {  	s9 =	sadd.s32 $0xFFFFFEF7, lr;
	s5 =	simm.s32 $0xFFFFFFFF;
	p2 =	slt.u32 s8, $0xFFFFF086  }
0x1c: {  	p1 =	slt.u32 s9, $0xF7A;
	s5 =	simm.s32 @!p2 $0x0  }
0x1d: {  	s5 =	simm.s32 @p1 $0x1;
	p0 =	seq.s32 s7, s2  }
0x1e: {  	s7 =	smul.u32 @!p0 $0xF7A, s2;
	p2 =	seq.s32 @!p0 s5, $0x0  }
0x1f: {  	s9 =	smul.u32 $0xF7A, s1;
	s8 =	simm.s32 @!p0 $0x1BF5;
	p2 =	por !p2, p0  }
0x20: {  	[sflag:s8] =	ssyncset.s32 @!p0 $0xFFFFF086;
	s6 =	sadd.s32 @!p0 s3, s7;
	s7 =	simm.s32 @!p0 $0x108  }
0x21: {  	s3 =	sadd.s32 s3, s9;
	s6 =	sadd.s32 @!p0 $0x88, s6;
	s7 =	simm.s32 @p2 $0x1082  }
0x22: {  	[simem:s7], [sflag:s8] =	dma.local @!p0 [hbm:s6], $0xF7A  }
0x23: {  	s9 =	sor.u32 $0xD0000000, s2;
	s6 =	simm.s32 $0x108;
	_ =	swait.ge @!p0 [sflag:s8], $0x0  }
0x24: {  	s3 =	sadd.s32 $0x88, s3;
	s6 =	simm.s32 @!p1 $0x1082;
	[sflag:s4] =	ssyncset.s32 $0xFFFFF086  }
0x25: {  	[simem:s6], [sflag:s4] =	dma.local [hbm:s3], $0xF7A  }
0x26: {  	[smem:$0x3F8F] =	sst s1;
	(tag) =	ssettag s2;
	_ =	strace s9  }
0x27: {  	s1 =	sld [smem:$0x3F9F]  }
0x28: {  	s2 =	sld [smem:$0x3FA0]  }
0x29: {  	s4 =	sld [smem:$0x3FA2]  }
0x2a: {  	p0 =	seq.s32 s5, $0x0;
	s5 =	sld [smem:$0x3FA3]  }
0x2b: {  	s6 =	sld [smem:$0x3FA4]  }
0x2c: {  	s7 =	sld [smem:$0x3FA5]  }
0x2d: {  	s3 =	simm.s32 $0x108;
	s8 =	sld [smem:$0x3FA6]  }
0x2e: {  	s3 =	simm.s32 @!p0 $0x1082;
	s9 =	sld [smem:$0x3FA7]  }
0x2f: {  	lr =	sadd.s32 s0, s3;
	s0 =	sld [smem:$0x3F9E]  }
0x30: {  	s3 =	sld [smem:$0x3FA1]  }
0x31: {  	[smem:$0x3FAA] =	sst s10  }
0x32: {  	s10 =	sld [smem:$0x3FA8];
	_ =	sdelay $0x3  }
0x33: {  	p0 =	seq.s32 s10, $0x1;
	s10 =	sld [smem:$0x3FAA];
	_ =	sdelay $0x3  }
0x34: {  	[smem:$0x3FAA] =	sst s10  }
0x35: {  	s10 =	sld [smem:$0x3FA9];
	_ =	sdelay $0x3  }
0x36: {  	p1 =	seq.s32 s10, $0x1;
	s10 =	sld [smem:$0x3FAA];
	_ =	sdelay $0x3  }
0x37: {  	[smem:$0x3FAA] =	sst s10  }
0x38: {  	s10 =	sld [smem:$0x3FAB]  }
0x39: {  	_ = 	snop;
	(pc) =	sbr.ind lr, $3  }
0x3a: {  	_ = 	snop  }
0x3b: {  	_ = 	snop  }
0x3c: {  	p2 =	seq.s32 s10, $0x1;
	s10 =	sld [smem:$0x3FAA]  }
0x3d: {  	_ =	shalt  }
0x3e: {  	_ =	shalt  }
0x3f: {  	_ =	shalt  }
0x40: {  	_ =	shalt  }
0x41: {  	_ =	shalt  }
0x42: {  	_ =	shalt  }
0x43: {  	_ =	shalt  }
0x44: {  	_ =	shalt  }
0x45: {  	_ =	shalt  }
0x46: {  	_ =	shalt  }
0x47: {  	_ =	shalt  }
0x48: {  	_ =	shalt  }
0x49: {  	_ =	shalt  }
0x4a: {  	_ =	shalt  }
0x4b: {  	_ =	shalt  }
0x4c: {  	_ =	shalt  }
0x4d: {  	_ =	shalt  }
0x4e: {  	_ =	shalt  }
0x4f: {  	_ =	shalt  }
0x50: {  	_ =	shalt  }
0x51: {  	_ =	shalt  }
0x52: {  	_ =	shalt  }
0x53: {  	_ =	shalt  }
0x54: {  	_ =	shalt  }
0x55: {  	_ =	shalt  }
0x56: {  	_ =	shalt  }
0x57: {  	_ =	shalt  }
0x58: {  	_ =	shalt  }
0x59: {  	_ =	shalt  }
0x5a: {  	_ =	shalt  }
0x5b: {  	_ =	shalt  }
0x5c: {  	_ =	shalt  }
0x5d: {  	_ =	shalt  }
0x5e: {  	_ =	shalt  }
0x5f: {  	_ =	shalt  }
0x60: {  	_ =	shalt  }
0x61: {  	_ =	shalt  }
0x62: {  	_ =	shalt  }
0x63: {  	_ =	shalt  }
0x64: {  	_ =	shalt  }
0x65: {  	_ =	shalt  }
0x66: {  	_ =	shalt  }
0x67: {  	_ =	shalt  }
0x68: {  	_ =	shalt  }
0x69: {  	_ =	shalt  }
0x6a: {  	_ =	shalt  }
0x6b: {  	_ =	shalt  }
0x6c: {  	_ =	shalt  }
0x6d: {  	_ =	shalt  }
0x6e: {  	_ =	shalt  }
0x6f: {  	_ =	shalt  }
0x70: {  	_ =	shalt  }
0x71: {  	_ =	shalt  }
0x72: {  	_ =	shalt  }
0x73: {  	_ =	shalt  }
0x74: {  	_ =	shalt  }
0x75: {  	_ =	shalt  }
0x76: {  	_ =	shalt  }
0x77: {  	_ =	shalt  }
0x78: {  	_ =	shalt  }
0x79: {  	_ =	shalt  }
0x7a: {  	_ =	shalt  }
0x7b: {  	_ =	shalt  }
0x7c: {  	_ =	shalt  }
0x7d: {  	_ =	shalt  }
0x7e: {  	_ =	shalt  }
0x7f: {  	_ =	shalt  }
0x80: {  	_ =	shalt  }
0x81: {  	_ =	shalt  }
0x82: {  	_ =	shalt  }
0x83: {  	_ =	shalt  }
0x84: {  	_ =	shalt  }
0x85: {  	_ =	shalt  }
0x86: {  	_ =	shalt  }
0x87: {  	_ =	shalt  }
.Lfunc_end0:
.L_simem_size_0:
called_computation_lowered:
.L_overlay_start_0:
0x88: {  	s2 =	sld [smem:$0x3FD9]  }
0x89: {  	s3 =	sld [smem:$0x3FFE];
	_ =	sdelay $0x1  }
0x8a: {  	s1 =	srdreg.scid  }
0x8b: {  	s0 =	sand.u32 $0x1, s1  }
0x8c: {  	s14 =	sshll.u32 s0, $0xA;
	s2 =	sadd.s32 s3, s2  }
0x8d: {  	s2 =	sadd.s32 s2, s14  }
0x8e: {  	[smem:$0x3FB6] =	sst s2  }
0x8f: {  	_ = 	snop  }
0x90: {  	s2 =	sld [smem:$0x3FD0];
	_ =	sdelay $0x2  }
0x91: {  	s15 =	simm.s32 $0xD;
	s4 =	simm.s32 $0x10  }
0x92: {  	[smem:s4], [sflag:s15] =	dma.local [hbm:s2], $0x1  }
0x93: {  	_ =	swait.eq [sflag:s15], $0x1  }
0x94: {  	[sflag:s15] =	ssyncset.done $0x0  }
0x95: {  	s16 =	sld [smem:$0x11];
	[sflag:s15] =	ssyncadd.s32 $0xFFFFFFFF  }
0x96: {  	s17 =	sld [smem:$0x12];
	(tm) =	ssettm $0x1  }
0x97: {  	s18 =	sld [smem:$0x3FFB];
	_ =	sdelay $0x3  }
0x98: {  	_ =	strace s18  }
0x99: {  	s4 =	sld [smem:$0x3FFC];
	_ =	sdelay $0x3  }
0x9a: {  	_ =	strace s4  }
0x9b: {  	s4 =	sld [smem:$0x3FFD];
	_ =	sdelay $0x3  }
0x9c: {  	_ =	strace s4  }
0x9d: {  	_ =	strace $0x8FFFFFFF  }
0x9e: {  	s19 =	sld [smem:$0x3FDB];
	_ =	sdelay $0x1  }
0x9f: {  	s5 =	simm.s32 $_scs_section_size  }
0xa0: {  	s6 =	simm.s32 $_size__tile_overlayer_lowered;
	s7 =	simm.s32 $_tile_overlayer_lowered  }
0xa1: {  	s22 =	simm.s32 $0x1BFF;
	s21 =	sshll.u32 s7, $0x1;
	s4 =	sadd.s32 s5, s19  }
0xa2: {  	s8 =	simm.s32 $0x0;
	s20 =	sshll.u32 s6, $0x1;
	s6 =	sadd.s32 s21, s4  }
0xa3: {  	[timem:s8], [sflag:s22] =	dma.local [hbm:s6], s20  }
0xa4: {  	_ =	swait.ge [sflag:s22], s20  }
0xa5: {  	s5 =	ssub.s32 $0x0, s20;
	[sflag:s22] =	ssyncset.done $0x0  }
0xa6: {  	[sflag:s22] =	ssyncadd.s32 s5;
	_ =	sdelay $0x1  }
0xa7: {  	s23 =	simm.s32 $0x1B8B  }
0xa8: {  	_ =	swait.ge [sflag:s23], $0x1  }
0xa9: {  	[sflag:s23] =	ssyncset.done $0x0  }
0xaa: {  	s25 =	simm.s32 $0x1B8E;
	s24 =	sld [smem:$0x3FFE];
	[sflag:s23] =	ssyncadd.s32 $0xFFFFFFFF  }
0xab: {  	s26 =	simm.s32 $execute0_lowered;
	[smem:$0x3FD2] =	sst s25  }
0xac: {  	s6 =	sshll.u32 s26, $0x1;
	_ =	strace $0x80000046;
	[dreg:$0x1] =	wrdreg $0xFFFFFFFF  }
0xad: {  	s28 =	simm.s32 $_size_execute0_lowered;
	s4 =	sadd.s32 s4, s6;
	[dreg:$0x0] =	wrdreg $0x0  }
0xae: {  	s6 =	sshll.u32 s28, $0x1;
	[dreg:$0x2] =	wrdreg s4  }
0xaf: {  	[dreg:$0x3] =	wrdreg s6  }
0xb0: {  	[dreg:$0x4] =	wrdreg $0xC0  }
0xb1: {  	_ =	task [dreg:s8], $0x5FFFF  }
0xb2: {  	[dreg:$0x1] =	wrdreg $0xFFFFFFFF  }
0xb3: {  	[dreg:$0x0] =	wrdreg $0x60  }
0xb4: {  	[dreg:$0x2] =	wrdreg s16  }
0xb5: {  	[dreg:$0x3] =	wrdreg s24  }
0xb6: {  	[dreg:$0x4] =	wrdreg s17  }
0xb7: {  	[dreg:$0x5] =	wrdreg $0xD4000  }
0xb8: {  	[dreg:$0x6] =	wrdreg $0x9  }
0xb9: {  	_ =	task.clear_ibuf [dreg:s8], $0x7FFFF;
	_ =	strace $0x90000046  }
0xba: {  	s29 =	simm.s32 $0x9;
	_ =	strace $0x80000048  }
0xbb: {  	_ =	swait.ge [sflag:s29], $0x1  }
0xbc: {  	[sflag:s29] =	ssyncadd.s32 $0xFFFFFFFF  }
0xbd: {  	_ =	strace $0x90000048  }
0xbe: {  	_ =	sfence  }
0xbf: {  	s30 =	sld [smem:$0x0];
	_ =	sdelay $0x2  }
0xc0: {  	s31 =	sshll.u32 s1, $0xD;
	s1 =	sshrl.u32 s1, $0x2  }
0xc1: {  	s3 =	sand.u32 $0x4000, s31;
	s1 =	sadd.s32 s1, s30  }
0xc2: {  	s0 =	sor.u32 s3, s0;
	s1 =	sshll.u32 s1, $0x11  }
0xc3: {  	s0 =	sor.u32 s1, s0  }
0xc4: {  	s0 =	sadd.s32 $0x8F2B, s0  }
0xc5: {  	[sflag:s0] =	ssyncadd.remote.s32 $0x1  }
0xc6: {  	_ =	sfence.sel $0xFFFF  }
0xc7: {  	[dreg:$0x0] =	wrdreg $0xFFFFFFFF;
	(pc) =	sbr.abs _section_cstart, $3  }
0xc8: {  	[dreg:$0x1] =	wrdreg $0xFFFFFFFF  }
0xc9: {  	_ =	task.clear_ibuf [dreg:s8], $0x2FFFF;
	_ =	strace $0x9FFFFFFF  }
0xca: {  	(tm) =	ssettm $0x7FFFFFFF  }
0xcb: {  	_ =	shalt  }
tec
execute0_lowered:
.L_overlay_start_1:
0x0: {  	(tag) =	ssettag $0x1  }
0x1: {  	s1 =	rddreg [dreg:$0x0]  }
0x2: {  	s5 =	rddreg [dreg:$0x1]  }
0x3: {  	s2 =	srdreg.scid;
	s9 =	rddreg [dreg:$0x2]  }
0x4: {  	s0 =	stileid.u32;
	s3 =	rddreg [dreg:$0x3]  }
0x5: {  	s4 =	simm.s32 $0x0;
	s14 =	simm.s32 $0x80;
	s15 =	simm.s32 $0xC400  }
0x6: {  	s16 =	simm.s32 $0xCC00;
	s17 =	simm.s32 $0x1;
	s18 =	simm.s32 $0x2  }
0x7: {  	s19 =	simm.s32 $0x6180;
	s20 =	simm.s32 $0xC300;
	s21 =	simm.s32 $0xC380  }
0x8: {  	s22 =	simm.s32 $0x0;
	s6 =	sand.u32 $0x1, s2;
	s2 =	rddreg [dreg:$0x4]  }
0x9: {  	s29 =	sshll.u32 s0, $0x1;
	[smem:$0x7FF] =	sst s4;
	s10 =	smul.u32 $0xC400, s0  }
0xa: {  	s7 =	sor.u32 s6, s29;
	s8 =	ssub.s32 $0x2, s6;
	s6 =	smul.u32 $0xC4000, s6  }
0xb: {  	s30 =	sshll.u32 s0, $0x6;
	s7 =	smul.u32 $0xC40, s7;
	s11 =	sshrl.u32 s8, $0x1  }
0xc: {  	_ =	strace $0x80000047;
	s13 =	sadd.s32 s10, s3;
	s11 =	ssub.s32 s8, s11  }
0xd: {  	s31 =	sadd.s32 s10, s6;
	s6 =	sor.u32 $0x1C03, s30;
	s12 =	sadd.s32 s7, s5  }
0xe: {  	s5 =	sadd.s32 $0x36A00, s5;
	s10 =	sshrl.u32 s31, $0x3;
	s7 =	sadd.s32 $0x1E200, s12  }
0xf: {  	s8 =	sadd.s32 $0x5A00, s12;
	s9 =	sadd.s32 s9, s10;
	s10 =	smax.u32 s11, $0x1  }
0x10: {  	s11 =	sshrl.u32 s13, $0x3;
	s12 =	simm.s32 $0x3;
	s13 =	simm.s32 $0x6200  }
.LBB2_1:
0x11: {  	[spmem:s11], [sflag:s6] =	dma.local [hbm:s5], $0x1880  }
0x12: {  	_ =	swait.ge [sflag:s12], $0x1880  }
0x13: {  	[sflag:s12] =	ssyncset.done $0x0  }
0x14: {  	[sflag:s12] =	ssyncadd.s32 $0xFFFFE780  }
0x15: {  	[tilespmem:s4], [sflag:$0x3] =	stream.linear.gather [hbm4b:s7+s4], $0x6200, $0x38;
	[tilespmem:$0x19800] =	vst v63  }
0x16: {  	_ =	swait.ge [sflag:s12], $0x6200  }
0x17: {  	[sflag:s12] =	ssyncset.done $0x0  }
0x18: {  	[sflag:s12] =	ssyncadd.s32 $0xFFFF9E00  }
0x19: {  	[tilespmem:s13], [sflag:$0x3] =	stream.linear.gather [hbm4b:s8+s4], $0x6200, $0x38;
	[tilespmem:$0x19800] =	vst v63  }
0x1a: {  	_ =	swait.ge [sflag:s12], $0x6200  }
0x1b: {  	[sflag:s12] =	ssyncset.done $0x0  }
0x1c: {  	[sflag:s12] =	ssyncadd.s32 $0xFFFF9E00  }
0x1d: {  	[bflag:$0x0] =	sbarrier.arrive $0xFFFF  }
0x1e: {  	[tilespmem:s15], [sflag:$0x1] =	stream.indirect.gather [hbm4b:s1+s14], $0x10, s4, s14, $0xb8;
	[tilespmem:$0x19800] =	vst v63  }
0x1f: {  	s23 =	simm.s32 $0x80  }
0x20: {  	[tilespmem:s16], [sflag:$0x2] =	stream.indirect.gather [hbm4b:s1+s14], $0x10, s23, s14, $0xb8;
	[tilespmem:$0x19800] =	vst v63  }
0x21: {  	_ =	swait.ge [sflag:s17], $0x800  }
0x22: {  	[sflag:s17] =	ssyncset.done $0x0  }
0x23: {  	s29 =	simm.s32 $0x6200;
	[sflag:s17] =	ssyncadd.s32 $0xFFFFF800  }
0x24: {  	[spmem:s3] =	stream.indirect.scatter.add.f32 [tilespmem:s15], [sflag:$0x3], $0x10, s29, s14, $0xb8;
	[tilespmem:$0x19800] =	vst v63  }
0x25: {  	_ =	swait.ge [sflag:s12], $0x800  }
0x26: {  	[sflag:s12] =	ssyncset.done $0x0  }
0x27: {  	s30 =	simm.s32 $0x100;
	[sflag:s12] =	ssyncadd.s32 $0xFFFFF800  }
0x28: {  	[tilespmem:s15], [sflag:$0x1] =	stream.indirect.gather [hbm4b:s1+s14], $0x10, s30, s14, $0xb8;
	[tilespmem:$0x19800] =	vst v63  }
0x29: {  	_ =	swait.ge [sflag:s18], $0x800  }
0x2a: {  	[sflag:s18] =	ssyncset.done $0x0  }
0x2b: {  	s31 =	simm.s32 $0x6280;
	[sflag:s18] =	ssyncadd.s32 $0xFFFFF800  }
0x2c: {  	[spmem:s3] =	stream.indirect.scatter.add.f32 [tilespmem:s16], [sflag:$0x3], $0x10, s31, s14, $0xb8;
	[tilespmem:$0x19800] =	vst v63  }
0x2d: {  	_ =	swait.ge [sflag:s12], $0x800  }
0x2e: {  	s24 =	simm.s32 $0x800;
	s23 =	simm.s32 $0x100;
	[sflag:s12] =	ssyncset.done $0x0  }
.LBB2_2:
0x2f: {  	s25 =	sadd.s32 $0x80, s23  }
0x30: {  	[sflag:s12] =	ssyncadd.s32 $0xFFFFF800;
	s26 =	smov.u32 s24;
	s28 =	sadd.s32 $0x400, s24  }
0x31: {  	[tilespmem:s16], [sflag:$0x2] =	stream.indirect.gather [hbm4b:s1+s14], $0x10, s25, s14, $0xb8;
	[tilespmem:$0x19800] =	vst v63  }
0x32: {  	p0 =	sne.s32 s24, $0x18000;
	_ =	swait.ge [sflag:s17], $0x800  }
0x33: {  	[sflag:s17] =	ssyncset.done $0x0  }
0x34: {  	s24 =	sadd.s32 $0x6200, s23;
	[sflag:s17] =	ssyncadd.s32 $0xFFFFF800  }
0x35: {  	[spmem:s3] =	stream.indirect.scatter.add.f32 [tilespmem:s15], [sflag:$0x3], $0x10, s24, s14, $0xb8;
	[tilespmem:$0x19800] =	vst v63  }
0x36: {  	_ =	swait.ge [sflag:s12], $0x800  }
0x37: {  	[sflag:s12] =	ssyncset.done $0x0  }
0x38: {  	s24 =	sadd.s32 $0x100, s23;
	[sflag:s12] =	ssyncadd.s32 $0xFFFFF800  }
0x39: {  	[tilespmem:s15], [sflag:$0x1] =	stream.indirect.gather [hbm4b:s1+s14], $0x10, s24, s14, $0xb8;
	[tilespmem:$0x19800] =	vst v63  }
0x3a: {  	_ =	swait.ge [sflag:s18], $0x800  }
.Ltmp0:
0x3b: {  	[sflag:s18] =	ssyncset.done $0x0;
	(pc) =	sbr.rel @p0 .LBB2_2-.Ltmp0, $4  }
0x3c: {  	s23 =	sadd.s32 $0x6280, s23;
	[sflag:s18] =	ssyncadd.s32 $0xFFFFF800  }
0x3d: {  	[spmem:s3] =	stream.indirect.scatter.add.f32 [tilespmem:s16], [sflag:$0x3], $0x10, s23, s14, $0xb8;
	[tilespmem:$0x19800] =	vst v63  }
0x3e: {  	_ =	swait.ge [sflag:s12], $0x800  }
0x3f: {  	s24 =	smov.u32 s28;
	s23 =	sshra.s32 s26, $0x2;
	[sflag:s12] =	ssyncset.done $0x0  }
0x40: {  	s24 =	sadd.s32 $0x80, s23;
	[sflag:s12] =	ssyncadd.s32 $0xFFFFF800  }
0x41: {  	[tilespmem:s16], [sflag:$0x2] =	stream.indirect.gather [hbm4b:s1+s14], $0x10, s24, s14, $0xb8;
	[tilespmem:$0x19800] =	vst v63  }
0x42: {  	_ =	swait.ge [sflag:s17], $0x800  }
0x43: {  	[sflag:s17] =	ssyncset.done $0x0  }
0x44: {  	s29 =	sadd.s32 $0x6200, s23;
	[sflag:s17] =	ssyncadd.s32 $0xFFFFF800  }
0x45: {  	[spmem:s3] =	stream.indirect.scatter.add.f32 [tilespmem:s15], [sflag:$0x3], $0x10, s29, s14, $0xb8;
	[tilespmem:$0x19800] =	vst v63  }
0x46: {  	_ =	swait.ge [sflag:s12], $0x800  }
0x47: {  	[sflag:s12] =	ssyncset.done $0x0  }
0x48: {  	s30 =	sadd.s32 $0x100, s23;
	[sflag:s12] =	ssyncadd.s32 $0xFFFFF800  }
0x49: {  	[tilespmem:s15], [sflag:$0x1] =	stream.indirect.gather [hbm4b:s1+s14], $0x10, s30, s14, $0xb8;
	[tilespmem:$0x19800] =	vst v63  }
0x4a: {  	_ =	swait.ge [sflag:s18], $0x800  }
0x4b: {  	[sflag:s18] =	ssyncset.done $0x0  }
0x4c: {  	s31 =	sadd.s32 $0x6280, s23;
	[sflag:s18] =	ssyncadd.s32 $0xFFFFF800  }
0x4d: {  	[spmem:s3] =	stream.indirect.scatter.add.f32 [tilespmem:s16], [sflag:$0x3], $0x10, s31, s14, $0xb8;
	[tilespmem:$0x19800] =	vst v63  }
0x4e: {  	_ =	swait.ge [sflag:s12], $0x800  }
0x4f: {  	[sflag:s12] =	ssyncset.done $0x0  }
0x50: {  	[sflag:s12] =	ssyncadd.s32 $0xFFFFF800  }
0x51: {  	[tilespmem:s16], [sflag:$0x2] =	stream.indirect.gather [hbm4b:s1+s14], $0x10, s19, s14, $0xb8;
	[tilespmem:$0x19800] =	vst v63  }
0x52: {  	_ =	swait.ge [sflag:s17], $0x800  }
0x53: {  	[sflag:s17] =	ssyncset.done $0x0  }
0x54: {  	[sflag:s17] =	ssyncadd.s32 $0xFFFFF800  }
0x55: {  	[spmem:s3] =	stream.indirect.scatter.add.f32 [tilespmem:s15], [sflag:$0x3], $0x10, s20, s14, $0xb8;
	[tilespmem:$0x19800] =	vst v63  }
0x56: {  	_ =	swait.ge [sflag:s12], $0x800  }
0x57: {  	[sflag:s12] =	ssyncset.done $0x0  }
0x58: {  	[sflag:s12] =	ssyncadd.s32 $0xFFFFF800  }
0x59: {  	_ =	swait.ge [sflag:s18], $0x800  }
0x5a: {  	[sflag:s18] =	ssyncset.done $0x0  }
0x5b: {  	[sflag:s18] =	ssyncadd.s32 $0xFFFFF800  }
0x5c: {  	[spmem:s3] =	stream.indirect.scatter.add.f32 [tilespmem:s16], [sflag:$0x3], $0x10, s21, s14, $0xb8;
	[tilespmem:$0x19800] =	vst v63  }
0x5d: {  	_ =	swait.ge [sflag:s12], $0x800  }
0x5e: {  	s22 =	sadd.s32 $0x1, s22;
	[sflag:s12] =	ssyncset.done $0x0  }
0x5f: {  	p0 =	sne.s32 s22, s10;
	[sflag:s12] =	ssyncadd.s32 $0xFFFFF800  }
.Ltmp1:
0x60: {  	[bflag:$0x0] =	sbarrier.arrive $0xFFFF;
	(pc) =	sbr.rel @p0 .LBB2_1-.Ltmp1, $4  }
0x61: {  	[hbm:s9], [sflag:s6] =	dma.local [spmem:s11], $0x1880  }
0x62: {  	_ =	swait.ge [sflag:s12], $0x1880  }
0x63: {  	[sflag:s12] =	ssyncset.done $0x0  }
0x64: {  	[sflag:s12] =	ssyncadd.s32 $0xFFFFE780  }
0x65: {  	_ =	sfence.sel $0x180000  }
0x66: {  	[bflag:$0x0] =	sbarrier.arrive $0xFFFF  }
0x67: {  	p0 =	sne.s32 s0, $0x0;
	_ =	strace $0x90000047  }
0x68: {  	s0 =	sadd.s32 @!p0 $0x100000, s2;
	[bflag:$0x2] =	sbarrier.arrive $0xFFFF  }
0x69: {  	[sflag:s0] =	ssyncadd.tile.s32 @!p0 $0x1;
	_ =	shalt  }
.Lfunc_end2:
_tile_overlayer_lowered:
.L_overlay_start_2:
0x6a: {  	(tag) =	ssettag $0x2  }
0x6b: {  	s0 =	rddreg [dreg:$0x0];
	s2 =	stileid.u32  }
0x6c: {  	s1 =	rddreg [dreg:$0x1];
	p0 =	sne.s32 s2, $0x0  }
0x6d: {  	s3 =	rddreg [dreg:$0x2];
	[bflag:$0x3] =	sbarrier.arrive $0xFFFF;
	s2 =	simm.s32 @!p0 $0x1C03  }
0x6e: {  	[timem:s3], [sflag:s2] =	dma.local @!p0 [hbm:s0], s1  }
0x6f: {  	s0 =	simm.s32 @!p0 $0x3  }
0x70: {  	_ =	swait.ge @!p0 [sflag:s0], s1  }
0x71: {  	s1 =	ssub.s32 @!p0 $0x0, s1;
	[sflag:s0] =	ssyncset.done @!p0 $0x0  }
0x72: {  	[sflag:s0] =	ssyncadd.s32 @!p0 s1  }
0x73: {  	[bflag:$0x3] =	sbarrier.arrive $0xFFFF  }
0x74: {  	_ =	shalt  }

// kernel: kernel.17.cloned.1.call-start
scs
__scs_entry_jumppad:
0x0: {  	(pc) =	sbr.rel $0x88, $3  }
0x1: {  	(tag) =	ssettag $0x0;
	lr =	simm.s32 $0x1  }
0x2: {  	[smem:$0x3F8F] =	sst lr;
	_ =	strace $0xD0000000  }
0x3: {  	_ = 	snop  }
0x4: {  	_ = 	snop  }
0x5: {  	_ = 	snop  }
0x6: {  	_ = 	snop  }
0x7: {  	_ = 	snop  }
__scs_overlays_trampoline_lowered:
0x8: {  	[smem:$0x3F9E] =	sst s0  }
0x9: {  	[smem:$0x3F9F] =	sst s1  }
0xa: {  	[smem:$0x3FA0] =	sst s2  }
0xb: {  	[smem:$0x3FA1] =	sst s3  }
0xc: {  	[smem:$0x3FA2] =	sst s4  }
0xd: {  	[smem:$0x3FA3] =	sst s5  }
0xe: {  	[smem:$0x3FA4] =	sst s6  }
0xf: {  	[smem:$0x3FA5] =	sst s7  }
0x10: {  	[smem:$0x3FA6] =	sst s8  }
0x11: {  	[smem:$0x3FA7] =	sst s9;
	s0 =	simm.s32 @!p0 $0x0  }
0x12: {  	s1 =	sld [smem:$0x3F8D];
	s0 =	simm.s32 @p0 $0x1  }
0x13: {  	[smem:$0x3FA8] =	sst s0;
	s0 =	simm.s32 @!p1 $0x0  }
0x14: {  	s2 =	sld [smem:$0x3F8C];
	s0 =	simm.s32 @p1 $0x1  }
0x15: {  	[smem:$0x3FA9] =	sst s0;
	s0 =	simm.s32 @!p2 $0x0  }
0x16: {  	s3 =	sld [smem:$0x3FDB];
	s0 =	simm.s32 @p2 $0x1  }
0x17: {  	s4 =	simm.s32 $0x1BF5;
	[smem:$0x3FAB] =	sst s0  }
0x18: {  	s0 =	sld [smem:$0x3F8E];
	_ =	swait.ge [sflag:s4], $0x0  }
0x19: {  	s7 =	sld [smem:$0x3F8F]  }
0x1a: {  	s8 =	sadd.s32 $0xFFFFE003, lr  }
0x1b: {  	s9 =	sadd.s32 $0xFFFFFEF7, lr;
	s5 =	simm.s32 $0xFFFFFFFF;
	p2 =	slt.u32 s8, $0xFFFFF086  }
0x1c: {  	p1 =	slt.u32 s9, $0xF7A;
	s5 =	simm.s32 @!p2 $0x0  }
0x1d: {  	s5 =	simm.s32 @p1 $0x1;
	p0 =	seq.s32 s7, s2  }
0x1e: {  	s7 =	smul.u32 @!p0 $0xF7A, s2;
	p2 =	seq.s32 @!p0 s5, $0x0  }
0x1f: {  	s9 =	smul.u32 $0xF7A, s1;
	s8 =	simm.s32 @!p0 $0x1BF5;
	p2 =	por !p2, p0  }
0x20: {  	[sflag:s8] =	ssyncset.s32 @!p0 $0xFFFFF086;
	s6 =	sadd.s32 @!p0 s3, s7;
	s7 =	simm.s32 @!p0 $0x108  }
0x21: {  	s3 =	sadd.s32 s3, s9;
	s6 =	sadd.s32 @!p0 $0x88, s6;
	s7 =	simm.s32 @p2 $0x1082  }
0x22: {  	[simem:s7], [sflag:s8] =	dma.local @!p0 [hbm:s6], $0xF7A  }
0x23: {  	s9 =	sor.u32 $0xD0000000, s2;
	s6 =	simm.s32 $0x108;
	_ =	swait.ge @!p0 [sflag:s8], $0x0  }
0x24: {  	s3 =	sadd.s32 $0x88, s3;
	s6 =	simm.s32 @!p1 $0x1082;
	[sflag:s4] =	ssyncset.s32 $0xFFFFF086  }
0x25: {  	[simem:s6], [sflag:s4] =	dma.local [hbm:s3], $0xF7A  }
0x26: {  	[smem:$0x3F8F] =	sst s1;
	(tag) =	ssettag s2;
	_ =	strace s9  }
0x27: {  	s1 =	sld [smem:$0x3F9F]  }
0x28: {  	s2 =	sld [smem:$0x3FA0]  }
0x29: {  	s4 =	sld [smem:$0x3FA2]  }
0x2a: {  	p0 =	seq.s32 s5, $0x0;
	s5 =	sld [smem:$0x3FA3]  }
0x2b: {  	s6 =	sld [smem:$0x3FA4]  }
0x2c: {  	s7 =	sld [smem:$0x3FA5]  }
0x2d: {  	s3 =	simm.s32 $0x108;
	s8 =	sld [smem:$0x3FA6]  }
0x2e: {  	s3 =	simm.s32 @!p0 $0x1082;
	s9 =	sld [smem:$0x3FA7]  }
0x2f: {  	lr =	sadd.s32 s0, s3;
	s0 =	sld [smem:$0x3F9E]  }
0x30: {  	s3 =	sld [smem:$0x3FA1]  }
0x31: {  	[smem:$0x3FAA] =	sst s10  }
0x32: {  	s10 =	sld [smem:$0x3FA8];
	_ =	sdelay $0x3  }
0x33: {  	p0 =	seq.s32 s10, $0x1;
	s10 =	sld [smem:$0x3FAA];
	_ =	sdelay $0x3  }
0x34: {  	[smem:$0x3FAA] =	sst s10  }
0x35: {  	s10 =	sld [smem:$0x3FA9];
	_ =	sdelay $0x3  }
0x36: {  	p1 =	seq.s32 s10, $0x1;
	s10 =	sld [smem:$0x3FAA];
	_ =	sdelay $0x3  }
0x37: {  	[smem:$0x3FAA] =	sst s10  }
0x38: {  	s10 =	sld [smem:$0x3FAB]  }
0x39: {  	_ = 	snop;
	(pc) =	sbr.ind lr, $3  }
0x3a: {  	_ = 	snop  }
0x3b: {  	_ = 	snop  }
0x3c: {  	p2 =	seq.s32 s10, $0x1;
	s10 =	sld [smem:$0x3FAA]  }
0x3d: {  	_ =	shalt  }
0x3e: {  	_ =	shalt  }
0x3f: {  	_ =	shalt  }
0x40: {  	_ =	shalt  }
0x41: {  	_ =	shalt  }
0x42: {  	_ =	shalt  }
0x43: {  	_ =	shalt  }
0x44: {  	_ =	shalt  }
0x45: {  	_ =	shalt  }
0x46: {  	_ =	shalt  }
0x47: {  	_ =	shalt  }
0x48: {  	_ =	shalt  }
0x49: {  	_ =	shalt  }
0x4a: {  	_ =	shalt  }
0x4b: {  	_ =	shalt  }
0x4c: {  	_ =	shalt  }
0x4d: {  	_ =	shalt  }
0x4e: {  	_ =	shalt  }
0x4f: {  	_ =	shalt  }
0x50: {  	_ =	shalt  }
0x51: {  	_ =	shalt  }
0x52: {  	_ =	shalt  }
0x53: {  	_ =	shalt  }
0x54: {  	_ =	shalt  }
0x55: {  	_ =	shalt  }
0x56: {  	_ =	shalt  }
0x57: {  	_ =	shalt  }
0x58: {  	_ =	shalt  }
0x59: {  	_ =	shalt  }
0x5a: {  	_ =	shalt  }
0x5b: {  	_ =	shalt  }
0x5c: {  	_ =	shalt  }
0x5d: {  	_ =	shalt  }
0x5e: {  	_ =	shalt  }
0x5f: {  	_ =	shalt  }
0x60: {  	_ =	shalt  }
0x61: {  	_ =	shalt  }
0x62: {  	_ =	shalt  }
0x63: {  	_ =	shalt  }
0x64: {  	_ =	shalt  }
0x65: {  	_ =	shalt  }
0x66: {  	_ =	shalt  }
0x67: {  	_ =	shalt  }
0x68: {  	_ =	shalt  }
0x69: {  	_ =	shalt  }
0x6a: {  	_ =	shalt  }
0x6b: {  	_ =	shalt  }
0x6c: {  	_ =	shalt  }
0x6d: {  	_ =	shalt  }
0x6e: {  	_ =	shalt  }
0x6f: {  	_ =	shalt  }
0x70: {  	_ =	shalt  }
0x71: {  	_ =	shalt  }
0x72: {  	_ =	shalt  }
0x73: {  	_ =	shalt  }
0x74: {  	_ =	shalt  }
0x75: {  	_ =	shalt  }
0x76: {  	_ =	shalt  }
0x77: {  	_ =	shalt  }
0x78: {  	_ =	shalt  }
0x79: {  	_ =	shalt  }
0x7a: {  	_ =	shalt  }
0x7b: {  	_ =	shalt  }
0x7c: {  	_ =	shalt  }
0x7d: {  	_ =	shalt  }
0x7e: {  	_ =	shalt  }
0x7f: {  	_ =	shalt  }
0x80: {  	_ =	shalt  }
0x81: {  	_ =	shalt  }
0x82: {  	_ =	shalt  }
0x83: {  	_ =	shalt  }
0x84: {  	_ =	shalt  }
0x85: {  	_ =	shalt  }
0x86: {  	_ =	shalt  }
0x87: {  	_ =	shalt  }
.Lfunc_end0:
.L_simem_size_0:
called_computation.1_lowered:
.L_overlay_start_0:
0x88: {  	s2 =	sld [smem:$0x3FD9]  }
0x89: {  	s3 =	sld [smem:$0x3FFE];
	_ =	sdelay $0x1  }
0x8a: {  	s1 =	srdreg.scid  }
0x8b: {  	s0 =	sand.u32 $0x1, s1  }
0x8c: {  	s14 =	sshll.u32 s0, $0xA;
	s2 =	sadd.s32 s3, s2  }
0x8d: {  	s2 =	sadd.s32 s2, s14  }
0x8e: {  	[smem:$0x3FB6] =	sst s2  }
0x8f: {  	_ = 	snop  }
0x90: {  	s2 =	sld [smem:$0x3FD0];
	_ =	sdelay $0x2  }
0x91: {  	s15 =	simm.s32 $0xD;
	s4 =	simm.s32 $0x10  }
0x92: {  	[smem:s4], [sflag:s15] =	dma.local [hbm:s2], $0x1  }
0x93: {  	_ =	swait.eq [sflag:s15], $0x1  }
0x94: {  	[sflag:s15] =	ssyncset.done $0x0  }
0x95: {  	s16 =	sld [smem:$0x11];
	[sflag:s15] =	ssyncadd.s32 $0xFFFFFFFF  }
0x96: {  	s17 =	sld [smem:$0x12];
	(tm) =	ssettm $0x1  }
0x97: {  	s18 =	sld [smem:$0x3FFB];
	_ =	sdelay $0x3  }
0x98: {  	_ =	strace s18  }
0x99: {  	s4 =	sld [smem:$0x3FFC];
	_ =	sdelay $0x3  }
0x9a: {  	_ =	strace s4  }
0x9b: {  	s4 =	sld [smem:$0x3FFD];
	_ =	sdelay $0x3  }
0x9c: {  	_ =	strace s4  }
0x9d: {  	_ =	strace $0x8FFFFFFF  }
0x9e: {  	s19 =	sld [smem:$0x3FDB];
	_ =	sdelay $0x1  }
0x9f: {  	s5 =	simm.s32 $_scs_section_size  }
0xa0: {  	s6 =	simm.s32 $_size__tile_overlayer_lowered;
	s7 =	simm.s32 $_tile_overlayer_lowered  }
0xa1: {  	s22 =	simm.s32 $0x1BFF;
	s21 =	sshll.u32 s7, $0x1;
	s4 =	sadd.s32 s5, s19  }
0xa2: {  	s8 =	simm.s32 $0x0;
	s20 =	sshll.u32 s6, $0x1;
	s6 =	sadd.s32 s21, s4  }
0xa3: {  	[timem:s8], [sflag:s22] =	dma.local [hbm:s6], s20  }
0xa4: {  	_ =	swait.ge [sflag:s22], s20  }
0xa5: {  	s5 =	ssub.s32 $0x0, s20;
	[sflag:s22] =	ssyncset.done $0x0  }
0xa6: {  	[sflag:s22] =	ssyncadd.s32 s5;
	_ =	sdelay $0x1  }
0xa7: {  	s23 =	simm.s32 $0x1B8B  }
0xa8: {  	_ =	swait.ge [sflag:s23], $0x1  }
0xa9: {  	[sflag:s23] =	ssyncset.done $0x0  }
0xaa: {  	s25 =	simm.s32 $0x1B8E;
	s24 =	sld [smem:$0x3FFE];
	[sflag:s23] =	ssyncadd.s32 $0xFFFFFFFF  }
0xab: {  	s26 =	simm.s32 $execute0_lowered;
	[smem:$0x3FD2] =	sst s25  }
0xac: {  	s6 =	sshll.u32 s26, $0x1;
	_ =	strace $0x80000049;
	[dreg:$0x1] =	wrdreg $0xFFFFFFFF  }
0xad: {  	s28 =	simm.s32 $_size_execute0_lowered;
	s4 =	sadd.s32 s4, s6;
	[dreg:$0x0] =	wrdreg $0x0  }
0xae: {  	s6 =	sshll.u32 s28, $0x1;
	[dreg:$0x2] =	wrdreg s4  }
0xaf: {  	[dreg:$0x3] =	wrdreg s6  }
0xb0: {  	[dreg:$0x4] =	wrdreg $0xC0  }
0xb1: {  	_ =	task [dreg:s8], $0x5FFFF  }
0xb2: {  	[dreg:$0x1] =	wrdreg $0xFFFFFFFF  }
0xb3: {  	[dreg:$0x0] =	wrdreg $0x60  }
0xb4: {  	[dreg:$0x2] =	wrdreg s16  }
0xb5: {  	[dreg:$0x3] =	wrdreg s24  }
0xb6: {  	[dreg:$0x4] =	wrdreg s17  }
0xb7: {  	[dreg:$0x5] =	wrdreg $0xD4000  }
0xb8: {  	[dreg:$0x6] =	wrdreg $0x9  }
0xb9: {  	_ =	task.clear_ibuf [dreg:s8], $0x7FFFF;
	_ =	strace $0x90000049  }
0xba: {  	s29 =	simm.s32 $0x9;
	_ =	strace $0x8000004B  }
0xbb: {  	_ =	swait.ge [sflag:s29], $0x1  }
0xbc: {  	[sflag:s29] =	ssyncadd.s32 $0xFFFFFFFF  }
0xbd: {  	_ =	strace $0x9000004B  }
0xbe: {  	_ =	sfence  }
0xbf: {  	s30 =	sld [smem:$0x0];
	_ =	sdelay $0x2  }
0xc0: {  	s31 =	sshll.u32 s1, $0xD;
	s1 =	sshrl.u32 s1, $0x2  }
0xc1: {  	s3 =	sand.u32 $0x4000, s31;
	s1 =	sadd.s32 s1, s30  }
0xc2: {  	s0 =	sor.u32 s3, s0;
	s1 =	sshll.u32 s1, $0x11  }
0xc3: {  	s0 =	sor.u32 s1, s0  }
0xc4: {  	s0 =	sadd.s32 $0x8F2B, s0  }
0xc5: {  	[sflag:s0] =	ssyncadd.remote.s32 $0x1  }
0xc6: {  	_ =	sfence.sel $0xFFFF  }
0xc7: {  	[dreg:$0x0] =	wrdreg $0xFFFFFFFF;
	(pc) =	sbr.abs _section_cstart, $3  }
0xc8: {  	[dreg:$0x1] =	wrdreg $0xFFFFFFFF  }
0xc9: {  	_ =	task.clear_ibuf [dreg:s8], $0x2FFFF;
	_ =	strace $0x9FFFFFFF  }
0xca: {  	(tm) =	ssettm $0x7FFFFFFF  }
0xcb: {  	_ =	shalt  }
tec
execute0_lowered:
.L_overlay_start_1:
0x0: {  	(tag) =	ssettag $0x1  }
0x1: {  	s1 =	rddreg [dreg:$0x0]  }
0x2: {  	s5 =	rddreg [dreg:$0x1]  }
0x3: {  	s2 =	srdreg.scid;
	s9 =	rddreg [dreg:$0x2]  }
0x4: {  	s0 =	stileid.u32;
	s3 =	rddreg [dreg:$0x3]  }
0x5: {  	s4 =	simm.s32 $0x0;
	s14 =	simm.s32 $0x80;
	s15 =	simm.s32 $0xC400  }
0x6: {  	s16 =	simm.s32 $0xCC00;
	s17 =	simm.s32 $0x1;
	s18 =	simm.s32 $0x2  }
0x7: {  	s19 =	simm.s32 $0x6180;
	s20 =	simm.s32 $0xC300;
	s21 =	simm.s32 $0xC380  }
0x8: {  	s22 =	simm.s32 $0x0;
	s6 =	sand.u32 $0x1, s2;
	s2 =	rddreg [dreg:$0x4]  }
0x9: {  	s29 =	sshll.u32 s0, $0x1;
	[smem:$0x7FF] =	sst s4;
	s10 =	smul.u32 $0xC400, s0  }
0xa: {  	s7 =	sor.u32 s6, s29;
	s8 =	ssub.s32 $0x2, s6;
	s6 =	smul.u32 $0xC4000, s6  }
0xb: {  	s30 =	sshll.u32 s0, $0x6;
	s7 =	smul.u32 $0xC40, s7;
	s11 =	sshrl.u32 s8, $0x1  }
0xc: {  	_ =	strace $0x8000004A;
	s13 =	sadd.s32 s10, s3;
	s11 =	ssub.s32 s8, s11  }
0xd: {  	s31 =	sadd.s32 s10, s6;
	s6 =	sor.u32 $0x1C03, s30;
	s12 =	sadd.s32 s7, s5  }
0xe: {  	s5 =	sadd.s32 $0x36A00, s5;
	s10 =	sshrl.u32 s31, $0x3;
	s7 =	sadd.s32 $0x1E200, s12  }
0xf: {  	s8 =	sadd.s32 $0x5A00, s12;
	s9 =	sadd.s32 s9, s10;
	s10 =	smax.u32 s11, $0x1  }
0x10: {  	s11 =	sshrl.u32 s13, $0x3;
	s12 =	simm.s32 $0x3;
	s13 =	simm.s32 $0x6200  }
.LBB2_1:
0x11: {  	[spmem:s11], [sflag:s6] =	dma.local [hbm:s5], $0x1880  }
0x12: {  	_ =	swait.ge [sflag:s12], $0x1880  }
0x13: {  	[sflag:s12] =	ssyncset.done $0x0  }
0x14: {  	[sflag:s12] =	ssyncadd.s32 $0xFFFFE780  }
0x15: {  	[tilespmem:s4], [sflag:$0x3] =	stream.linear.gather [hbm4b:s7+s4], $0x6200, $0x38;
	[tilespmem:$0x19800] =	vst v63  }
0x16: {  	_ =	swait.ge [sflag:s12], $0x6200  }
0x17: {  	[sflag:s12] =	ssyncset.done $0x0  }
0x18: {  	[sflag:s12] =	ssyncadd.s32 $0xFFFF9E00  }
0x19: {  	[tilespmem:s13], [sflag:$0x3] =	stream.linear.gather [hbm4b:s8+s4], $0x6200, $0x38;
	[tilespmem:$0x19800] =	vst v63  }
0x1a: {  	_ =	swait.ge [sflag:s12], $0x6200  }
0x1b: {  	[sflag:s12] =	ssyncset.done $0x0  }
0x1c: {  	[sflag:s12] =	ssyncadd.s32 $0xFFFF9E00  }
0x1d: {  	[bflag:$0x0] =	sbarrier.arrive $0xFFFF  }
0x1e: {  	[tilespmem:s15], [sflag:$0x1] =	stream.indirect.gather [hbm4b:s1+s14], $0x10, s4, s14, $0xb8;
	[tilespmem:$0x19800] =	vst v63  }
0x1f: {  	s23 =	simm.s32 $0x80  }
0x20: {  	[tilespmem:s16], [sflag:$0x2] =	stream.indirect.gather [hbm4b:s1+s14], $0x10, s23, s14, $0xb8;
	[tilespmem:$0x19800] =	vst v63  }
0x21: {  	_ =	swait.ge [sflag:s17], $0x800  }
0x22: {  	[sflag:s17] =	ssyncset.done $0x0  }
0x23: {  	s29 =	simm.s32 $0x6200;
	[sflag:s17] =	ssyncadd.s32 $0xFFFFF800  }
0x24: {  	[spmem:s3] =	stream.indirect.scatter.add.f32 [tilespmem:s15], [sflag:$0x3], $0x10, s29, s14, $0xb8;
	[tilespmem:$0x19800] =	vst v63  }
0x25: {  	_ =	swait.ge [sflag:s12], $0x800  }
0x26: {  	[sflag:s12] =	ssyncset.done $0x0  }
0x27: {  	s30 =	simm.s32 $0x100;
	[sflag:s12] =	ssyncadd.s32 $0xFFFFF800  }
0x28: {  	[tilespmem:s15], [sflag:$0x1] =	stream.indirect.gather [hbm4b:s1+s14], $0x10, s30, s14, $0xb8;
	[tilespmem:$0x19800] =	vst v63  }
0x29: {  	_ =	swait.ge [sflag:s18], $0x800  }
0x2a: {  	[sflag:s18] =	ssyncset.done $0x0  }
0x2b: {  	s31 =	simm.s32 $0x6280;
	[sflag:s18] =	ssyncadd.s32 $0xFFFFF800  }
0x2c: {  	[spmem:s3] =	stream.indirect.scatter.add.f32 [tilespmem:s16], [sflag:$0x3], $0x10, s31, s14, $0xb8;
	[tilespmem:$0x19800] =	vst v63  }
0x2d: {  	_ =	swait.ge [sflag:s12], $0x800  }
0x2e: {  	s24 =	simm.s32 $0x800;
	s23 =	simm.s32 $0x100;
	[sflag:s12] =	ssyncset.done $0x0  }
.LBB2_2:
0x2f: {  	s25 =	sadd.s32 $0x80, s23  }
0x30: {  	[sflag:s12] =	ssyncadd.s32 $0xFFFFF800;
	s26 =	smov.u32 s24;
	s28 =	sadd.s32 $0x400, s24  }
0x31: {  	[tilespmem:s16], [sflag:$0x2] =	stream.indirect.gather [hbm4b:s1+s14], $0x10, s25, s14, $0xb8;
	[tilespmem:$0x19800] =	vst v63  }
0x32: {  	p0 =	sne.s32 s24, $0x18000;
	_ =	swait.ge [sflag:s17], $0x800  }
0x33: {  	[sflag:s17] =	ssyncset.done $0x0  }
0x34: {  	s24 =	sadd.s32 $0x6200, s23;
	[sflag:s17] =	ssyncadd.s32 $0xFFFFF800  }
0x35: {  	[spmem:s3] =	stream.indirect.scatter.add.f32 [tilespmem:s15], [sflag:$0x3], $0x10, s24, s14, $0xb8;
	[tilespmem:$0x19800] =	vst v63  }
0x36: {  	_ =	swait.ge [sflag:s12], $0x800  }
0x37: {  	[sflag:s12] =	ssyncset.done $0x0  }
0x38: {  	s24 =	sadd.s32 $0x100, s23;
	[sflag:s12] =	ssyncadd.s32 $0xFFFFF800  }
0x39: {  	[tilespmem:s15], [sflag:$0x1] =	stream.indirect.gather [hbm4b:s1+s14], $0x10, s24, s14, $0xb8;
	[tilespmem:$0x19800] =	vst v63  }
0x3a: {  	_ =	swait.ge [sflag:s18], $0x800  }
.Ltmp0:
0x3b: {  	[sflag:s18] =	ssyncset.done $0x0;
	(pc) =	sbr.rel @p0 .LBB2_2-.Ltmp0, $4  }
0x3c: {  	s23 =	sadd.s32 $0x6280, s23;
	[sflag:s18] =	ssyncadd.s32 $0xFFFFF800  }
0x3d: {  	[spmem:s3] =	stream.indirect.scatter.add.f32 [tilespmem:s16], [sflag:$0x3], $0x10, s23, s14, $0xb8;
	[tilespmem:$0x19800] =	vst v63  }
0x3e: {  	_ =	swait.ge [sflag:s12], $0x800  }
0x3f: {  	s24 =	smov.u32 s28;
	s23 =	sshra.s32 s26, $0x2;
	[sflag:s12] =	ssyncset.done $0x0  }
0x40: {  	s24 =	sadd.s32 $0x80, s23;
	[sflag:s12] =	ssyncadd.s32 $0xFFFFF800  }
0x41: {  	[tilespmem:s16], [sflag:$0x2] =	stream.indirect.gather [hbm4b:s1+s14], $0x10, s24, s14, $0xb8;
	[tilespmem:$0x19800] =	vst v63  }
0x42: {  	_ =	swait.ge [sflag:s17], $0x800  }
0x43: {  	[sflag:s17] =	ssyncset.done $0x0  }
0x44: {  	s29 =	sadd.s32 $0x6200, s23;
	[sflag:s17] =	ssyncadd.s32 $0xFFFFF800  }
0x45: {  	[spmem:s3] =	stream.indirect.scatter.add.f32 [tilespmem:s15], [sflag:$0x3], $0x10, s29, s14, $0xb8;
	[tilespmem:$0x19800] =	vst v63  }
0x46: {  	_ =	swait.ge [sflag:s12], $0x800  }
0x47: {  	[sflag:s12] =	ssyncset.done $0x0  }
0x48: {  	s30 =	sadd.s32 $0x100, s23;
	[sflag:s12] =	ssyncadd.s32 $0xFFFFF800  }
0x49: {  	[tilespmem:s15], [sflag:$0x1] =	stream.indirect.gather [hbm4b:s1+s14], $0x10, s30, s14, $0xb8;
	[tilespmem:$0x19800] =	vst v63  }
0x4a: {  	_ =	swait.ge [sflag:s18], $0x800  }
0x4b: {  	[sflag:s18] =	ssyncset.done $0x0  }
0x4c: {  	s31 =	sadd.s32 $0x6280, s23;
	[sflag:s18] =	ssyncadd.s32 $0xFFFFF800  }
0x4d: {  	[spmem:s3] =	stream.indirect.scatter.add.f32 [tilespmem:s16], [sflag:$0x3], $0x10, s31, s14, $0xb8;
	[tilespmem:$0x19800] =	vst v63  }
0x4e: {  	_ =	swait.ge [sflag:s12], $0x800  }
0x4f: {  	[sflag:s12] =	ssyncset.done $0x0  }
0x50: {  	[sflag:s12] =	ssyncadd.s32 $0xFFFFF800  }
0x51: {  	[tilespmem:s16], [sflag:$0x2] =	stream.indirect.gather [hbm4b:s1+s14], $0x10, s19, s14, $0xb8;
	[tilespmem:$0x19800] =	vst v63  }
0x52: {  	_ =	swait.ge [sflag:s17], $0x800  }
0x53: {  	[sflag:s17] =	ssyncset.done $0x0  }
0x54: {  	[sflag:s17] =	ssyncadd.s32 $0xFFFFF800  }
0x55: {  	[spmem:s3] =	stream.indirect.scatter.add.f32 [tilespmem:s15], [sflag:$0x3], $0x10, s20, s14, $0xb8;
	[tilespmem:$0x19800] =	vst v63  }
0x56: {  	_ =	swait.ge [sflag:s12], $0x800  }
0x57: {  	[sflag:s12] =	ssyncset.done $0x0  }
0x58: {  	[sflag:s12] =	ssyncadd.s32 $0xFFFFF800  }
0x59: {  	_ =	swait.ge [sflag:s18], $0x800  }
0x5a: {  	[sflag:s18] =	ssyncset.done $0x0  }
0x5b: {  	[sflag:s18] =	ssyncadd.s32 $0xFFFFF800  }
0x5c: {  	[spmem:s3] =	stream.indirect.scatter.add.f32 [tilespmem:s16], [sflag:$0x3], $0x10, s21, s14, $0xb8;
	[tilespmem:$0x19800] =	vst v63  }
0x5d: {  	_ =	swait.ge [sflag:s12], $0x800  }
0x5e: {  	s22 =	sadd.s32 $0x1, s22;
	[sflag:s12] =	ssyncset.done $0x0  }
0x5f: {  	p0 =	sne.s32 s22, s10;
	[sflag:s12] =	ssyncadd.s32 $0xFFFFF800  }
.Ltmp1:
0x60: {  	[bflag:$0x0] =	sbarrier.arrive $0xFFFF;
	(pc) =	sbr.rel @p0 .LBB2_1-.Ltmp1, $4  }
0x61: {  	[hbm:s9], [sflag:s6] =	dma.local [spmem:s11], $0x1880  }
0x62: {  	_ =	swait.ge [sflag:s12], $0x1880  }
0x63: {  	[sflag:s12] =	ssyncset.done $0x0  }
0x64: {  	[sflag:s12] =	ssyncadd.s32 $0xFFFFE780  }
0x65: {  	_ =	sfence.sel $0x180000  }
0x66: {  	[bflag:$0x0] =	sbarrier.arrive $0xFFFF  }
0x67: {  	p0 =	sne.s32 s0, $0x0;
	_ =	strace $0x9000004A  }
0x68: {  	s0 =	sadd.s32 @!p0 $0x100000, s2;
	[bflag:$0x2] =	sbarrier.arrive $0xFFFF  }
0x69: {  	[sflag:s0] =	ssyncadd.tile.s32 @!p0 $0x1;
	_ =	shalt  }
.Lfunc_end2:
_tile_overlayer_lowered:
.L_overlay_start_2:
0x6a: {  	(tag) =	ssettag $0x2  }
0x6b: {  	s0 =	rddreg [dreg:$0x0];
	s2 =	stileid.u32  }
0x6c: {  	s1 =	rddreg [dreg:$0x1];
	p0 =	sne.s32 s2, $0x0  }
0x6d: {  	s3 =	rddreg [dreg:$0x2];
	[bflag:$0x3] =	sbarrier.arrive $0xFFFF;
	s2 =	simm.s32 @!p0 $0x1C03  }
0x6e: {  	[timem:s3], [sflag:s2] =	dma.local @!p0 [hbm:s0], s1  }
0x6f: {  	s0 =	simm.s32 @!p0 $0x3  }
0x70: {  	_ =	swait.ge @!p0 [sflag:s0], s1  }
0x71: {  	s1 =	ssub.s32 @!p0 $0x0, s1;
	[sflag:s0] =	ssyncset.done @!p0 $0x0  }
0x72: {  	[sflag:s0] =	ssyncadd.s32 @!p0 s1  }
0x73: {  	[bflag:$0x3] =	sbarrier.arrive $0xFFFF  }
0x74: {  	_ =	shalt  }

// kernel: kernel.20.cloned.1.call-start
scs
__scs_entry_jumppad:
0x0: {  	(pc) =	sbr.rel $0x88, $3  }
0x1: {  	(tag) =	ssettag $0x0;
	lr =	simm.s32 $0x1  }
0x2: {  	[smem:$0x3F8F] =	sst lr;
	_ =	strace $0xD0000000  }
0x3: {  	_ = 	snop  }
0x4: {  	_ = 	snop  }
0x5: {  	_ = 	snop  }
0x6: {  	_ = 	snop  }
0x7: {  	_ = 	snop  }
__scs_overlays_trampoline_lowered:
0x8: {  	[smem:$0x3F9E] =	sst s0  }
0x9: {  	[smem:$0x3F9F] =	sst s1  }
0xa: {  	[smem:$0x3FA0] =	sst s2  }
0xb: {  	[smem:$0x3FA1] =	sst s3  }
0xc: {  	[smem:$0x3FA2] =	sst s4  }
0xd: {  	[smem:$0x3FA3] =	sst s5  }
0xe: {  	[smem:$0x3FA4] =	sst s6  }
0xf: {  	[smem:$0x3FA5] =	sst s7  }
0x10: {  	[smem:$0x3FA6] =	sst s8  }
0x11: {  	[smem:$0x3FA7] =	sst s9;
	s0 =	simm.s32 @!p0 $0x0  }
0x12: {  	s1 =	sld [smem:$0x3F8D];
	s0 =	simm.s32 @p0 $0x1  }
0x13: {  	[smem:$0x3FA8] =	sst s0;
	s0 =	simm.s32 @!p1 $0x0  }
0x14: {  	s2 =	sld [smem:$0x3F8C];
	s0 =	simm.s32 @p1 $0x1  }
0x15: {  	[smem:$0x3FA9] =	sst s0;
	s0 =	simm.s32 @!p2 $0x0  }
0x16: {  	s3 =	sld [smem:$0x3FDB];
	s0 =	simm.s32 @p2 $0x1  }
0x17: {  	s4 =	simm.s32 $0x1BF5;
	[smem:$0x3FAB] =	sst s0  }
0x18: {  	s0 =	sld [smem:$0x3F8E];
	_ =	swait.ge [sflag:s4], $0x0  }
0x19: {  	s7 =	sld [smem:$0x3F8F]  }
0x1a: {  	s8 =	sadd.s32 $0xFFFFE003, lr  }
0x1b: {  	s9 =	sadd.s32 $0xFFFFFEF7, lr;
	s5 =	simm.s32 $0xFFFFFFFF;
	p2 =	slt.u32 s8, $0xFFFFF086  }
0x1c: {  	p1 =	slt.u32 s9, $0xF7A;
	s5 =	simm.s32 @!p2 $0x0  }
0x1d: {  	s5 =	simm.s32 @p1 $0x1;
	p0 =	seq.s32 s7, s2  }
0x1e: {  	s7 =	smul.u32 @!p0 $0xF7A, s2;
	p2 =	seq.s32 @!p0 s5, $0x0  }
0x1f: {  	s9 =	smul.u32 $0xF7A, s1;
	s8 =	simm.s32 @!p0 $0x1BF5;
	p2 =	por !p2, p0  }
0x20: {  	[sflag:s8] =	ssyncset.s32 @!p0 $0xFFFFF086;
	s6 =	sadd.s32 @!p0 s3, s7;
	s7 =	simm.s32 @!p0 $0x108  }
0x21: {  	s3 =	sadd.s32 s3, s9;
	s6 =	sadd.s32 @!p0 $0x88, s6;
	s7 =	simm.s32 @p2 $0x1082  }
0x22: {  	[simem:s7], [sflag:s8] =	dma.local @!p0 [hbm:s6], $0xF7A  }
0x23: {  	s9 =	sor.u32 $0xD0000000, s2;
	s6 =	simm.s32 $0x108;
	_ =	swait.ge @!p0 [sflag:s8], $0x0  }
0x24: {  	s3 =	sadd.s32 $0x88, s3;
	s6 =	simm.s32 @!p1 $0x1082;
	[sflag:s4] =	ssyncset.s32 $0xFFFFF086  }
0x25: {  	[simem:s6], [sflag:s4] =	dma.local [hbm:s3], $0xF7A  }
0x26: {  	[smem:$0x3F8F] =	sst s1;
	(tag) =	ssettag s2;
	_ =	strace s9  }
0x27: {  	s1 =	sld [smem:$0x3F9F]  }
0x28: {  	s2 =	sld [smem:$0x3FA0]  }
0x29: {  	s4 =	sld [smem:$0x3FA2]  }
0x2a: {  	p0 =	seq.s32 s5, $0x0;
	s5 =	sld [smem:$0x3FA3]  }
0x2b: {  	s6 =	sld [smem:$0x3FA4]  }
0x2c: {  	s7 =	sld [smem:$0x3FA5]  }
0x2d: {  	s3 =	simm.s32 $0x108;
	s8 =	sld [smem:$0x3FA6]  }
0x2e: {  	s3 =	simm.s32 @!p0 $0x1082;
	s9 =	sld [smem:$0x3FA7]  }
0x2f: {  	lr =	sadd.s32 s0, s3;
	s0 =	sld [smem:$0x3F9E]  }
0x30: {  	s3 =	sld [smem:$0x3FA1]  }
0x31: {  	[smem:$0x3FAA] =	sst s10  }
0x32: {  	s10 =	sld [smem:$0x3FA8];
	_ =	sdelay $0x3  }
0x33: {  	p0 =	seq.s32 s10, $0x1;
	s10 =	sld [smem:$0x3FAA];
	_ =	sdelay $0x3  }
0x34: {  	[smem:$0x3FAA] =	sst s10  }
0x35: {  	s10 =	sld [smem:$0x3FA9];
	_ =	sdelay $0x3  }
0x36: {  	p1 =	seq.s32 s10, $0x1;
	s10 =	sld [smem:$0x3FAA];
	_ =	sdelay $0x3  }
0x37: {  	[smem:$0x3FAA] =	sst s10  }
0x38: {  	s10 =	sld [smem:$0x3FAB]  }
0x39: {  	_ = 	snop;
	(pc) =	sbr.ind lr, $3  }
0x3a: {  	_ = 	snop  }
0x3b: {  	_ = 	snop  }
0x3c: {  	p2 =	seq.s32 s10, $0x1;
	s10 =	sld [smem:$0x3FAA]  }
0x3d: {  	_ =	shalt  }
0x3e: {  	_ =	shalt  }
0x3f: {  	_ =	shalt  }
0x40: {  	_ =	shalt  }
0x41: {  	_ =	shalt  }
0x42: {  	_ =	shalt  }
0x43: {  	_ =	shalt  }
0x44: {  	_ =	shalt  }
0x45: {  	_ =	shalt  }
0x46: {  	_ =	shalt  }
0x47: {  	_ =	shalt  }
0x48: {  	_ =	shalt  }
0x49: {  	_ =	shalt  }
0x4a: {  	_ =	shalt  }
0x4b: {  	_ =	shalt  }
0x4c: {  	_ =	shalt  }
0x4d: {  	_ =	shalt  }
0x4e: {  	_ =	shalt  }
0x4f: {  	_ =	shalt  }
0x50: {  	_ =	shalt  }
0x51: {  	_ =	shalt  }
0x52: {  	_ =	shalt  }
0x53: {  	_ =	shalt  }
0x54: {  	_ =	shalt  }
0x55: {  	_ =	shalt  }
0x56: {  	_ =	shalt  }
0x57: {  	_ =	shalt  }
0x58: {  	_ =	shalt  }
0x59: {  	_ =	shalt  }
0x5a: {  	_ =	shalt  }
0x5b: {  	_ =	shalt  }
0x5c: {  	_ =	shalt  }
0x5d: {  	_ =	shalt  }
0x5e: {  	_ =	shalt  }
0x5f: {  	_ =	shalt  }
0x60: {  	_ =	shalt  }
0x61: {  	_ =	shalt  }
0x62: {  	_ =	shalt  }
0x63: {  	_ =	shalt  }
0x64: {  	_ =	shalt  }
0x65: {  	_ =	shalt  }
0x66: {  	_ =	shalt  }
0x67: {  	_ =	shalt  }
0x68: {  	_ =	shalt  }
0x69: {  	_ =	shalt  }
0x6a: {  	_ =	shalt  }
0x6b: {  	_ =	shalt  }
0x6c: {  	_ =	shalt  }
0x6d: {  	_ =	shalt  }
0x6e: {  	_ =	shalt  }
0x6f: {  	_ =	shalt  }
0x70: {  	_ =	shalt  }
0x71: {  	_ =	shalt  }
0x72: {  	_ =	shalt  }
0x73: {  	_ =	shalt  }
0x74: {  	_ =	shalt  }
0x75: {  	_ =	shalt  }
0x76: {  	_ =	shalt  }
0x77: {  	_ =	shalt  }
0x78: {  	_ =	shalt  }
0x79: {  	_ =	shalt  }
0x7a: {  	_ =	shalt  }
0x7b: {  	_ =	shalt  }
0x7c: {  	_ =	shalt  }
0x7d: {  	_ =	shalt  }
0x7e: {  	_ =	shalt  }
0x7f: {  	_ =	shalt  }
0x80: {  	_ =	shalt  }
0x81: {  	_ =	shalt  }
0x82: {  	_ =	shalt  }
0x83: {  	_ =	shalt  }
0x84: {  	_ =	shalt  }
0x85: {  	_ =	shalt  }
0x86: {  	_ =	shalt  }
0x87: {  	_ =	shalt  }
.Lfunc_end0:
.L_simem_size_0:
called_computation.2_lowered:
.L_overlay_start_0:
0x88: {  	s2 =	sld [smem:$0x3FD9]  }
0x89: {  	s3 =	sld [smem:$0x3FFE];
	_ =	sdelay $0x1  }
0x8a: {  	s1 =	srdreg.scid  }
0x8b: {  	s0 =	sand.u32 $0x1, s1  }
0x8c: {  	s15 =	sshll.u32 s0, $0xA;
	s2 =	sadd.s32 s3, s2  }
0x8d: {  	s2 =	sadd.s32 s2, s15  }
0x8e: {  	[smem:$0x3FB6] =	sst s2  }
0x8f: {  	_ = 	snop  }
0x90: {  	s2 =	sld [smem:$0x3FD0];
	_ =	sdelay $0x2  }
0x91: {  	s16 =	simm.s32 $0xD;
	s4 =	simm.s32 $0x10  }
0x92: {  	[smem:s4], [sflag:s16] =	dma.local [hbm:s2], $0x1  }
0x93: {  	_ =	swait.eq [sflag:s16], $0x1  }
0x94: {  	[sflag:s16] =	ssyncset.done $0x0  }
0x95: {  	[sflag:s16] =	ssyncadd.s32 $0xFFFFFFFF  }
0x96: {  	s17 =	sld [smem:$0x12];
	(tm) =	ssettm $0x1  }
0x97: {  	s18 =	sld [smem:$0x3FFB];
	_ =	sdelay $0x3  }
0x98: {  	_ =	strace s18  }
0x99: {  	s2 =	sld [smem:$0x3FFC];
	_ =	sdelay $0x3  }
0x9a: {  	_ =	strace s2  }
0x9b: {  	s2 =	sld [smem:$0x3FFD];
	_ =	sdelay $0x3  }
0x9c: {  	_ =	strace s2  }
0x9d: {  	_ =	strace $0x8FFFFFFF  }
0x9e: {  	s19 =	sld [smem:$0x3FDB];
	_ =	sdelay $0x1  }
0x9f: {  	s20 =	simm.s32 $_scs_section_size  }
0xa0: {  	s5 =	simm.s32 $_size__tile_overlayer_lowered;
	s6 =	simm.s32 $_tile_overlayer_lowered  }
0xa1: {  	s7 =	simm.s32 $0x1BFF;
	s21 =	sshll.u32 s6, $0x1;
	s4 =	sadd.s32 s20, s19  }
0xa2: {  	s22 =	simm.s32 $0x0;
	s5 =	sshll.u32 s5, $0x1;
	s6 =	sadd.s32 s21, s4  }
0xa3: {  	[timem:s22], [sflag:s7] =	dma.local [hbm:s6], s5  }
0xa4: {  	_ =	swait.ge [sflag:s7], s5  }
0xa5: {  	s5 =	ssub.s32 $0x0, s5;
	[sflag:s7] =	ssyncset.done $0x0  }
0xa6: {  	[sflag:s7] =	ssyncadd.s32 s5;
	_ =	sdelay $0x1  }
0xa7: {  	s23 =	simm.s32 $0x1B8B  }
0xa8: {  	_ =	swait.ge [sflag:s23], $0x1  }
0xa9: {  	[sflag:s23] =	ssyncset.done $0x0  }
0xaa: {  	[sflag:s23] =	ssyncadd.s32 $0xFFFFFFFF  }
0xab: {  	s5 =	sld [smem:$0x0]  }
0xac: {  	s6 =	sand.u32 $0xFFFFFFFE, s1  }
0xad: {  	p0 =	sne.s32 s1, s6  }
0xae: {  	s6 =	sshll.u32 @p0 s6, $0xE  }
0xaf: {  	s6 =	sadd.s32 @p0 $0x11B8D, s6;
	s7 =	sshll.u32 @p0 s5, $0x11  }
0xb0: {  	s6 =	sor.u32 @p0 s7, s6  }
0xb1: {  	[sflag:s6] =	ssyncadd.remote.s32 @p0 $0x1;
	_ =	sdelay $0x1  }
0xb2: {  	s6 =	simm.s32 @p0 $0x1B8D  }
0xb3: {  	_ =	swait.eq @p0 [sflag:s6], $0x1  }
0xb4: {  	[sflag:s6] =	ssyncadd.s32 @p0 $0xFFFFFFFF  }
0xb5: {  	s7 =	sshll.u32 @!p0 s1, $0xE  }
0xb6: {  	s7 =	sor.u32 @!p0 $0x4000, s7;
	s6 =	simm.s32 @!p0 $0x1B8D  }
0xb7: {  	s5 =	sshll.u32 @!p0 s5, $0x11;
	s7 =	sadd.s32 @!p0 $0x11B8D, s7;
	_ =	swait.eq @!p0 [sflag:s6], $0x1  }
0xb8: {  	s5 =	sor.u32 @!p0 s5, s7;
	[sflag:s6] =	ssyncadd.s32 @!p0 $0xFFFFFFFF  }
0xb9: {  	s25 =	simm.s32 $0x1B8E;
	s24 =	sld [smem:$0x3FFE];
	[sflag:s5] =	ssyncadd.remote.s32 @!p0 $0x1  }
0xba: {  	s26 =	simm.s32 $execute0_lowered;
	[smem:$0x3FD2] =	sst s25  }
0xbb: {  	s6 =	sshll.u32 s26, $0x1;
	_ =	strace $0x80000055;
	[dreg:$0x1] =	wrdreg $0xFFFFFFFF  }
0xbc: {  	s28 =	simm.s32 $_size_execute0_lowered;
	s4 =	sadd.s32 s4, s6;
	[dreg:$0x0] =	wrdreg $0x0  }
0xbd: {  	s6 =	sshll.u32 s28, $0x1;
	[dreg:$0x2] =	wrdreg s4  }
0xbe: {  	[dreg:$0x3] =	wrdreg s6  }
0xbf: {  	[dreg:$0x4] =	wrdreg $0xC0  }
0xc0: {  	_ =	task [dreg:s22], $0x5FFFF  }
0xc1: {  	[dreg:$0x1] =	wrdreg $0xFFFFFFFF  }
0xc2: {  	[dreg:$0x0] =	wrdreg $0x60  }
0xc3: {  	[dreg:$0x2] =	wrdreg s24  }
0xc4: {  	[dreg:$0x3] =	wrdreg s17  }
0xc5: {  	[dreg:$0x4] =	wrdreg $0xD4000  }
0xc6: {  	[dreg:$0x5] =	wrdreg $0x9  }
0xc7: {  	_ =	task.clear_ibuf [dreg:s22], $0x6FFFF;
	_ =	strace $0x90000055  }
0xc8: {  	s29 =	simm.s32 $0x9;
	_ =	strace $0x80000057  }
0xc9: {  	_ =	swait.ge [sflag:s29], $0x1  }
0xca: {  	[sflag:s29] =	ssyncadd.s32 $0xFFFFFFFF  }
0xcb: {  	_ =	strace $0x90000057  }
0xcc: {  	_ =	sfence  }
0xcd: {  	s30 =	sld [smem:$0x0];
	_ =	sdelay $0x2  }
0xce: {  	s31 =	sshll.u32 s1, $0xD;
	s1 =	sshrl.u32 s1, $0x2  }
0xcf: {  	s4 =	sand.u32 $0x4000, s31;
	s1 =	sadd.s32 s1, s30  }
0xd0: {  	s0 =	sor.u32 s4, s0;
	s1 =	sshll.u32 s1, $0x11  }
0xd1: {  	s0 =	sor.u32 s1, s0  }
0xd2: {  	s0 =	sadd.s32 $0x8F2B, s0  }
0xd3: {  	[sflag:s0] =	ssyncadd.remote.s32 $0x1  }
0xd4: {  	_ =	sfence.sel $0xFFFF  }
0xd5: {  	[dreg:$0x0] =	wrdreg $0xFFFFFFFF;
	(pc) =	sbr.abs _section_cstart, $3  }
0xd6: {  	[dreg:$0x1] =	wrdreg $0xFFFFFFFF  }
0xd7: {  	_ =	task.clear_ibuf [dreg:s22], $0x2FFFF;
	_ =	strace $0x9FFFFFFF  }
0xd8: {  	(tm) =	ssettm $0x7FFFFFFF  }
0xd9: {  	_ =	shalt  }
tec
execute0_lowered:
.L_overlay_start_1:
0x0: {  	(tag) =	ssettag $0x1  }
0x1: {  	s5 =	rddreg [dreg:$0x0]  }
0x2: {  	s9 =	rddreg [dreg:$0x1];
	s1 =	srdreg.scid  }
0x3: {  	s0 =	stileid.u32;
	s2 =	rddreg [dreg:$0x2];
	s3 =	simm.s32 $0x0  }
0x4: {  	s14 =	simm.s32 $0x80;
	s15 =	simm.s32 $0xC400;
	s16 =	simm.s32 $0xCC00  }
0x5: {  	s17 =	simm.s32 $0x1;
	s18 =	simm.s32 $0x2;
	s19 =	simm.s32 $0x6180  }
0x6: {  	s20 =	simm.s32 $0xC300;
	s21 =	simm.s32 $0xC380;
	s22 =	simm.s32 $0x0  }
0x7: {  	s6 =	sand.u32 $0x1, s1;
	s4 =	sshll.u32 s0, $0x1;
	s1 =	rddreg [dreg:$0x3]  }
0x8: {  	[smem:$0x7FF] =	sst s3;
	s10 =	smul.u32 $0xC400, s0;
	s30 =	sshll.u32 s0, $0x6  }
0x9: {  	s4 =	sor.u32 s6, s4;
	s8 =	ssub.s32 $0x2, s6;
	s6 =	smul.u32 $0xC4000, s6  }
0xa: {  	_ =	strace $0x80000056;
	s7 =	smul.u32 $0xC40, s4;
	s11 =	sshrl.u32 s8, $0x1  }
0xb: {  	s4 =	sadd.s32 $0x69400, s5;
	s13 =	sadd.s32 s10, s2;
	s11 =	ssub.s32 s8, s11  }
0xc: {  	s31 =	sadd.s32 s10, s6;
	s6 =	sor.u32 $0x1C03, s30;
	s12 =	sadd.s32 s7, s5  }
0xd: {  	s5 =	sadd.s32 $0x36A00, s5;
	s10 =	sshrl.u32 s31, $0x3;
	s7 =	sadd.s32 $0x1E200, s12  }
0xe: {  	s8 =	sadd.s32 $0x5A00, s12;
	s9 =	sadd.s32 s9, s10;
	s10 =	smax.u32 s11, $0x1  }
0xf: {  	s11 =	sshrl.u32 s13, $0x3;
	s12 =	simm.s32 $0x3;
	s13 =	simm.s32 $0x6200  }
.LBB2_1:
0x10: {  	[spmem:s11], [sflag:s6] =	dma.local [hbm:s5], $0x1880  }
0x11: {  	_ =	swait.ge [sflag:s12], $0x1880  }
0x12: {  	[sflag:s12] =	ssyncset.done $0x0  }
0x13: {  	[sflag:s12] =	ssyncadd.s32 $0xFFFFE780  }
0x14: {  	[tilespmem:s3], [sflag:$0x3] =	stream.linear.gather [hbm4b:s7+s3], $0x6200, $0x38;
	[tilespmem:$0x19800] =	vst v63  }
0x15: {  	_ =	swait.ge [sflag:s12], $0x6200  }
0x16: {  	[sflag:s12] =	ssyncset.done $0x0  }
0x17: {  	[sflag:s12] =	ssyncadd.s32 $0xFFFF9E00  }
0x18: {  	[tilespmem:s13], [sflag:$0x3] =	stream.linear.gather [hbm4b:s8+s3], $0x6200, $0x38;
	[tilespmem:$0x19800] =	vst v63  }
0x19: {  	_ =	swait.ge [sflag:s12], $0x6200  }
0x1a: {  	[sflag:s12] =	ssyncset.done $0x0  }
0x1b: {  	[sflag:s12] =	ssyncadd.s32 $0xFFFF9E00  }
0x1c: {  	[bflag:$0x0] =	sbarrier.arrive $0xFFFF  }
0x1d: {  	[tilespmem:s15], [sflag:$0x1] =	stream.indirect.gather [hbm4b:s4+s14], $0x10, s3, s14, $0xb8;
	[tilespmem:$0x19800] =	vst v63  }
0x1e: {  	s23 =	simm.s32 $0x80  }
0x1f: {  	[tilespmem:s16], [sflag:$0x2] =	stream.indirect.gather [hbm4b:s4+s14], $0x10, s23, s14, $0xb8;
	[tilespmem:$0x19800] =	vst v63  }
0x20: {  	_ =	swait.ge [sflag:s17], $0x800  }
0x21: {  	[sflag:s17] =	ssyncset.done $0x0  }
0x22: {  	s29 =	simm.s32 $0x6200;
	[sflag:s17] =	ssyncadd.s32 $0xFFFFF800  }
0x23: {  	[spmem:s2] =	stream.indirect.scatter.add.f32 [tilespmem:s15], [sflag:$0x3], $0x10, s29, s14, $0xb8;
	[tilespmem:$0x19800] =	vst v63  }
0x24: {  	_ =	swait.ge [sflag:s12], $0x800  }
0x25: {  	[sflag:s12] =	ssyncset.done $0x0  }
0x26: {  	s30 =	simm.s32 $0x100;
	[sflag:s12] =	ssyncadd.s32 $0xFFFFF800  }
0x27: {  	[tilespmem:s15], [sflag:$0x1] =	stream.indirect.gather [hbm4b:s4+s14], $0x10, s30, s14, $0xb8;
	[tilespmem:$0x19800] =	vst v63  }
0x28: {  	_ =	swait.ge [sflag:s18], $0x800  }
0x29: {  	[sflag:s18] =	ssyncset.done $0x0  }
0x2a: {  	s31 =	simm.s32 $0x6280;
	[sflag:s18] =	ssyncadd.s32 $0xFFFFF800  }
0x2b: {  	[spmem:s2] =	stream.indirect.scatter.add.f32 [tilespmem:s16], [sflag:$0x3], $0x10, s31, s14, $0xb8;
	[tilespmem:$0x19800] =	vst v63  }
0x2c: {  	_ =	swait.ge [sflag:s12], $0x800  }
0x2d: {  	s24 =	simm.s32 $0x800;
	s23 =	simm.s32 $0x100;
	[sflag:s12] =	ssyncset.done $0x0  }
.LBB2_2:
0x2e: {  	s25 =	sadd.s32 $0x80, s23  }
0x2f: {  	[sflag:s12] =	ssyncadd.s32 $0xFFFFF800;
	s26 =	smov.u32 s24;
	s28 =	sadd.s32 $0x400, s24  }
0x30: {  	[tilespmem:s16], [sflag:$0x2] =	stream.indirect.gather [hbm4b:s4+s14], $0x10, s25, s14, $0xb8;
	[tilespmem:$0x19800] =	vst v63  }
0x31: {  	p0 =	sne.s32 s24, $0x18000;
	_ =	swait.ge [sflag:s17], $0x800  }
0x32: {  	[sflag:s17] =	ssyncset.done $0x0  }
0x33: {  	s24 =	sadd.s32 $0x6200, s23;
	[sflag:s17] =	ssyncadd.s32 $0xFFFFF800  }
0x34: {  	[spmem:s2] =	stream.indirect.scatter.add.f32 [tilespmem:s15], [sflag:$0x3], $0x10, s24, s14, $0xb8;
	[tilespmem:$0x19800] =	vst v63  }
0x35: {  	_ =	swait.ge [sflag:s12], $0x800  }
0x36: {  	[sflag:s12] =	ssyncset.done $0x0  }
0x37: {  	s24 =	sadd.s32 $0x100, s23;
	[sflag:s12] =	ssyncadd.s32 $0xFFFFF800  }
0x38: {  	[tilespmem:s15], [sflag:$0x1] =	stream.indirect.gather [hbm4b:s4+s14], $0x10, s24, s14, $0xb8;
	[tilespmem:$0x19800] =	vst v63  }
0x39: {  	_ =	swait.ge [sflag:s18], $0x800  }
.Ltmp0:
0x3a: {  	[sflag:s18] =	ssyncset.done $0x0;
	(pc) =	sbr.rel @p0 .LBB2_2-.Ltmp0, $4  }
0x3b: {  	s23 =	sadd.s32 $0x6280, s23;
	[sflag:s18] =	ssyncadd.s32 $0xFFFFF800  }
0x3c: {  	[spmem:s2] =	stream.indirect.scatter.add.f32 [tilespmem:s16], [sflag:$0x3], $0x10, s23, s14, $0xb8;
	[tilespmem:$0x19800] =	vst v63  }
0x3d: {  	_ =	swait.ge [sflag:s12], $0x800  }
0x3e: {  	s24 =	smov.u32 s28;
	s23 =	sshra.s32 s26, $0x2;
	[sflag:s12] =	ssyncset.done $0x0  }
0x3f: {  	s24 =	sadd.s32 $0x80, s23;
	[sflag:s12] =	ssyncadd.s32 $0xFFFFF800  }
0x40: {  	[tilespmem:s16], [sflag:$0x2] =	stream.indirect.gather [hbm4b:s4+s14], $0x10, s24, s14, $0xb8;
	[tilespmem:$0x19800] =	vst v63  }
0x41: {  	_ =	swait.ge [sflag:s17], $0x800  }
0x42: {  	[sflag:s17] =	ssyncset.done $0x0  }
0x43: {  	s29 =	sadd.s32 $0x6200, s23;
	[sflag:s17] =	ssyncadd.s32 $0xFFFFF800  }
0x44: {  	[spmem:s2] =	stream.indirect.scatter.add.f32 [tilespmem:s15], [sflag:$0x3], $0x10, s29, s14, $0xb8;
	[tilespmem:$0x19800] =	vst v63  }
0x45: {  	_ =	swait.ge [sflag:s12], $0x800  }
0x46: {  	[sflag:s12] =	ssyncset.done $0x0  }
0x47: {  	s30 =	sadd.s32 $0x100, s23;
	[sflag:s12] =	ssyncadd.s32 $0xFFFFF800  }
0x48: {  	[tilespmem:s15], [sflag:$0x1] =	stream.indirect.gather [hbm4b:s4+s14], $0x10, s30, s14, $0xb8;
	[tilespmem:$0x19800] =	vst v63  }
0x49: {  	_ =	swait.ge [sflag:s18], $0x800  }
0x4a: {  	[sflag:s18] =	ssyncset.done $0x0  }
0x4b: {  	s31 =	sadd.s32 $0x6280, s23;
	[sflag:s18] =	ssyncadd.s32 $0xFFFFF800  }
0x4c: {  	[spmem:s2] =	stream.indirect.scatter.add.f32 [tilespmem:s16], [sflag:$0x3], $0x10, s31, s14, $0xb8;
	[tilespmem:$0x19800] =	vst v63  }
0x4d: {  	_ =	swait.ge [sflag:s12], $0x800  }
0x4e: {  	[sflag:s12] =	ssyncset.done $0x0  }
0x4f: {  	[sflag:s12] =	ssyncadd.s32 $0xFFFFF800  }
0x50: {  	[tilespmem:s16], [sflag:$0x2] =	stream.indirect.gather [hbm4b:s4+s14], $0x10, s19, s14, $0xb8;
	[tilespmem:$0x19800] =	vst v63  }
0x51: {  	_ =	swait.ge [sflag:s17], $0x800  }
0x52: {  	[sflag:s17] =	ssyncset.done $0x0  }
0x53: {  	[sflag:s17] =	ssyncadd.s32 $0xFFFFF800  }
0x54: {  	[spmem:s2] =	stream.indirect.scatter.add.f32 [tilespmem:s15], [sflag:$0x3], $0x10, s20, s14, $0xb8;
	[tilespmem:$0x19800] =	vst v63  }
0x55: {  	_ =	swait.ge [sflag:s12], $0x800  }
0x56: {  	[sflag:s12] =	ssyncset.done $0x0  }
0x57: {  	[sflag:s12] =	ssyncadd.s32 $0xFFFFF800  }
0x58: {  	_ =	swait.ge [sflag:s18], $0x800  }
0x59: {  	[sflag:s18] =	ssyncset.done $0x0  }
0x5a: {  	[sflag:s18] =	ssyncadd.s32 $0xFFFFF800  }
0x5b: {  	[spmem:s2] =	stream.indirect.scatter.add.f32 [tilespmem:s16], [sflag:$0x3], $0x10, s21, s14, $0xb8;
	[tilespmem:$0x19800] =	vst v63  }
0x5c: {  	_ =	swait.ge [sflag:s12], $0x800  }
0x5d: {  	s22 =	sadd.s32 $0x1, s22;
	[sflag:s12] =	ssyncset.done $0x0  }
0x5e: {  	p0 =	sne.s32 s22, s10;
	[sflag:s12] =	ssyncadd.s32 $0xFFFFF800  }
.Ltmp1:
0x5f: {  	[bflag:$0x0] =	sbarrier.arrive $0xFFFF;
	(pc) =	sbr.rel @p0 .LBB2_1-.Ltmp1, $4  }
0x60: {  	[hbm:s9], [sflag:s6] =	dma.local [spmem:s11], $0x1880  }
0x61: {  	_ =	swait.ge [sflag:s12], $0x1880  }
0x62: {  	[sflag:s12] =	ssyncset.done $0x0  }
0x63: {  	[sflag:s12] =	ssyncadd.s32 $0xFFFFE780  }
0x64: {  	_ =	sfence.sel $0x180000  }
0x65: {  	[bflag:$0x0] =	sbarrier.arrive $0xFFFF  }
0x66: {  	p0 =	sne.s32 s0, $0x0;
	_ =	strace $0x90000056  }
0x67: {  	s0 =	sadd.s32 @!p0 $0x100000, s1;
	[bflag:$0x2] =	sbarrier.arrive $0xFFFF  }
0x68: {  	[sflag:s0] =	ssyncadd.tile.s32 @!p0 $0x1;
	_ =	shalt  }
.Lfunc_end2:
_tile_overlayer_lowered:
.L_overlay_start_2:
0x69: {  	(tag) =	ssettag $0x2  }
0x6a: {  	s0 =	rddreg [dreg:$0x0];
	s2 =	stileid.u32  }
0x6b: {  	s1 =	rddreg [dreg:$0x1];
	p0 =	sne.s32 s2, $0x0  }
0x6c: {  	s3 =	rddreg [dreg:$0x2];
	[bflag:$0x3] =	sbarrier.arrive $0xFFFF;
	s2 =	simm.s32 @!p0 $0x1C03  }
0x6d: {  	[timem:s3], [sflag:s2] =	dma.local @!p0 [hbm:s0], s1  }
0x6e: {  	s0 =	simm.s32 @!p0 $0x3  }
0x6f: {  	_ =	swait.ge @!p0 [sflag:s0], s1  }
0x70: {  	s1 =	ssub.s32 @!p0 $0x0, s1;
	[sflag:s0] =	ssyncset.done @!p0 $0x0  }
0x71: {  	[sflag:s0] =	ssyncadd.s32 @!p0 s1  }
0x72: {  	[bflag:$0x3] =	sbarrier.arrive $0xFFFF  }
0x73: {  	_ =	shalt  }

// kernel: kernel.23.cloned.1.call-start
scs
__scs_entry_jumppad:
0x0: {  	(pc) =	sbr.rel $0x88, $3  }
0x1: {  	(tag) =	ssettag $0x0;
	lr =	simm.s32 $0x1  }
0x2: {  	[smem:$0x3F8F] =	sst lr;
	_ =	strace $0xD0000000  }
0x3: {  	_ = 	snop  }
0x4: {  	_ = 	snop  }
0x5: {  	_ = 	snop  }
0x6: {  	_ = 	snop  }
0x7: {  	_ = 	snop  }
__scs_overlays_trampoline_lowered:
0x8: {  	[smem:$0x3F9E] =	sst s0  }
0x9: {  	[smem:$0x3F9F] =	sst s1  }
0xa: {  	[smem:$0x3FA0] =	sst s2  }
0xb: {  	[smem:$0x3FA1] =	sst s3  }
0xc: {  	[smem:$0x3FA2] =	sst s4  }
0xd: {  	[smem:$0x3FA3] =	sst s5  }
0xe: {  	[smem:$0x3FA4] =	sst s6  }
0xf: {  	[smem:$0x3FA5] =	sst s7  }
0x10: {  	[smem:$0x3FA6] =	sst s8  }
0x11: {  	[smem:$0x3FA7] =	sst s9;
	s0 =	simm.s32 @!p0 $0x0  }
0x12: {  	s1 =	sld [smem:$0x3F8D];
	s0 =	simm.s32 @p0 $0x1  }
0x13: {  	[smem:$0x3FA8] =	sst s0;
	s0 =	simm.s32 @!p1 $0x0  }
0x14: {  	s2 =	sld [smem:$0x3F8C];
	s0 =	simm.s32 @p1 $0x1  }
0x15: {  	[smem:$0x3FA9] =	sst s0;
	s0 =	simm.s32 @!p2 $0x0  }
0x16: {  	s3 =	sld [smem:$0x3FDB];
	s0 =	simm.s32 @p2 $0x1  }
0x17: {  	s4 =	simm.s32 $0x1BF5;
	[smem:$0x3FAB] =	sst s0  }
0x18: {  	s0 =	sld [smem:$0x3F8E];
	_ =	swait.ge [sflag:s4], $0x0  }
0x19: {  	s7 =	sld [smem:$0x3F8F]  }
0x1a: {  	s8 =	sadd.s32 $0xFFFFE003, lr  }
0x1b: {  	s9 =	sadd.s32 $0xFFFFFEF7, lr;
	s5 =	simm.s32 $0xFFFFFFFF;
	p2 =	slt.u32 s8, $0xFFFFF086  }
0x1c: {  	p1 =	slt.u32 s9, $0xF7A;
	s5 =	simm.s32 @!p2 $0x0  }
0x1d: {  	s5 =	simm.s32 @p1 $0x1;
	p0 =	seq.s32 s7, s2  }
0x1e: {  	s7 =	smul.u32 @!p0 $0xF7A, s2;
	p2 =	seq.s32 @!p0 s5, $0x0  }
0x1f: {  	s9 =	smul.u32 $0xF7A, s1;
	s8 =	simm.s32 @!p0 $0x1BF5;
	p2 =	por !p2, p0  }
0x20: {  	[sflag:s8] =	ssyncset.s32 @!p0 $0xFFFFF086;
	s6 =	sadd.s32 @!p0 s3, s7;
	s7 =	simm.s32 @!p0 $0x108  }
0x21: {  	s3 =	sadd.s32 s3, s9;
	s6 =	sadd.s32 @!p0 $0x88, s6;
	s7 =	simm.s32 @p2 $0x1082  }
0x22: {  	[simem:s7], [sflag:s8] =	dma.local @!p0 [hbm:s6], $0xF7A  }
0x23: {  	s9 =	sor.u32 $0xD0000000, s2;
	s6 =	simm.s32 $0x108;
	_ =	swait.ge @!p0 [sflag:s8], $0x0  }
0x24: {  	s3 =	sadd.s32 $0x88, s3;
	s6 =	simm.s32 @!p1 $0x1082;
	[sflag:s4] =	ssyncset.s32 $0xFFFFF086  }
0x25: {  	[simem:s6], [sflag:s4] =	dma.local [hbm:s3], $0xF7A  }
0x26: {  	[smem:$0x3F8F] =	sst s1;
	(tag) =	ssettag s2;
	_ =	strace s9  }
0x27: {  	s1 =	sld [smem:$0x3F9F]  }
0x28: {  	s2 =	sld [smem:$0x3FA0]  }
0x29: {  	s4 =	sld [smem:$0x3FA2]  }
0x2a: {  	p0 =	seq.s32 s5, $0x0;
	s5 =	sld [smem:$0x3FA3]  }
0x2b: {  	s6 =	sld [smem:$0x3FA4]  }
0x2c: {  	s7 =	sld [smem:$0x3FA5]  }
0x2d: {  	s3 =	simm.s32 $0x108;
	s8 =	sld [smem:$0x3FA6]  }
0x2e: {  	s3 =	simm.s32 @!p0 $0x1082;
	s9 =	sld [smem:$0x3FA7]  }
0x2f: {  	lr =	sadd.s32 s0, s3;
	s0 =	sld [smem:$0x3F9E]  }
0x30: {  	s3 =	sld [smem:$0x3FA1]  }
0x31: {  	[smem:$0x3FAA] =	sst s10  }
0x32: {  	s10 =	sld [smem:$0x3FA8];
	_ =	sdelay $0x3  }
0x33: {  	p0 =	seq.s32 s10, $0x1;
	s10 =	sld [smem:$0x3FAA];
	_ =	sdelay $0x3  }
0x34: {  	[smem:$0x3FAA] =	sst s10  }
0x35: {  	s10 =	sld [smem:$0x3FA9];
	_ =	sdelay $0x3  }
0x36: {  	p1 =	seq.s32 s10, $0x1;
	s10 =	sld [smem:$0x3FAA];
	_ =	sdelay $0x3  }
0x37: {  	[smem:$0x3FAA] =	sst s10  }
0x38: {  	s10 =	sld [smem:$0x3FAB]  }
0x39: {  	_ = 	snop;
	(pc) =	sbr.ind lr, $3  }
0x3a: {  	_ = 	snop  }
0x3b: {  	_ = 	snop  }
0x3c: {  	p2 =	seq.s32 s10, $0x1;
	s10 =	sld [smem:$0x3FAA]  }
0x3d: {  	_ =	shalt  }
0x3e: {  	_ =	shalt  }
0x3f: {  	_ =	shalt  }
0x40: {  	_ =	shalt  }
0x41: {  	_ =	shalt  }
0x42: {  	_ =	shalt  }
0x43: {  	_ =	shalt  }
0x44: {  	_ =	shalt  }
0x45: {  	_ =	shalt  }
0x46: {  	_ =	shalt  }
0x47: {  	_ =	shalt  }
0x48: {  	_ =	shalt  }
0x49: {  	_ =	shalt  }
0x4a: {  	_ =	shalt  }
0x4b: {  	_ =	shalt  }
0x4c: {  	_ =	shalt  }
0x4d: {  	_ =	shalt  }
0x4e: {  	_ =	shalt  }
0x4f: {  	_ =	shalt  }
0x50: {  	_ =	shalt  }
0x51: {  	_ =	shalt  }
0x52: {  	_ =	shalt  }
0x53: {  	_ =	shalt  }
0x54: {  	_ =	shalt  }
0x55: {  	_ =	shalt  }
0x56: {  	_ =	shalt  }
0x57: {  	_ =	shalt  }
0x58: {  	_ =	shalt  }
0x59: {  	_ =	shalt  }
0x5a: {  	_ =	shalt  }
0x5b: {  	_ =	shalt  }
0x5c: {  	_ =	shalt  }
0x5d: {  	_ =	shalt  }
0x5e: {  	_ =	shalt  }
0x5f: {  	_ =	shalt  }
0x60: {  	_ =	shalt  }
0x61: {  	_ =	shalt  }
0x62: {  	_ =	shalt  }
0x63: {  	_ =	shalt  }
0x64: {  	_ =	shalt  }
0x65: {  	_ =	shalt  }
0x66: {  	_ =	shalt  }
0x67: {  	_ =	shalt  }
0x68: {  	_ =	shalt  }
0x69: {  	_ =	shalt  }
0x6a: {  	_ =	shalt  }
0x6b: {  	_ =	shalt  }
0x6c: {  	_ =	shalt  }
0x6d: {  	_ =	shalt  }
0x6e: {  	_ =	shalt  }
0x6f: {  	_ =	shalt  }
0x70: {  	_ =	shalt  }
0x71: {  	_ =	shalt  }
0x72: {  	_ =	shalt  }
0x73: {  	_ =	shalt  }
0x74: {  	_ =	shalt  }
0x75: {  	_ =	shalt  }
0x76: {  	_ =	shalt  }
0x77: {  	_ =	shalt  }
0x78: {  	_ =	shalt  }
0x79: {  	_ =	shalt  }
0x7a: {  	_ =	shalt  }
0x7b: {  	_ =	shalt  }
0x7c: {  	_ =	shalt  }
0x7d: {  	_ =	shalt  }
0x7e: {  	_ =	shalt  }
0x7f: {  	_ =	shalt  }
0x80: {  	_ =	shalt  }
0x81: {  	_ =	shalt  }
0x82: {  	_ =	shalt  }
0x83: {  	_ =	shalt  }
0x84: {  	_ =	shalt  }
0x85: {  	_ =	shalt  }
0x86: {  	_ =	shalt  }
0x87: {  	_ =	shalt  }
.Lfunc_end0:
.L_simem_size_0:
called_computation.3_lowered:
.L_overlay_start_0:
0x88: {  	s2 =	sld [smem:$0x3FD9]  }
0x89: {  	s3 =	sld [smem:$0x3FFE];
	_ =	sdelay $0x1  }
0x8a: {  	s1 =	srdreg.scid  }
0x8b: {  	s0 =	sand.u32 $0x1, s1  }
0x8c: {  	s15 =	sshll.u32 s0, $0xA;
	s2 =	sadd.s32 s3, s2  }
0x8d: {  	s2 =	sadd.s32 s2, s15  }
0x8e: {  	[smem:$0x3FB6] =	sst s2  }
0x8f: {  	_ = 	snop  }
0x90: {  	s2 =	sld [smem:$0x3FD0];
	_ =	sdelay $0x2  }
0x91: {  	s16 =	simm.s32 $0xD;
	s4 =	simm.s32 $0x10  }
0x92: {  	[smem:s4], [sflag:s16] =	dma.local [hbm:s2], $0x1  }
0x93: {  	_ =	swait.eq [sflag:s16], $0x1  }
0x94: {  	[sflag:s16] =	ssyncset.done $0x0  }
0x95: {  	[sflag:s16] =	ssyncadd.s32 $0xFFFFFFFF  }
0x96: {  	s17 =	sld [smem:$0x11];
	(tm) =	ssettm $0x1  }
0x97: {  	s18 =	sld [smem:$0x3FFB];
	_ =	sdelay $0x3  }
0x98: {  	_ =	strace s18  }
0x99: {  	s2 =	sld [smem:$0x3FFC];
	_ =	sdelay $0x3  }
0x9a: {  	_ =	strace s2  }
0x9b: {  	s2 =	sld [smem:$0x3FFD];
	_ =	sdelay $0x3  }
0x9c: {  	_ =	strace s2  }
0x9d: {  	_ =	strace $0x8FFFFFFF  }
0x9e: {  	s19 =	sld [smem:$0x3FDB];
	_ =	sdelay $0x1  }
0x9f: {  	s20 =	simm.s32 $_scs_section_size  }
0xa0: {  	s5 =	simm.s32 $_size__tile_overlayer_lowered;
	s6 =	simm.s32 $_tile_overlayer_lowered  }
0xa1: {  	s7 =	simm.s32 $0x1BFF;
	s21 =	sshll.u32 s6, $0x1;
	s4 =	sadd.s32 s20, s19  }
0xa2: {  	s22 =	simm.s32 $0x0;
	s5 =	sshll.u32 s5, $0x1;
	s6 =	sadd.s32 s21, s4  }
0xa3: {  	[timem:s22], [sflag:s7] =	dma.local [hbm:s6], s5  }
0xa4: {  	_ =	swait.ge [sflag:s7], s5  }
0xa5: {  	s5 =	ssub.s32 $0x0, s5;
	[sflag:s7] =	ssyncset.done $0x0  }
0xa6: {  	[sflag:s7] =	ssyncadd.s32 s5;
	_ =	sdelay $0x1  }
0xa7: {  	s23 =	simm.s32 $0x1B8B  }
0xa8: {  	_ =	swait.ge [sflag:s23], $0x1  }
0xa9: {  	[sflag:s23] =	ssyncset.done $0x0  }
0xaa: {  	[sflag:s23] =	ssyncadd.s32 $0xFFFFFFFF  }
0xab: {  	s5 =	sld [smem:$0x0]  }
0xac: {  	s6 =	sand.u32 $0xFFFFFFFE, s1  }
0xad: {  	p0 =	sne.s32 s1, s6  }
0xae: {  	s6 =	sshll.u32 @p0 s6, $0xE  }
0xaf: {  	s6 =	sadd.s32 @p0 $0x11B8D, s6;
	s7 =	sshll.u32 @p0 s5, $0x11  }
0xb0: {  	s6 =	sor.u32 @p0 s7, s6  }
0xb1: {  	[sflag:s6] =	ssyncadd.remote.s32 @p0 $0x1;
	_ =	sdelay $0x1  }
0xb2: {  	s6 =	simm.s32 @p0 $0x1B8D  }
0xb3: {  	_ =	swait.eq @p0 [sflag:s6], $0x1  }
0xb4: {  	[sflag:s6] =	ssyncadd.s32 @p0 $0xFFFFFFFF  }
0xb5: {  	s7 =	sshll.u32 @!p0 s1, $0xE  }
0xb6: {  	s7 =	sor.u32 @!p0 $0x4000, s7;
	s6 =	simm.s32 @!p0 $0x1B8D  }
0xb7: {  	s5 =	sshll.u32 @!p0 s5, $0x11;
	s7 =	sadd.s32 @!p0 $0x11B8D, s7;
	_ =	swait.eq @!p0 [sflag:s6], $0x1  }
0xb8: {  	s5 =	sor.u32 @!p0 s5, s7;
	[sflag:s6] =	ssyncadd.s32 @!p0 $0xFFFFFFFF  }
0xb9: {  	s25 =	simm.s32 $0x1B8E;
	s24 =	sld [smem:$0x3FFE];
	[sflag:s5] =	ssyncadd.remote.s32 @!p0 $0x1  }
0xba: {  	s26 =	simm.s32 $execute0_lowered;
	[smem:$0x3FD2] =	sst s25  }
0xbb: {  	s6 =	sshll.u32 s26, $0x1;
	_ =	strace $0x80000052;
	[dreg:$0x1] =	wrdreg $0xFFFFFFFF  }
0xbc: {  	s28 =	simm.s32 $_size_execute0_lowered;
	s4 =	sadd.s32 s4, s6;
	[dreg:$0x0] =	wrdreg $0x0  }
0xbd: {  	s6 =	sshll.u32 s28, $0x1;
	[dreg:$0x2] =	wrdreg s4  }
0xbe: {  	[dreg:$0x3] =	wrdreg s6  }
0xbf: {  	[dreg:$0x4] =	wrdreg $0xC0  }
0xc0: {  	_ =	task [dreg:s22], $0x5FFFF  }
0xc1: {  	[dreg:$0x1] =	wrdreg $0xFFFFFFFF  }
0xc2: {  	[dreg:$0x0] =	wrdreg $0x60  }
0xc3: {  	[dreg:$0x2] =	wrdreg s24  }
0xc4: {  	[dreg:$0x3] =	wrdreg s17  }
0xc5: {  	[dreg:$0x4] =	wrdreg $0xD4000  }
0xc6: {  	[dreg:$0x5] =	wrdreg $0xA  }
0xc7: {  	_ =	task.clear_ibuf [dreg:s22], $0x6FFFF;
	_ =	strace $0x90000052  }
0xc8: {  	s29 =	simm.s32 $0xA;
	_ =	strace $0x80000054  }
0xc9: {  	_ =	swait.ge [sflag:s29], $0x1  }
0xca: {  	[sflag:s29] =	ssyncadd.s32 $0xFFFFFFFF  }
0xcb: {  	_ =	strace $0x90000054  }
0xcc: {  	_ =	sfence  }
0xcd: {  	s30 =	sld [smem:$0x0];
	_ =	sdelay $0x2  }
0xce: {  	s31 =	sshll.u32 s1, $0xD;
	s1 =	sshrl.u32 s1, $0x2  }
0xcf: {  	s4 =	sand.u32 $0x4000, s31;
	s1 =	sadd.s32 s1, s30  }
0xd0: {  	s0 =	sor.u32 s4, s0;
	s1 =	sshll.u32 s1, $0x11  }
0xd1: {  	s0 =	sor.u32 s1, s0  }
0xd2: {  	s0 =	sadd.s32 $0x8F2B, s0  }
0xd3: {  	[sflag:s0] =	ssyncadd.remote.s32 $0x1  }
0xd4: {  	_ =	sfence.sel $0xFFFF  }
0xd5: {  	[dreg:$0x0] =	wrdreg $0xFFFFFFFF;
	(pc) =	sbr.abs _section_cstart, $3  }
0xd6: {  	[dreg:$0x1] =	wrdreg $0xFFFFFFFF  }
0xd7: {  	_ =	task.clear_ibuf [dreg:s22], $0x2FFFF;
	_ =	strace $0x9FFFFFFF  }
0xd8: {  	(tm) =	ssettm $0x7FFFFFFF  }
0xd9: {  	_ =	shalt  }
tec
execute0_lowered:
.L_overlay_start_1:
0x0: {  	(tag) =	ssettag $0x1  }
0x1: {  	s5 =	rddreg [dreg:$0x0]  }
0x2: {  	s9 =	rddreg [dreg:$0x1];
	s1 =	srdreg.scid  }
0x3: {  	s0 =	stileid.u32;
	s2 =	rddreg [dreg:$0x2];
	s3 =	simm.s32 $0x0  }
0x4: {  	s14 =	simm.s32 $0x80;
	s15 =	simm.s32 $0xC400;
	s16 =	simm.s32 $0xCC00  }
0x5: {  	s17 =	simm.s32 $0x1;
	s18 =	simm.s32 $0x2;
	s19 =	simm.s32 $0x6180  }
0x6: {  	s20 =	simm.s32 $0xC300;
	s21 =	simm.s32 $0xC380;
	s22 =	simm.s32 $0x0  }
0x7: {  	s6 =	sand.u32 $0x1, s1;
	s4 =	sshll.u32 s0, $0x1;
	s1 =	rddreg [dreg:$0x3]  }
0x8: {  	[smem:$0x7FF] =	sst s3;
	s10 =	smul.u32 $0xC400, s0;
	s30 =	sshll.u32 s0, $0x6  }
0x9: {  	s4 =	sor.u32 s6, s4;
	s8 =	ssub.s32 $0x2, s6;
	s6 =	smul.u32 $0xC4000, s6  }
0xa: {  	_ =	strace $0x80000053;
	s7 =	smul.u32 $0xC40, s4;
	s11 =	sshrl.u32 s8, $0x1  }
0xb: {  	s4 =	sadd.s32 $0x222400, s5;
	s13 =	sadd.s32 s10, s2;
	s11 =	ssub.s32 s8, s11  }
0xc: {  	s31 =	sadd.s32 s10, s6;
	s6 =	sor.u32 $0x1C03, s30;
	s12 =	sadd.s32 s7, s5  }
0xd: {  	s5 =	sadd.s32 $0x36A00, s5;
	s10 =	sshrl.u32 s31, $0x3;
	s7 =	sadd.s32 $0x1E200, s12  }
0xe: {  	s8 =	sadd.s32 $0x5A00, s12;
	s9 =	sadd.s32 s9, s10;
	s10 =	smax.u32 s11, $0x1  }
0xf: {  	s11 =	sshrl.u32 s13, $0x3;
	s12 =	simm.s32 $0x3;
	s13 =	simm.s32 $0x6200  }
.LBB2_1:
0x10: {  	[spmem:s11], [sflag:s6] =	dma.local [hbm:s5], $0x1880  }
0x11: {  	_ =	swait.ge [sflag:s12], $0x1880  }
0x12: {  	[sflag:s12] =	ssyncset.done $0x0  }
0x13: {  	[sflag:s12] =	ssyncadd.s32 $0xFFFFE780  }
0x14: {  	[tilespmem:s3], [sflag:$0x3] =	stream.linear.gather [hbm4b:s7+s3], $0x6200, $0x38;
	[tilespmem:$0x19800] =	vst v63  }
0x15: {  	_ =	swait.ge [sflag:s12], $0x6200  }
0x16: {  	[sflag:s12] =	ssyncset.done $0x0  }
0x17: {  	[sflag:s12] =	ssyncadd.s32 $0xFFFF9E00  }
0x18: {  	[tilespmem:s13], [sflag:$0x3] =	stream.linear.gather [hbm4b:s8+s3], $0x6200, $0x38;
	[tilespmem:$0x19800] =	vst v63  }
0x19: {  	_ =	swait.ge [sflag:s12], $0x6200  }
0x1a: {  	[sflag:s12] =	ssyncset.done $0x0  }
0x1b: {  	[sflag:s12] =	ssyncadd.s32 $0xFFFF9E00  }
0x1c: {  	[bflag:$0x0] =	sbarrier.arrive $0xFFFF  }
0x1d: {  	[tilespmem:s15], [sflag:$0x1] =	stream.indirect.gather [hbm4b:s4+s14], $0x10, s3, s14, $0xb8;
	[tilespmem:$0x19800] =	vst v63  }
0x1e: {  	s23 =	simm.s32 $0x80  }
0x1f: {  	[tilespmem:s16], [sflag:$0x2] =	stream.indirect.gather [hbm4b:s4+s14], $0x10, s23, s14, $0xb8;
	[tilespmem:$0x19800] =	vst v63  }
0x20: {  	_ =	swait.ge [sflag:s17], $0x800  }
0x21: {  	[sflag:s17] =	ssyncset.done $0x0  }
0x22: {  	s29 =	simm.s32 $0x6200;
	[sflag:s17] =	ssyncadd.s32 $0xFFFFF800  }
0x23: {  	[spmem:s2] =	stream.indirect.scatter.add.f32 [tilespmem:s15], [sflag:$0x3], $0x10, s29, s14, $0xb8;
	[tilespmem:$0x19800] =	vst v63  }
0x24: {  	_ =	swait.ge [sflag:s12], $0x800  }
0x25: {  	[sflag:s12] =	ssyncset.done $0x0  }
0x26: {  	s30 =	simm.s32 $0x100;
	[sflag:s12] =	ssyncadd.s32 $0xFFFFF800  }
0x27: {  	[tilespmem:s15], [sflag:$0x1] =	stream.indirect.gather [hbm4b:s4+s14], $0x10, s30, s14, $0xb8;
	[tilespmem:$0x19800] =	vst v63  }
0x28: {  	_ =	swait.ge [sflag:s18], $0x800  }
0x29: {  	[sflag:s18] =	ssyncset.done $0x0  }
0x2a: {  	s31 =	simm.s32 $0x6280;
	[sflag:s18] =	ssyncadd.s32 $0xFFFFF800  }
0x2b: {  	[spmem:s2] =	stream.indirect.scatter.add.f32 [tilespmem:s16], [sflag:$0x3], $0x10, s31, s14, $0xb8;
	[tilespmem:$0x19800] =	vst v63  }
0x2c: {  	_ =	swait.ge [sflag:s12], $0x800  }
0x2d: {  	s24 =	simm.s32 $0x800;
	s23 =	simm.s32 $0x100;
	[sflag:s12] =	ssyncset.done $0x0  }
.LBB2_2:
0x2e: {  	s25 =	sadd.s32 $0x80, s23  }
0x2f: {  	[sflag:s12] =	ssyncadd.s32 $0xFFFFF800;
	s26 =	smov.u32 s24;
	s28 =	sadd.s32 $0x400, s24  }
0x30: {  	[tilespmem:s16], [sflag:$0x2] =	stream.indirect.gather [hbm4b:s4+s14], $0x10, s25, s14, $0xb8;
	[tilespmem:$0x19800] =	vst v63  }
0x31: {  	p0 =	sne.s32 s24, $0x18000;
	_ =	swait.ge [sflag:s17], $0x800  }
0x32: {  	[sflag:s17] =	ssyncset.done $0x0  }
0x33: {  	s24 =	sadd.s32 $0x6200, s23;
	[sflag:s17] =	ssyncadd.s32 $0xFFFFF800  }
0x34: {  	[spmem:s2] =	stream.indirect.scatter.add.f32 [tilespmem:s15], [sflag:$0x3], $0x10, s24, s14, $0xb8;
	[tilespmem:$0x19800] =	vst v63  }
0x35: {  	_ =	swait.ge [sflag:s12], $0x800  }
0x36: {  	[sflag:s12] =	ssyncset.done $0x0  }
0x37: {  	s24 =	sadd.s32 $0x100, s23;
	[sflag:s12] =	ssyncadd.s32 $0xFFFFF800  }
0x38: {  	[tilespmem:s15], [sflag:$0x1] =	stream.indirect.gather [hbm4b:s4+s14], $0x10, s24, s14, $0xb8;
	[tilespmem:$0x19800] =	vst v63  }
0x39: {  	_ =	swait.ge [sflag:s18], $0x800  }
.Ltmp0:
0x3a: {  	[sflag:s18] =	ssyncset.done $0x0;
	(pc) =	sbr.rel @p0 .LBB2_2-.Ltmp0, $4  }
0x3b: {  	s23 =	sadd.s32 $0x6280, s23;
	[sflag:s18] =	ssyncadd.s32 $0xFFFFF800  }
0x3c: {  	[spmem:s2] =	stream.indirect.scatter.add.f32 [tilespmem:s16], [sflag:$0x3], $0x10, s23, s14, $0xb8;
	[tilespmem:$0x19800] =	vst v63  }
0x3d: {  	_ =	swait.ge [sflag:s12], $0x800  }
0x3e: {  	s24 =	smov.u32 s28;
	s23 =	sshra.s32 s26, $0x2;
	[sflag:s12] =	ssyncset.done $0x0  }
0x3f: {  	s24 =	sadd.s32 $0x80, s23;
	[sflag:s12] =	ssyncadd.s32 $0xFFFFF800  }
0x40: {  	[tilespmem:s16], [sflag:$0x2] =	stream.indirect.gather [hbm4b:s4+s14], $0x10, s24, s14, $0xb8;
	[tilespmem:$0x19800] =	vst v63  }
0x41: {  	_ =	swait.ge [sflag:s17], $0x800  }
0x42: {  	[sflag:s17] =	ssyncset.done $0x0  }
0x43: {  	s29 =	sadd.s32 $0x6200, s23;
	[sflag:s17] =	ssyncadd.s32 $0xFFFFF800  }
0x44: {  	[spmem:s2] =	stream.indirect.scatter.add.f32 [tilespmem:s15], [sflag:$0x3], $0x10, s29, s14, $0xb8;
	[tilespmem:$0x19800] =	vst v63  }
0x45: {  	_ =	swait.ge [sflag:s12], $0x800  }
0x46: {  	[sflag:s12] =	ssyncset.done $0x0  }
0x47: {  	s30 =	sadd.s32 $0x100, s23;
	[sflag:s12] =	ssyncadd.s32 $0xFFFFF800  }
0x48: {  	[tilespmem:s15], [sflag:$0x1] =	stream.indirect.gather [hbm4b:s4+s14], $0x10, s30, s14, $0xb8;
	[tilespmem:$0x19800] =	vst v63  }
0x49: {  	_ =	swait.ge [sflag:s18], $0x800  }
0x4a: {  	[sflag:s18] =	ssyncset.done $0x0  }
0x4b: {  	s31 =	sadd.s32 $0x6280, s23;
	[sflag:s18] =	ssyncadd.s32 $0xFFFFF800  }
0x4c: {  	[spmem:s2] =	stream.indirect.scatter.add.f32 [tilespmem:s16], [sflag:$0x3], $0x10, s31, s14, $0xb8;
	[tilespmem:$0x19800] =	vst v63  }
0x4d: {  	_ =	swait.ge [sflag:s12], $0x800  }
0x4e: {  	[sflag:s12] =	ssyncset.done $0x0  }
0x4f: {  	[sflag:s12] =	ssyncadd.s32 $0xFFFFF800  }
0x50: {  	[tilespmem:s16], [sflag:$0x2] =	stream.indirect.gather [hbm4b:s4+s14], $0x10, s19, s14, $0xb8;
	[tilespmem:$0x19800] =	vst v63  }
0x51: {  	_ =	swait.ge [sflag:s17], $0x800  }
0x52: {  	[sflag:s17] =	ssyncset.done $0x0  }
0x53: {  	[sflag:s17] =	ssyncadd.s32 $0xFFFFF800  }
0x54: {  	[spmem:s2] =	stream.indirect.scatter.add.f32 [tilespmem:s15], [sflag:$0x3], $0x10, s20, s14, $0xb8;
	[tilespmem:$0x19800] =	vst v63  }
0x55: {  	_ =	swait.ge [sflag:s12], $0x800  }
0x56: {  	[sflag:s12] =	ssyncset.done $0x0  }
0x57: {  	[sflag:s12] =	ssyncadd.s32 $0xFFFFF800  }
0x58: {  	_ =	swait.ge [sflag:s18], $0x800  }
0x59: {  	[sflag:s18] =	ssyncset.done $0x0  }
0x5a: {  	[sflag:s18] =	ssyncadd.s32 $0xFFFFF800  }
0x5b: {  	[spmem:s2] =	stream.indirect.scatter.add.f32 [tilespmem:s16], [sflag:$0x3], $0x10, s21, s14, $0xb8;
	[tilespmem:$0x19800] =	vst v63  }
0x5c: {  	_ =	swait.ge [sflag:s12], $0x800  }
0x5d: {  	s22 =	sadd.s32 $0x1, s22;
	[sflag:s12] =	ssyncset.done $0x0  }
0x5e: {  	p0 =	sne.s32 s22, s10;
	[sflag:s12] =	ssyncadd.s32 $0xFFFFF800  }
.Ltmp1:
0x5f: {  	[bflag:$0x0] =	sbarrier.arrive $0xFFFF;
	(pc) =	sbr.rel @p0 .LBB2_1-.Ltmp1, $4  }
0x60: {  	[hbm:s9], [sflag:s6] =	dma.local [spmem:s11], $0x1880  }
0x61: {  	_ =	swait.ge [sflag:s12], $0x1880  }
0x62: {  	[sflag:s12] =	ssyncset.done $0x0  }
0x63: {  	[sflag:s12] =	ssyncadd.s32 $0xFFFFE780  }
0x64: {  	_ =	sfence.sel $0x180000  }
0x65: {  	[bflag:$0x0] =	sbarrier.arrive $0xFFFF  }
0x66: {  	p0 =	sne.s32 s0, $0x0;
	_ =	strace $0x90000053  }
0x67: {  	s0 =	sadd.s32 @!p0 $0x100000, s1;
	[bflag:$0x2] =	sbarrier.arrive $0xFFFF  }
0x68: {  	[sflag:s0] =	ssyncadd.tile.s32 @!p0 $0x1;
	_ =	shalt  }
.Lfunc_end2:
_tile_overlayer_lowered:
.L_overlay_start_2:
0x69: {  	(tag) =	ssettag $0x2  }
0x6a: {  	s0 =	rddreg [dreg:$0x0];
	s2 =	stileid.u32  }
0x6b: {  	s1 =	rddreg [dreg:$0x1];
	p0 =	sne.s32 s2, $0x0  }
0x6c: {  	s3 =	rddreg [dreg:$0x2];
	[bflag:$0x3] =	sbarrier.arrive $0xFFFF;
	s2 =	simm.s32 @!p0 $0x1C03  }
0x6d: {  	[timem:s3], [sflag:s2] =	dma.local @!p0 [hbm:s0], s1  }
0x6e: {  	s0 =	simm.s32 @!p0 $0x3  }
0x6f: {  	_ =	swait.ge @!p0 [sflag:s0], s1  }
0x70: {  	s1 =	ssub.s32 @!p0 $0x0, s1;
	[sflag:s0] =	ssyncset.done @!p0 $0x0  }
0x71: {  	[sflag:s0] =	ssyncadd.s32 @!p0 s1  }
0x72: {  	[bflag:$0x3] =	sbarrier.arrive $0xFFFF  }
0x73: {  	_ =	shalt  }

// kernel: kernel.26.cloned.1.call-start
scs
__scs_entry_jumppad:
0x0: {  	(pc) =	sbr.rel $0x88, $3  }
0x1: {  	(tag) =	ssettag $0x0;
	lr =	simm.s32 $0x1  }
0x2: {  	[smem:$0x3F8F] =	sst lr;
	_ =	strace $0xD0000000  }
0x3: {  	_ = 	snop  }
0x4: {  	_ = 	snop  }
0x5: {  	_ = 	snop  }
0x6: {  	_ = 	snop  }
0x7: {  	_ = 	snop  }
__scs_overlays_trampoline_lowered:
0x8: {  	[smem:$0x3F9E] =	sst s0  }
0x9: {  	[smem:$0x3F9F] =	sst s1  }
0xa: {  	[smem:$0x3FA0] =	sst s2  }
0xb: {  	[smem:$0x3FA1] =	sst s3  }
0xc: {  	[smem:$0x3FA2] =	sst s4  }
0xd: {  	[smem:$0x3FA3] =	sst s5  }
0xe: {  	[smem:$0x3FA4] =	sst s6  }
0xf: {  	[smem:$0x3FA5] =	sst s7  }
0x10: {  	[smem:$0x3FA6] =	sst s8  }
0x11: {  	[smem:$0x3FA7] =	sst s9;
	s0 =	simm.s32 @!p0 $0x0  }
0x12: {  	s1 =	sld [smem:$0x3F8D];
	s0 =	simm.s32 @p0 $0x1  }
0x13: {  	[smem:$0x3FA8] =	sst s0;
	s0 =	simm.s32 @!p1 $0x0  }
0x14: {  	s2 =	sld [smem:$0x3F8C];
	s0 =	simm.s32 @p1 $0x1  }
0x15: {  	[smem:$0x3FA9] =	sst s0;
	s0 =	simm.s32 @!p2 $0x0  }
0x16: {  	s3 =	sld [smem:$0x3FDB];
	s0 =	simm.s32 @p2 $0x1  }
0x17: {  	s4 =	simm.s32 $0x1BF5;
	[smem:$0x3FAB] =	sst s0  }
0x18: {  	s0 =	sld [smem:$0x3F8E];
	_ =	swait.ge [sflag:s4], $0x0  }
0x19: {  	s7 =	sld [smem:$0x3F8F]  }
0x1a: {  	s8 =	sadd.s32 $0xFFFFE003, lr  }
0x1b: {  	s9 =	sadd.s32 $0xFFFFFEF7, lr;
	s5 =	simm.s32 $0xFFFFFFFF;
	p2 =	slt.u32 s8, $0xFFFFF086  }
0x1c: {  	p1 =	slt.u32 s9, $0xF7A;
	s5 =	simm.s32 @!p2 $0x0  }
0x1d: {  	s5 =	simm.s32 @p1 $0x1;
	p0 =	seq.s32 s7, s2  }
0x1e: {  	s7 =	smul.u32 @!p0 $0xF7A, s2;
	p2 =	seq.s32 @!p0 s5, $0x0  }
0x1f: {  	s9 =	smul.u32 $0xF7A, s1;
	s8 =	simm.s32 @!p0 $0x1BF5;
	p2 =	por !p2, p0  }
0x20: {  	[sflag:s8] =	ssyncset.s32 @!p0 $0xFFFFF086;
	s6 =	sadd.s32 @!p0 s3, s7;
	s7 =	simm.s32 @!p0 $0x108  }
0x21: {  	s3 =	sadd.s32 s3, s9;
	s6 =	sadd.s32 @!p0 $0x88, s6;
	s7 =	simm.s32 @p2 $0x1082  }
0x22: {  	[simem:s7], [sflag:s8] =	dma.local @!p0 [hbm:s6], $0xF7A  }
0x23: {  	s9 =	sor.u32 $0xD0000000, s2;
	s6 =	simm.s32 $0x108;
	_ =	swait.ge @!p0 [sflag:s8], $0x0  }
0x24: {  	s3 =	sadd.s32 $0x88, s3;
	s6 =	simm.s32 @!p1 $0x1082;
	[sflag:s4] =	ssyncset.s32 $0xFFFFF086  }
0x25: {  	[simem:s6], [sflag:s4] =	dma.local [hbm:s3], $0xF7A  }
0x26: {  	[smem:$0x3F8F] =	sst s1;
	(tag) =	ssettag s2;
	_ =	strace s9  }
0x27: {  	s1 =	sld [smem:$0x3F9F]  }
0x28: {  	s2 =	sld [smem:$0x3FA0]  }
0x29: {  	s4 =	sld [smem:$0x3FA2]  }
0x2a: {  	p0 =	seq.s32 s5, $0x0;
	s5 =	sld [smem:$0x3FA3]  }
0x2b: {  	s6 =	sld [smem:$0x3FA4]  }
0x2c: {  	s7 =	sld [smem:$0x3FA5]  }
0x2d: {  	s3 =	simm.s32 $0x108;
	s8 =	sld [smem:$0x3FA6]  }
0x2e: {  	s3 =	simm.s32 @!p0 $0x1082;
	s9 =	sld [smem:$0x3FA7]  }
0x2f: {  	lr =	sadd.s32 s0, s3;
	s0 =	sld [smem:$0x3F9E]  }
0x30: {  	s3 =	sld [smem:$0x3FA1]  }
0x31: {  	[smem:$0x3FAA] =	sst s10  }
0x32: {  	s10 =	sld [smem:$0x3FA8];
	_ =	sdelay $0x3  }
0x33: {  	p0 =	seq.s32 s10, $0x1;
	s10 =	sld [smem:$0x3FAA];
	_ =	sdelay $0x3  }
0x34: {  	[smem:$0x3FAA] =	sst s10  }
0x35: {  	s10 =	sld [smem:$0x3FA9];
	_ =	sdelay $0x3  }
0x36: {  	p1 =	seq.s32 s10, $0x1;
	s10 =	sld [smem:$0x3FAA];
	_ =	sdelay $0x3  }
0x37: {  	[smem:$0x3FAA] =	sst s10  }
0x38: {  	s10 =	sld [smem:$0x3FAB]  }
0x39: {  	_ = 	snop;
	(pc) =	sbr.ind lr, $3  }
0x3a: {  	_ = 	snop  }
0x3b: {  	_ = 	snop  }
0x3c: {  	p2 =	seq.s32 s10, $0x1;
	s10 =	sld [smem:$0x3FAA]  }
0x3d: {  	_ =	shalt  }
0x3e: {  	_ =	shalt  }
0x3f: {  	_ =	shalt  }
0x40: {  	_ =	shalt  }
0x41: {  	_ =	shalt  }
0x42: {  	_ =	shalt  }
0x43: {  	_ =	shalt  }
0x44: {  	_ =	shalt  }
0x45: {  	_ =	shalt  }
0x46: {  	_ =	shalt  }
0x47: {  	_ =	shalt  }
0x48: {  	_ =	shalt  }
0x49: {  	_ =	shalt  }
0x4a: {  	_ =	shalt  }
0x4b: {  	_ =	shalt  }
0x4c: {  	_ =	shalt  }
0x4d: {  	_ =	shalt  }
0x4e: {  	_ =	shalt  }
0x4f: {  	_ =	shalt  }
0x50: {  	_ =	shalt  }
0x51: {  	_ =	shalt  }
0x52: {  	_ =	shalt  }
0x53: {  	_ =	shalt  }
0x54: {  	_ =	shalt  }
0x55: {  	_ =	shalt  }
0x56: {  	_ =	shalt  }
0x57: {  	_ =	shalt  }
0x58: {  	_ =	shalt  }
0x59: {  	_ =	shalt  }
0x5a: {  	_ =	shalt  }
0x5b: {  	_ =	shalt  }
0x5c: {  	_ =	shalt  }
0x5d: {  	_ =	shalt  }
0x5e: {  	_ =	shalt  }
0x5f: {  	_ =	shalt  }
0x60: {  	_ =	shalt  }
0x61: {  	_ =	shalt  }
0x62: {  	_ =	shalt  }
0x63: {  	_ =	shalt  }
0x64: {  	_ =	shalt  }
0x65: {  	_ =	shalt  }
0x66: {  	_ =	shalt  }
0x67: {  	_ =	shalt  }
0x68: {  	_ =	shalt  }
0x69: {  	_ =	shalt  }
0x6a: {  	_ =	shalt  }
0x6b: {  	_ =	shalt  }
0x6c: {  	_ =	shalt  }
0x6d: {  	_ =	shalt  }
0x6e: {  	_ =	shalt  }
0x6f: {  	_ =	shalt  }
0x70: {  	_ =	shalt  }
0x71: {  	_ =	shalt  }
0x72: {  	_ =	shalt  }
0x73: {  	_ =	shalt  }
0x74: {  	_ =	shalt  }
0x75: {  	_ =	shalt  }
0x76: {  	_ =	shalt  }
0x77: {  	_ =	shalt  }
0x78: {  	_ =	shalt  }
0x79: {  	_ =	shalt  }
0x7a: {  	_ =	shalt  }
0x7b: {  	_ =	shalt  }
0x7c: {  	_ =	shalt  }
0x7d: {  	_ =	shalt  }
0x7e: {  	_ =	shalt  }
0x7f: {  	_ =	shalt  }
0x80: {  	_ =	shalt  }
0x81: {  	_ =	shalt  }
0x82: {  	_ =	shalt  }
0x83: {  	_ =	shalt  }
0x84: {  	_ =	shalt  }
0x85: {  	_ =	shalt  }
0x86: {  	_ =	shalt  }
0x87: {  	_ =	shalt  }
.Lfunc_end0:
.L_simem_size_0:
called_computation.4_lowered:
.L_overlay_start_0:
0x88: {  	s2 =	sld [smem:$0x3FD9]  }
0x89: {  	s3 =	sld [smem:$0x3FFE];
	_ =	sdelay $0x1  }
0x8a: {  	s1 =	srdreg.scid  }
0x8b: {  	s0 =	sand.u32 $0x1, s1  }
0x8c: {  	s17 =	sshll.u32 s0, $0xA;
	s2 =	sadd.s32 s3, s2  }
0x8d: {  	s2 =	sadd.s32 s2, s17  }
0x8e: {  	[smem:$0x3FB6] =	sst s2  }
0x8f: {  	_ = 	snop  }
0x90: {  	(tm) =	ssettm $0x1  }
0x91: {  	s18 =	sld [smem:$0x3FFB];
	_ =	sdelay $0x3  }
0x92: {  	_ =	strace s18  }
0x93: {  	s2 =	sld [smem:$0x3FFC];
	_ =	sdelay $0x3  }
0x94: {  	_ =	strace s2  }
0x95: {  	s2 =	sld [smem:$0x3FFD];
	_ =	sdelay $0x3  }
0x96: {  	_ =	strace s2  }
0x97: {  	_ =	strace $0x8FFFFFFF  }
0x98: {  	s19 =	sld [smem:$0x3FDB];
	_ =	sdelay $0x1  }
0x99: {  	s20 =	simm.s32 $_scs_section_size  }
0x9a: {  	s4 =	simm.s32 $_size__tile_overlayer_lowered;
	s5 =	simm.s32 $_tile_overlayer_lowered  }
0x9b: {  	s6 =	simm.s32 $0x1BFF;
	s21 =	sshll.u32 s5, $0x1;
	s3 =	sadd.s32 s20, s19  }
0x9c: {  	s22 =	simm.s32 $0x0;
	s4 =	sshll.u32 s4, $0x1;
	s5 =	sadd.s32 s21, s3  }
0x9d: {  	[timem:s22], [sflag:s6] =	dma.local [hbm:s5], s4  }
0x9e: {  	_ =	swait.ge [sflag:s6], s4  }
0x9f: {  	s4 =	ssub.s32 $0x0, s4;
	[sflag:s6] =	ssyncset.done $0x0  }
0xa0: {  	[sflag:s6] =	ssyncadd.s32 s4;
	_ =	sdelay $0x1  }
0xa1: {  	s23 =	simm.s32 $0x1B8B  }
0xa2: {  	_ =	swait.ge [sflag:s23], $0x1  }
0xa3: {  	[sflag:s23] =	ssyncset.done $0x0  }
0xa4: {  	[sflag:s23] =	ssyncadd.s32 $0xFFFFFFFF  }
0xa5: {  	s4 =	sld [smem:$0x0]  }
0xa6: {  	s5 =	sand.u32 $0xFFFFFFFE, s1  }
0xa7: {  	p0 =	sne.s32 s1, s5  }
0xa8: {  	s5 =	sshll.u32 @p0 s5, $0xE  }
0xa9: {  	s5 =	sadd.s32 @p0 $0x11B8D, s5;
	s6 =	sshll.u32 @p0 s4, $0x11  }
0xaa: {  	s5 =	sor.u32 @p0 s6, s5  }
0xab: {  	[sflag:s5] =	ssyncadd.remote.s32 @p0 $0x1;
	_ =	sdelay $0x1  }
0xac: {  	s5 =	simm.s32 @p0 $0x1B8D  }
0xad: {  	_ =	swait.eq @p0 [sflag:s5], $0x1  }
0xae: {  	[sflag:s5] =	ssyncadd.s32 @p0 $0xFFFFFFFF  }
0xaf: {  	s6 =	sshll.u32 @!p0 s1, $0xE  }
0xb0: {  	s6 =	sor.u32 @!p0 $0x4000, s6;
	s5 =	simm.s32 @!p0 $0x1B8D  }
0xb1: {  	s4 =	sshll.u32 @!p0 s4, $0x11;
	s6 =	sadd.s32 @!p0 $0x11B8D, s6;
	_ =	swait.eq @!p0 [sflag:s5], $0x1  }
0xb2: {  	s4 =	sor.u32 @!p0 s4, s6;
	[sflag:s5] =	ssyncadd.s32 @!p0 $0xFFFFFFFF  }
0xb3: {  	s25 =	simm.s32 $0x1B8E;
	s24 =	sld [smem:$0x3FFE];
	[sflag:s4] =	ssyncadd.remote.s32 @!p0 $0x1  }
0xb4: {  	s26 =	simm.s32 $execute0_lowered;
	[smem:$0x3FD2] =	sst s25  }
0xb5: {  	s5 =	sshll.u32 s26, $0x1;
	_ =	strace $0x8000004F;
	[dreg:$0x1] =	wrdreg $0xFFFFFFFF  }
0xb6: {  	s28 =	simm.s32 $_size_execute0_lowered;
	s3 =	sadd.s32 s3, s5;
	[dreg:$0x0] =	wrdreg $0x0  }
0xb7: {  	s5 =	sshll.u32 s28, $0x1;
	[dreg:$0x2] =	wrdreg s3  }
0xb8: {  	[dreg:$0x3] =	wrdreg s5  }
0xb9: {  	[dreg:$0x4] =	wrdreg $0xC0  }
0xba: {  	_ =	task [dreg:s22], $0x5FFFF  }
0xbb: {  	[dreg:$0x1] =	wrdreg $0xFFFFFFFF  }
0xbc: {  	[dreg:$0x0] =	wrdreg $0x60  }
0xbd: {  	[dreg:$0x2] =	wrdreg s24  }
0xbe: {  	[dreg:$0x3] =	wrdreg $0xD4000  }
0xbf: {  	[dreg:$0x4] =	wrdreg $0xB  }
0xc0: {  	_ =	task.clear_ibuf [dreg:s22], $0x5FFFF;
	_ =	strace $0x9000004F  }
0xc1: {  	s29 =	simm.s32 $0xB;
	_ =	strace $0x80000051  }
0xc2: {  	_ =	swait.ge [sflag:s29], $0x1  }
0xc3: {  	[sflag:s29] =	ssyncadd.s32 $0xFFFFFFFF  }
0xc4: {  	_ =	strace $0x90000051  }
0xc5: {  	_ =	sfence  }
0xc6: {  	s30 =	sld [smem:$0x0];
	_ =	sdelay $0x2  }
0xc7: {  	s31 =	sshll.u32 s1, $0xD;
	s1 =	sshrl.u32 s1, $0x2  }
0xc8: {  	s4 =	sand.u32 $0x4000, s31;
	s1 =	sadd.s32 s1, s30  }
0xc9: {  	s0 =	sor.u32 s4, s0;
	s1 =	sshll.u32 s1, $0x11  }
0xca: {  	s0 =	sor.u32 s1, s0  }
0xcb: {  	s0 =	sadd.s32 $0x8F2B, s0  }
0xcc: {  	[sflag:s0] =	ssyncadd.remote.s32 $0x1  }
0xcd: {  	_ =	sfence.sel $0xFFFF  }
0xce: {  	[dreg:$0x0] =	wrdreg $0xFFFFFFFF;
	(pc) =	sbr.abs _section_cstart, $3  }
0xcf: {  	[dreg:$0x1] =	wrdreg $0xFFFFFFFF  }
0xd0: {  	_ =	task.clear_ibuf [dreg:s22], $0x2FFFF;
	_ =	strace $0x9FFFFFFF  }
0xd1: {  	(tm) =	ssettm $0x7FFFFFFF  }
tec
execute0_lowered:
.L_overlay_start_1:
0x0: {  	(tag) =	ssettag $0x1  }
0x1: {  	s1 =	srdreg.scid  }
0x2: {  	s0 =	stileid.u32;
	s6 =	rddreg [dreg:$0x0]  }
0x3: {  	s2 =	rddreg [dreg:$0x1];
	s3 =	simm.s32 $0x0;
	s14 =	simm.s32 $0x80  }
0x4: {  	s15 =	simm.s32 $0xC400;
	s16 =	simm.s32 $0xCC00;
	s17 =	simm.s32 $0x1  }
0x5: {  	s18 =	simm.s32 $0x2;
	s19 =	simm.s32 $0x6180;
	s20 =	simm.s32 $0xC300  }
0x6: {  	s21 =	simm.s32 $0xC380;
	s22 =	simm.s32 $0x0;
	s5 =	sand.u32 $0x1, s1  }
0x7: {  	s28 =	sshll.u32 s0, $0x1;
	s8 =	smul.u32 $0xC400, s0;
	[smem:$0x7FF] =	sst s3  }
0x8: {  	s4 =	sadd.s32 $0x209C00, s6;
	s31 =	sshll.u32 s0, $0x6;
	s1 =	sor.u32 s5, s28  }
0x9: {  	s9 =	smul.u32 $0xC4000, s5;
	s30 =	ssub.s32 $0x2, s5;
	s5 =	sadd.s32 $0x36A00, s6  }
0xa: {  	s7 =	smul.u32 $0xC40, s1;
	s1 =	rddreg [dreg:$0x2];
	_ =	strace $0x80000050  }
0xb: {  	s11 =	sshrl.u32 s30, $0x1;
	s13 =	sadd.s32 s8, s2;
	s29 =	sadd.s32 s8, s9  }
0xc: {  	s11 =	ssub.s32 s30, s11;
	s10 =	sadd.s32 s7, s6;
	s7 =	sshrl.u32 s29, $0x3  }
0xd: {  	s12 =	sadd.s32 s7, s6;
	s6 =	sor.u32 $0x1C03, s31;
	s7 =	sadd.s32 $0x1E200, s10  }
0xe: {  	s8 =	sadd.s32 $0x5A00, s10;
	s10 =	smax.u32 s11, $0x1;
	s11 =	sshrl.u32 s13, $0x3  }
0xf: {  	s13 =	simm.s32 $0x6200;
	s9 =	sadd.s32 $0x38400, s12;
	s12 =	simm.s32 $0x3  }
.LBB2_1:
0x10: {  	[spmem:s11], [sflag:s6] =	dma.local [hbm:s5], $0x1880  }
0x11: {  	_ =	swait.ge [sflag:s12], $0x1880  }
0x12: {  	[sflag:s12] =	ssyncset.done $0x0  }
0x13: {  	[sflag:s12] =	ssyncadd.s32 $0xFFFFE780  }
0x14: {  	[tilespmem:s3], [sflag:$0x3] =	stream.linear.gather [hbm4b:s7+s3], $0x6200, $0x38;
	[tilespmem:$0x19800] =	vst v63  }
0x15: {  	_ =	swait.ge [sflag:s12], $0x6200  }
0x16: {  	[sflag:s12] =	ssyncset.done $0x0  }
0x17: {  	[sflag:s12] =	ssyncadd.s32 $0xFFFF9E00  }
0x18: {  	[tilespmem:s13], [sflag:$0x3] =	stream.linear.gather [hbm4b:s8+s3], $0x6200, $0x38;
	[tilespmem:$0x19800] =	vst v63  }
0x19: {  	_ =	swait.ge [sflag:s12], $0x6200  }
0x1a: {  	[sflag:s12] =	ssyncset.done $0x0  }
0x1b: {  	[sflag:s12] =	ssyncadd.s32 $0xFFFF9E00  }
0x1c: {  	[bflag:$0x0] =	sbarrier.arrive $0xFFFF  }
0x1d: {  	[tilespmem:s15], [sflag:$0x1] =	stream.indirect.gather [hbm4b:s4+s14], $0x10, s3, s14, $0xb8;
	[tilespmem:$0x19800] =	vst v63  }
0x1e: {  	s23 =	simm.s32 $0x80  }
0x1f: {  	[tilespmem:s16], [sflag:$0x2] =	stream.indirect.gather [hbm4b:s4+s14], $0x10, s23, s14, $0xb8;
	[tilespmem:$0x19800] =	vst v63  }
0x20: {  	_ =	swait.ge [sflag:s17], $0x800  }
0x21: {  	[sflag:s17] =	ssyncset.done $0x0  }
0x22: {  	s29 =	simm.s32 $0x6200;
	[sflag:s17] =	ssyncadd.s32 $0xFFFFF800  }
0x23: {  	[spmem:s2] =	stream.indirect.scatter.add.f32 [tilespmem:s15], [sflag:$0x3], $0x10, s29, s14, $0xb8;
	[tilespmem:$0x19800] =	vst v63  }
0x24: {  	_ =	swait.ge [sflag:s12], $0x800  }
0x25: {  	[sflag:s12] =	ssyncset.done $0x0  }
0x26: {  	s30 =	simm.s32 $0x100;
	[sflag:s12] =	ssyncadd.s32 $0xFFFFF800  }
0x27: {  	[tilespmem:s15], [sflag:$0x1] =	stream.indirect.gather [hbm4b:s4+s14], $0x10, s30, s14, $0xb8;
	[tilespmem:$0x19800] =	vst v63  }
0x28: {  	_ =	swait.ge [sflag:s18], $0x800  }
0x29: {  	[sflag:s18] =	ssyncset.done $0x0  }
0x2a: {  	s31 =	simm.s32 $0x6280;
	[sflag:s18] =	ssyncadd.s32 $0xFFFFF800  }
0x2b: {  	[spmem:s2] =	stream.indirect.scatter.add.f32 [tilespmem:s16], [sflag:$0x3], $0x10, s31, s14, $0xb8;
	[tilespmem:$0x19800] =	vst v63  }
0x2c: {  	_ =	swait.ge [sflag:s12], $0x800  }
0x2d: {  	s24 =	simm.s32 $0x800;
	s23 =	simm.s32 $0x100;
	[sflag:s12] =	ssyncset.done $0x0  }
.LBB2_2:
0x2e: {  	s25 =	sadd.s32 $0x80, s23  }
0x2f: {  	[sflag:s12] =	ssyncadd.s32 $0xFFFFF800;
	s26 =	smov.u32 s24;
	s28 =	sadd.s32 $0x400, s24  }
0x30: {  	[tilespmem:s16], [sflag:$0x2] =	stream.indirect.gather [hbm4b:s4+s14], $0x10, s25, s14, $0xb8;
	[tilespmem:$0x19800] =	vst v63  }
0x31: {  	p0 =	sne.s32 s24, $0x18000;
	_ =	swait.ge [sflag:s17], $0x800  }
0x32: {  	[sflag:s17] =	ssyncset.done $0x0  }
0x33: {  	s24 =	sadd.s32 $0x6200, s23;
	[sflag:s17] =	ssyncadd.s32 $0xFFFFF800  }
0x34: {  	[spmem:s2] =	stream.indirect.scatter.add.f32 [tilespmem:s15], [sflag:$0x3], $0x10, s24, s14, $0xb8;
	[tilespmem:$0x19800] =	vst v63  }
0x35: {  	_ =	swait.ge [sflag:s12], $0x800  }
0x36: {  	[sflag:s12] =	ssyncset.done $0x0  }
0x37: {  	s24 =	sadd.s32 $0x100, s23;
	[sflag:s12] =	ssyncadd.s32 $0xFFFFF800  }
0x38: {  	[tilespmem:s15], [sflag:$0x1] =	stream.indirect.gather [hbm4b:s4+s14], $0x10, s24, s14, $0xb8;
	[tilespmem:$0x19800] =	vst v63  }
0x39: {  	_ =	swait.ge [sflag:s18], $0x800  }
.Ltmp0:
0x3a: {  	[sflag:s18] =	ssyncset.done $0x0;
	(pc) =	sbr.rel @p0 .LBB2_2-.Ltmp0, $4  }
0x3b: {  	s23 =	sadd.s32 $0x6280, s23;
	[sflag:s18] =	ssyncadd.s32 $0xFFFFF800  }
0x3c: {  	[spmem:s2] =	stream.indirect.scatter.add.f32 [tilespmem:s16], [sflag:$0x3], $0x10, s23, s14, $0xb8;
	[tilespmem:$0x19800] =	vst v63  }
0x3d: {  	_ =	swait.ge [sflag:s12], $0x800  }
0x3e: {  	s24 =	smov.u32 s28;
	s23 =	sshra.s32 s26, $0x2;
	[sflag:s12] =	ssyncset.done $0x0  }
0x3f: {  	s24 =	sadd.s32 $0x80, s23;
	[sflag:s12] =	ssyncadd.s32 $0xFFFFF800  }
0x40: {  	[tilespmem:s16], [sflag:$0x2] =	stream.indirect.gather [hbm4b:s4+s14], $0x10, s24, s14, $0xb8;
	[tilespmem:$0x19800] =	vst v63  }
0x41: {  	_ =	swait.ge [sflag:s17], $0x800  }
0x42: {  	[sflag:s17] =	ssyncset.done $0x0  }
0x43: {  	s29 =	sadd.s32 $0x6200, s23;
	[sflag:s17] =	ssyncadd.s32 $0xFFFFF800  }
0x44: {  	[spmem:s2] =	stream.indirect.scatter.add.f32 [tilespmem:s15], [sflag:$0x3], $0x10, s29, s14, $0xb8;
	[tilespmem:$0x19800] =	vst v63  }
0x45: {  	_ =	swait.ge [sflag:s12], $0x800  }
0x46: {  	[sflag:s12] =	ssyncset.done $0x0  }
0x47: {  	s30 =	sadd.s32 $0x100, s23;
	[sflag:s12] =	ssyncadd.s32 $0xFFFFF800  }
0x48: {  	[tilespmem:s15], [sflag:$0x1] =	stream.indirect.gather [hbm4b:s4+s14], $0x10, s30, s14, $0xb8;
	[tilespmem:$0x19800] =	vst v63  }
0x49: {  	_ =	swait.ge [sflag:s18], $0x800  }
0x4a: {  	[sflag:s18] =	ssyncset.done $0x0  }
0x4b: {  	s31 =	sadd.s32 $0x6280, s23;
	[sflag:s18] =	ssyncadd.s32 $0xFFFFF800  }
0x4c: {  	[spmem:s2] =	stream.indirect.scatter.add.f32 [tilespmem:s16], [sflag:$0x3], $0x10, s31, s14, $0xb8;
	[tilespmem:$0x19800] =	vst v63  }
0x4d: {  	_ =	swait.ge [sflag:s12], $0x800  }
0x4e: {  	[sflag:s12] =	ssyncset.done $0x0  }
0x4f: {  	[sflag:s12] =	ssyncadd.s32 $0xFFFFF800  }
0x50: {  	[tilespmem:s16], [sflag:$0x2] =	stream.indirect.gather [hbm4b:s4+s14], $0x10, s19, s14, $0xb8;
	[tilespmem:$0x19800] =	vst v63  }
0x51: {  	_ =	swait.ge [sflag:s17], $0x800  }
0x52: {  	[sflag:s17] =	ssyncset.done $0x0  }
0x53: {  	[sflag:s17] =	ssyncadd.s32 $0xFFFFF800  }
0x54: {  	[spmem:s2] =	stream.indirect.scatter.add.f32 [tilespmem:s15], [sflag:$0x3], $0x10, s20, s14, $0xb8;
	[tilespmem:$0x19800] =	vst v63  }
0x55: {  	_ =	swait.ge [sflag:s12], $0x800  }
0x56: {  	[sflag:s12] =	ssyncset.done $0x0  }
0x57: {  	[sflag:s12] =	ssyncadd.s32 $0xFFFFF800  }
0x58: {  	_ =	swait.ge [sflag:s18], $0x800  }
0x59: {  	[sflag:s18] =	ssyncset.done $0x0  }
0x5a: {  	[sflag:s18] =	ssyncadd.s32 $0xFFFFF800  }
0x5b: {  	[spmem:s2] =	stream.indirect.scatter.add.f32 [tilespmem:s16], [sflag:$0x3], $0x10, s21, s14, $0xb8;
	[tilespmem:$0x19800] =	vst v63  }
0x5c: {  	_ =	swait.ge [sflag:s12], $0x800  }
0x5d: {  	s22 =	sadd.s32 $0x1, s22;
	[sflag:s12] =	ssyncset.done $0x0  }
0x5e: {  	p0 =	sne.s32 s22, s10;
	[sflag:s12] =	ssyncadd.s32 $0xFFFFF800  }
.Ltmp1:
0x5f: {  	[bflag:$0x0] =	sbarrier.arrive $0xFFFF;
	(pc) =	sbr.rel @p0 .LBB2_1-.Ltmp1, $4  }
0x60: {  	[hbm:s9], [sflag:s6] =	dma.local [spmem:s11], $0x1880  }
0x61: {  	_ =	swait.ge [sflag:s12], $0x1880  }
0x62: {  	[sflag:s12] =	ssyncset.done $0x0  }
0x63: {  	[sflag:s12] =	ssyncadd.s32 $0xFFFFE780  }
0x64: {  	_ =	sfence.sel $0x180000  }
0x65: {  	[bflag:$0x0] =	sbarrier.arrive $0xFFFF  }
0x66: {  	p0 =	sne.s32 s0, $0x0;
	_ =	strace $0x90000050  }
0x67: {  	s0 =	sadd.s32 @!p0 $0x100000, s1;
	[bflag:$0x2] =	sbarrier.arrive $0xFFFF  }
0x68: {  	[sflag:s0] =	ssyncadd.tile.s32 @!p0 $0x1;
	_ =	shalt  }
.Lfunc_end2:
_tile_overlayer_lowered:
.L_overlay_start_2:
0x69: {  	(tag) =	ssettag $0x2  }
0x6a: {  	s0 =	rddreg [dreg:$0x0];
	s2 =	stileid.u32  }
0x6b: {  	s1 =	rddreg [dreg:$0x1];
	p0 =	sne.s32 s2, $0x0  }
0x6c: {  	s3 =	rddreg [dreg:$0x2];
	[bflag:$0x3] =	sbarrier.arrive $0xFFFF;
	s2 =	simm.s32 @!p0 $0x1C03  }
0x6d: {  	[timem:s3], [sflag:s2] =	dma.local @!p0 [hbm:s0], s1  }
0x6e: {  	s0 =	simm.s32 @!p0 $0x3  }
0x6f: {  	_ =	swait.ge @!p0 [sflag:s0], s1  }
0x70: {  	s1 =	ssub.s32 @!p0 $0x0, s1;
	[sflag:s0] =	ssyncset.done @!p0 $0x0  }
0x71: {  	[sflag:s0] =	ssyncadd.s32 @!p0 s1  }
0x72: {  	[bflag:$0x3] =	sbarrier.arrive $0xFFFF  }
0x73: {  	_ =	shalt  }

// kernel: kernel.29.cloned.1.call-start
scs
__scs_entry_jumppad:
0x0: {  	(pc) =	sbr.rel $0x88, $3  }
0x1: {  	(tag) =	ssettag $0x0;
	lr =	simm.s32 $0x1  }
0x2: {  	[smem:$0x3F8F] =	sst lr;
	_ =	strace $0xD0000000  }
0x3: {  	_ = 	snop  }
0x4: {  	_ = 	snop  }
0x5: {  	_ = 	snop  }
0x6: {  	_ = 	snop  }
0x7: {  	_ = 	snop  }
__scs_overlays_trampoline_lowered:
0x8: {  	[smem:$0x3F9E] =	sst s0  }
0x9: {  	[smem:$0x3F9F] =	sst s1  }
0xa: {  	[smem:$0x3FA0] =	sst s2  }
0xb: {  	[smem:$0x3FA1] =	sst s3  }
0xc: {  	[smem:$0x3FA2] =	sst s4  }
0xd: {  	[smem:$0x3FA3] =	sst s5  }
0xe: {  	[smem:$0x3FA4] =	sst s6  }
0xf: {  	[smem:$0x3FA5] =	sst s7  }
0x10: {  	[smem:$0x3FA6] =	sst s8  }
0x11: {  	[smem:$0x3FA7] =	sst s9;
	s0 =	simm.s32 @!p0 $0x0  }
0x12: {  	s1 =	sld [smem:$0x3F8D];
	s0 =	simm.s32 @p0 $0x1  }
0x13: {  	[smem:$0x3FA8] =	sst s0;
	s0 =	simm.s32 @!p1 $0x0  }
0x14: {  	s2 =	sld [smem:$0x3F8C];
	s0 =	simm.s32 @p1 $0x1  }
0x15: {  	[smem:$0x3FA9] =	sst s0;
	s0 =	simm.s32 @!p2 $0x0  }
0x16: {  	s3 =	sld [smem:$0x3FDB];
	s0 =	simm.s32 @p2 $0x1  }
0x17: {  	s4 =	simm.s32 $0x1BF5;
	[smem:$0x3FAB] =	sst s0  }
0x18: {  	s0 =	sld [smem:$0x3F8E];
	_ =	swait.ge [sflag:s4], $0x0  }
0x19: {  	s7 =	sld [smem:$0x3F8F]  }
0x1a: {  	s8 =	sadd.s32 $0xFFFFE003, lr  }
0x1b: {  	s9 =	sadd.s32 $0xFFFFFEF7, lr;
	s5 =	simm.s32 $0xFFFFFFFF;
	p2 =	slt.u32 s8, $0xFFFFF086  }
0x1c: {  	p1 =	slt.u32 s9, $0xF7A;
	s5 =	simm.s32 @!p2 $0x0  }
0x1d: {  	s5 =	simm.s32 @p1 $0x1;
	p0 =	seq.s32 s7, s2  }
0x1e: {  	s7 =	smul.u32 @!p0 $0xF7A, s2;
	p2 =	seq.s32 @!p0 s5, $0x0  }
0x1f: {  	s9 =	smul.u32 $0xF7A, s1;
	s8 =	simm.s32 @!p0 $0x1BF5;
	p2 =	por !p2, p0  }
0x20: {  	[sflag:s8] =	ssyncset.s32 @!p0 $0xFFFFF086;
	s6 =	sadd.s32 @!p0 s3, s7;
	s7 =	simm.s32 @!p0 $0x108  }
0x21: {  	s3 =	sadd.s32 s3, s9;
	s6 =	sadd.s32 @!p0 $0x88, s6;
	s7 =	simm.s32 @p2 $0x1082  }
0x22: {  	[simem:s7], [sflag:s8] =	dma.local @!p0 [hbm:s6], $0xF7A  }
0x23: {  	s9 =	sor.u32 $0xD0000000, s2;
	s6 =	simm.s32 $0x108;
	_ =	swait.ge @!p0 [sflag:s8], $0x0  }
0x24: {  	s3 =	sadd.s32 $0x88, s3;
	s6 =	simm.s32 @!p1 $0x1082;
	[sflag:s4] =	ssyncset.s32 $0xFFFFF086  }
0x25: {  	[simem:s6], [sflag:s4] =	dma.local [hbm:s3], $0xF7A  }
0x26: {  	[smem:$0x3F8F] =	sst s1;
	(tag) =	ssettag s2;
	_ =	strace s9  }
0x27: {  	s1 =	sld [smem:$0x3F9F]  }
0x28: {  	s2 =	sld [smem:$0x3FA0]  }
0x29: {  	s4 =	sld [smem:$0x3FA2]  }
0x2a: {  	p0 =	seq.s32 s5, $0x0;
	s5 =	sld [smem:$0x3FA3]  }
0x2b: {  	s6 =	sld [smem:$0x3FA4]  }
0x2c: {  	s7 =	sld [smem:$0x3FA5]  }
0x2d: {  	s3 =	simm.s32 $0x108;
	s8 =	sld [smem:$0x3FA6]  }
0x2e: {  	s3 =	simm.s32 @!p0 $0x1082;
	s9 =	sld [smem:$0x3FA7]  }
0x2f: {  	lr =	sadd.s32 s0, s3;
	s0 =	sld [smem:$0x3F9E]  }
0x30: {  	s3 =	sld [smem:$0x3FA1]  }
0x31: {  	[smem:$0x3FAA] =	sst s10  }
0x32: {  	s10 =	sld [smem:$0x3FA8];
	_ =	sdelay $0x3  }
0x33: {  	p0 =	seq.s32 s10, $0x1;
	s10 =	sld [smem:$0x3FAA];
	_ =	sdelay $0x3  }
0x34: {  	[smem:$0x3FAA] =	sst s10  }
0x35: {  	s10 =	sld [smem:$0x3FA9];
	_ =	sdelay $0x3  }
0x36: {  	p1 =	seq.s32 s10, $0x1;
	s10 =	sld [smem:$0x3FAA];
	_ =	sdelay $0x3  }
0x37: {  	[smem:$0x3FAA] =	sst s10  }
0x38: {  	s10 =	sld [smem:$0x3FAB]  }
0x39: {  	_ = 	snop;
	(pc) =	sbr.ind lr, $3  }
0x3a: {  	_ = 	snop  }
0x3b: {  	_ = 	snop  }
0x3c: {  	p2 =	seq.s32 s10, $0x1;
	s10 =	sld [smem:$0x3FAA]  }
0x3d: {  	_ =	shalt  }
0x3e: {  	_ =	shalt  }
0x3f: {  	_ =	shalt  }
0x40: {  	_ =	shalt  }
0x41: {  	_ =	shalt  }
0x42: {  	_ =	shalt  }
0x43: {  	_ =	shalt  }
0x44: {  	_ =	shalt  }
0x45: {  	_ =	shalt  }
0x46: {  	_ =	shalt  }
0x47: {  	_ =	shalt  }
0x48: {  	_ =	shalt  }
0x49: {  	_ =	shalt  }
0x4a: {  	_ =	shalt  }
0x4b: {  	_ =	shalt  }
0x4c: {  	_ =	shalt  }
0x4d: {  	_ =	shalt  }
0x4e: {  	_ =	shalt  }
0x4f: {  	_ =	shalt  }
0x50: {  	_ =	shalt  }
0x51: {  	_ =	shalt  }
0x52: {  	_ =	shalt  }
0x53: {  	_ =	shalt  }
0x54: {  	_ =	shalt  }
0x55: {  	_ =	shalt  }
0x56: {  	_ =	shalt  }
0x57: {  	_ =	shalt  }
0x58: {  	_ =	shalt  }
0x59: {  	_ =	shalt  }
0x5a: {  	_ =	shalt  }
0x5b: {  	_ =	shalt  }
0x5c: {  	_ =	shalt  }
0x5d: {  	_ =	shalt  }
0x5e: {  	_ =	shalt  }
0x5f: {  	_ =	shalt  }
0x60: {  	_ =	shalt  }
0x61: {  	_ =	shalt  }
0x62: {  	_ =	shalt  }
0x63: {  	_ =	shalt  }
0x64: {  	_ =	shalt  }
0x65: {  	_ =	shalt  }
0x66: {  	_ =	shalt  }
0x67: {  	_ =	shalt  }
0x68: {  	_ =	shalt  }
0x69: {  	_ =	shalt  }
0x6a: {  	_ =	shalt  }
0x6b: {  	_ =	shalt  }
0x6c: {  	_ =	shalt  }
0x6d: {  	_ =	shalt  }
0x6e: {  	_ =	shalt  }
0x6f: {  	_ =	shalt  }
0x70: {  	_ =	shalt  }
0x71: {  	_ =	shalt  }
0x72: {  	_ =	shalt  }
0x73: {  	_ =	shalt  }
0x74: {  	_ =	shalt  }
0x75: {  	_ =	shalt  }
0x76: {  	_ =	shalt  }
0x77: {  	_ =	shalt  }
0x78: {  	_ =	shalt  }
0x79: {  	_ =	shalt  }
0x7a: {  	_ =	shalt  }
0x7b: {  	_ =	shalt  }
0x7c: {  	_ =	shalt  }
0x7d: {  	_ =	shalt  }
0x7e: {  	_ =	shalt  }
0x7f: {  	_ =	shalt  }
0x80: {  	_ =	shalt  }
0x81: {  	_ =	shalt  }
0x82: {  	_ =	shalt  }
0x83: {  	_ =	shalt  }
0x84: {  	_ =	shalt  }
0x85: {  	_ =	shalt  }
0x86: {  	_ =	shalt  }
0x87: {  	_ =	shalt  }
.Lfunc_end0:
.L_simem_size_0:
called_computation.5_lowered:
.L_overlay_start_0:
0x88: {  	s2 =	sld [smem:$0x3FD9]  }
0x89: {  	s3 =	sld [smem:$0x3FFE];
	_ =	sdelay $0x1  }
0x8a: {  	s1 =	srdreg.scid  }
0x8b: {  	s0 =	sand.u32 $0x1, s1  }
0x8c: {  	s16 =	sshll.u32 s0, $0xA;
	s2 =	sadd.s32 s3, s2  }
0x8d: {  	s2 =	sadd.s32 s2, s16  }
0x8e: {  	[smem:$0x3FB6] =	sst s2  }
0x8f: {  	_ = 	snop  }
0x90: {  	(tm) =	ssettm $0x1  }
0x91: {  	s17 =	sld [smem:$0x3FFB];
	_ =	sdelay $0x3  }
0x92: {  	_ =	strace s17  }
0x93: {  	s2 =	sld [smem:$0x3FFC];
	_ =	sdelay $0x3  }
0x94: {  	_ =	strace s2  }
0x95: {  	s2 =	sld [smem:$0x3FFD];
	_ =	sdelay $0x3  }
0x96: {  	_ =	strace s2  }
0x97: {  	_ =	strace $0x8FFFFFFF  }
0x98: {  	s18 =	sld [smem:$0x3FDB];
	_ =	sdelay $0x1  }
0x99: {  	s19 =	simm.s32 $_scs_section_size  }
0x9a: {  	s4 =	simm.s32 $_size__tile_overlayer_lowered;
	s5 =	simm.s32 $_tile_overlayer_lowered  }
0x9b: {  	s22 =	simm.s32 $0x1BFF;
	s21 =	sshll.u32 s5, $0x1;
	s2 =	sadd.s32 s19, s18  }
0x9c: {  	s6 =	simm.s32 $0x0;
	s20 =	sshll.u32 s4, $0x1;
	s4 =	sadd.s32 s21, s2  }
0x9d: {  	[timem:s6], [sflag:s22] =	dma.local [hbm:s4], s20  }
0x9e: {  	_ =	swait.ge [sflag:s22], s20  }
0x9f: {  	s3 =	ssub.s32 $0x0, s20;
	[sflag:s22] =	ssyncset.done $0x0  }
0xa0: {  	[sflag:s22] =	ssyncadd.s32 s3;
	_ =	sdelay $0x1  }
0xa1: {  	s23 =	simm.s32 $0x1B8B  }
0xa2: {  	_ =	swait.ge [sflag:s23], $0x1  }
0xa3: {  	[sflag:s23] =	ssyncset.done $0x0  }
0xa4: {  	s25 =	simm.s32 $0x1B8E;
	s24 =	sld [smem:$0x3FFE];
	[sflag:s23] =	ssyncadd.s32 $0xFFFFFFFF  }
0xa5: {  	s26 =	simm.s32 $execute0_lowered;
	[smem:$0x3FD2] =	sst s25  }
0xa6: {  	s4 =	sshll.u32 s26, $0x1;
	_ =	strace $0x8000004C;
	[dreg:$0x1] =	wrdreg $0xFFFFFFFF  }
0xa7: {  	s28 =	simm.s32 $_size_execute0_lowered;
	s2 =	sadd.s32 s2, s4;
	[dreg:$0x0] =	wrdreg $0x0  }
0xa8: {  	s4 =	sshll.u32 s28, $0x1;
	[dreg:$0x2] =	wrdreg s2  }
0xa9: {  	[dreg:$0x3] =	wrdreg s4  }
0xaa: {  	[dreg:$0x4] =	wrdreg $0xC0  }
0xab: {  	_ =	task [dreg:s6], $0x5FFFF  }
0xac: {  	[dreg:$0x1] =	wrdreg $0xFFFFFFFF  }
0xad: {  	[dreg:$0x0] =	wrdreg $0x60  }
0xae: {  	[dreg:$0x2] =	wrdreg s24  }
0xaf: {  	[dreg:$0x3] =	wrdreg $0xD4000  }
0xb0: {  	[dreg:$0x4] =	wrdreg $0xC  }
0xb1: {  	_ =	task.clear_ibuf [dreg:s6], $0x5FFFF;
	_ =	strace $0x9000004C  }
0xb2: {  	s29 =	simm.s32 $0xC;
	_ =	strace $0x8000004E  }
0xb3: {  	_ =	swait.ge [sflag:s29], $0x1  }
0xb4: {  	[sflag:s29] =	ssyncadd.s32 $0xFFFFFFFF  }
0xb5: {  	_ =	strace $0x9000004E  }
0xb6: {  	_ =	sfence  }
0xb7: {  	s30 =	sld [smem:$0x0];
	_ =	sdelay $0x2  }
0xb8: {  	s31 =	sshll.u32 s1, $0xD;
	s1 =	sshrl.u32 s1, $0x2  }
0xb9: {  	s3 =	sand.u32 $0x4000, s31;
	s1 =	sadd.s32 s1, s30  }
0xba: {  	s0 =	sor.u32 s3, s0;
	s1 =	sshll.u32 s1, $0x11  }
0xbb: {  	s0 =	sor.u32 s1, s0  }
0xbc: {  	s0 =	sadd.s32 $0x8F2B, s0  }
0xbd: {  	[sflag:s0] =	ssyncadd.remote.s32 $0x1  }
0xbe: {  	_ =	sfence.sel $0xFFFF  }
0xbf: {  	[dreg:$0x0] =	wrdreg $0xFFFFFFFF;
	(pc) =	sbr.abs _section_cstart, $3  }
0xc0: {  	[dreg:$0x1] =	wrdreg $0xFFFFFFFF  }
0xc1: {  	_ =	task.clear_ibuf [dreg:s6], $0x2FFFF;
	_ =	strace $0x9FFFFFFF  }
0xc2: {  	(tm) =	ssettm $0x7FFFFFFF  }
0xc3: {  	_ =	shalt  }
tec
execute0_lowered:
.L_overlay_start_1:
0x0: {  	(tag) =	ssettag $0x1  }
0x1: {  	s1 =	srdreg.scid  }
0x2: {  	s0 =	stileid.u32;
	s6 =	rddreg [dreg:$0x0]  }
0x3: {  	s2 =	rddreg [dreg:$0x1];
	s3 =	simm.s32 $0x0;
	s14 =	simm.s32 $0x80  }
0x4: {  	s15 =	simm.s32 $0xC400;
	s16 =	simm.s32 $0xCC00;
	s17 =	simm.s32 $0x1  }
0x5: {  	s18 =	simm.s32 $0x2;
	s19 =	simm.s32 $0x6180;
	s20 =	simm.s32 $0xC300  }
0x6: {  	s21 =	simm.s32 $0xC380;
	s22 =	simm.s32 $0x0;
	s5 =	sand.u32 $0x1, s1  }
0x7: {  	s28 =	sshll.u32 s0, $0x1;
	s8 =	smul.u32 $0xC400, s0;
	[smem:$0x7FF] =	sst s3  }
0x8: {  	s4 =	sadd.s32 $0x1C0400, s6;
	s31 =	sshll.u32 s0, $0x6;
	s1 =	sor.u32 s5, s28  }
0x9: {  	s9 =	smul.u32 $0xC4000, s5;
	s30 =	ssub.s32 $0x2, s5;
	s5 =	sadd.s32 $0x36A00, s6  }
0xa: {  	s7 =	smul.u32 $0xC40, s1;
	s1 =	rddreg [dreg:$0x2];
	_ =	strace $0x8000004D  }
0xb: {  	s11 =	sshrl.u32 s30, $0x1;
	s13 =	sadd.s32 s8, s2;
	s29 =	sadd.s32 s8, s9  }
0xc: {  	s11 =	ssub.s32 s30, s11;
	s10 =	sadd.s32 s7, s6;
	s7 =	sshrl.u32 s29, $0x3  }
0xd: {  	s12 =	sadd.s32 s7, s6;
	s6 =	sor.u32 $0x1C03, s31;
	s7 =	sadd.s32 $0x1E200, s10  }
0xe: {  	s8 =	sadd.s32 $0x5A00, s10;
	s10 =	smax.u32 s11, $0x1;
	s11 =	sshrl.u32 s13, $0x3  }
0xf: {  	s13 =	simm.s32 $0x6200;
	s9 =	sadd.s32 $0x1D8C00, s12;
	s12 =	simm.s32 $0x3  }
.LBB2_1:
0x10: {  	[spmem:s11], [sflag:s6] =	dma.local [hbm:s5], $0x1880  }
0x11: {  	_ =	swait.ge [sflag:s12], $0x1880  }
0x12: {  	[sflag:s12] =	ssyncset.done $0x0  }
0x13: {  	[sflag:s12] =	ssyncadd.s32 $0xFFFFE780  }
0x14: {  	[tilespmem:s3], [sflag:$0x3] =	stream.linear.gather [hbm4b:s7+s3], $0x6200, $0x38;
	[tilespmem:$0x19800] =	vst v63  }
0x15: {  	_ =	swait.ge [sflag:s12], $0x6200  }
0x16: {  	[sflag:s12] =	ssyncset.done $0x0  }
0x17: {  	[sflag:s12] =	ssyncadd.s32 $0xFFFF9E00  }
0x18: {  	[tilespmem:s13], [sflag:$0x3] =	stream.linear.gather [hbm4b:s8+s3], $0x6200, $0x38;
	[tilespmem:$0x19800] =	vst v63  }
0x19: {  	_ =	swait.ge [sflag:s12], $0x6200  }
0x1a: {  	[sflag:s12] =	ssyncset.done $0x0  }
0x1b: {  	[sflag:s12] =	ssyncadd.s32 $0xFFFF9E00  }
0x1c: {  	[bflag:$0x0] =	sbarrier.arrive $0xFFFF  }
0x1d: {  	[tilespmem:s15], [sflag:$0x1] =	stream.indirect.gather [hbm4b:s4+s14], $0x10, s3, s14, $0xb8;
	[tilespmem:$0x19800] =	vst v63  }
0x1e: {  	s23 =	simm.s32 $0x80  }
0x1f: {  	[tilespmem:s16], [sflag:$0x2] =	stream.indirect.gather [hbm4b:s4+s14], $0x10, s23, s14, $0xb8;
	[tilespmem:$0x19800] =	vst v63  }
0x20: {  	_ =	swait.ge [sflag:s17], $0x800  }
0x21: {  	[sflag:s17] =	ssyncset.done $0x0  }
0x22: {  	s29 =	simm.s32 $0x6200;
	[sflag:s17] =	ssyncadd.s32 $0xFFFFF800  }
0x23: {  	[spmem:s2] =	stream.indirect.scatter.add.f32 [tilespmem:s15], [sflag:$0x3], $0x10, s29, s14, $0xb8;
	[tilespmem:$0x19800] =	vst v63  }
0x24: {  	_ =	swait.ge [sflag:s12], $0x800  }
0x25: {  	[sflag:s12] =	ssyncset.done $0x0  }
0x26: {  	s30 =	simm.s32 $0x100;
	[sflag:s12] =	ssyncadd.s32 $0xFFFFF800  }
0x27: {  	[tilespmem:s15], [sflag:$0x1] =	stream.indirect.gather [hbm4b:s4+s14], $0x10, s30, s14, $0xb8;
	[tilespmem:$0x19800] =	vst v63  }
0x28: {  	_ =	swait.ge [sflag:s18], $0x800  }
0x29: {  	[sflag:s18] =	ssyncset.done $0x0  }
0x2a: {  	s31 =	simm.s32 $0x6280;
	[sflag:s18] =	ssyncadd.s32 $0xFFFFF800  }
0x2b: {  	[spmem:s2] =	stream.indirect.scatter.add.f32 [tilespmem:s16], [sflag:$0x3], $0x10, s31, s14, $0xb8;
	[tilespmem:$0x19800] =	vst v63  }
0x2c: {  	_ =	swait.ge [sflag:s12], $0x800  }
0x2d: {  	s24 =	simm.s32 $0x800;
	s23 =	simm.s32 $0x100;
	[sflag:s12] =	ssyncset.done $0x0  }
.LBB2_2:
0x2e: {  	s25 =	sadd.s32 $0x80, s23  }
0x2f: {  	[sflag:s12] =	ssyncadd.s32 $0xFFFFF800;
	s26 =	smov.u32 s24;
	s28 =	sadd.s32 $0x400, s24  }
0x30: {  	[tilespmem:s16], [sflag:$0x2] =	stream.indirect.gather [hbm4b:s4+s14], $0x10, s25, s14, $0xb8;
	[tilespmem:$0x19800] =	vst v63  }
0x31: {  	p0 =	sne.s32 s24, $0x18000;
	_ =	swait.ge [sflag:s17], $0x800  }
0x32: {  	[sflag:s17] =	ssyncset.done $0x0  }
0x33: {  	s24 =	sadd.s32 $0x6200, s23;
	[sflag:s17] =	ssyncadd.s32 $0xFFFFF800  }
0x34: {  	[spmem:s2] =	stream.indirect.scatter.add.f32 [tilespmem:s15], [sflag:$0x3], $0x10, s24, s14, $0xb8;
	[tilespmem:$0x19800] =	vst v63  }
0x35: {  	_ =	swait.ge [sflag:s12], $0x800  }
0x36: {  	[sflag:s12] =	ssyncset.done $0x0  }
0x37: {  	s24 =	sadd.s32 $0x100, s23;
	[sflag:s12] =	ssyncadd.s32 $0xFFFFF800  }
0x38: {  	[tilespmem:s15], [sflag:$0x1] =	stream.indirect.gather [hbm4b:s4+s14], $0x10, s24, s14, $0xb8;
	[tilespmem:$0x19800] =	vst v63  }
0x39: {  	_ =	swait.ge [sflag:s18], $0x800  }
.Ltmp0:
0x3a: {  	[sflag:s18] =	ssyncset.done $0x0;
	(pc) =	sbr.rel @p0 .LBB2_2-.Ltmp0, $4  }
0x3b: {  	s23 =	sadd.s32 $0x6280, s23;
	[sflag:s18] =	ssyncadd.s32 $0xFFFFF800  }
0x3c: {  	[spmem:s2] =	stream.indirect.scatter.add.f32 [tilespmem:s16], [sflag:$0x3], $0x10, s23, s14, $0xb8;
	[tilespmem:$0x19800] =	vst v63  }
0x3d: {  	_ =	swait.ge [sflag:s12], $0x800  }
0x3e: {  	s24 =	smov.u32 s28;
	s23 =	sshra.s32 s26, $0x2;
	[sflag:s12] =	ssyncset.done $0x0  }
0x3f: {  	s24 =	sadd.s32 $0x80, s23;
	[sflag:s12] =	ssyncadd.s32 $0xFFFFF800  }
0x40: {  	[tilespmem:s16], [sflag:$0x2] =	stream.indirect.gather [hbm4b:s4+s14], $0x10, s24, s14, $0xb8;
	[tilespmem:$0x19800] =	vst v63  }
0x41: {  	_ =	swait.ge [sflag:s17], $0x800  }
0x42: {  	[sflag:s17] =	ssyncset.done $0x0  }
0x43: {  	s29 =	sadd.s32 $0x6200, s23;
	[sflag:s17] =	ssyncadd.s32 $0xFFFFF800  }
0x44: {  	[spmem:s2] =	stream.indirect.scatter.add.f32 [tilespmem:s15], [sflag:$0x3], $0x10, s29, s14, $0xb8;
	[tilespmem:$0x19800] =	vst v63  }
0x45: {  	_ =	swait.ge [sflag:s12], $0x800  }
0x46: {  	[sflag:s12] =	ssyncset.done $0x0  }
0x47: {  	s30 =	sadd.s32 $0x100, s23;
	[sflag:s12] =	ssyncadd.s32 $0xFFFFF800  }
0x48: {  	[tilespmem:s15], [sflag:$0x1] =	stream.indirect.gather [hbm4b:s4+s14], $0x10, s30, s14, $0xb8;
	[tilespmem:$0x19800] =	vst v63  }
0x49: {  	_ =	swait.ge [sflag:s18], $0x800  }
0x4a: {  	[sflag:s18] =	ssyncset.done $0x0  }
0x4b: {  	s31 =	sadd.s32 $0x6280, s23;
	[sflag:s18] =	ssyncadd.s32 $0xFFFFF800  }
0x4c: {  	[spmem:s2] =	stream.indirect.scatter.add.f32 [tilespmem:s16], [sflag:$0x3], $0x10, s31, s14, $0xb8;
	[tilespmem:$0x19800] =	vst v63  }
0x4d: {  	_ =	swait.ge [sflag:s12], $0x800  }
0x4e: {  	[sflag:s12] =	ssyncset.done $0x0  }
0x4f: {  	[sflag:s12] =	ssyncadd.s32 $0xFFFFF800  }
0x50: {  	[tilespmem:s16], [sflag:$0x2] =	stream.indirect.gather [hbm4b:s4+s14], $0x10, s19, s14, $0xb8;
	[tilespmem:$0x19800] =	vst v63  }
0x51: {  	_ =	swait.ge [sflag:s17], $0x800  }
0x52: {  	[sflag:s17] =	ssyncset.done $0x0  }
0x53: {  	[sflag:s17] =	ssyncadd.s32 $0xFFFFF800  }
0x54: {  	[spmem:s2] =	stream.indirect.scatter.add.f32 [tilespmem:s15], [sflag:$0x3], $0x10, s20, s14, $0xb8;
	[tilespmem:$0x19800] =	vst v63  }
0x55: {  	_ =	swait.ge [sflag:s12], $0x800  }
0x56: {  	[sflag:s12] =	ssyncset.done $0x0  }
0x57: {  	[sflag:s12] =	ssyncadd.s32 $0xFFFFF800  }
0x58: {  	_ =	swait.ge [sflag:s18], $0x800  }
0x59: {  	[sflag:s18] =	ssyncset.done $0x0  }
0x5a: {  	[sflag:s18] =	ssyncadd.s32 $0xFFFFF800  }
0x5b: {  	[spmem:s2] =	stream.indirect.scatter.add.f32 [tilespmem:s16], [sflag:$0x3], $0x10, s21, s14, $0xb8;
	[tilespmem:$0x19800] =	vst v63  }
0x5c: {  	_ =	swait.ge [sflag:s12], $0x800  }
0x5d: {  	s22 =	sadd.s32 $0x1, s22;
	[sflag:s12] =	ssyncset.done $0x0  }
0x5e: {  	p0 =	sne.s32 s22, s10;
	[sflag:s12] =	ssyncadd.s32 $0xFFFFF800  }
.Ltmp1:
0x5f: {  	[bflag:$0x0] =	sbarrier.arrive $0xFFFF;
	(pc) =	sbr.rel @p0 .LBB2_1-.Ltmp1, $4  }
0x60: {  	[hbm:s9], [sflag:s6] =	dma.local [spmem:s11], $0x1880  }
0x61: {  	_ =	swait.ge [sflag:s12], $0x1880  }
0x62: {  	[sflag:s12] =	ssyncset.done $0x0  }
0x63: {  	[sflag:s12] =	ssyncadd.s32 $0xFFFFE780  }
0x64: {  	_ =	sfence.sel $0x180000  }
0x65: {  	[bflag:$0x0] =	sbarrier.arrive $0xFFFF  }
0x66: {  	p0 =	sne.s32 s0, $0x0;
	_ =	strace $0x9000004D  }
0x67: {  	s0 =	sadd.s32 @!p0 $0x100000, s1;
	[bflag:$0x2] =	sbarrier.arrive $0xFFFF  }
0x68: {  	[sflag:s0] =	ssyncadd.tile.s32 @!p0 $0x1;
	_ =	shalt  }
.Lfunc_end2:
_tile_overlayer_lowered:
.L_overlay_start_2:
0x69: {  	(tag) =	ssettag $0x2  }
0x6a: {  	s0 =	rddreg [dreg:$0x0];
	s2 =	stileid.u32  }
0x6b: {  	s1 =	rddreg [dreg:$0x1];
	p0 =	sne.s32 s2, $0x0  }
0x6c: {  	s3 =	rddreg [dreg:$0x2];
	[bflag:$0x3] =	sbarrier.arrive $0xFFFF;
	s2 =	simm.s32 @!p0 $0x1C03  }
0x6d: {  	[timem:s3], [sflag:s2] =	dma.local @!p0 [hbm:s0], s1  }
0x6e: {  	s0 =	simm.s32 @!p0 $0x3  }
0x6f: {  	_ =	swait.ge @!p0 [sflag:s0], s1  }
0x70: {  	s1 =	ssub.s32 @!p0 $0x0, s1;
	[sflag:s0] =	ssyncset.done @!p0 $0x0  }
0x71: {  	[sflag:s0] =	ssyncadd.s32 @!p0 s1  }
0x72: {  	[bflag:$0x3] =	sbarrier.arrive $0xFFFF  }
0x73: {  	_ =	shalt  }

// kernel: kernel.32.cloned.1.call-start
scs
__scs_entry_jumppad:
0x0: {  	(pc) =	sbr.rel $0x88, $3  }
0x1: {  	(tag) =	ssettag $0x0;
	lr =	simm.s32 $0x1  }
0x2: {  	[smem:$0x3F8F] =	sst lr;
	_ =	strace $0xD0000000  }
0x3: {  	_ = 	snop  }
0x4: {  	_ = 	snop  }
0x5: {  	_ = 	snop  }
0x6: {  	_ = 	snop  }
0x7: {  	_ = 	snop  }
__scs_overlays_trampoline_lowered:
0x8: {  	[smem:$0x3F9E] =	sst s0  }
0x9: {  	[smem:$0x3F9F] =	sst s1  }
0xa: {  	[smem:$0x3FA0] =	sst s2  }
0xb: {  	[smem:$0x3FA1] =	sst s3  }
0xc: {  	[smem:$0x3FA2] =	sst s4  }
0xd: {  	[smem:$0x3FA3] =	sst s5  }
0xe: {  	[smem:$0x3FA4] =	sst s6  }
0xf: {  	[smem:$0x3FA5] =	sst s7  }
0x10: {  	[smem:$0x3FA6] =	sst s8  }
0x11: {  	[smem:$0x3FA7] =	sst s9;
	s0 =	simm.s32 @!p0 $0x0  }
0x12: {  	s1 =	sld [smem:$0x3F8D];
	s0 =	simm.s32 @p0 $0x1  }
0x13: {  	[smem:$0x3FA8] =	sst s0;
	s0 =	simm.s32 @!p1 $0x0  }
0x14: {  	s2 =	sld [smem:$0x3F8C];
	s0 =	simm.s32 @p1 $0x1  }
0x15: {  	[smem:$0x3FA9] =	sst s0;
	s0 =	simm.s32 @!p2 $0x0  }
0x16: {  	s3 =	sld [smem:$0x3FDB];
	s0 =	simm.s32 @p2 $0x1  }
0x17: {  	s4 =	simm.s32 $0x1BF5;
	[smem:$0x3FAB] =	sst s0  }
0x18: {  	s0 =	sld [smem:$0x3F8E];
	_ =	swait.ge [sflag:s4], $0x0  }
0x19: {  	s7 =	sld [smem:$0x3F8F]  }
0x1a: {  	s8 =	sadd.s32 $0xFFFFE003, lr  }
0x1b: {  	s9 =	sadd.s32 $0xFFFFFEF7, lr;
	s5 =	simm.s32 $0xFFFFFFFF;
	p2 =	slt.u32 s8, $0xFFFFF086  }
0x1c: {  	p1 =	slt.u32 s9, $0xF7A;
	s5 =	simm.s32 @!p2 $0x0  }
0x1d: {  	s5 =	simm.s32 @p1 $0x1;
	p0 =	seq.s32 s7, s2  }
0x1e: {  	s7 =	smul.u32 @!p0 $0xF7A, s2;
	p2 =	seq.s32 @!p0 s5, $0x0  }
0x1f: {  	s9 =	smul.u32 $0xF7A, s1;
	s8 =	simm.s32 @!p0 $0x1BF5;
	p2 =	por !p2, p0  }
0x20: {  	[sflag:s8] =	ssyncset.s32 @!p0 $0xFFFFF086;
	s6 =	sadd.s32 @!p0 s3, s7;
	s7 =	simm.s32 @!p0 $0x108  }
0x21: {  	s3 =	sadd.s32 s3, s9;
	s6 =	sadd.s32 @!p0 $0x88, s6;
	s7 =	simm.s32 @p2 $0x1082  }
0x22: {  	[simem:s7], [sflag:s8] =	dma.local @!p0 [hbm:s6], $0xF7A  }
0x23: {  	s9 =	sor.u32 $0xD0000000, s2;
	s6 =	simm.s32 $0x108;
	_ =	swait.ge @!p0 [sflag:s8], $0x0  }
0x24: {  	s3 =	sadd.s32 $0x88, s3;
	s6 =	simm.s32 @!p1 $0x1082;
	[sflag:s4] =	ssyncset.s32 $0xFFFFF086  }
0x25: {  	[simem:s6], [sflag:s4] =	dma.local [hbm:s3], $0xF7A  }
0x26: {  	[smem:$0x3F8F] =	sst s1;
	(tag) =	ssettag s2;
	_ =	strace s9  }
0x27: {  	s1 =	sld [smem:$0x3F9F]  }
0x28: {  	s2 =	sld [smem:$0x3FA0]  }
0x29: {  	s4 =	sld [smem:$0x3FA2]  }
0x2a: {  	p0 =	seq.s32 s5, $0x0;
	s5 =	sld [smem:$0x3FA3]  }
0x2b: {  	s6 =	sld [smem:$0x3FA4]  }
0x2c: {  	s7 =	sld [smem:$0x3FA5]  }
0x2d: {  	s3 =	simm.s32 $0x108;
	s8 =	sld [smem:$0x3FA6]  }
0x2e: {  	s3 =	simm.s32 @!p0 $0x1082;
	s9 =	sld [smem:$0x3FA7]  }
0x2f: {  	lr =	sadd.s32 s0, s3;
	s0 =	sld [smem:$0x3F9E]  }
0x30: {  	s3 =	sld [smem:$0x3FA1]  }
0x31: {  	[smem:$0x3FAA] =	sst s10  }
0x32: {  	s10 =	sld [smem:$0x3FA8];
	_ =	sdelay $0x3  }
0x33: {  	p0 =	seq.s32 s10, $0x1;
	s10 =	sld [smem:$0x3FAA];
	_ =	sdelay $0x3  }
0x34: {  	[smem:$0x3FAA] =	sst s10  }
0x35: {  	s10 =	sld [smem:$0x3FA9];
	_ =	sdelay $0x3  }
0x36: {  	p1 =	seq.s32 s10, $0x1;
	s10 =	sld [smem:$0x3FAA];
	_ =	sdelay $0x3  }
0x37: {  	[smem:$0x3FAA] =	sst s10  }
0x38: {  	s10 =	sld [smem:$0x3FAB]  }
0x39: {  	_ = 	snop;
	(pc) =	sbr.ind lr, $3  }
0x3a: {  	_ = 	snop  }
0x3b: {  	_ = 	snop  }
0x3c: {  	p2 =	seq.s32 s10, $0x1;
	s10 =	sld [smem:$0x3FAA]  }
0x3d: {  	_ =	shalt  }
0x3e: {  	_ =	shalt  }
0x3f: {  	_ =	shalt  }
0x40: {  	_ =	shalt  }
0x41: {  	_ =	shalt  }
0x42: {  	_ =	shalt  }
0x43: {  	_ =	shalt  }
0x44: {  	_ =	shalt  }
0x45: {  	_ =	shalt  }
0x46: {  	_ =	shalt  }
0x47: {  	_ =	shalt  }
0x48: {  	_ =	shalt  }
0x49: {  	_ =	shalt  }
0x4a: {  	_ =	shalt  }
0x4b: {  	_ =	shalt  }
0x4c: {  	_ =	shalt  }
0x4d: {  	_ =	shalt  }
0x4e: {  	_ =	shalt  }
0x4f: {  	_ =	shalt  }
0x50: {  	_ =	shalt  }
0x51: {  	_ =	shalt  }
0x52: {  	_ =	shalt  }
0x53: {  	_ =	shalt  }
0x54: {  	_ =	shalt  }
0x55: {  	_ =	shalt  }
0x56: {  	_ =	shalt  }
0x57: {  	_ =	shalt  }
0x58: {  	_ =	shalt  }
0x59: {  	_ =	shalt  }
0x5a: {  	_ =	shalt  }
0x5b: {  	_ =	shalt  }
0x5c: {  	_ =	shalt  }
0x5d: {  	_ =	shalt  }
0x5e: {  	_ =	shalt  }
0x5f: {  	_ =	shalt  }
0x60: {  	_ =	shalt  }
0x61: {  	_ =	shalt  }
0x62: {  	_ =	shalt  }
0x63: {  	_ =	shalt  }
0x64: {  	_ =	shalt  }
0x65: {  	_ =	shalt  }
0x66: {  	_ =	shalt  }
0x67: {  	_ =	shalt  }
0x68: {  	_ =	shalt  }
0x69: {  	_ =	shalt  }
0x6a: {  	_ =	shalt  }
0x6b: {  	_ =	shalt  }
0x6c: {  	_ =	shalt  }
0x6d: {  	_ =	shalt  }
0x6e: {  	_ =	shalt  }
0x6f: {  	_ =	shalt  }
0x70: {  	_ =	shalt  }
0x71: {  	_ =	shalt  }
0x72: {  	_ =	shalt  }
0x73: {  	_ =	shalt  }
0x74: {  	_ =	shalt  }
0x75: {  	_ =	shalt  }
0x76: {  	_ =	shalt  }
0x77: {  	_ =	shalt  }
0x78: {  	_ =	shalt  }
0x79: {  	_ =	shalt  }
0x7a: {  	_ =	shalt  }
0x7b: {  	_ =	shalt  }
0x7c: {  	_ =	shalt  }
0x7d: {  	_ =	shalt  }
0x7e: {  	_ =	shalt  }
0x7f: {  	_ =	shalt  }
0x80: {  	_ =	shalt  }
0x81: {  	_ =	shalt  }
0x82: {  	_ =	shalt  }
0x83: {  	_ =	shalt  }
0x84: {  	_ =	shalt  }
0x85: {  	_ =	shalt  }
0x86: {  	_ =	shalt  }
0x87: {  	_ =	shalt  }
.Lfunc_end0:
.L_simem_size_0:
called_computation.6_lowered:
.L_overlay_start_0:
0x88: {  	s2 =	sld [smem:$0x3FD9]  }
0x89: {  	s3 =	sld [smem:$0x3FFE];
	_ =	sdelay $0x1  }
0x8a: {  	s1 =	srdreg.scid  }
0x8b: {  	s0 =	sand.u32 $0x1, s1  }
0x8c: {  	s14 =	sshll.u32 s0, $0xA;
	s2 =	sadd.s32 s3, s2  }
0x8d: {  	s2 =	sadd.s32 s2, s14  }
0x8e: {  	[smem:$0x3FB6] =	sst s2  }
0x8f: {  	_ = 	snop  }
0x90: {  	s2 =	sld [smem:$0x3FD0];
	_ =	sdelay $0x2  }
0x91: {  	s15 =	simm.s32 $0xD;
	s4 =	simm.s32 $0x10  }
0x92: {  	[smem:s4], [sflag:s15] =	dma.local [hbm:s2], $0x1  }
0x93: {  	_ =	swait.eq [sflag:s15], $0x1  }
0x94: {  	[sflag:s15] =	ssyncset.done $0x0  }
0x95: {  	[sflag:s15] =	ssyncadd.s32 $0xFFFFFFFF  }
0x96: {  	s16 =	sld [smem:$0x11];
	(tm) =	ssettm $0x1  }
0x97: {  	s17 =	sld [smem:$0x3FFB];
	_ =	sdelay $0x3  }
0x98: {  	_ =	strace s17  }
0x99: {  	s3 =	sld [smem:$0x3FFC];
	_ =	sdelay $0x3  }
0x9a: {  	_ =	strace s3  }
0x9b: {  	s3 =	sld [smem:$0x3FFD];
	_ =	sdelay $0x3  }
0x9c: {  	_ =	strace s3  }
0x9d: {  	_ =	strace $0x8FFFFFFF  }
0x9e: {  	s18 =	sld [smem:$0x3FDB];
	_ =	sdelay $0x1  }
0x9f: {  	s19 =	simm.s32 $_scs_section_size  }
0xa0: {  	s5 =	simm.s32 $_size__tile_overlayer_lowered;
	s6 =	simm.s32 $_tile_overlayer_lowered  }
0xa1: {  	s22 =	simm.s32 $0x1BFF;
	s21 =	sshll.u32 s6, $0x1;
	s3 =	sadd.s32 s19, s18  }
0xa2: {  	s7 =	simm.s32 $0x0;
	s20 =	sshll.u32 s5, $0x1;
	s5 =	sadd.s32 s21, s3  }
0xa3: {  	[timem:s7], [sflag:s22] =	dma.local [hbm:s5], s20  }
0xa4: {  	_ =	swait.ge [sflag:s22], s20  }
0xa5: {  	s4 =	ssub.s32 $0x0, s20;
	[sflag:s22] =	ssyncset.done $0x0  }
0xa6: {  	[sflag:s22] =	ssyncadd.s32 s4;
	_ =	sdelay $0x1  }
0xa7: {  	s23 =	simm.s32 $0x1B8B  }
0xa8: {  	_ =	swait.ge [sflag:s23], $0x1  }
0xa9: {  	[sflag:s23] =	ssyncset.done $0x0  }
0xaa: {  	s25 =	simm.s32 $0x1B8E;
	s24 =	sld [smem:$0x3FFE];
	[sflag:s23] =	ssyncadd.s32 $0xFFFFFFFF  }
0xab: {  	s26 =	simm.s32 $execute0_lowered;
	[smem:$0x3FD2] =	sst s25  }
0xac: {  	s5 =	sshll.u32 s26, $0x1;
	_ =	strace $0x80000058;
	[dreg:$0x1] =	wrdreg $0xFFFFFFFF  }
0xad: {  	s28 =	simm.s32 $_size_execute0_lowered;
	s3 =	sadd.s32 s3, s5;
	[dreg:$0x0] =	wrdreg $0x0  }
0xae: {  	s5 =	sshll.u32 s28, $0x1;
	[dreg:$0x2] =	wrdreg s3  }
0xaf: {  	[dreg:$0x3] =	wrdreg s5  }
0xb0: {  	[dreg:$0x4] =	wrdreg $0xC0  }
0xb1: {  	_ =	task [dreg:s7], $0x5FFFF  }
0xb2: {  	[dreg:$0x1] =	wrdreg $0xFFFFFFFF  }
0xb3: {  	[dreg:$0x0] =	wrdreg $0x60  }
0xb4: {  	[dreg:$0x2] =	wrdreg s24  }
0xb5: {  	[dreg:$0x3] =	wrdreg s16  }
0xb6: {  	[dreg:$0x4] =	wrdreg $0xD4000  }
0xb7: {  	[dreg:$0x5] =	wrdreg $0x9  }
0xb8: {  	_ =	task.clear_ibuf [dreg:s7], $0x6FFFF;
	_ =	strace $0x90000058  }
0xb9: {  	s29 =	simm.s32 $0x9;
	_ =	strace $0x8000005A  }
0xba: {  	_ =	swait.ge [sflag:s29], $0x1  }
0xbb: {  	[sflag:s29] =	ssyncadd.s32 $0xFFFFFFFF  }
0xbc: {  	_ =	strace $0x9000005A  }
0xbd: {  	_ =	sfence  }
0xbe: {  	s30 =	sld [smem:$0x0];
	_ =	sdelay $0x2  }
0xbf: {  	s31 =	sshll.u32 s1, $0xD;
	s1 =	sshrl.u32 s1, $0x2  }
0xc0: {  	s3 =	sand.u32 $0x4000, s31;
	s1 =	sadd.s32 s1, s30  }
0xc1: {  	s0 =	sor.u32 s3, s0;
	s1 =	sshll.u32 s1, $0x11  }
0xc2: {  	s0 =	sor.u32 s1, s0  }
0xc3: {  	s0 =	sadd.s32 $0x8F2B, s0  }
0xc4: {  	[sflag:s0] =	ssyncadd.remote.s32 $0x1  }
0xc5: {  	_ =	sfence.sel $0xFFFF  }
0xc6: {  	[dreg:$0x0] =	wrdreg $0xFFFFFFFF;
	(pc) =	sbr.abs _section_cstart, $3  }
0xc7: {  	[dreg:$0x1] =	wrdreg $0xFFFFFFFF  }
0xc8: {  	_ =	task.clear_ibuf [dreg:s7], $0x2FFFF;
	_ =	strace $0x9FFFFFFF  }
0xc9: {  	(tm) =	ssettm $0x7FFFFFFF  }
tec
execute0_lowered:
.L_overlay_start_1:
0x0: {  	(tag) =	ssettag $0x1  }
0x1: {  	s5 =	rddreg [dreg:$0x0]  }
0x2: {  	s9 =	rddreg [dreg:$0x1];
	s1 =	srdreg.scid  }
0x3: {  	s0 =	stileid.u32;
	s2 =	rddreg [dreg:$0x2];
	s3 =	simm.s32 $0x0  }
0x4: {  	s14 =	simm.s32 $0x80;
	s15 =	simm.s32 $0xC400;
	s16 =	simm.s32 $0xCC00  }
0x5: {  	s17 =	simm.s32 $0x1;
	s18 =	simm.s32 $0x2;
	s19 =	simm.s32 $0x6180  }
0x6: {  	s20 =	simm.s32 $0xC300;
	s21 =	simm.s32 $0xC380;
	s22 =	simm.s32 $0x0  }
0x7: {  	s6 =	sand.u32 $0x1, s1;
	s4 =	sshll.u32 s0, $0x1;
	s1 =	rddreg [dreg:$0x3]  }
0x8: {  	[smem:$0x7FF] =	sst s3;
	s10 =	smul.u32 $0xC400, s0;
	s30 =	sshll.u32 s0, $0x6  }
0x9: {  	s4 =	sor.u32 s6, s4;
	s8 =	ssub.s32 $0x2, s6;
	s6 =	smul.u32 $0xC4000, s6  }
0xa: {  	_ =	strace $0x80000059;
	s7 =	smul.u32 $0xC40, s4;
	s11 =	sshrl.u32 s8, $0x1  }
0xb: {  	s4 =	sadd.s32 $0x38400, s5;
	s13 =	sadd.s32 s10, s2;
	s11 =	ssub.s32 s8, s11  }
0xc: {  	s31 =	sadd.s32 s10, s6;
	s6 =	sor.u32 $0x1C03, s30;
	s12 =	sadd.s32 s7, s5  }
0xd: {  	s5 =	sadd.s32 $0x36A00, s5;
	s10 =	sshrl.u32 s31, $0x3;
	s7 =	sadd.s32 $0x1E200, s12  }
0xe: {  	s8 =	sadd.s32 $0x5A00, s12;
	s9 =	sadd.s32 s9, s10;
	s10 =	smax.u32 s11, $0x1  }
0xf: {  	s11 =	sshrl.u32 s13, $0x3;
	s12 =	simm.s32 $0x3;
	s13 =	simm.s32 $0x6200  }
.LBB2_1:
0x10: {  	[spmem:s11], [sflag:s6] =	dma.local [hbm:s5], $0x1880  }
0x11: {  	_ =	swait.ge [sflag:s12], $0x1880  }
0x12: {  	[sflag:s12] =	ssyncset.done $0x0  }
0x13: {  	[sflag:s12] =	ssyncadd.s32 $0xFFFFE780  }
0x14: {  	[tilespmem:s3], [sflag:$0x3] =	stream.linear.gather [hbm4b:s7+s3], $0x6200, $0x38;
	[tilespmem:$0x19800] =	vst v63  }
0x15: {  	_ =	swait.ge [sflag:s12], $0x6200  }
0x16: {  	[sflag:s12] =	ssyncset.done $0x0  }
0x17: {  	[sflag:s12] =	ssyncadd.s32 $0xFFFF9E00  }
0x18: {  	[tilespmem:s13], [sflag:$0x3] =	stream.linear.gather [hbm4b:s8+s3], $0x6200, $0x38;
	[tilespmem:$0x19800] =	vst v63  }
0x19: {  	_ =	swait.ge [sflag:s12], $0x6200  }
0x1a: {  	[sflag:s12] =	ssyncset.done $0x0  }
0x1b: {  	[sflag:s12] =	ssyncadd.s32 $0xFFFF9E00  }
0x1c: {  	[bflag:$0x0] =	sbarrier.arrive $0xFFFF  }
0x1d: {  	[tilespmem:s15], [sflag:$0x1] =	stream.indirect.gather [hbm4b:s4+s14], $0x10, s3, s14, $0xb8;
	[tilespmem:$0x19800] =	vst v63  }
0x1e: {  	s23 =	simm.s32 $0x80  }
0x1f: {  	[tilespmem:s16], [sflag:$0x2] =	stream.indirect.gather [hbm4b:s4+s14], $0x10, s23, s14, $0xb8;
	[tilespmem:$0x19800] =	vst v63  }
0x20: {  	_ =	swait.ge [sflag:s17], $0x800  }
0x21: {  	[sflag:s17] =	ssyncset.done $0x0  }
0x22: {  	s29 =	simm.s32 $0x6200;
	[sflag:s17] =	ssyncadd.s32 $0xFFFFF800  }
0x23: {  	[spmem:s2] =	stream.indirect.scatter.add.f32 [tilespmem:s15], [sflag:$0x3], $0x10, s29, s14, $0xb8;
	[tilespmem:$0x19800] =	vst v63  }
0x24: {  	_ =	swait.ge [sflag:s12], $0x800  }
0x25: {  	[sflag:s12] =	ssyncset.done $0x0  }
0x26: {  	s30 =	simm.s32 $0x100;
	[sflag:s12] =	ssyncadd.s32 $0xFFFFF800  }
0x27: {  	[tilespmem:s15], [sflag:$0x1] =	stream.indirect.gather [hbm4b:s4+s14], $0x10, s30, s14, $0xb8;
	[tilespmem:$0x19800] =	vst v63  }
0x28: {  	_ =	swait.ge [sflag:s18], $0x800  }
0x29: {  	[sflag:s18] =	ssyncset.done $0x0  }
0x2a: {  	s31 =	simm.s32 $0x6280;
	[sflag:s18] =	ssyncadd.s32 $0xFFFFF800  }
0x2b: {  	[spmem:s2] =	stream.indirect.scatter.add.f32 [tilespmem:s16], [sflag:$0x3], $0x10, s31, s14, $0xb8;
	[tilespmem:$0x19800] =	vst v63  }
0x2c: {  	_ =	swait.ge [sflag:s12], $0x800  }
0x2d: {  	s24 =	simm.s32 $0x800;
	s23 =	simm.s32 $0x100;
	[sflag:s12] =	ssyncset.done $0x0  }
.LBB2_2:
0x2e: {  	s25 =	sadd.s32 $0x80, s23  }
0x2f: {  	[sflag:s12] =	ssyncadd.s32 $0xFFFFF800;
	s26 =	smov.u32 s24;
	s28 =	sadd.s32 $0x400, s24  }
0x30: {  	[tilespmem:s16], [sflag:$0x2] =	stream.indirect.gather [hbm4b:s4+s14], $0x10, s25, s14, $0xb8;
	[tilespmem:$0x19800] =	vst v63  }
0x31: {  	p0 =	sne.s32 s24, $0x18000;
	_ =	swait.ge [sflag:s17], $0x800  }
0x32: {  	[sflag:s17] =	ssyncset.done $0x0  }
0x33: {  	s24 =	sadd.s32 $0x6200, s23;
	[sflag:s17] =	ssyncadd.s32 $0xFFFFF800  }
0x34: {  	[spmem:s2] =	stream.indirect.scatter.add.f32 [tilespmem:s15], [sflag:$0x3], $0x10, s24, s14, $0xb8;
	[tilespmem:$0x19800] =	vst v63  }
0x35: {  	_ =	swait.ge [sflag:s12], $0x800  }
0x36: {  	[sflag:s12] =	ssyncset.done $0x0  }
0x37: {  	s24 =	sadd.s32 $0x100, s23;
	[sflag:s12] =	ssyncadd.s32 $0xFFFFF800  }
0x38: {  	[tilespmem:s15], [sflag:$0x1] =	stream.indirect.gather [hbm4b:s4+s14], $0x10, s24, s14, $0xb8;
	[tilespmem:$0x19800] =	vst v63  }
0x39: {  	_ =	swait.ge [sflag:s18], $0x800  }
.Ltmp0:
0x3a: {  	[sflag:s18] =	ssyncset.done $0x0;
	(pc) =	sbr.rel @p0 .LBB2_2-.Ltmp0, $4  }
0x3b: {  	s23 =	sadd.s32 $0x6280, s23;
	[sflag:s18] =	ssyncadd.s32 $0xFFFFF800  }
0x3c: {  	[spmem:s2] =	stream.indirect.scatter.add.f32 [tilespmem:s16], [sflag:$0x3], $0x10, s23, s14, $0xb8;
	[tilespmem:$0x19800] =	vst v63  }
0x3d: {  	_ =	swait.ge [sflag:s12], $0x800  }
0x3e: {  	s24 =	smov.u32 s28;
	s23 =	sshra.s32 s26, $0x2;
	[sflag:s12] =	ssyncset.done $0x0  }
0x3f: {  	s24 =	sadd.s32 $0x80, s23;
	[sflag:s12] =	ssyncadd.s32 $0xFFFFF800  }
0x40: {  	[tilespmem:s16], [sflag:$0x2] =	stream.indirect.gather [hbm4b:s4+s14], $0x10, s24, s14, $0xb8;
	[tilespmem:$0x19800] =	vst v63  }
0x41: {  	_ =	swait.ge [sflag:s17], $0x800  }
0x42: {  	[sflag:s17] =	ssyncset.done $0x0  }
0x43: {  	s29 =	sadd.s32 $0x6200, s23;
	[sflag:s17] =	ssyncadd.s32 $0xFFFFF800  }
0x44: {  	[spmem:s2] =	stream.indirect.scatter.add.f32 [tilespmem:s15], [sflag:$0x3], $0x10, s29, s14, $0xb8;
	[tilespmem:$0x19800] =	vst v63  }
0x45: {  	_ =	swait.ge [sflag:s12], $0x800  }
0x46: {  	[sflag:s12] =	ssyncset.done $0x0  }
0x47: {  	s30 =	sadd.s32 $0x100, s23;
	[sflag:s12] =	ssyncadd.s32 $0xFFFFF800  }
0x48: {  	[tilespmem:s15], [sflag:$0x1] =	stream.indirect.gather [hbm4b:s4+s14], $0x10, s30, s14, $0xb8;
	[tilespmem:$0x19800] =	vst v63  }
0x49: {  	_ =	swait.ge [sflag:s18], $0x800  }
0x4a: {  	[sflag:s18] =	ssyncset.done $0x0  }
0x4b: {  	s31 =	sadd.s32 $0x6280, s23;
	[sflag:s18] =	ssyncadd.s32 $0xFFFFF800  }
0x4c: {  	[spmem:s2] =	stream.indirect.scatter.add.f32 [tilespmem:s16], [sflag:$0x3], $0x10, s31, s14, $0xb8;
	[tilespmem:$0x19800] =	vst v63  }
0x4d: {  	_ =	swait.ge [sflag:s12], $0x800  }
0x4e: {  	[sflag:s12] =	ssyncset.done $0x0  }
0x4f: {  	[sflag:s12] =	ssyncadd.s32 $0xFFFFF800  }
0x50: {  	[tilespmem:s16], [sflag:$0x2] =	stream.indirect.gather [hbm4b:s4+s14], $0x10, s19, s14, $0xb8;
	[tilespmem:$0x19800] =	vst v63  }
0x51: {  	_ =	swait.ge [sflag:s17], $0x800  }
0x52: {  	[sflag:s17] =	ssyncset.done $0x0  }
0x53: {  	[sflag:s17] =	ssyncadd.s32 $0xFFFFF800  }
0x54: {  	[spmem:s2] =	stream.indirect.scatter.add.f32 [tilespmem:s15], [sflag:$0x3], $0x10, s20, s14, $0xb8;
	[tilespmem:$0x19800] =	vst v63  }
0x55: {  	_ =	swait.ge [sflag:s12], $0x800  }
0x56: {  	[sflag:s12] =	ssyncset.done $0x0  }
0x57: {  	[sflag:s12] =	ssyncadd.s32 $0xFFFFF800  }
0x58: {  	_ =	swait.ge [sflag:s18], $0x800  }
0x59: {  	[sflag:s18] =	ssyncset.done $0x0  }
0x5a: {  	[sflag:s18] =	ssyncadd.s32 $0xFFFFF800  }
0x5b: {  	[spmem:s2] =	stream.indirect.scatter.add.f32 [tilespmem:s16], [sflag:$0x3], $0x10, s21, s14, $0xb8;
	[tilespmem:$0x19800] =	vst v63  }
0x5c: {  	_ =	swait.ge [sflag:s12], $0x800  }
0x5d: {  	s22 =	sadd.s32 $0x1, s22;
	[sflag:s12] =	ssyncset.done $0x0  }
0x5e: {  	p0 =	sne.s32 s22, s10;
	[sflag:s12] =	ssyncadd.s32 $0xFFFFF800  }
.Ltmp1:
0x5f: {  	[bflag:$0x0] =	sbarrier.arrive $0xFFFF;
	(pc) =	sbr.rel @p0 .LBB2_1-.Ltmp1, $4  }
0x60: {  	[hbm:s9], [sflag:s6] =	dma.local [spmem:s11], $0x1880  }
0x61: {  	_ =	swait.ge [sflag:s12], $0x1880  }
0x62: {  	[sflag:s12] =	ssyncset.done $0x0  }
0x63: {  	[sflag:s12] =	ssyncadd.s32 $0xFFFFE780  }
0x64: {  	_ =	sfence.sel $0x180000  }
0x65: {  	[bflag:$0x0] =	sbarrier.arrive $0xFFFF  }
0x66: {  	p0 =	sne.s32 s0, $0x0;
	_ =	strace $0x90000059  }
0x67: {  	s0 =	sadd.s32 @!p0 $0x100000, s1;
	[bflag:$0x2] =	sbarrier.arrive $0xFFFF  }
0x68: {  	[sflag:s0] =	ssyncadd.tile.s32 @!p0 $0x1;
	_ =	shalt  }
.Lfunc_end2:
_tile_overlayer_lowered:
.L_overlay_start_2:
0x69: {  	(tag) =	ssettag $0x2  }
0x6a: {  	s0 =	rddreg [dreg:$0x0];
	s2 =	stileid.u32  }
0x6b: {  	s1 =	rddreg [dreg:$0x1];
	p0 =	sne.s32 s2, $0x0  }
0x6c: {  	s3 =	rddreg [dreg:$0x2];
	[bflag:$0x3] =	sbarrier.arrive $0xFFFF;
	s2 =	simm.s32 @!p0 $0x1C03  }
0x6d: {  	[timem:s3], [sflag:s2] =	dma.local @!p0 [hbm:s0], s1  }
0x6e: {  	s0 =	simm.s32 @!p0 $0x3  }
0x6f: {  	_ =	swait.ge @!p0 [sflag:s0], s1  }
0x70: {  	s1 =	ssub.s32 @!p0 $0x0, s1;
	[sflag:s0] =	ssyncset.done @!p0 $0x0  }
0x71: {  	[sflag:s0] =	ssyncadd.s32 @!p0 s1  }
0x72: {  	[bflag:$0x3] =	sbarrier.arrive $0xFFFF  }
0x73: {  	_ =	shalt  }

</sc_bundles>
